<compile_context>
chip_gen: v7x
topology: tpu7x:2x2x1
jax: 0.10.2.dev20260603
libtpu: 0.0.44.dev20260713+nightly
codegen_flags: <defaults>
</compile_context>

<pallas_src>
import functools

import jax
import jax.numpy as jnp
from jax import lax
from jax.experimental import pallas as pl
from jax.experimental.pallas import tpu as pltpu
from jax.experimental.pallas import tpu_sc as plsc

N = 4096
D = 128
K = 16
H = 2 * (2 * D + 1)
MD = 16
CP = 16

RA = 256
CK = 32
TPC = 6
RC = 256
E = K * RC

NC = 2
NS = 16
NW = NC * NS
B = N * K
BPW = B // NW
CH = 128
NCH = BPW // CH

def _silu(x):
    return x * jax.nn.sigmoid(x)


def _topk_body(cp_ref, cit_ref, f_ref, cr_ref, idx_ref, tab_ref):
    gi = pl.program_id(0)
    cj = cp_ref[...]
    ci = cit_ref[...]
    tab_ref[...] = jnp.concatenate(
        [f_ref[...], cr_ref[...], jnp.zeros((RA, CP - 3), jnp.float32)],
        axis=1)
    d0 = cj[:, 0:1] - ci[0:1, :]
    d1 = cj[:, 1:2] - ci[1:2, :]
    d2 = cj[:, 2:3] - ci[2:3, :]
    dist = d0 * d0 + d1 * d1 + d2 * d2
    jiota = lax.broadcasted_iota(jnp.int32, (N, RA), 0).astype(jnp.float32)
    rowf = (lax.broadcasted_iota(jnp.int32, (1, RA), 1).astype(jnp.float32)
            + jnp.float32(RA) * gi.astype(jnp.float32))
    dist = jnp.where(jiota == rowf, 1e30, dist)
    CS = N // CK
    cd, ci_l = [], []
    for c in range(CK):
        dch = dist[c * CS:(c + 1) * CS, :]
        jch = jiota[c * CS:(c + 1) * CS, :]
        for _ in range(TPC):
            m = jnp.min(dch, axis=0, keepdims=True)
            loc = jnp.min(jnp.where(dch <= m, jch, jnp.float32(N)),
                          axis=0, keepdims=True)
            cd.append(m)
            ci_l.append(loc)
            dch = jnp.where(jch == loc, 1e30, dch)
    cand_d = jnp.concatenate(cd, axis=0)
    cand_i = jnp.concatenate(ci_l, axis=0)
    cols = [rowf]
    for k in range(K - 1):
        m = jnp.min(cand_d, axis=0, keepdims=True)
        idx = jnp.min(jnp.where(cand_d <= m, cand_i, jnp.float32(N)),
                      axis=0, keepdims=True)
        cols.append(idx)
        if k < K - 2:
            cand_d = jnp.where(cand_i == idx, 1e30, cand_d)
    idx_ref[...] = jnp.concatenate(cols, axis=0).astype(jnp.int32)


def _topk(coors, coors_t, f):
    return pl.pallas_call(
        _topk_body,
        grid=(N // RA,),
        in_specs=[
            pl.BlockSpec((N, 3), lambda i: (0, 0)),
            pl.BlockSpec((8, RA), lambda i: (0, i)),
            pl.BlockSpec((RA, D), lambda i: (i, 0)),
            pl.BlockSpec((RA, 3), lambda i: (i, 0)),
        ],
        out_specs=[
            pl.BlockSpec((K, RA), lambda i: (0, i)),
            pl.BlockSpec((RA, D + CP), lambda i: (i, 0)),
        ],
        out_shape=[
            jax.ShapeDtypeStruct((K, N), jnp.int32),
            jax.ShapeDtypeStruct((N, D + CP), jnp.float32),
        ],
    )(coors, coors_t, f, coors)


@functools.cache
def _make_sc_gather():
    mesh = plsc.VectorSubcoreMesh(core_axis_name="c", subcore_axis_name="s")

    @functools.partial(
        pl.kernel,
        mesh=mesh,
        out_type=[
            jax.ShapeDtypeStruct((B, D), jnp.float32),
            jax.ShapeDtypeStruct((B, CP), jnp.float32),
        ],
        scratch_types=[
            pltpu.VMEM((NCH, CH), jnp.int32),
            pltpu.VMEM((CH, D + CP), jnp.float32),
            pltpu.VMEM((CH, D + CP), jnp.float32),
            pltpu.SemaphoreType.DMA,
            pltpu.SemaphoreType.DMA,
            pltpu.SemaphoreType.DMA,
            pltpu.SemaphoreType.DMA,
        ],
        compiler_params=pltpu.CompilerParams(use_tc_tiling_on_sc=False),
    )
    def _sc_gather(table_hbm, idx_hbm, outf_hbm, outc_hbm,
                   idx_v, rows0, rows1, gs0, gs1, ws0, ws1):
        wid = lax.axis_index("s") * NC + lax.axis_index("c")
        base = wid * NCH
        pltpu.sync_copy(idx_hbm.at[pl.ds(base, NCH)], idx_v)

        bufs = (rows0, rows1)
        gsems = (gs0, gs1)
        wsems = (ws0, ws1)
        gh = [None] * NCH
        wh = [None] * NCH
        for c in range(NCH):
            b = c & 1
            if c >= 2:
                for h in wh[c - 2]:
                    h.wait()
            gh[c] = pltpu.async_copy(table_hbm.at[idx_v.at[c]], bufs[b],
                                     gsems[b])
            if c >= 1:
                pb = (c - 1) & 1
                gh[c - 1].wait()
                dst = pl.ds((base + c - 1) * CH, CH)
                wh[c - 1] = (
                    pltpu.async_copy(bufs[pb].at[:, pl.ds(0, D)],
                                     outf_hbm.at[dst], wsems[pb]),
                    pltpu.async_copy(bufs[pb].at[:, pl.ds(D, CP)],
                                     outc_hbm.at[dst], wsems[pb]),
                )
        c = NCH - 1
        gh[c].wait()
        dst = pl.ds((base + c) * CH, CH)
        wh[c] = (
            pltpu.async_copy(bufs[c & 1].at[:, pl.ds(0, D)],
                             outf_hbm.at[dst], wsems[c & 1]),
            pltpu.async_copy(bufs[c & 1].at[:, pl.ds(D, CP)],
                             outc_hbm.at[dst], wsems[c & 1]),
        )
        for h in wh[NCH - 2]:
            h.wait()
        for h in wh[NCH - 1]:
            h.wait()

    return _sc_gather


def _mlp_body(gf_ref, gc_ref, f_ref, cp_ref, w1a_ref, w1b_ref, w1d_ref, b1_ref,
              w2_ref, b2_ref, wc1_ref, bc1_ref, wc2_ref, bc2_ref,
              wn1a_ref, wn1b_ref, bn1_ref, wn2_ref, bn2_ref,
              node_ref, coor_ref):
    f = f_ref[...]
    craw = cp_ref[...]
    cp = jnp.concatenate(
        [craw, jnp.zeros((RC, CP - 3), jnp.float32)], axis=1)
    gc = gc_ref[...]
    fj = gf_ref[...].reshape(E, D)
    ai = jnp.dot(f, w1a_ref[...]) + b1_ref[...]
    aib = jnp.broadcast_to(ai[None], (K, RC, H)).reshape(E, H)
    cpb = jnp.broadcast_to(cp[None], (K, RC, CP))
    rel3 = cpb - gc
    rd = jnp.sum(rel3 * rel3, axis=2, keepdims=True).reshape(E, 1)
    pre = jnp.dot(fj, w1b_ref[...])
    h1 = _silu(aib + pre + rd * w1d_ref[...])
    m = _silu(jnp.dot(h1, w2_ref[...]) + b2_ref[...])
    c1 = _silu(jnp.dot(m, wc1_ref[...]) + bc1_ref[...])
    cw = jnp.dot(c1, wc2_ref[...]) + bc2_ref[...]
    mi = jnp.sum(m.reshape(K, RC, MD), axis=0)
    csum = jnp.sum(cw.reshape(K, RC, 1) * rel3, axis=0)
    coor_ref[...] = csum[:, 0:3] + craw
    t = _silu(jnp.dot(f, wn1a_ref[...])
              + jnp.dot(mi, wn1b_ref[...]) + bn1_ref[...])
    node_ref[...] = jnp.dot(t, wn2_ref[...]) + bn2_ref[...] + f


def _mlp(gf3, gc3, f, cp, w1a, w1b, w1d, b1, w2, b2, wc1, bc1, wc2, bc2,
         wn1a, wn1b, bn1, wn2, bn2):
    full = lambda shape: pl.BlockSpec(shape, lambda i: tuple(0 for _ in shape))
    blk = lambda shape: pl.BlockSpec(shape, lambda i: (i, 0))
    blk3 = lambda shape: pl.BlockSpec(shape, lambda i: (0, i, 0))
    return pl.pallas_call(
        _mlp_body,
        grid=(N // RC,),
        in_specs=[
            blk3((K, RC, D)),
            blk3((K, RC, CP)),
            blk((RC, D)),
            blk((RC, 3)),
            full((D, H)), full((D, H)), full((1, H)), full((1, H)),
            full((H, MD)), full((1, MD)),
            full((MD, 4 * MD)), full((1, 4 * MD)),
            full((4 * MD, 1)), full((1, 1)),
            full((D, 2 * D)), full((MD, 2 * D)), full((1, 2 * D)),
            full((2 * D, D)), full((1, D)),
        ],
        out_specs=[blk((RC, D)), blk((RC, 3))],
        out_shape=[
            jax.ShapeDtypeStruct((N, D), jnp.float32),
            jax.ShapeDtypeStruct((N, 3), jnp.float32),
        ],
    )(gf3, gc3, f, cp, w1a, w1b, w1d, b1, w2, b2, wc1, bc1, wc2, bc2,
      wn1a, wn1b, bn1, wn2, bn2)


def kernel(feats, coors, W1, b1, W2, b2, Wc1, bc1, Wc2, bc2, Wn1, bn1, Wn2, bn2):
    f = feats[0]
    c = coors[0]
    ct = jnp.pad(c.T, ((0, 5), (0, 0)))

    idx, table = _topk(c, ct, f)
    idx2d = idx.reshape(B // CH, CH)

    gf, gc = _make_sc_gather()(table, idx2d)
    gf3 = gf.reshape(K, N, D)
    gc3 = gc.reshape(K, N, CP)

    node, coor3 = _mlp(
        gf3, gc3, f, c,
        W1[:D], W1[D:2 * D], W1[2 * D:2 * D + 1], b1[None],
        W2, b2[None],
        Wc1, bc1[None],
        Wc2, bc2[None],
        Wn1[:D], Wn1[D:], bn1[None],
        Wn2, bn2[None],
    )
    return node[None], coor3[None]

# --- scband reference (transcript-rebuilt; emitter-appended) ---
"""Pipeline reference for scband-egnn-65876208386384 (READ-ONLY COPY).

The authoritative reference and input builder live on the scoring server;
editing this copy changes nothing except your own understanding.
"""

import jax, jax.numpy as jnp
import numpy as np

DIM = 128
M_DIM = 16
K = 16

def silu(x):
    return x * jax.nn.sigmoid(x)

def setup_inputs(seed: int = 0) -> dict:
    key = jax.random.key(seed)
    ks = jax.random.split(key, 10)
    b, n, d = 1, 4096, DIM
    feats = jax.random.normal(ks[0], (b, n, d), dtype=jnp.float32)
    coors = jax.random.normal(ks[1], (b, n, 3), dtype=jnp.float32)
    ei = 2 * d + 1  # edge_input_dim = 257 (fourier=0, edge_dim=0)
    std = 1e-3
    W1 = jax.random.normal(ks[2], (ei, ei * 2), dtype=jnp.float32) * std
    b1 = jnp.zeros((ei * 2,), jnp.float32)
    W2 = jax.random.normal(ks[3], (ei * 2, M_DIM), dtype=jnp.float32) * std
    b2 = jnp.zeros((M_DIM,), jnp.float32)
    Wc1 = jax.random.normal(ks[4], (M_DIM, M_DIM * 4), dtype=jnp.float32) * std
    bc1 = jnp.zeros((M_DIM * 4,), jnp.float32)
    Wc2 = jax.random.normal(ks[5], (M_DIM * 4, 1), dtype=jnp.float32) * std
    bc2 = jnp.zeros((1,), jnp.float32)
    Wn1 = jax.random.normal(ks[6], (d + M_DIM, d * 2), dtype=jnp.float32) * std
    bn1 = jnp.zeros((d * 2,), jnp.float32)
    Wn2 = jax.random.normal(ks[7], (d * 2, d), dtype=jnp.float32) * std
    bn2 = jnp.zeros((d,), jnp.float32)
    return {"feats": feats, "coors": coors,
            "W1": W1, "b1": b1, "W2": W2, "b2": b2,
            "Wc1": Wc1, "bc1": bc1, "Wc2": Wc2, "bc2": bc2,
            "Wn1": Wn1, "bn1": bn1, "Wn2": Wn2, "bn2": bn2}

def reference(feats, coors, W1, b1, W2, b2, Wc1, bc1, Wc2, bc2, Wn1, bn1, Wn2, bn2):
    b, n, d = feats.shape
    # dense pairwise relative coordinates and squared distances
    rel_coors = coors[:, :, None, :] - coors[:, None, :, :]           # [b,n,n,3]
    rel_dist = (rel_coors ** 2).sum(axis=-1, keepdims=True)           # [b,n,n,1]
    ranking = rel_dist[..., 0]                                        # [b,n,n]
    # topk smallest distances -> nearest neighbors
    neg_vals, nbhd_indices = jax.lax.top_k(-ranking, K)               # [b,n,K]
    batch_idx = jnp.arange(b)[:, None, None]
    i_idx = jnp.arange(n)[None, :, None]
    rel_coors_s = rel_coors[batch_idx, i_idx, nbhd_indices]           # [b,n,K,3]
    rel_dist_s = rel_dist[batch_idx, i_idx, nbhd_indices]             # [b,n,K,1]
    feats_j = feats[batch_idx, nbhd_indices]                          # [b,n,K,d]
    feats_i = jnp.broadcast_to(feats[:, :, None, :], (b, n, K, d))
    edge_input = jnp.concatenate([feats_i, feats_j, rel_dist_s], axis=-1)  # [b,n,K,2d+1]
    # edge_mlp: Linear -> SiLU -> Linear -> SiLU
    h = silu(edge_input @ W1 + b1)
    m_ij = silu(h @ W2 + b2)                                          # [b,n,K,m_dim]
    # coors_mlp: Linear -> SiLU -> Linear
    cw = silu(m_ij @ Wc1 + bc1) @ Wc2 + bc2                           # [b,n,K,1]
    coor_weights = cw[..., 0]                                         # [b,n,K]
    # coors_norm is Identity (norm_coors=False)
    coors_out = jnp.einsum('bij,bijc->bic', coor_weights, rel_coors_s) + coors
    # m_pool_method='sum'
    m_i = m_ij.sum(axis=-2)                                           # [b,n,m_dim]
    # node_norm is Identity (norm_feats=False)
    node_in = jnp.concatenate([feats, m_i], axis=-1)                  # [b,n,d+m_dim]
    node_out = silu(node_in @ Wn1 + bn1) @ Wn2 + bn2 + feats
    return node_out, coors_out

if __name__ == "__main__":
    import jax
    _d = setup_inputs()
    print(jax.jit(kernel)(*tuple(_d.values())))

</pallas_src>

<mosaic_0001>
#map = affine_map<(d0, d1) -> (0, 0)>
module attributes {stable_mosaic.version = 14 : i64} {
  func.func @_sc_gather(%arg0: i32, %arg1: i32, %arg2: memref<4096x144xf32, #tpu.memory_space<hbm>>, %arg3: memref<512x128xi32, #tpu.memory_space<hbm>>, %arg4: memref<65536x128xf32, #tpu.memory_space<hbm>>, %arg5: memref<65536x16xf32, #tpu.memory_space<hbm>>, %arg6: memref<16x128xi32, #tpu.memory_space<vmem>>, %arg7: memref<128x144xf32, #tpu.memory_space<vmem>>, %arg8: memref<128x144xf32, #tpu.memory_space<vmem>>, %arg9: memref<!tpu.dma_semaphore, #tpu.memory_space<semaphore_mem>>, %arg10: memref<!tpu.dma_semaphore, #tpu.memory_space<semaphore_mem>>, %arg11: memref<!tpu.dma_semaphore, #tpu.memory_space<semaphore_mem>>, %arg12: memref<!tpu.dma_semaphore, #tpu.memory_space<semaphore_mem>>) attributes {dimension_semantics = [#tpu.dimension_semantics<core_parallel>, #tpu.dimension_semantics<subcore_parallel>], iteration_bounds = array<i64: 2, 16>, scalar_prefetch = 0 : i64, scratch_operands = 7 : i64, tpu.core_type = #tpu.core_type<sc_vector_subcore>, window_params = [{transform_indices = #map}, {transform_indices = #map}, {transform_indices = #map}, {transform_indices = #map}]} {
    %mul3A = arith.constant 2 : i32
    %mul3A_0 = arith.muli %arg1, %mul3A : i32
    %add3A = arith.addi %mul3A_0, %arg0 : i32
    %mul3A_1 = arith.constant 16 : i32
    %mul3A_2 = arith.muli %add3A, %mul3A_1 : i32
    "tpu.region"() ({
      %run_scoped3A = tpu.sem_alloc : memref<!tpu.dma_semaphore, #tpu.memory_space<semaphore_mem>>
      %dma_start3A_958 = arith.constant 0 : i32
      %dma_start3A_959 = tpu.memref_slice %arg3[%mul3A_2, %dma_start3A_958] : memref<512x128xi32, #tpu.memory_space<hbm>> -> memref<16x128xi32, #tpu.memory_space<hbm>>
      %dma_start3A_960 = arith.constant 0 : i32
      %dma_start3A_961 = tpu.memref_slice %arg3[%mul3A_2, %dma_start3A_960] : memref<512x128xi32, #tpu.memory_space<hbm>> -> memref<16x128xi32, #tpu.memory_space<hbm>>
      tpu.enqueue_dma source(%dma_start3A_961 : memref<16x128xi32, #tpu.memory_space<hbm>>) target(%arg6 : memref<16x128xi32, #tpu.memory_space<vmem>>) target_semaphore(%run_scoped3A : memref<!tpu.dma_semaphore, #tpu.memory_space<semaphore_mem>>)
      %dma_wait3A_962 = arith.constant 0 : i32
      %dma_wait3A_963 = tpu.memref_slice %arg3[%mul3A_2, %dma_wait3A_962] : memref<512x128xi32, #tpu.memory_space<hbm>> -> memref<16x128xi32, #tpu.memory_space<hbm>>
      %dma_wait3A_964 = arith.constant 0 : i32
      %dma_wait3A_965 = tpu.memref_slice %arg3[%mul3A_2, %dma_wait3A_964] : memref<512x128xi32, #tpu.memory_space<hbm>> -> memref<16x128xi32, #tpu.memory_space<hbm>>
      tpu.wait_dma2 semaphore(%run_scoped3A : memref<!tpu.dma_semaphore, #tpu.memory_space<semaphore_mem>>) src(%dma_wait3A_965 : memref<16x128xi32, #tpu.memory_space<hbm>>) dst(%arg6 : memref<16x128xi32, #tpu.memory_space<vmem>>)
      tpu.yield
    }) : () -> ()
    %dma_start3A = arith.constant 0 : i32
    %dma_start3A_3 = arith.constant 0 : i32
    %dma_start3A_4 = tpu.memref_slice %arg6[%dma_start3A, %dma_start3A_3] : memref<16x128xi32, #tpu.memory_space<vmem>> -> memref<1x128xi32, #tpu.memory_space<vmem>>
    %dma_start3A_5 = tpu.memref_squeeze %dma_start3A_4 : memref<1x128xi32, #tpu.memory_space<vmem>> -> memref<128xi32, #tpu.memory_space<vmem>>
    %dma_start3A_6 = arith.constant 0 : i32
    %dma_start3A_7 = arith.constant 0 : i32
    %dma_start3A_8 = tpu.memref_slice %arg2[%dma_start3A_6, %dma_start3A_7] : memref<4096x144xf32, #tpu.memory_space<hbm>> -> memref<4096x144xf32, #tpu.memory_space<hbm>>
    tpu.enqueue_indirect_dma source(%dma_start3A_8 : memref<4096x144xf32, #tpu.memory_space<hbm>>) target(%arg7 : memref<128x144xf32, #tpu.memory_space<vmem>>) offsets(%dma_start3A_5 : memref<128xi32, #tpu.memory_space<vmem>>) semaphore(%arg9 : memref<!tpu.dma_semaphore, #tpu.memory_space<semaphore_mem>>)
    %dma_start3A_9 = arith.constant 1 : i32
    %dma_start3A_10 = arith.constant 0 : i32
    %dma_start3A_11 = tpu.memref_slice %arg6[%dma_start3A_9, %dma_start3A_10] : memref<16x128xi32, #tpu.memory_space<vmem>> -> memref<1x128xi32, #tpu.memory_space<vmem>>
    %dma_start3A_12 = tpu.memref_squeeze %dma_start3A_11 : memref<1x128xi32, #tpu.memory_space<vmem>> -> memref<128xi32, #tpu.memory_space<vmem>>
    %dma_start3A_13 = arith.constant 0 : i32
    %dma_start3A_14 = arith.constant 0 : i32
    %dma_start3A_15 = tpu.memref_slice %arg2[%dma_start3A_13, %dma_start3A_14] : memref<4096x144xf32, #tpu.memory_space<hbm>> -> memref<4096x144xf32, #tpu.memory_space<hbm>>
    tpu.enqueue_indirect_dma source(%dma_start3A_15 : memref<4096x144xf32, #tpu.memory_space<hbm>>) target(%arg8 : memref<128x144xf32, #tpu.memory_space<vmem>>) offsets(%dma_start3A_12 : memref<128xi32, #tpu.memory_space<vmem>>) semaphore(%arg10 : memref<!tpu.dma_semaphore, #tpu.memory_space<semaphore_mem>>)
    %dma_wait3A = arith.constant 0 : i32
    %dma_wait3A_16 = arith.constant 0 : i32
    %dma_wait3A_17 = tpu.memref_slice %arg6[%dma_wait3A, %dma_wait3A_16] : memref<16x128xi32, #tpu.memory_space<vmem>> -> memref<1x128xi32, #tpu.memory_space<vmem>>
    %dma_wait3A_18 = tpu.memref_squeeze %dma_wait3A_17 : memref<1x128xi32, #tpu.memory_space<vmem>> -> memref<128xi32, #tpu.memory_space<vmem>>
    %dma_wait3A_19 = arith.constant 0 : i32
    %dma_wait3A_20 = arith.constant 0 : i32
    %dma_wait3A_21 = tpu.memref_slice %arg2[%dma_wait3A_19, %dma_wait3A_20] : memref<4096x144xf32, #tpu.memory_space<hbm>> -> memref<4096x144xf32, #tpu.memory_space<hbm>>
    tpu.wait_indirect_dma semaphore(%arg9 : memref<!tpu.dma_semaphore, #tpu.memory_space<semaphore_mem>>) src(%dma_wait3A_21 : memref<4096x144xf32, #tpu.memory_space<hbm>>) dst(%arg7 : memref<128x144xf32, #tpu.memory_space<vmem>>)
    %add3A_22 = arith.constant 1 : i32
    %add3A_23 = arith.addi %mul3A_2, %add3A_22 : i32
    %sub3A = arith.constant 1 : i32
    %sub3A_24 = arith.subi %add3A_23, %sub3A : i32
    %mul3A_25 = arith.constant 128 : i32
    %mul3A_26 = arith.muli %sub3A_24, %mul3A_25 : i32
    %dma_start3A_27 = arith.constant 0 : i32
    %dma_start3A_28 = arith.constant 0 : i32
    %dma_start3A_29 = tpu.memref_slice %arg7[%dma_start3A_27, %dma_start3A_28] : memref<128x144xf32, #tpu.memory_space<vmem>> -> memref<128x128xf32, #tpu.memory_space<vmem>>
    %dma_start3A_30 = arith.constant 0 : i32
    %dma_start3A_31 = tpu.memref_slice %arg4[%mul3A_26, %dma_start3A_30] : memref<65536x128xf32, #tpu.memory_space<hbm>> -> memref<128x128xf32, #tpu.memory_space<hbm>>
    %dma_start3A_32 = arith.constant 0 : i32
    %dma_start3A_33 = tpu.memref_slice %arg4[%mul3A_26, %dma_start3A_32] : memref<65536x128xf32, #tpu.memory_space<hbm>> -> memref<128x128xf32, #tpu.memory_space<hbm>>
    %dma_start3A_34 = arith.constant 0 : i32
    %dma_start3A_35 = arith.constant 0 : i32
    %dma_start3A_36 = tpu.memref_slice %arg7[%dma_start3A_34, %dma_start3A_35] : memref<128x144xf32, #tpu.memory_space<vmem>> -> memref<128x128xf32, #tpu.memory_space<vmem>>
    tpu.enqueue_dma source(%dma_start3A_36 : memref<128x128xf32, #tpu.memory_space<vmem>>) target(%dma_start3A_33 : memref<128x128xf32, #tpu.memory_space<hbm>>) target_semaphore(%arg11 : memref<!tpu.dma_semaphore, #tpu.memory_space<semaphore_mem>>)
    %dma_start3A_37 = arith.constant 0 : i32
    %dma_start3A_38 = arith.constant 128 : i32
    %dma_start3A_39 = tpu.memref_slice %arg7[%dma_start3A_37, %dma_start3A_38] : memref<128x144xf32, #tpu.memory_space<vmem>> -> memref<128x16xf32, #tpu.memory_space<vmem>>
    %dma_start3A_40 = arith.constant 0 : i32
    %dma_start3A_41 = tpu.memref_slice %arg5[%mul3A_26, %dma_start3A_40] : memref<65536x16xf32, #tpu.memory_space<hbm>> -> memref<128x16xf32, #tpu.memory_space<hbm>>
    %dma_start3A_42 = arith.constant 0 : i32
    %dma_start3A_43 = tpu.memref_slice %arg5[%mul3A_26, %dma_start3A_42] : memref<65536x16xf32, #tpu.memory_space<hbm>> -> memref<128x16xf32, #tpu.memory_space<hbm>>
    %dma_start3A_44 = arith.constant 0 : i32
    %dma_start3A_45 = arith.constant 128 : i32
    %dma_start3A_46 = tpu.memref_slice %arg7[%dma_start3A_44, %dma_start3A_45] : memref<128x144xf32, #tpu.memory_space<vmem>> -> memref<128x16xf32, #tpu.memory_space<vmem>>
    tpu.enqueue_dma source(%dma_start3A_46 : memref<128x16xf32, #tpu.memory_space<vmem>>) target(%dma_start3A_43 : memref<128x16xf32, #tpu.memory_space<hbm>>) target_semaphore(%arg11 : memref<!tpu.dma_semaphore, #tpu.memory_space<semaphore_mem>>)
    %dma_wait3A_47 = arith.constant 0 : i32
    %dma_wait3A_48 = arith.constant 0 : i32
    %dma_wait3A_49 = tpu.memref_slice %arg7[%dma_wait3A_47, %dma_wait3A_48] : memref<128x144xf32, #tpu.memory_space<vmem>> -> memref<128x128xf32, #tpu.memory_space<vmem>>
    %dma_wait3A_50 = arith.constant 0 : i32
    %dma_wait3A_51 = tpu.memref_slice %arg4[%mul3A_26, %dma_wait3A_50] : memref<65536x128xf32, #tpu.memory_space<hbm>> -> memref<128x128xf32, #tpu.memory_space<hbm>>
    %dma_wait3A_52 = arith.constant 0 : i32
    %dma_wait3A_53 = tpu.memref_slice %arg4[%mul3A_26, %dma_wait3A_52] : memref<65536x128xf32, #tpu.memory_space<hbm>> -> memref<128x128xf32, #tpu.memory_space<hbm>>
    %dma_wait3A_54 = arith.constant 0 : i32
    %dma_wait3A_55 = arith.constant 0 : i32
    %dma_wait3A_56 = tpu.memref_slice %arg7[%dma_wait3A_54, %dma_wait3A_55] : memref<128x144xf32, #tpu.memory_space<vmem>> -> memref<128x128xf32, #tpu.memory_space<vmem>>
    tpu.wait_dma2 semaphore(%arg11 : memref<!tpu.dma_semaphore, #tpu.memory_space<semaphore_mem>>) src(%dma_wait3A_56 : memref<128x128xf32, #tpu.memory_space<vmem>>) dst(%dma_wait3A_53 : memref<128x128xf32, #tpu.memory_space<hbm>>)
    %dma_wait3A_57 = arith.constant 0 : i32
    %dma_wait3A_58 = arith.constant 128 : i32
    %dma_wait3A_59 = tpu.memref_slice %arg7[%dma_wait3A_57, %dma_wait3A_58] : memref<128x144xf32, #tpu.memory_space<vmem>> -> memref<128x16xf32, #tpu.memory_space<vmem>>
    %dma_wait3A_60 = arith.constant 0 : i32
    %dma_wait3A_61 = tpu.memref_slice %arg5[%mul3A_26, %dma_wait3A_60] : memref<65536x16xf32, #tpu.memory_space<hbm>> -> memref<128x16xf32, #tpu.memory_space<hbm>>
    %dma_wait3A_62 = arith.constant 0 : i32
    %dma_wait3A_63 = tpu.memref_slice %arg5[%mul3A_26, %dma_wait3A_62] : memref<65536x16xf32, #tpu.memory_space<hbm>> -> memref<128x16xf32, #tpu.memory_space<hbm>>
    %dma_wait3A_64 = arith.constant 0 : i32
    %dma_wait3A_65 = arith.constant 128 : i32
    %dma_wait3A_66 = tpu.memref_slice %arg7[%dma_wait3A_64, %dma_wait3A_65] : memref<128x144xf32, #tpu.memory_space<vmem>> -> memref<128x16xf32, #tpu.memory_space<vmem>>
    tpu.wait_dma2 semaphore(%arg11 : memref<!tpu.dma_semaphore, #tpu.memory_space<semaphore_mem>>) src(%dma_wait3A_66 : memref<128x16xf32, #tpu.memory_space<vmem>>) dst(%dma_wait3A_63 : memref<128x16xf32, #tpu.memory_space<hbm>>)
    %dma_start3A_67 = arith.constant 2 : i32
    %dma_start3A_68 = arith.constant 0 : i32
    %dma_start3A_69 = tpu.memref_slice %arg6[%dma_start3A_67, %dma_start3A_68] : memref<16x128xi32, #tpu.memory_space<vmem>> -> memref<1x128xi32, #tpu.memory_space<vmem>>
    %dma_start3A_70 = tpu.memref_squeeze %dma_start3A_69 : memref<1x128xi32, #tpu.memory_space<vmem>> -> memref<128xi32, #tpu.memory_space<vmem>>
    %dma_start3A_71 = arith.constant 0 : i32
    %dma_start3A_72 = arith.constant 0 : i32
    %dma_start3A_73 = tpu.memref_slice %arg2[%dma_start3A_71, %dma_start3A_72] : memref<4096x144xf32, #tpu.memory_space<hbm>> -> memref<4096x144xf32, #tpu.memory_space<hbm>>
    tpu.enqueue_indirect_dma source(%dma_start3A_73 : memref<4096x144xf32, #tpu.memory_space<hbm>>) target(%arg7 : memref<128x144xf32, #tpu.memory_space<vmem>>) offsets(%dma_start3A_70 : memref<128xi32, #tpu.memory_space<vmem>>) semaphore(%arg9 : memref<!tpu.dma_semaphore, #tpu.memory_space<semaphore_mem>>)
    %dma_wait3A_74 = arith.constant 1 : i32
    %dma_wait3A_75 = arith.constant 0 : i32
    %dma_wait3A_76 = tpu.memref_slice %arg6[%dma_wait3A_74, %dma_wait3A_75] : memref<16x128xi32, #tpu.memory_space<vmem>> -> memref<1x128xi32, #tpu.memory_space<vmem>>
    %dma_wait3A_77 = tpu.memref_squeeze %dma_wait3A_76 : memref<1x128xi32, #tpu.memory_space<vmem>> -> memref<128xi32, #tpu.memory_space<vmem>>
    %dma_wait3A_78 = arith.constant 0 : i32
    %dma_wait3A_79 = arith.constant 0 : i32
    %dma_wait3A_80 = tpu.memref_slice %arg2[%dma_wait3A_78, %dma_wait3A_79] : memref<4096x144xf32, #tpu.memory_space<hbm>> -> memref<4096x144xf32, #tpu.memory_space<hbm>>
    tpu.wait_indirect_dma semaphore(%arg10 : memref<!tpu.dma_semaphore, #tpu.memory_space<semaphore_mem>>) src(%dma_wait3A_80 : memref<4096x144xf32, #tpu.memory_space<hbm>>) dst(%arg8 : memref<128x144xf32, #tpu.memory_space<vmem>>)
    %add3A_81 = arith.constant 2 : i32
    %add3A_82 = arith.addi %mul3A_2, %add3A_81 : i32
    %sub3A_83 = arith.constant 1 : i32
    %sub3A_84 = arith.subi %add3A_82, %sub3A_83 : i32
    %mul3A_85 = arith.constant 128 : i32
    %mul3A_86 = arith.muli %sub3A_84, %mul3A_85 : i32
    %dma_start3A_87 = arith.constant 0 : i32
    %dma_start3A_88 = arith.constant 0 : i32
    %dma_start3A_89 = tpu.memref_slice %arg8[%dma_start3A_87, %dma_start3A_88] : memref<128x144xf32, #tpu.memory_space<vmem>> -> memref<128x128xf32, #tpu.memory_space<vmem>>
    %dma_start3A_90 = arith.constant 0 : i32
    %dma_start3A_91 = tpu.memref_slice %arg4[%mul3A_86, %dma_start3A_90] : memref<65536x128xf32, #tpu.memory_space<hbm>> -> memref<128x128xf32, #tpu.memory_space<hbm>>
    %dma_start3A_92 = arith.constant 0 : i32
    %dma_start3A_93 = tpu.memref_slice %arg4[%mul3A_86, %dma_start3A_92] : memref<65536x128xf32, #tpu.memory_space<hbm>> -> memref<128x128xf32, #tpu.memory_space<hbm>>
    %dma_start3A_94 = arith.constant 0 : i32
    %dma_start3A_95 = arith.constant 0 : i32
    %dma_start3A_96 = tpu.memref_slice %arg8[%dma_start3A_94, %dma_start3A_95] : memref<128x144xf32, #tpu.memory_space<vmem>> -> memref<128x128xf32, #tpu.memory_space<vmem>>
    tpu.enqueue_dma source(%dma_start3A_96 : memref<128x128xf32, #tpu.memory_space<vmem>>) target(%dma_start3A_93 : memref<128x128xf32, #tpu.memory_space<hbm>>) target_semaphore(%arg12 : memref<!tpu.dma_semaphore, #tpu.memory_space<semaphore_mem>>)
    %dma_start3A_97 = arith.constant 0 : i32
    %dma_start3A_98 = arith.constant 128 : i32
    %dma_start3A_99 = tpu.memref_slice %arg8[%dma_start3A_97, %dma_start3A_98] : memref<128x144xf32, #tpu.memory_space<vmem>> -> memref<128x16xf32, #tpu.memory_space<vmem>>
    %dma_start3A_100 = arith.constant 0 : i32
    %dma_start3A_101 = tpu.memref_slice %arg5[%mul3A_86, %dma_start3A_100] : memref<65536x16xf32, #tpu.memory_space<hbm>> -> memref<128x16xf32, #tpu.memory_space<hbm>>
    %dma_start3A_102 = arith.constant 0 : i32
    %dma_start3A_103 = tpu.memref_slice %arg5[%mul3A_86, %dma_start3A_102] : memref<65536x16xf32, #tpu.memory_space<hbm>> -> memref<128x16xf32, #tpu.memory_space<hbm>>
    %dma_start3A_104 = arith.constant 0 : i32
    %dma_start3A_105 = arith.constant 128 : i32
    %dma_start3A_106 = tpu.memref_slice %arg8[%dma_start3A_104, %dma_start3A_105] : memref<128x144xf32, #tpu.memory_space<vmem>> -> memref<128x16xf32, #tpu.memory_space<vmem>>
    tpu.enqueue_dma source(%dma_start3A_106 : memref<128x16xf32, #tpu.memory_space<vmem>>) target(%dma_start3A_103 : memref<128x16xf32, #tpu.memory_space<hbm>>) target_semaphore(%arg12 : memref<!tpu.dma_semaphore, #tpu.memory_space<semaphore_mem>>)
    %dma_wait3A_107 = arith.constant 0 : i32
    %dma_wait3A_108 = arith.constant 0 : i32
    %dma_wait3A_109 = tpu.memref_slice %arg8[%dma_wait3A_107, %dma_wait3A_108] : memref<128x144xf32, #tpu.memory_space<vmem>> -> memref<128x128xf32, #tpu.memory_space<vmem>>
    %dma_wait3A_110 = arith.constant 0 : i32
    %dma_wait3A_111 = tpu.memref_slice %arg4[%mul3A_86, %dma_wait3A_110] : memref<65536x128xf32, #tpu.memory_space<hbm>> -> memref<128x128xf32, #tpu.memory_space<hbm>>
    %dma_wait3A_112 = arith.constant 0 : i32
    %dma_wait3A_113 = tpu.memref_slice %arg4[%mul3A_86, %dma_wait3A_112] : memref<65536x128xf32, #tpu.memory_space<hbm>> -> memref<128x128xf32, #tpu.memory_space<hbm>>
    %dma_wait3A_114 = arith.constant 0 : i32
    %dma_wait3A_115 = arith.constant 0 : i32
    %dma_wait3A_116 = tpu.memref_slice %arg8[%dma_wait3A_114, %dma_wait3A_115] : memref<128x144xf32, #tpu.memory_space<vmem>> -> memref<128x128xf32, #tpu.memory_space<vmem>>
    tpu.wait_dma2 semaphore(%arg12 : memref<!tpu.dma_semaphore, #tpu.memory_space<semaphore_mem>>) src(%dma_wait3A_116 : memref<128x128xf32, #tpu.memory_space<vmem>>) dst(%dma_wait3A_113 : memref<128x128xf32, #tpu.memory_space<hbm>>)
    %dma_wait3A_117 = arith.constant 0 : i32
    %dma_wait3A_118 = arith.constant 128 : i32
    %dma_wait3A_119 = tpu.memref_slice %arg8[%dma_wait3A_117, %dma_wait3A_118] : memref<128x144xf32, #tpu.memory_space<vmem>> -> memref<128x16xf32, #tpu.memory_space<vmem>>
    %dma_wait3A_120 = arith.constant 0 : i32
    %dma_wait3A_121 = tpu.memref_slice %arg5[%mul3A_86, %dma_wait3A_120] : memref<65536x16xf32, #tpu.memory_space<hbm>> -> memref<128x16xf32, #tpu.memory_space<hbm>>
    %dma_wait3A_122 = arith.constant 0 : i32
    %dma_wait3A_123 = tpu.memref_slice %arg5[%mul3A_86, %dma_wait3A_122] : memref<65536x16xf32, #tpu.memory_space<hbm>> -> memref<128x16xf32, #tpu.memory_space<hbm>>
    %dma_wait3A_124 = arith.constant 0 : i32
    %dma_wait3A_125 = arith.constant 128 : i32
    %dma_wait3A_126 = tpu.memref_slice %arg8[%dma_wait3A_124, %dma_wait3A_125] : memref<128x144xf32, #tpu.memory_space<vmem>> -> memref<128x16xf32, #tpu.memory_space<vmem>>
    tpu.wait_dma2 semaphore(%arg12 : memref<!tpu.dma_semaphore, #tpu.memory_space<semaphore_mem>>) src(%dma_wait3A_126 : memref<128x16xf32, #tpu.memory_space<vmem>>) dst(%dma_wait3A_123 : memref<128x16xf32, #tpu.memory_space<hbm>>)
    %dma_start3A_127 = arith.constant 3 : i32
    %dma_start3A_128 = arith.constant 0 : i32
    %dma_start3A_129 = tpu.memref_slice %arg6[%dma_start3A_127, %dma_start3A_128] : memref<16x128xi32, #tpu.memory_space<vmem>> -> memref<1x128xi32, #tpu.memory_space<vmem>>
    %dma_start3A_130 = tpu.memref_squeeze %dma_start3A_129 : memref<1x128xi32, #tpu.memory_space<vmem>> -> memref<128xi32, #tpu.memory_space<vmem>>
    %dma_start3A_131 = arith.constant 0 : i32
    %dma_start3A_132 = arith.constant 0 : i32
    %dma_start3A_133 = tpu.memref_slice %arg2[%dma_start3A_131, %dma_start3A_132] : memref<4096x144xf32, #tpu.memory_space<hbm>> -> memref<4096x144xf32, #tpu.memory_space<hbm>>
    tpu.enqueue_indirect_dma source(%dma_start3A_133 : memref<4096x144xf32, #tpu.memory_space<hbm>>) target(%arg8 : memref<128x144xf32, #tpu.memory_space<vmem>>) offsets(%dma_start3A_130 : memref<128xi32, #tpu.memory_space<vmem>>) semaphore(%arg10 : memref<!tpu.dma_semaphore, #tpu.memory_space<semaphore_mem>>)
    %dma_wait3A_134 = arith.constant 2 : i32
    %dma_wait3A_135 = arith.constant 0 : i32
    %dma_wait3A_136 = tpu.memref_slice %arg6[%dma_wait3A_134, %dma_wait3A_135] : memref<16x128xi32, #tpu.memory_space<vmem>> -> memref<1x128xi32, #tpu.memory_space<vmem>>
    %dma_wait3A_137 = tpu.memref_squeeze %dma_wait3A_136 : memref<1x128xi32, #tpu.memory_space<vmem>> -> memref<128xi32, #tpu.memory_space<vmem>>
    %dma_wait3A_138 = arith.constant 0 : i32
    %dma_wait3A_139 = arith.constant 0 : i32
    %dma_wait3A_140 = tpu.memref_slice %arg2[%dma_wait3A_138, %dma_wait3A_139] : memref<4096x144xf32, #tpu.memory_space<hbm>> -> memref<4096x144xf32, #tpu.memory_space<hbm>>
    tpu.wait_indirect_dma semaphore(%arg9 : memref<!tpu.dma_semaphore, #tpu.memory_space<semaphore_mem>>) src(%dma_wait3A_140 : memref<4096x144xf32, #tpu.memory_space<hbm>>) dst(%arg7 : memref<128x144xf32, #tpu.memory_space<vmem>>)
    %add3A_141 = arith.constant 3 : i32
    %add3A_142 = arith.addi %mul3A_2, %add3A_141 : i32
    %sub3A_143 = arith.constant 1 : i32
    %sub3A_144 = arith.subi %add3A_142, %sub3A_143 : i32
    %mul3A_145 = arith.constant 128 : i32
    %mul3A_146 = arith.muli %sub3A_144, %mul3A_145 : i32
    %dma_start3A_147 = arith.constant 0 : i32
    %dma_start3A_148 = arith.constant 0 : i32
    %dma_start3A_149 = tpu.memref_slice %arg7[%dma_start3A_147, %dma_start3A_148] : memref<128x144xf32, #tpu.memory_space<vmem>> -> memref<128x128xf32, #tpu.memory_space<vmem>>
    %dma_start3A_150 = arith.constant 0 : i32
    %dma_start3A_151 = tpu.memref_slice %arg4[%mul3A_146, %dma_start3A_150] : memref<65536x128xf32, #tpu.memory_space<hbm>> -> memref<128x128xf32, #tpu.memory_space<hbm>>
    %dma_start3A_152 = arith.constant 0 : i32
    %dma_start3A_153 = tpu.memref_slice %arg4[%mul3A_146, %dma_start3A_152] : memref<65536x128xf32, #tpu.memory_space<hbm>> -> memref<128x128xf32, #tpu.memory_space<hbm>>
    %dma_start3A_154 = arith.constant 0 : i32
    %dma_start3A_155 = arith.constant 0 : i32
    %dma_start3A_156 = tpu.memref_slice %arg7[%dma_start3A_154, %dma_start3A_155] : memref<128x144xf32, #tpu.memory_space<vmem>> -> memref<128x128xf32, #tpu.memory_space<vmem>>
    tpu.enqueue_dma source(%dma_start3A_156 : memref<128x128xf32, #tpu.memory_space<vmem>>) target(%dma_start3A_153 : memref<128x128xf32, #tpu.memory_space<hbm>>) target_semaphore(%arg11 : memref<!tpu.dma_semaphore, #tpu.memory_space<semaphore_mem>>)
    %dma_start3A_157 = arith.constant 0 : i32
    %dma_start3A_158 = arith.constant 128 : i32
    %dma_start3A_159 = tpu.memref_slice %arg7[%dma_start3A_157, %dma_start3A_158] : memref<128x144xf32, #tpu.memory_space<vmem>> -> memref<128x16xf32, #tpu.memory_space<vmem>>
    %dma_start3A_160 = arith.constant 0 : i32
    %dma_start3A_161 = tpu.memref_slice %arg5[%mul3A_146, %dma_start3A_160] : memref<65536x16xf32, #tpu.memory_space<hbm>> -> memref<128x16xf32, #tpu.memory_space<hbm>>
    %dma_start3A_162 = arith.constant 0 : i32
    %dma_start3A_163 = tpu.memref_slice %arg5[%mul3A_146, %dma_start3A_162] : memref<65536x16xf32, #tpu.memory_space<hbm>> -> memref<128x16xf32, #tpu.memory_space<hbm>>
    %dma_start3A_164 = arith.constant 0 : i32
    %dma_start3A_165 = arith.constant 128 : i32
    %dma_start3A_166 = tpu.memref_slice %arg7[%dma_start3A_164, %dma_start3A_165] : memref<128x144xf32, #tpu.memory_space<vmem>> -> memref<128x16xf32, #tpu.memory_space<vmem>>
    tpu.enqueue_dma source(%dma_start3A_166 : memref<128x16xf32, #tpu.memory_space<vmem>>) target(%dma_start3A_163 : memref<128x16xf32, #tpu.memory_space<hbm>>) target_semaphore(%arg11 : memref<!tpu.dma_semaphore, #tpu.memory_space<semaphore_mem>>)
    %dma_wait3A_167 = arith.constant 0 : i32
    %dma_wait3A_168 = arith.constant 0 : i32
    %dma_wait3A_169 = tpu.memref_slice %arg7[%dma_wait3A_167, %dma_wait3A_168] : memref<128x144xf32, #tpu.memory_space<vmem>> -> memref<128x128xf32, #tpu.memory_space<vmem>>
    %dma_wait3A_170 = arith.constant 0 : i32
    %dma_wait3A_171 = tpu.memref_slice %arg4[%mul3A_146, %dma_wait3A_170] : memref<65536x128xf32, #tpu.memory_space<hbm>> -> memref<128x128xf32, #tpu.memory_space<hbm>>
    %dma_wait3A_172 = arith.constant 0 : i32
    %dma_wait3A_173 = tpu.memref_slice %arg4[%mul3A_146, %dma_wait3A_172] : memref<65536x128xf32, #tpu.memory_space<hbm>> -> memref<128x128xf32, #tpu.memory_space<hbm>>
    %dma_wait3A_174 = arith.constant 0 : i32
    %dma_wait3A_175 = arith.constant 0 : i32
    %dma_wait3A_176 = tpu.memref_slice %arg7[%dma_wait3A_174, %dma_wait3A_175] : memref<128x144xf32, #tpu.memory_space<vmem>> -> memref<128x128xf32, #tpu.memory_space<vmem>>
    tpu.wait_dma2 semaphore(%arg11 : memref<!tpu.dma_semaphore, #tpu.memory_space<semaphore_mem>>) src(%dma_wait3A_176 : memref<128x128xf32, #tpu.memory_space<vmem>>) dst(%dma_wait3A_173 : memref<128x128xf32, #tpu.memory_space<hbm>>)
    %dma_wait3A_177 = arith.constant 0 : i32
    %dma_wait3A_178 = arith.constant 128 : i32
    %dma_wait3A_179 = tpu.memref_slice %arg7[%dma_wait3A_177, %dma_wait3A_178] : memref<128x144xf32, #tpu.memory_space<vmem>> -> memref<128x16xf32, #tpu.memory_space<vmem>>
    %dma_wait3A_180 = arith.constant 0 : i32
    %dma_wait3A_181 = tpu.memref_slice %arg5[%mul3A_146, %dma_wait3A_180] : memref<65536x16xf32, #tpu.memory_space<hbm>> -> memref<128x16xf32, #tpu.memory_space<hbm>>
    %dma_wait3A_182 = arith.constant 0 : i32
    %dma_wait3A_183 = tpu.memref_slice %arg5[%mul3A_146, %dma_wait3A_182] : memref<65536x16xf32, #tpu.memory_space<hbm>> -> memref<128x16xf32, #tpu.memory_space<hbm>>
    %dma_wait3A_184 = arith.constant 0 : i32
    %dma_wait3A_185 = arith.constant 128 : i32
    %dma_wait3A_186 = tpu.memref_slice %arg7[%dma_wait3A_184, %dma_wait3A_185] : memref<128x144xf32, #tpu.memory_space<vmem>> -> memref<128x16xf32, #tpu.memory_space<vmem>>
    tpu.wait_dma2 semaphore(%arg11 : memref<!tpu.dma_semaphore, #tpu.memory_space<semaphore_mem>>) src(%dma_wait3A_186 : memref<128x16xf32, #tpu.memory_space<vmem>>) dst(%dma_wait3A_183 : memref<128x16xf32, #tpu.memory_space<hbm>>)
    %dma_start3A_187 = arith.constant 4 : i32
    %dma_start3A_188 = arith.constant 0 : i32
    %dma_start3A_189 = tpu.memref_slice %arg6[%dma_start3A_187, %dma_start3A_188] : memref<16x128xi32, #tpu.memory_space<vmem>> -> memref<1x128xi32, #tpu.memory_space<vmem>>
    %dma_start3A_190 = tpu.memref_squeeze %dma_start3A_189 : memref<1x128xi32, #tpu.memory_space<vmem>> -> memref<128xi32, #tpu.memory_space<vmem>>
    %dma_start3A_191 = arith.constant 0 : i32
    %dma_start3A_192 = arith.constant 0 : i32
    %dma_start3A_193 = tpu.memref_slice %arg2[%dma_start3A_191, %dma_start3A_192] : memref<4096x144xf32, #tpu.memory_space<hbm>> -> memref<4096x144xf32, #tpu.memory_space<hbm>>
    tpu.enqueue_indirect_dma source(%dma_start3A_193 : memref<4096x144xf32, #tpu.memory_space<hbm>>) target(%arg7 : memref<128x144xf32, #tpu.memory_space<vmem>>) offsets(%dma_start3A_190 : memref<128xi32, #tpu.memory_space<vmem>>) semaphore(%arg9 : memref<!tpu.dma_semaphore, #tpu.memory_space<semaphore_mem>>)
    %dma_wait3A_194 = arith.constant 3 : i32
    %dma_wait3A_195 = arith.constant 0 : i32
    %dma_wait3A_196 = tpu.memref_slice %arg6[%dma_wait3A_194, %dma_wait3A_195] : memref<16x128xi32, #tpu.memory_space<vmem>> -> memref<1x128xi32, #tpu.memory_space<vmem>>
    %dma_wait3A_197 = tpu.memref_squeeze %dma_wait3A_196 : memref<1x128xi32, #tpu.memory_space<vmem>> -> memref<128xi32, #tpu.memory_space<vmem>>
    %dma_wait3A_198 = arith.constant 0 : i32
    %dma_wait3A_199 = arith.constant 0 : i32
    %dma_wait3A_200 = tpu.memref_slice %arg2[%dma_wait3A_198, %dma_wait3A_199] : memref<4096x144xf32, #tpu.memory_space<hbm>> -> memref<4096x144xf32, #tpu.memory_space<hbm>>
    tpu.wait_indirect_dma semaphore(%arg10 : memref<!tpu.dma_semaphore, #tpu.memory_space<semaphore_mem>>) src(%dma_wait3A_200 : memref<4096x144xf32, #tpu.memory_space<hbm>>) dst(%arg8 : memref<128x144xf32, #tpu.memory_space<vmem>>)
    %add3A_201 = arith.constant 4 : i32
    %add3A_202 = arith.addi %mul3A_2, %add3A_201 : i32
    %sub3A_203 = arith.constant 1 : i32
    %sub3A_204 = arith.subi %add3A_202, %sub3A_203 : i32
    %mul3A_205 = arith.constant 128 : i32
    %mul3A_206 = arith.muli %sub3A_204, %mul3A_205 : i32
    %dma_start3A_207 = arith.constant 0 : i32
    %dma_start3A_208 = arith.constant 0 : i32
    %dma_start3A_209 = tpu.memref_slice %arg8[%dma_start3A_207, %dma_start3A_208] : memref<128x144xf32, #tpu.memory_space<vmem>> -> memref<128x128xf32, #tpu.memory_space<vmem>>
    %dma_start3A_210 = arith.constant 0 : i32
    %dma_start3A_211 = tpu.memref_slice %arg4[%mul3A_206, %dma_start3A_210] : memref<65536x128xf32, #tpu.memory_space<hbm>> -> memref<128x128xf32, #tpu.memory_space<hbm>>
    %dma_start3A_212 = arith.constant 0 : i32
    %dma_start3A_213 = tpu.memref_slice %arg4[%mul3A_206, %dma_start3A_212] : memref<65536x128xf32, #tpu.memory_space<hbm>> -> memref<128x128xf32, #tpu.memory_space<hbm>>
    %dma_start3A_214 = arith.constant 0 : i32
    %dma_start3A_215 = arith.constant 0 : i32
    %dma_start3A_216 = tpu.memref_slice %arg8[%dma_start3A_214, %dma_start3A_215] : memref<128x144xf32, #tpu.memory_space<vmem>> -> memref<128x128xf32, #tpu.memory_space<vmem>>
    tpu.enqueue_dma source(%dma_start3A_216 : memref<128x128xf32, #tpu.memory_space<vmem>>) target(%dma_start3A_213 : memref<128x128xf32, #tpu.memory_space<hbm>>) target_semaphore(%arg12 : memref<!tpu.dma_semaphore, #tpu.memory_space<semaphore_mem>>)
    %dma_start3A_217 = arith.constant 0 : i32
    %dma_start3A_218 = arith.constant 128 : i32
    %dma_start3A_219 = tpu.memref_slice %arg8[%dma_start3A_217, %dma_start3A_218] : memref<128x144xf32, #tpu.memory_space<vmem>> -> memref<128x16xf32, #tpu.memory_space<vmem>>
    %dma_start3A_220 = arith.constant 0 : i32
    %dma_start3A_221 = tpu.memref_slice %arg5[%mul3A_206, %dma_start3A_220] : memref<65536x16xf32, #tpu.memory_space<hbm>> -> memref<128x16xf32, #tpu.memory_space<hbm>>
    %dma_start3A_222 = arith.constant 0 : i32
    %dma_start3A_223 = tpu.memref_slice %arg5[%mul3A_206, %dma_start3A_222] : memref<65536x16xf32, #tpu.memory_space<hbm>> -> memref<128x16xf32, #tpu.memory_space<hbm>>
    %dma_start3A_224 = arith.constant 0 : i32
    %dma_start3A_225 = arith.constant 128 : i32
    %dma_start3A_226 = tpu.memref_slice %arg8[%dma_start3A_224, %dma_start3A_225] : memref<128x144xf32, #tpu.memory_space<vmem>> -> memref<128x16xf32, #tpu.memory_space<vmem>>
    tpu.enqueue_dma source(%dma_start3A_226 : memref<128x16xf32, #tpu.memory_space<vmem>>) target(%dma_start3A_223 : memref<128x16xf32, #tpu.memory_space<hbm>>) target_semaphore(%arg12 : memref<!tpu.dma_semaphore, #tpu.memory_space<semaphore_mem>>)
    %dma_wait3A_227 = arith.constant 0 : i32
    %dma_wait3A_228 = arith.constant 0 : i32
    %dma_wait3A_229 = tpu.memref_slice %arg8[%dma_wait3A_227, %dma_wait3A_228] : memref<128x144xf32, #tpu.memory_space<vmem>> -> memref<128x128xf32, #tpu.memory_space<vmem>>
    %dma_wait3A_230 = arith.constant 0 : i32
    %dma_wait3A_231 = tpu.memref_slice %arg4[%mul3A_206, %dma_wait3A_230] : memref<65536x128xf32, #tpu.memory_space<hbm>> -> memref<128x128xf32, #tpu.memory_space<hbm>>
    %dma_wait3A_232 = arith.constant 0 : i32
    %dma_wait3A_233 = tpu.memref_slice %arg4[%mul3A_206, %dma_wait3A_232] : memref<65536x128xf32, #tpu.memory_space<hbm>> -> memref<128x128xf32, #tpu.memory_space<hbm>>
    %dma_wait3A_234 = arith.constant 0 : i32
    %dma_wait3A_235 = arith.constant 0 : i32
    %dma_wait3A_236 = tpu.memref_slice %arg8[%dma_wait3A_234, %dma_wait3A_235] : memref<128x144xf32, #tpu.memory_space<vmem>> -> memref<128x128xf32, #tpu.memory_space<vmem>>
    tpu.wait_dma2 semaphore(%arg12 : memref<!tpu.dma_semaphore, #tpu.memory_space<semaphore_mem>>) src(%dma_wait3A_236 : memref<128x128xf32, #tpu.memory_space<vmem>>) dst(%dma_wait3A_233 : memref<128x128xf32, #tpu.memory_space<hbm>>)
    %dma_wait3A_237 = arith.constant 0 : i32
    %dma_wait3A_238 = arith.constant 128 : i32
    %dma_wait3A_239 = tpu.memref_slice %arg8[%dma_wait3A_237, %dma_wait3A_238] : memref<128x144xf32, #tpu.memory_space<vmem>> -> memref<128x16xf32, #tpu.memory_space<vmem>>
    %dma_wait3A_240 = arith.constant 0 : i32
    %dma_wait3A_241 = tpu.memref_slice %arg5[%mul3A_206, %dma_wait3A_240] : memref<65536x16xf32, #tpu.memory_space<hbm>> -> memref<128x16xf32, #tpu.memory_space<hbm>>
    %dma_wait3A_242 = arith.constant 0 : i32
    %dma_wait3A_243 = tpu.memref_slice %arg5[%mul3A_206, %dma_wait3A_242] : memref<65536x16xf32, #tpu.memory_space<hbm>> -> memref<128x16xf32, #tpu.memory_space<hbm>>
    %dma_wait3A_244 = arith.constant 0 : i32
    %dma_wait3A_245 = arith.constant 128 : i32
    %dma_wait3A_246 = tpu.memref_slice %arg8[%dma_wait3A_244, %dma_wait3A_245] : memref<128x144xf32, #tpu.memory_space<vmem>> -> memref<128x16xf32, #tpu.memory_space<vmem>>
    tpu.wait_dma2 semaphore(%arg12 : memref<!tpu.dma_semaphore, #tpu.memory_space<semaphore_mem>>) src(%dma_wait3A_246 : memref<128x16xf32, #tpu.memory_space<vmem>>) dst(%dma_wait3A_243 : memref<128x16xf32, #tpu.memory_space<hbm>>)
    %dma_start3A_247 = arith.constant 5 : i32
    %dma_start3A_248 = arith.constant 0 : i32
    %dma_start3A_249 = tpu.memref_slice %arg6[%dma_start3A_247, %dma_start3A_248] : memref<16x128xi32, #tpu.memory_space<vmem>> -> memref<1x128xi32, #tpu.memory_space<vmem>>
    %dma_start3A_250 = tpu.memref_squeeze %dma_start3A_249 : memref<1x128xi32, #tpu.memory_space<vmem>> -> memref<128xi32, #tpu.memory_space<vmem>>
    %dma_start3A_251 = arith.constant 0 : i32
    %dma_start3A_252 = arith.constant 0 : i32
    %dma_start3A_253 = tpu.memref_slice %arg2[%dma_start3A_251, %dma_start3A_252] : memref<4096x144xf32, #tpu.memory_space<hbm>> -> memref<4096x144xf32, #tpu.memory_space<hbm>>
    tpu.enqueue_indirect_dma source(%dma_start3A_253 : memref<4096x144xf32, #tpu.memory_space<hbm>>) target(%arg8 : memref<128x144xf32, #tpu.memory_space<vmem>>) offsets(%dma_start3A_250 : memref<128xi32, #tpu.memory_space<vmem>>) semaphore(%arg10 : memref<!tpu.dma_semaphore, #tpu.memory_space<semaphore_mem>>)
    %dma_wait3A_254 = arith.constant 4 : i32
    %dma_wait3A_255 = arith.constant 0 : i32
    %dma_wait3A_256 = tpu.memref_slice %arg6[%dma_wait3A_254, %dma_wait3A_255] : memref<16x128xi32, #tpu.memory_space<vmem>> -> memref<1x128xi32, #tpu.memory_space<vmem>>
    %dma_wait3A_257 = tpu.memref_squeeze %dma_wait3A_256 : memref<1x128xi32, #tpu.memory_space<vmem>> -> memref<128xi32, #tpu.memory_space<vmem>>
    %dma_wait3A_258 = arith.constant 0 : i32
    %dma_wait3A_259 = arith.constant 0 : i32
    %dma_wait3A_260 = tpu.memref_slice %arg2[%dma_wait3A_258, %dma_wait3A_259] : memref<4096x144xf32, #tpu.memory_space<hbm>> -> memref<4096x144xf32, #tpu.memory_space<hbm>>
    tpu.wait_indirect_dma semaphore(%arg9 : memref<!tpu.dma_semaphore, #tpu.memory_space<semaphore_mem>>) src(%dma_wait3A_260 : memref<4096x144xf32, #tpu.memory_space<hbm>>) dst(%arg7 : memref<128x144xf32, #tpu.memory_space<vmem>>)
    %add3A_261 = arith.constant 5 : i32
    %add3A_262 = arith.addi %mul3A_2, %add3A_261 : i32
    %sub3A_263 = arith.constant 1 : i32
    %sub3A_264 = arith.subi %add3A_262, %sub3A_263 : i32
    %mul3A_265 = arith.constant 128 : i32
    %mul3A_266 = arith.muli %sub3A_264, %mul3A_265 : i32
    %dma_start3A_267 = arith.constant 0 : i32
    %dma_start3A_268 = arith.constant 0 : i32
    %dma_start3A_269 = tpu.memref_slice %arg7[%dma_start3A_267, %dma_start3A_268] : memref<128x144xf32, #tpu.memory_space<vmem>> -> memref<128x128xf32, #tpu.memory_space<vmem>>
    %dma_start3A_270 = arith.constant 0 : i32
    %dma_start3A_271 = tpu.memref_slice %arg4[%mul3A_266, %dma_start3A_270] : memref<65536x128xf32, #tpu.memory_space<hbm>> -> memref<128x128xf32, #tpu.memory_space<hbm>>
    %dma_start3A_272 = arith.constant 0 : i32
    %dma_start3A_273 = tpu.memref_slice %arg4[%mul3A_266, %dma_start3A_272] : memref<65536x128xf32, #tpu.memory_space<hbm>> -> memref<128x128xf32, #tpu.memory_space<hbm>>
    %dma_start3A_274 = arith.constant 0 : i32
    %dma_start3A_275 = arith.constant 0 : i32
    %dma_start3A_276 = tpu.memref_slice %arg7[%dma_start3A_274, %dma_start3A_275] : memref<128x144xf32, #tpu.memory_space<vmem>> -> memref<128x128xf32, #tpu.memory_space<vmem>>
    tpu.enqueue_dma source(%dma_start3A_276 : memref<128x128xf32, #tpu.memory_space<vmem>>) target(%dma_start3A_273 : memref<128x128xf32, #tpu.memory_space<hbm>>) target_semaphore(%arg11 : memref<!tpu.dma_semaphore, #tpu.memory_space<semaphore_mem>>)
    %dma_start3A_277 = arith.constant 0 : i32
    %dma_start3A_278 = arith.constant 128 : i32
    %dma_start3A_279 = tpu.memref_slice %arg7[%dma_start3A_277, %dma_start3A_278] : memref<128x144xf32, #tpu.memory_space<vmem>> -> memref<128x16xf32, #tpu.memory_space<vmem>>
    %dma_start3A_280 = arith.constant 0 : i32
    %dma_start3A_281 = tpu.memref_slice %arg5[%mul3A_266, %dma_start3A_280] : memref<65536x16xf32, #tpu.memory_space<hbm>> -> memref<128x16xf32, #tpu.memory_space<hbm>>
    %dma_start3A_282 = arith.constant 0 : i32
    %dma_start3A_283 = tpu.memref_slice %arg5[%mul3A_266, %dma_start3A_282] : memref<65536x16xf32, #tpu.memory_space<hbm>> -> memref<128x16xf32, #tpu.memory_space<hbm>>
    %dma_start3A_284 = arith.constant 0 : i32
    %dma_start3A_285 = arith.constant 128 : i32
    %dma_start3A_286 = tpu.memref_slice %arg7[%dma_start3A_284, %dma_start3A_285] : memref<128x144xf32, #tpu.memory_space<vmem>> -> memref<128x16xf32, #tpu.memory_space<vmem>>
    tpu.enqueue_dma source(%dma_start3A_286 : memref<128x16xf32, #tpu.memory_space<vmem>>) target(%dma_start3A_283 : memref<128x16xf32, #tpu.memory_space<hbm>>) target_semaphore(%arg11 : memref<!tpu.dma_semaphore, #tpu.memory_space<semaphore_mem>>)
    %dma_wait3A_287 = arith.constant 0 : i32
    %dma_wait3A_288 = arith.constant 0 : i32
    %dma_wait3A_289 = tpu.memref_slice %arg7[%dma_wait3A_287, %dma_wait3A_288] : memref<128x144xf32, #tpu.memory_space<vmem>> -> memref<128x128xf32, #tpu.memory_space<vmem>>
    %dma_wait3A_290 = arith.constant 0 : i32
    %dma_wait3A_291 = tpu.memref_slice %arg4[%mul3A_266, %dma_wait3A_290] : memref<65536x128xf32, #tpu.memory_space<hbm>> -> memref<128x128xf32, #tpu.memory_space<hbm>>
    %dma_wait3A_292 = arith.constant 0 : i32
    %dma_wait3A_293 = tpu.memref_slice %arg4[%mul3A_266, %dma_wait3A_292] : memref<65536x128xf32, #tpu.memory_space<hbm>> -> memref<128x128xf32, #tpu.memory_space<hbm>>
    %dma_wait3A_294 = arith.constant 0 : i32
    %dma_wait3A_295 = arith.constant 0 : i32
    %dma_wait3A_296 = tpu.memref_slice %arg7[%dma_wait3A_294, %dma_wait3A_295] : memref<128x144xf32, #tpu.memory_space<vmem>> -> memref<128x128xf32, #tpu.memory_space<vmem>>
    tpu.wait_dma2 semaphore(%arg11 : memref<!tpu.dma_semaphore, #tpu.memory_space<semaphore_mem>>) src(%dma_wait3A_296 : memref<128x128xf32, #tpu.memory_space<vmem>>) dst(%dma_wait3A_293 : memref<128x128xf32, #tpu.memory_space<hbm>>)
    %dma_wait3A_297 = arith.constant 0 : i32
    %dma_wait3A_298 = arith.constant 128 : i32
    %dma_wait3A_299 = tpu.memref_slice %arg7[%dma_wait3A_297, %dma_wait3A_298] : memref<128x144xf32, #tpu.memory_space<vmem>> -> memref<128x16xf32, #tpu.memory_space<vmem>>
    %dma_wait3A_300 = arith.constant 0 : i32
    %dma_wait3A_301 = tpu.memref_slice %arg5[%mul3A_266, %dma_wait3A_300] : memref<65536x16xf32, #tpu.memory_space<hbm>> -> memref<128x16xf32, #tpu.memory_space<hbm>>
    %dma_wait3A_302 = arith.constant 0 : i32
    %dma_wait3A_303 = tpu.memref_slice %arg5[%mul3A_266, %dma_wait3A_302] : memref<65536x16xf32, #tpu.memory_space<hbm>> -> memref<128x16xf32, #tpu.memory_space<hbm>>
    %dma_wait3A_304 = arith.constant 0 : i32
    %dma_wait3A_305 = arith.constant 128 : i32
    %dma_wait3A_306 = tpu.memref_slice %arg7[%dma_wait3A_304, %dma_wait3A_305] : memref<128x144xf32, #tpu.memory_space<vmem>> -> memref<128x16xf32, #tpu.memory_space<vmem>>
    tpu.wait_dma2 semaphore(%arg11 : memref<!tpu.dma_semaphore, #tpu.memory_space<semaphore_mem>>) src(%dma_wait3A_306 : memref<128x16xf32, #tpu.memory_space<vmem>>) dst(%dma_wait3A_303 : memref<128x16xf32, #tpu.memory_space<hbm>>)
    %dma_start3A_307 = arith.constant 6 : i32
    %dma_start3A_308 = arith.constant 0 : i32
    %dma_start3A_309 = tpu.memref_slice %arg6[%dma_start3A_307, %dma_start3A_308] : memref<16x128xi32, #tpu.memory_space<vmem>> -> memref<1x128xi32, #tpu.memory_space<vmem>>
    %dma_start3A_310 = tpu.memref_squeeze %dma_start3A_309 : memref<1x128xi32, #tpu.memory_space<vmem>> -> memref<128xi32, #tpu.memory_space<vmem>>
    %dma_start3A_311 = arith.constant 0 : i32
    %dma_start3A_312 = arith.constant 0 : i32
    %dma_start3A_313 = tpu.memref_slice %arg2[%dma_start3A_311, %dma_start3A_312] : memref<4096x144xf32, #tpu.memory_space<hbm>> -> memref<4096x144xf32, #tpu.memory_space<hbm>>
    tpu.enqueue_indirect_dma source(%dma_start3A_313 : memref<4096x144xf32, #tpu.memory_space<hbm>>) target(%arg7 : memref<128x144xf32, #tpu.memory_space<vmem>>) offsets(%dma_start3A_310 : memref<128xi32, #tpu.memory_space<vmem>>) semaphore(%arg9 : memref<!tpu.dma_semaphore, #tpu.memory_space<semaphore_mem>>)
    %dma_wait3A_314 = arith.constant 5 : i32
    %dma_wait3A_315 = arith.constant 0 : i32
    %dma_wait3A_316 = tpu.memref_slice %arg6[%dma_wait3A_314, %dma_wait3A_315] : memref<16x128xi32, #tpu.memory_space<vmem>> -> memref<1x128xi32, #tpu.memory_space<vmem>>
    %dma_wait3A_317 = tpu.memref_squeeze %dma_wait3A_316 : memref<1x128xi32, #tpu.memory_space<vmem>> -> memref<128xi32, #tpu.memory_space<vmem>>
    %dma_wait3A_318 = arith.constant 0 : i32
    %dma_wait3A_319 = arith.constant 0 : i32
    %dma_wait3A_320 = tpu.memref_slice %arg2[%dma_wait3A_318, %dma_wait3A_319] : memref<4096x144xf32, #tpu.memory_space<hbm>> -> memref<4096x144xf32, #tpu.memory_space<hbm>>
    tpu.wait_indirect_dma semaphore(%arg10 : memref<!tpu.dma_semaphore, #tpu.memory_space<semaphore_mem>>) src(%dma_wait3A_320 : memref<4096x144xf32, #tpu.memory_space<hbm>>) dst(%arg8 : memref<128x144xf32, #tpu.memory_space<vmem>>)
    %add3A_321 = arith.constant 6 : i32
    %add3A_322 = arith.addi %mul3A_2, %add3A_321 : i32
    %sub3A_323 = arith.constant 1 : i32
    %sub3A_324 = arith.subi %add3A_322, %sub3A_323 : i32
    %mul3A_325 = arith.constant 128 : i32
    %mul3A_326 = arith.muli %sub3A_324, %mul3A_325 : i32
    %dma_start3A_327 = arith.constant 0 : i32
    %dma_start3A_328 = arith.constant 0 : i32
    %dma_start3A_329 = tpu.memref_slice %arg8[%dma_start3A_327, %dma_start3A_328] : memref<128x144xf32, #tpu.memory_space<vmem>> -> memref<128x128xf32, #tpu.memory_space<vmem>>
    %dma_start3A_330 = arith.constant 0 : i32
    %dma_start3A_331 = tpu.memref_slice %arg4[%mul3A_326, %dma_start3A_330] : memref<65536x128xf32, #tpu.memory_space<hbm>> -> memref<128x128xf32, #tpu.memory_space<hbm>>
    %dma_start3A_332 = arith.constant 0 : i32
    %dma_start3A_333 = tpu.memref_slice %arg4[%mul3A_326, %dma_start3A_332] : memref<65536x128xf32, #tpu.memory_space<hbm>> -> memref<128x128xf32, #tpu.memory_space<hbm>>
    %dma_start3A_334 = arith.constant 0 : i32
    %dma_start3A_335 = arith.constant 0 : i32
    %dma_start3A_336 = tpu.memref_slice %arg8[%dma_start3A_334, %dma_start3A_335] : memref<128x144xf32, #tpu.memory_space<vmem>> -> memref<128x128xf32, #tpu.memory_space<vmem>>
    tpu.enqueue_dma source(%dma_start3A_336 : memref<128x128xf32, #tpu.memory_space<vmem>>) target(%dma_start3A_333 : memref<128x128xf32, #tpu.memory_space<hbm>>) target_semaphore(%arg12 : memref<!tpu.dma_semaphore, #tpu.memory_space<semaphore_mem>>)
    %dma_start3A_337 = arith.constant 0 : i32
    %dma_start3A_338 = arith.constant 128 : i32
    %dma_start3A_339 = tpu.memref_slice %arg8[%dma_start3A_337, %dma_start3A_338] : memref<128x144xf32, #tpu.memory_space<vmem>> -> memref<128x16xf32, #tpu.memory_space<vmem>>
    %dma_start3A_340 = arith.constant 0 : i32
    %dma_start3A_341 = tpu.memref_slice %arg5[%mul3A_326, %dma_start3A_340] : memref<65536x16xf32, #tpu.memory_space<hbm>> -> memref<128x16xf32, #tpu.memory_space<hbm>>
    %dma_start3A_342 = arith.constant 0 : i32
    %dma_start3A_343 = tpu.memref_slice %arg5[%mul3A_326, %dma_start3A_342] : memref<65536x16xf32, #tpu.memory_space<hbm>> -> memref<128x16xf32, #tpu.memory_space<hbm>>
    %dma_start3A_344 = arith.constant 0 : i32
    %dma_start3A_345 = arith.constant 128 : i32
    %dma_start3A_346 = tpu.memref_slice %arg8[%dma_start3A_344, %dma_start3A_345] : memref<128x144xf32, #tpu.memory_space<vmem>> -> memref<128x16xf32, #tpu.memory_space<vmem>>
    tpu.enqueue_dma source(%dma_start3A_346 : memref<128x16xf32, #tpu.memory_space<vmem>>) target(%dma_start3A_343 : memref<128x16xf32, #tpu.memory_space<hbm>>) target_semaphore(%arg12 : memref<!tpu.dma_semaphore, #tpu.memory_space<semaphore_mem>>)
    %dma_wait3A_347 = arith.constant 0 : i32
    %dma_wait3A_348 = arith.constant 0 : i32
    %dma_wait3A_349 = tpu.memref_slice %arg8[%dma_wait3A_347, %dma_wait3A_348] : memref<128x144xf32, #tpu.memory_space<vmem>> -> memref<128x128xf32, #tpu.memory_space<vmem>>
    %dma_wait3A_350 = arith.constant 0 : i32
    %dma_wait3A_351 = tpu.memref_slice %arg4[%mul3A_326, %dma_wait3A_350] : memref<65536x128xf32, #tpu.memory_space<hbm>> -> memref<128x128xf32, #tpu.memory_space<hbm>>
    %dma_wait3A_352 = arith.constant 0 : i32
    %dma_wait3A_353 = tpu.memref_slice %arg4[%mul3A_326, %dma_wait3A_352] : memref<65536x128xf32, #tpu.memory_space<hbm>> -> memref<128x128xf32, #tpu.memory_space<hbm>>
    %dma_wait3A_354 = arith.constant 0 : i32
    %dma_wait3A_355 = arith.constant 0 : i32
    %dma_wait3A_356 = tpu.memref_slice %arg8[%dma_wait3A_354, %dma_wait3A_355] : memref<128x144xf32, #tpu.memory_space<vmem>> -> memref<128x128xf32, #tpu.memory_space<vmem>>
    tpu.wait_dma2 semaphore(%arg12 : memref<!tpu.dma_semaphore, #tpu.memory_space<semaphore_mem>>) src(%dma_wait3A_356 : memref<128x128xf32, #tpu.memory_space<vmem>>) dst(%dma_wait3A_353 : memref<128x128xf32, #tpu.memory_space<hbm>>)
    %dma_wait3A_357 = arith.constant 0 : i32
    %dma_wait3A_358 = arith.constant 128 : i32
    %dma_wait3A_359 = tpu.memref_slice %arg8[%dma_wait3A_357, %dma_wait3A_358] : memref<128x144xf32, #tpu.memory_space<vmem>> -> memref<128x16xf32, #tpu.memory_space<vmem>>
    %dma_wait3A_360 = arith.constant 0 : i32
    %dma_wait3A_361 = tpu.memref_slice %arg5[%mul3A_326, %dma_wait3A_360] : memref<65536x16xf32, #tpu.memory_space<hbm>> -> memref<128x16xf32, #tpu.memory_space<hbm>>
    %dma_wait3A_362 = arith.constant 0 : i32
    %dma_wait3A_363 = tpu.memref_slice %arg5[%mul3A_326, %dma_wait3A_362] : memref<65536x16xf32, #tpu.memory_space<hbm>> -> memref<128x16xf32, #tpu.memory_space<hbm>>
    %dma_wait3A_364 = arith.constant 0 : i32
    %dma_wait3A_365 = arith.constant 128 : i32
    %dma_wait3A_366 = tpu.memref_slice %arg8[%dma_wait3A_364, %dma_wait3A_365] : memref<128x144xf32, #tpu.memory_space<vmem>> -> memref<128x16xf32, #tpu.memory_space<vmem>>
    tpu.wait_dma2 semaphore(%arg12 : memref<!tpu.dma_semaphore, #tpu.memory_space<semaphore_mem>>) src(%dma_wait3A_366 : memref<128x16xf32, #tpu.memory_space<vmem>>) dst(%dma_wait3A_363 : memref<128x16xf32, #tpu.memory_space<hbm>>)
    %dma_start3A_367 = arith.constant 7 : i32
    %dma_start3A_368 = arith.constant 0 : i32
    %dma_start3A_369 = tpu.memref_slice %arg6[%dma_start3A_367, %dma_start3A_368] : memref<16x128xi32, #tpu.memory_space<vmem>> -> memref<1x128xi32, #tpu.memory_space<vmem>>
    %dma_start3A_370 = tpu.memref_squeeze %dma_start3A_369 : memref<1x128xi32, #tpu.memory_space<vmem>> -> memref<128xi32, #tpu.memory_space<vmem>>
    %dma_start3A_371 = arith.constant 0 : i32
    %dma_start3A_372 = arith.constant 0 : i32
    %dma_start3A_373 = tpu.memref_slice %arg2[%dma_start3A_371, %dma_start3A_372] : memref<4096x144xf32, #tpu.memory_space<hbm>> -> memref<4096x144xf32, #tpu.memory_space<hbm>>
    tpu.enqueue_indirect_dma source(%dma_start3A_373 : memref<4096x144xf32, #tpu.memory_space<hbm>>) target(%arg8 : memref<128x144xf32, #tpu.memory_space<vmem>>) offsets(%dma_start3A_370 : memref<128xi32, #tpu.memory_space<vmem>>) semaphore(%arg10 : memref<!tpu.dma_semaphore, #tpu.memory_space<semaphore_mem>>)
    %dma_wait3A_374 = arith.constant 6 : i32
    %dma_wait3A_375 = arith.constant 0 : i32
    %dma_wait3A_376 = tpu.memref_slice %arg6[%dma_wait3A_374, %dma_wait3A_375] : memref<16x128xi32, #tpu.memory_space<vmem>> -> memref<1x128xi32, #tpu.memory_space<vmem>>
    %dma_wait3A_377 = tpu.memref_squeeze %dma_wait3A_376 : memref<1x128xi32, #tpu.memory_space<vmem>> -> memref<128xi32, #tpu.memory_space<vmem>>
    %dma_wait3A_378 = arith.constant 0 : i32
    %dma_wait3A_379 = arith.constant 0 : i32
    %dma_wait3A_380 = tpu.memref_slice %arg2[%dma_wait3A_378, %dma_wait3A_379] : memref<4096x144xf32, #tpu.memory_space<hbm>> -> memref<4096x144xf32, #tpu.memory_space<hbm>>
    tpu.wait_indirect_dma semaphore(%arg9 : memref<!tpu.dma_semaphore, #tpu.memory_space<semaphore_mem>>) src(%dma_wait3A_380 : memref<4096x144xf32, #tpu.memory_space<hbm>>) dst(%arg7 : memref<128x144xf32, #tpu.memory_space<vmem>>)
    %add3A_381 = arith.constant 7 : i32
    %add3A_382 = arith.addi %mul3A_2, %add3A_381 : i32
    %sub3A_383 = arith.constant 1 : i32
    %sub3A_384 = arith.subi %add3A_382, %sub3A_383 : i32
    %mul3A_385 = arith.constant 128 : i32
    %mul3A_386 = arith.muli %sub3A_384, %mul3A_385 : i32
    %dma_start3A_387 = arith.constant 0 : i32
    %dma_start3A_388 = arith.constant 0 : i32
    %dma_start3A_389 = tpu.memref_slice %arg7[%dma_start3A_387, %dma_start3A_388] : memref<128x144xf32, #tpu.memory_space<vmem>> -> memref<128x128xf32, #tpu.memory_space<vmem>>
    %dma_start3A_390 = arith.constant 0 : i32
    %dma_start3A_391 = tpu.memref_slice %arg4[%mul3A_386, %dma_start3A_390] : memref<65536x128xf32, #tpu.memory_space<hbm>> -> memref<128x128xf32, #tpu.memory_space<hbm>>
    %dma_start3A_392 = arith.constant 0 : i32
    %dma_start3A_393 = tpu.memref_slice %arg4[%mul3A_386, %dma_start3A_392] : memref<65536x128xf32, #tpu.memory_space<hbm>> -> memref<128x128xf32, #tpu.memory_space<hbm>>
    %dma_start3A_394 = arith.constant 0 : i32
    %dma_start3A_395 = arith.constant 0 : i32
    %dma_start3A_396 = tpu.memref_slice %arg7[%dma_start3A_394, %dma_start3A_395] : memref<128x144xf32, #tpu.memory_space<vmem>> -> memref<128x128xf32, #tpu.memory_space<vmem>>
    tpu.enqueue_dma source(%dma_start3A_396 : memref<128x128xf32, #tpu.memory_space<vmem>>) target(%dma_start3A_393 : memref<128x128xf32, #tpu.memory_space<hbm>>) target_semaphore(%arg11 : memref<!tpu.dma_semaphore, #tpu.memory_space<semaphore_mem>>)
    %dma_start3A_397 = arith.constant 0 : i32
    %dma_start3A_398 = arith.constant 128 : i32
    %dma_start3A_399 = tpu.memref_slice %arg7[%dma_start3A_397, %dma_start3A_398] : memref<128x144xf32, #tpu.memory_space<vmem>> -> memref<128x16xf32, #tpu.memory_space<vmem>>
    %dma_start3A_400 = arith.constant 0 : i32
    %dma_start3A_401 = tpu.memref_slice %arg5[%mul3A_386, %dma_start3A_400] : memref<65536x16xf32, #tpu.memory_space<hbm>> -> memref<128x16xf32, #tpu.memory_space<hbm>>
    %dma_start3A_402 = arith.constant 0 : i32
    %dma_start3A_403 = tpu.memref_slice %arg5[%mul3A_386, %dma_start3A_402] : memref<65536x16xf32, #tpu.memory_space<hbm>> -> memref<128x16xf32, #tpu.memory_space<hbm>>
    %dma_start3A_404 = arith.constant 0 : i32
    %dma_start3A_405 = arith.constant 128 : i32
    %dma_start3A_406 = tpu.memref_slice %arg7[%dma_start3A_404, %dma_start3A_405] : memref<128x144xf32, #tpu.memory_space<vmem>> -> memref<128x16xf32, #tpu.memory_space<vmem>>
    tpu.enqueue_dma source(%dma_start3A_406 : memref<128x16xf32, #tpu.memory_space<vmem>>) target(%dma_start3A_403 : memref<128x16xf32, #tpu.memory_space<hbm>>) target_semaphore(%arg11 : memref<!tpu.dma_semaphore, #tpu.memory_space<semaphore_mem>>)
    %dma_wait3A_407 = arith.constant 0 : i32
    %dma_wait3A_408 = arith.constant 0 : i32
    %dma_wait3A_409 = tpu.memref_slice %arg7[%dma_wait3A_407, %dma_wait3A_408] : memref<128x144xf32, #tpu.memory_space<vmem>> -> memref<128x128xf32, #tpu.memory_space<vmem>>
    %dma_wait3A_410 = arith.constant 0 : i32
    %dma_wait3A_411 = tpu.memref_slice %arg4[%mul3A_386, %dma_wait3A_410] : memref<65536x128xf32, #tpu.memory_space<hbm>> -> memref<128x128xf32, #tpu.memory_space<hbm>>
    %dma_wait3A_412 = arith.constant 0 : i32
    %dma_wait3A_413 = tpu.memref_slice %arg4[%mul3A_386, %dma_wait3A_412] : memref<65536x128xf32, #tpu.memory_space<hbm>> -> memref<128x128xf32, #tpu.memory_space<hbm>>
    %dma_wait3A_414 = arith.constant 0 : i32
    %dma_wait3A_415 = arith.constant 0 : i32
    %dma_wait3A_416 = tpu.memref_slice %arg7[%dma_wait3A_414, %dma_wait3A_415] : memref<128x144xf32, #tpu.memory_space<vmem>> -> memref<128x128xf32, #tpu.memory_space<vmem>>
    tpu.wait_dma2 semaphore(%arg11 : memref<!tpu.dma_semaphore, #tpu.memory_space<semaphore_mem>>) src(%dma_wait3A_416 : memref<128x128xf32, #tpu.memory_space<vmem>>) dst(%dma_wait3A_413 : memref<128x128xf32, #tpu.memory_space<hbm>>)
    %dma_wait3A_417 = arith.constant 0 : i32
    %dma_wait3A_418 = arith.constant 128 : i32
    %dma_wait3A_419 = tpu.memref_slice %arg7[%dma_wait3A_417, %dma_wait3A_418] : memref<128x144xf32, #tpu.memory_space<vmem>> -> memref<128x16xf32, #tpu.memory_space<vmem>>
    %dma_wait3A_420 = arith.constant 0 : i32
    %dma_wait3A_421 = tpu.memref_slice %arg5[%mul3A_386, %dma_wait3A_420] : memref<65536x16xf32, #tpu.memory_space<hbm>> -> memref<128x16xf32, #tpu.memory_space<hbm>>
    %dma_wait3A_422 = arith.constant 0 : i32
    %dma_wait3A_423 = tpu.memref_slice %arg5[%mul3A_386, %dma_wait3A_422] : memref<65536x16xf32, #tpu.memory_space<hbm>> -> memref<128x16xf32, #tpu.memory_space<hbm>>
    %dma_wait3A_424 = arith.constant 0 : i32
    %dma_wait3A_425 = arith.constant 128 : i32
    %dma_wait3A_426 = tpu.memref_slice %arg7[%dma_wait3A_424, %dma_wait3A_425] : memref<128x144xf32, #tpu.memory_space<vmem>> -> memref<128x16xf32, #tpu.memory_space<vmem>>
    tpu.wait_dma2 semaphore(%arg11 : memref<!tpu.dma_semaphore, #tpu.memory_space<semaphore_mem>>) src(%dma_wait3A_426 : memref<128x16xf32, #tpu.memory_space<vmem>>) dst(%dma_wait3A_423 : memref<128x16xf32, #tpu.memory_space<hbm>>)
    %dma_start3A_427 = arith.constant 8 : i32
    %dma_start3A_428 = arith.constant 0 : i32
    %dma_start3A_429 = tpu.memref_slice %arg6[%dma_start3A_427, %dma_start3A_428] : memref<16x128xi32, #tpu.memory_space<vmem>> -> memref<1x128xi32, #tpu.memory_space<vmem>>
    %dma_start3A_430 = tpu.memref_squeeze %dma_start3A_429 : memref<1x128xi32, #tpu.memory_space<vmem>> -> memref<128xi32, #tpu.memory_space<vmem>>
    %dma_start3A_431 = arith.constant 0 : i32
    %dma_start3A_432 = arith.constant 0 : i32
    %dma_start3A_433 = tpu.memref_slice %arg2[%dma_start3A_431, %dma_start3A_432] : memref<4096x144xf32, #tpu.memory_space<hbm>> -> memref<4096x144xf32, #tpu.memory_space<hbm>>
    tpu.enqueue_indirect_dma source(%dma_start3A_433 : memref<4096x144xf32, #tpu.memory_space<hbm>>) target(%arg7 : memref<128x144xf32, #tpu.memory_space<vmem>>) offsets(%dma_start3A_430 : memref<128xi32, #tpu.memory_space<vmem>>) semaphore(%arg9 : memref<!tpu.dma_semaphore, #tpu.memory_space<semaphore_mem>>)
    %dma_wait3A_434 = arith.constant 7 : i32
    %dma_wait3A_435 = arith.constant 0 : i32
    %dma_wait3A_436 = tpu.memref_slice %arg6[%dma_wait3A_434, %dma_wait3A_435] : memref<16x128xi32, #tpu.memory_space<vmem>> -> memref<1x128xi32, #tpu.memory_space<vmem>>
    %dma_wait3A_437 = tpu.memref_squeeze %dma_wait3A_436 : memref<1x128xi32, #tpu.memory_space<vmem>> -> memref<128xi32, #tpu.memory_space<vmem>>
    %dma_wait3A_438 = arith.constant 0 : i32
    %dma_wait3A_439 = arith.constant 0 : i32
    %dma_wait3A_440 = tpu.memref_slice %arg2[%dma_wait3A_438, %dma_wait3A_439] : memref<4096x144xf32, #tpu.memory_space<hbm>> -> memref<4096x144xf32, #tpu.memory_space<hbm>>
    tpu.wait_indirect_dma semaphore(%arg10 : memref<!tpu.dma_semaphore, #tpu.memory_space<semaphore_mem>>) src(%dma_wait3A_440 : memref<4096x144xf32, #tpu.memory_space<hbm>>) dst(%arg8 : memref<128x144xf32, #tpu.memory_space<vmem>>)
    %add3A_441 = arith.constant 8 : i32
    %add3A_442 = arith.addi %mul3A_2, %add3A_441 : i32
    %sub3A_443 = arith.constant 1 : i32
    %sub3A_444 = arith.subi %add3A_442, %sub3A_443 : i32
    %mul3A_445 = arith.constant 128 : i32
    %mul3A_446 = arith.muli %sub3A_444, %mul3A_445 : i32
    %dma_start3A_447 = arith.constant 0 : i32
    %dma_start3A_448 = arith.constant 0 : i32
    %dma_start3A_449 = tpu.memref_slice %arg8[%dma_start3A_447, %dma_start3A_448] : memref<128x144xf32, #tpu.memory_space<vmem>> -> memref<128x128xf32, #tpu.memory_space<vmem>>
    %dma_start3A_450 = arith.constant 0 : i32
    %dma_start3A_451 = tpu.memref_slice %arg4[%mul3A_446, %dma_start3A_450] : memref<65536x128xf32, #tpu.memory_space<hbm>> -> memref<128x128xf32, #tpu.memory_space<hbm>>
    %dma_start3A_452 = arith.constant 0 : i32
    %dma_start3A_453 = tpu.memref_slice %arg4[%mul3A_446, %dma_start3A_452] : memref<65536x128xf32, #tpu.memory_space<hbm>> -> memref<128x128xf32, #tpu.memory_space<hbm>>
    %dma_start3A_454 = arith.constant 0 : i32
    %dma_start3A_455 = arith.constant 0 : i32
    %dma_start3A_456 = tpu.memref_slice %arg8[%dma_start3A_454, %dma_start3A_455] : memref<128x144xf32, #tpu.memory_space<vmem>> -> memref<128x128xf32, #tpu.memory_space<vmem>>
    tpu.enqueue_dma source(%dma_start3A_456 : memref<128x128xf32, #tpu.memory_space<vmem>>) target(%dma_start3A_453 : memref<128x128xf32, #tpu.memory_space<hbm>>) target_semaphore(%arg12 : memref<!tpu.dma_semaphore, #tpu.memory_space<semaphore_mem>>)
    %dma_start3A_457 = arith.constant 0 : i32
    %dma_start3A_458 = arith.constant 128 : i32
    %dma_start3A_459 = tpu.memref_slice %arg8[%dma_start3A_457, %dma_start3A_458] : memref<128x144xf32, #tpu.memory_space<vmem>> -> memref<128x16xf32, #tpu.memory_space<vmem>>
    %dma_start3A_460 = arith.constant 0 : i32
    %dma_start3A_461 = tpu.memref_slice %arg5[%mul3A_446, %dma_start3A_460] : memref<65536x16xf32, #tpu.memory_space<hbm>> -> memref<128x16xf32, #tpu.memory_space<hbm>>
    %dma_start3A_462 = arith.constant 0 : i32
    %dma_start3A_463 = tpu.memref_slice %arg5[%mul3A_446, %dma_start3A_462] : memref<65536x16xf32, #tpu.memory_space<hbm>> -> memref<128x16xf32, #tpu.memory_space<hbm>>
    %dma_start3A_464 = arith.constant 0 : i32
    %dma_start3A_465 = arith.constant 128 : i32
    %dma_start3A_466 = tpu.memref_slice %arg8[%dma_start3A_464, %dma_start3A_465] : memref<128x144xf32, #tpu.memory_space<vmem>> -> memref<128x16xf32, #tpu.memory_space<vmem>>
    tpu.enqueue_dma source(%dma_start3A_466 : memref<128x16xf32, #tpu.memory_space<vmem>>) target(%dma_start3A_463 : memref<128x16xf32, #tpu.memory_space<hbm>>) target_semaphore(%arg12 : memref<!tpu.dma_semaphore, #tpu.memory_space<semaphore_mem>>)
    %dma_wait3A_467 = arith.constant 0 : i32
    %dma_wait3A_468 = arith.constant 0 : i32
    %dma_wait3A_469 = tpu.memref_slice %arg8[%dma_wait3A_467, %dma_wait3A_468] : memref<128x144xf32, #tpu.memory_space<vmem>> -> memref<128x128xf32, #tpu.memory_space<vmem>>
    %dma_wait3A_470 = arith.constant 0 : i32
    %dma_wait3A_471 = tpu.memref_slice %arg4[%mul3A_446, %dma_wait3A_470] : memref<65536x128xf32, #tpu.memory_space<hbm>> -> memref<128x128xf32, #tpu.memory_space<hbm>>
    %dma_wait3A_472 = arith.constant 0 : i32
    %dma_wait3A_473 = tpu.memref_slice %arg4[%mul3A_446, %dma_wait3A_472] : memref<65536x128xf32, #tpu.memory_space<hbm>> -> memref<128x128xf32, #tpu.memory_space<hbm>>
    %dma_wait3A_474 = arith.constant 0 : i32
    %dma_wait3A_475 = arith.constant 0 : i32
    %dma_wait3A_476 = tpu.memref_slice %arg8[%dma_wait3A_474, %dma_wait3A_475] : memref<128x144xf32, #tpu.memory_space<vmem>> -> memref<128x128xf32, #tpu.memory_space<vmem>>
    tpu.wait_dma2 semaphore(%arg12 : memref<!tpu.dma_semaphore, #tpu.memory_space<semaphore_mem>>) src(%dma_wait3A_476 : memref<128x128xf32, #tpu.memory_space<vmem>>) dst(%dma_wait3A_473 : memref<128x128xf32, #tpu.memory_space<hbm>>)
    %dma_wait3A_477 = arith.constant 0 : i32
    %dma_wait3A_478 = arith.constant 128 : i32
    %dma_wait3A_479 = tpu.memref_slice %arg8[%dma_wait3A_477, %dma_wait3A_478] : memref<128x144xf32, #tpu.memory_space<vmem>> -> memref<128x16xf32, #tpu.memory_space<vmem>>
    %dma_wait3A_480 = arith.constant 0 : i32
    %dma_wait3A_481 = tpu.memref_slice %arg5[%mul3A_446, %dma_wait3A_480] : memref<65536x16xf32, #tpu.memory_space<hbm>> -> memref<128x16xf32, #tpu.memory_space<hbm>>
    %dma_wait3A_482 = arith.constant 0 : i32
    %dma_wait3A_483 = tpu.memref_slice %arg5[%mul3A_446, %dma_wait3A_482] : memref<65536x16xf32, #tpu.memory_space<hbm>> -> memref<128x16xf32, #tpu.memory_space<hbm>>
    %dma_wait3A_484 = arith.constant 0 : i32
    %dma_wait3A_485 = arith.constant 128 : i32
    %dma_wait3A_486 = tpu.memref_slice %arg8[%dma_wait3A_484, %dma_wait3A_485] : memref<128x144xf32, #tpu.memory_space<vmem>> -> memref<128x16xf32, #tpu.memory_space<vmem>>
    tpu.wait_dma2 semaphore(%arg12 : memref<!tpu.dma_semaphore, #tpu.memory_space<semaphore_mem>>) src(%dma_wait3A_486 : memref<128x16xf32, #tpu.memory_space<vmem>>) dst(%dma_wait3A_483 : memref<128x16xf32, #tpu.memory_space<hbm>>)
    %dma_start3A_487 = arith.constant 9 : i32
    %dma_start3A_488 = arith.constant 0 : i32
    %dma_start3A_489 = tpu.memref_slice %arg6[%dma_start3A_487, %dma_start3A_488] : memref<16x128xi32, #tpu.memory_space<vmem>> -> memref<1x128xi32, #tpu.memory_space<vmem>>
    %dma_start3A_490 = tpu.memref_squeeze %dma_start3A_489 : memref<1x128xi32, #tpu.memory_space<vmem>> -> memref<128xi32, #tpu.memory_space<vmem>>
    %dma_start3A_491 = arith.constant 0 : i32
    %dma_start3A_492 = arith.constant 0 : i32
    %dma_start3A_493 = tpu.memref_slice %arg2[%dma_start3A_491, %dma_start3A_492] : memref<4096x144xf32, #tpu.memory_space<hbm>> -> memref<4096x144xf32, #tpu.memory_space<hbm>>
    tpu.enqueue_indirect_dma source(%dma_start3A_493 : memref<4096x144xf32, #tpu.memory_space<hbm>>) target(%arg8 : memref<128x144xf32, #tpu.memory_space<vmem>>) offsets(%dma_start3A_490 : memref<128xi32, #tpu.memory_space<vmem>>) semaphore(%arg10 : memref<!tpu.dma_semaphore, #tpu.memory_space<semaphore_mem>>)
    %dma_wait3A_494 = arith.constant 8 : i32
    %dma_wait3A_495 = arith.constant 0 : i32
    %dma_wait3A_496 = tpu.memref_slice %arg6[%dma_wait3A_494, %dma_wait3A_495] : memref<16x128xi32, #tpu.memory_space<vmem>> -> memref<1x128xi32, #tpu.memory_space<vmem>>
    %dma_wait3A_497 = tpu.memref_squeeze %dma_wait3A_496 : memref<1x128xi32, #tpu.memory_space<vmem>> -> memref<128xi32, #tpu.memory_space<vmem>>
    %dma_wait3A_498 = arith.constant 0 : i32
    %dma_wait3A_499 = arith.constant 0 : i32
    %dma_wait3A_500 = tpu.memref_slice %arg2[%dma_wait3A_498, %dma_wait3A_499] : memref<4096x144xf32, #tpu.memory_space<hbm>> -> memref<4096x144xf32, #tpu.memory_space<hbm>>
    tpu.wait_indirect_dma semaphore(%arg9 : memref<!tpu.dma_semaphore, #tpu.memory_space<semaphore_mem>>) src(%dma_wait3A_500 : memref<4096x144xf32, #tpu.memory_space<hbm>>) dst(%arg7 : memref<128x144xf32, #tpu.memory_space<vmem>>)
    %add3A_501 = arith.constant 9 : i32
    %add3A_502 = arith.addi %mul3A_2, %add3A_501 : i32
    %sub3A_503 = arith.constant 1 : i32
    %sub3A_504 = arith.subi %add3A_502, %sub3A_503 : i32
    %mul3A_505 = arith.constant 128 : i32
    %mul3A_506 = arith.muli %sub3A_504, %mul3A_505 : i32
    %dma_start3A_507 = arith.constant 0 : i32
    %dma_start3A_508 = arith.constant 0 : i32
    %dma_start3A_509 = tpu.memref_slice %arg7[%dma_start3A_507, %dma_start3A_508] : memref<128x144xf32, #tpu.memory_space<vmem>> -> memref<128x128xf32, #tpu.memory_space<vmem>>
    %dma_start3A_510 = arith.constant 0 : i32
    %dma_start3A_511 = tpu.memref_slice %arg4[%mul3A_506, %dma_start3A_510] : memref<65536x128xf32, #tpu.memory_space<hbm>> -> memref<128x128xf32, #tpu.memory_space<hbm>>
    %dma_start3A_512 = arith.constant 0 : i32
    %dma_start3A_513 = tpu.memref_slice %arg4[%mul3A_506, %dma_start3A_512] : memref<65536x128xf32, #tpu.memory_space<hbm>> -> memref<128x128xf32, #tpu.memory_space<hbm>>
    %dma_start3A_514 = arith.constant 0 : i32
    %dma_start3A_515 = arith.constant 0 : i32
    %dma_start3A_516 = tpu.memref_slice %arg7[%dma_start3A_514, %dma_start3A_515] : memref<128x144xf32, #tpu.memory_space<vmem>> -> memref<128x128xf32, #tpu.memory_space<vmem>>
    tpu.enqueue_dma source(%dma_start3A_516 : memref<128x128xf32, #tpu.memory_space<vmem>>) target(%dma_start3A_513 : memref<128x128xf32, #tpu.memory_space<hbm>>) target_semaphore(%arg11 : memref<!tpu.dma_semaphore, #tpu.memory_space<semaphore_mem>>)
    %dma_start3A_517 = arith.constant 0 : i32
    %dma_start3A_518 = arith.constant 128 : i32
    %dma_start3A_519 = tpu.memref_slice %arg7[%dma_start3A_517, %dma_start3A_518] : memref<128x144xf32, #tpu.memory_space<vmem>> -> memref<128x16xf32, #tpu.memory_space<vmem>>
    %dma_start3A_520 = arith.constant 0 : i32
    %dma_start3A_521 = tpu.memref_slice %arg5[%mul3A_506, %dma_start3A_520] : memref<65536x16xf32, #tpu.memory_space<hbm>> -> memref<128x16xf32, #tpu.memory_space<hbm>>
    %dma_start3A_522 = arith.constant 0 : i32
    %dma_start3A_523 = tpu.memref_slice %arg5[%mul3A_506, %dma_start3A_522] : memref<65536x16xf32, #tpu.memory_space<hbm>> -> memref<128x16xf32, #tpu.memory_space<hbm>>
    %dma_start3A_524 = arith.constant 0 : i32
    %dma_start3A_525 = arith.constant 128 : i32
    %dma_start3A_526 = tpu.memref_slice %arg7[%dma_start3A_524, %dma_start3A_525] : memref<128x144xf32, #tpu.memory_space<vmem>> -> memref<128x16xf32, #tpu.memory_space<vmem>>
    tpu.enqueue_dma source(%dma_start3A_526 : memref<128x16xf32, #tpu.memory_space<vmem>>) target(%dma_start3A_523 : memref<128x16xf32, #tpu.memory_space<hbm>>) target_semaphore(%arg11 : memref<!tpu.dma_semaphore, #tpu.memory_space<semaphore_mem>>)
    %dma_wait3A_527 = arith.constant 0 : i32
    %dma_wait3A_528 = arith.constant 0 : i32
    %dma_wait3A_529 = tpu.memref_slice %arg7[%dma_wait3A_527, %dma_wait3A_528] : memref<128x144xf32, #tpu.memory_space<vmem>> -> memref<128x128xf32, #tpu.memory_space<vmem>>
    %dma_wait3A_530 = arith.constant 0 : i32
    %dma_wait3A_531 = tpu.memref_slice %arg4[%mul3A_506, %dma_wait3A_530] : memref<65536x128xf32, #tpu.memory_space<hbm>> -> memref<128x128xf32, #tpu.memory_space<hbm>>
    %dma_wait3A_532 = arith.constant 0 : i32
    %dma_wait3A_533 = tpu.memref_slice %arg4[%mul3A_506, %dma_wait3A_532] : memref<65536x128xf32, #tpu.memory_space<hbm>> -> memref<128x128xf32, #tpu.memory_space<hbm>>
    %dma_wait3A_534 = arith.constant 0 : i32
    %dma_wait3A_535 = arith.constant 0 : i32
    %dma_wait3A_536 = tpu.memref_slice %arg7[%dma_wait3A_534, %dma_wait3A_535] : memref<128x144xf32, #tpu.memory_space<vmem>> -> memref<128x128xf32, #tpu.memory_space<vmem>>
    tpu.wait_dma2 semaphore(%arg11 : memref<!tpu.dma_semaphore, #tpu.memory_space<semaphore_mem>>) src(%dma_wait3A_536 : memref<128x128xf32, #tpu.memory_space<vmem>>) dst(%dma_wait3A_533 : memref<128x128xf32, #tpu.memory_space<hbm>>)
    %dma_wait3A_537 = arith.constant 0 : i32
    %dma_wait3A_538 = arith.constant 128 : i32
    %dma_wait3A_539 = tpu.memref_slice %arg7[%dma_wait3A_537, %dma_wait3A_538] : memref<128x144xf32, #tpu.memory_space<vmem>> -> memref<128x16xf32, #tpu.memory_space<vmem>>
    %dma_wait3A_540 = arith.constant 0 : i32
    %dma_wait3A_541 = tpu.memref_slice %arg5[%mul3A_506, %dma_wait3A_540] : memref<65536x16xf32, #tpu.memory_space<hbm>> -> memref<128x16xf32, #tpu.memory_space<hbm>>
    %dma_wait3A_542 = arith.constant 0 : i32
    %dma_wait3A_543 = tpu.memref_slice %arg5[%mul3A_506, %dma_wait3A_542] : memref<65536x16xf32, #tpu.memory_space<hbm>> -> memref<128x16xf32, #tpu.memory_space<hbm>>
    %dma_wait3A_544 = arith.constant 0 : i32
    %dma_wait3A_545 = arith.constant 128 : i32
    %dma_wait3A_546 = tpu.memref_slice %arg7[%dma_wait3A_544, %dma_wait3A_545] : memref<128x144xf32, #tpu.memory_space<vmem>> -> memref<128x16xf32, #tpu.memory_space<vmem>>
    tpu.wait_dma2 semaphore(%arg11 : memref<!tpu.dma_semaphore, #tpu.memory_space<semaphore_mem>>) src(%dma_wait3A_546 : memref<128x16xf32, #tpu.memory_space<vmem>>) dst(%dma_wait3A_543 : memref<128x16xf32, #tpu.memory_space<hbm>>)
    %dma_start3A_547 = arith.constant 10 : i32
    %dma_start3A_548 = arith.constant 0 : i32
    %dma_start3A_549 = tpu.memref_slice %arg6[%dma_start3A_547, %dma_start3A_548] : memref<16x128xi32, #tpu.memory_space<vmem>> -> memref<1x128xi32, #tpu.memory_space<vmem>>
    %dma_start3A_550 = tpu.memref_squeeze %dma_start3A_549 : memref<1x128xi32, #tpu.memory_space<vmem>> -> memref<128xi32, #tpu.memory_space<vmem>>
    %dma_start3A_551 = arith.constant 0 : i32
    %dma_start3A_552 = arith.constant 0 : i32
    %dma_start3A_553 = tpu.memref_slice %arg2[%dma_start3A_551, %dma_start3A_552] : memref<4096x144xf32, #tpu.memory_space<hbm>> -> memref<4096x144xf32, #tpu.memory_space<hbm>>
    tpu.enqueue_indirect_dma source(%dma_start3A_553 : memref<4096x144xf32, #tpu.memory_space<hbm>>) target(%arg7 : memref<128x144xf32, #tpu.memory_space<vmem>>) offsets(%dma_start3A_550 : memref<128xi32, #tpu.memory_space<vmem>>) semaphore(%arg9 : memref<!tpu.dma_semaphore, #tpu.memory_space<semaphore_mem>>)
    %dma_wait3A_554 = arith.constant 9 : i32
    %dma_wait3A_555 = arith.constant 0 : i32
    %dma_wait3A_556 = tpu.memref_slice %arg6[%dma_wait3A_554, %dma_wait3A_555] : memref<16x128xi32, #tpu.memory_space<vmem>> -> memref<1x128xi32, #tpu.memory_space<vmem>>
    %dma_wait3A_557 = tpu.memref_squeeze %dma_wait3A_556 : memref<1x128xi32, #tpu.memory_space<vmem>> -> memref<128xi32, #tpu.memory_space<vmem>>
    %dma_wait3A_558 = arith.constant 0 : i32
    %dma_wait3A_559 = arith.constant 0 : i32
    %dma_wait3A_560 = tpu.memref_slice %arg2[%dma_wait3A_558, %dma_wait3A_559] : memref<4096x144xf32, #tpu.memory_space<hbm>> -> memref<4096x144xf32, #tpu.memory_space<hbm>>
    tpu.wait_indirect_dma semaphore(%arg10 : memref<!tpu.dma_semaphore, #tpu.memory_space<semaphore_mem>>) src(%dma_wait3A_560 : memref<4096x144xf32, #tpu.memory_space<hbm>>) dst(%arg8 : memref<128x144xf32, #tpu.memory_space<vmem>>)
    %add3A_561 = arith.constant 10 : i32
    %add3A_562 = arith.addi %mul3A_2, %add3A_561 : i32
    %sub3A_563 = arith.constant 1 : i32
    %sub3A_564 = arith.subi %add3A_562, %sub3A_563 : i32
    %mul3A_565 = arith.constant 128 : i32
    %mul3A_566 = arith.muli %sub3A_564, %mul3A_565 : i32
    %dma_start3A_567 = arith.constant 0 : i32
    %dma_start3A_568 = arith.constant 0 : i32
    %dma_start3A_569 = tpu.memref_slice %arg8[%dma_start3A_567, %dma_start3A_568] : memref<128x144xf32, #tpu.memory_space<vmem>> -> memref<128x128xf32, #tpu.memory_space<vmem>>
    %dma_start3A_570 = arith.constant 0 : i32
    %dma_start3A_571 = tpu.memref_slice %arg4[%mul3A_566, %dma_start3A_570] : memref<65536x128xf32, #tpu.memory_space<hbm>> -> memref<128x128xf32, #tpu.memory_space<hbm>>
    %dma_start3A_572 = arith.constant 0 : i32
    %dma_start3A_573 = tpu.memref_slice %arg4[%mul3A_566, %dma_start3A_572] : memref<65536x128xf32, #tpu.memory_space<hbm>> -> memref<128x128xf32, #tpu.memory_space<hbm>>
    %dma_start3A_574 = arith.constant 0 : i32
    %dma_start3A_575 = arith.constant 0 : i32
    %dma_start3A_576 = tpu.memref_slice %arg8[%dma_start3A_574, %dma_start3A_575] : memref<128x144xf32, #tpu.memory_space<vmem>> -> memref<128x128xf32, #tpu.memory_space<vmem>>
    tpu.enqueue_dma source(%dma_start3A_576 : memref<128x128xf32, #tpu.memory_space<vmem>>) target(%dma_start3A_573 : memref<128x128xf32, #tpu.memory_space<hbm>>) target_semaphore(%arg12 : memref<!tpu.dma_semaphore, #tpu.memory_space<semaphore_mem>>)
    %dma_start3A_577 = arith.constant 0 : i32
    %dma_start3A_578 = arith.constant 128 : i32
    %dma_start3A_579 = tpu.memref_slice %arg8[%dma_start3A_577, %dma_start3A_578] : memref<128x144xf32, #tpu.memory_space<vmem>> -> memref<128x16xf32, #tpu.memory_space<vmem>>
    %dma_start3A_580 = arith.constant 0 : i32
    %dma_start3A_581 = tpu.memref_slice %arg5[%mul3A_566, %dma_start3A_580] : memref<65536x16xf32, #tpu.memory_space<hbm>> -> memref<128x16xf32, #tpu.memory_space<hbm>>
    %dma_start3A_582 = arith.constant 0 : i32
    %dma_start3A_583 = tpu.memref_slice %arg5[%mul3A_566, %dma_start3A_582] : memref<65536x16xf32, #tpu.memory_space<hbm>> -> memref<128x16xf32, #tpu.memory_space<hbm>>
    %dma_start3A_584 = arith.constant 0 : i32
    %dma_start3A_585 = arith.constant 128 : i32
    %dma_start3A_586 = tpu.memref_slice %arg8[%dma_start3A_584, %dma_start3A_585] : memref<128x144xf32, #tpu.memory_space<vmem>> -> memref<128x16xf32, #tpu.memory_space<vmem>>
    tpu.enqueue_dma source(%dma_start3A_586 : memref<128x16xf32, #tpu.memory_space<vmem>>) target(%dma_start3A_583 : memref<128x16xf32, #tpu.memory_space<hbm>>) target_semaphore(%arg12 : memref<!tpu.dma_semaphore, #tpu.memory_space<semaphore_mem>>)
    %dma_wait3A_587 = arith.constant 0 : i32
    %dma_wait3A_588 = arith.constant 0 : i32
    %dma_wait3A_589 = tpu.memref_slice %arg8[%dma_wait3A_587, %dma_wait3A_588] : memref<128x144xf32, #tpu.memory_space<vmem>> -> memref<128x128xf32, #tpu.memory_space<vmem>>
    %dma_wait3A_590 = arith.constant 0 : i32
    %dma_wait3A_591 = tpu.memref_slice %arg4[%mul3A_566, %dma_wait3A_590] : memref<65536x128xf32, #tpu.memory_space<hbm>> -> memref<128x128xf32, #tpu.memory_space<hbm>>
    %dma_wait3A_592 = arith.constant 0 : i32
    %dma_wait3A_593 = tpu.memref_slice %arg4[%mul3A_566, %dma_wait3A_592] : memref<65536x128xf32, #tpu.memory_space<hbm>> -> memref<128x128xf32, #tpu.memory_space<hbm>>
    %dma_wait3A_594 = arith.constant 0 : i32
    %dma_wait3A_595 = arith.constant 0 : i32
    %dma_wait3A_596 = tpu.memref_slice %arg8[%dma_wait3A_594, %dma_wait3A_595] : memref<128x144xf32, #tpu.memory_space<vmem>> -> memref<128x128xf32, #tpu.memory_space<vmem>>
    tpu.wait_dma2 semaphore(%arg12 : memref<!tpu.dma_semaphore, #tpu.memory_space<semaphore_mem>>) src(%dma_wait3A_596 : memref<128x128xf32, #tpu.memory_space<vmem>>) dst(%dma_wait3A_593 : memref<128x128xf32, #tpu.memory_space<hbm>>)
    %dma_wait3A_597 = arith.constant 0 : i32
    %dma_wait3A_598 = arith.constant 128 : i32
    %dma_wait3A_599 = tpu.memref_slice %arg8[%dma_wait3A_597, %dma_wait3A_598] : memref<128x144xf32, #tpu.memory_space<vmem>> -> memref<128x16xf32, #tpu.memory_space<vmem>>
    %dma_wait3A_600 = arith.constant 0 : i32
    %dma_wait3A_601 = tpu.memref_slice %arg5[%mul3A_566, %dma_wait3A_600] : memref<65536x16xf32, #tpu.memory_space<hbm>> -> memref<128x16xf32, #tpu.memory_space<hbm>>
    %dma_wait3A_602 = arith.constant 0 : i32
    %dma_wait3A_603 = tpu.memref_slice %arg5[%mul3A_566, %dma_wait3A_602] : memref<65536x16xf32, #tpu.memory_space<hbm>> -> memref<128x16xf32, #tpu.memory_space<hbm>>
    %dma_wait3A_604 = arith.constant 0 : i32
    %dma_wait3A_605 = arith.constant 128 : i32
    %dma_wait3A_606 = tpu.memref_slice %arg8[%dma_wait3A_604, %dma_wait3A_605] : memref<128x144xf32, #tpu.memory_space<vmem>> -> memref<128x16xf32, #tpu.memory_space<vmem>>
    tpu.wait_dma2 semaphore(%arg12 : memref<!tpu.dma_semaphore, #tpu.memory_space<semaphore_mem>>) src(%dma_wait3A_606 : memref<128x16xf32, #tpu.memory_space<vmem>>) dst(%dma_wait3A_603 : memref<128x16xf32, #tpu.memory_space<hbm>>)
    %dma_start3A_607 = arith.constant 11 : i32
    %dma_start3A_608 = arith.constant 0 : i32
    %dma_start3A_609 = tpu.memref_slice %arg6[%dma_start3A_607, %dma_start3A_608] : memref<16x128xi32, #tpu.memory_space<vmem>> -> memref<1x128xi32, #tpu.memory_space<vmem>>
    %dma_start3A_610 = tpu.memref_squeeze %dma_start3A_609 : memref<1x128xi32, #tpu.memory_space<vmem>> -> memref<128xi32, #tpu.memory_space<vmem>>
    %dma_start3A_611 = arith.constant 0 : i32
    %dma_start3A_612 = arith.constant 0 : i32
    %dma_start3A_613 = tpu.memref_slice %arg2[%dma_start3A_611, %dma_start3A_612] : memref<4096x144xf32, #tpu.memory_space<hbm>> -> memref<4096x144xf32, #tpu.memory_space<hbm>>
    tpu.enqueue_indirect_dma source(%dma_start3A_613 : memref<4096x144xf32, #tpu.memory_space<hbm>>) target(%arg8 : memref<128x144xf32, #tpu.memory_space<vmem>>) offsets(%dma_start3A_610 : memref<128xi32, #tpu.memory_space<vmem>>) semaphore(%arg10 : memref<!tpu.dma_semaphore, #tpu.memory_space<semaphore_mem>>)
    %dma_wait3A_614 = arith.constant 10 : i32
    %dma_wait3A_615 = arith.constant 0 : i32
    %dma_wait3A_616 = tpu.memref_slice %arg6[%dma_wait3A_614, %dma_wait3A_615] : memref<16x128xi32, #tpu.memory_space<vmem>> -> memref<1x128xi32, #tpu.memory_space<vmem>>
    %dma_wait3A_617 = tpu.memref_squeeze %dma_wait3A_616 : memref<1x128xi32, #tpu.memory_space<vmem>> -> memref<128xi32, #tpu.memory_space<vmem>>
    %dma_wait3A_618 = arith.constant 0 : i32
    %dma_wait3A_619 = arith.constant 0 : i32
    %dma_wait3A_620 = tpu.memref_slice %arg2[%dma_wait3A_618, %dma_wait3A_619] : memref<4096x144xf32, #tpu.memory_space<hbm>> -> memref<4096x144xf32, #tpu.memory_space<hbm>>
    tpu.wait_indirect_dma semaphore(%arg9 : memref<!tpu.dma_semaphore, #tpu.memory_space<semaphore_mem>>) src(%dma_wait3A_620 : memref<4096x144xf32, #tpu.memory_space<hbm>>) dst(%arg7 : memref<128x144xf32, #tpu.memory_space<vmem>>)
    %add3A_621 = arith.constant 11 : i32
    %add3A_622 = arith.addi %mul3A_2, %add3A_621 : i32
    %sub3A_623 = arith.constant 1 : i32
    %sub3A_624 = arith.subi %add3A_622, %sub3A_623 : i32
    %mul3A_625 = arith.constant 128 : i32
    %mul3A_626 = arith.muli %sub3A_624, %mul3A_625 : i32
    %dma_start3A_627 = arith.constant 0 : i32
    %dma_start3A_628 = arith.constant 0 : i32
    %dma_start3A_629 = tpu.memref_slice %arg7[%dma_start3A_627, %dma_start3A_628] : memref<128x144xf32, #tpu.memory_space<vmem>> -> memref<128x128xf32, #tpu.memory_space<vmem>>
    %dma_start3A_630 = arith.constant 0 : i32
    %dma_start3A_631 = tpu.memref_slice %arg4[%mul3A_626, %dma_start3A_630] : memref<65536x128xf32, #tpu.memory_space<hbm>> -> memref<128x128xf32, #tpu.memory_space<hbm>>
    %dma_start3A_632 = arith.constant 0 : i32
    %dma_start3A_633 = tpu.memref_slice %arg4[%mul3A_626, %dma_start3A_632] : memref<65536x128xf32, #tpu.memory_space<hbm>> -> memref<128x128xf32, #tpu.memory_space<hbm>>
    %dma_start3A_634 = arith.constant 0 : i32
    %dma_start3A_635 = arith.constant 0 : i32
    %dma_start3A_636 = tpu.memref_slice %arg7[%dma_start3A_634, %dma_start3A_635] : memref<128x144xf32, #tpu.memory_space<vmem>> -> memref<128x128xf32, #tpu.memory_space<vmem>>
    tpu.enqueue_dma source(%dma_start3A_636 : memref<128x128xf32, #tpu.memory_space<vmem>>) target(%dma_start3A_633 : memref<128x128xf32, #tpu.memory_space<hbm>>) target_semaphore(%arg11 : memref<!tpu.dma_semaphore, #tpu.memory_space<semaphore_mem>>)
    %dma_start3A_637 = arith.constant 0 : i32
    %dma_start3A_638 = arith.constant 128 : i32
    %dma_start3A_639 = tpu.memref_slice %arg7[%dma_start3A_637, %dma_start3A_638] : memref<128x144xf32, #tpu.memory_space<vmem>> -> memref<128x16xf32, #tpu.memory_space<vmem>>
    %dma_start3A_640 = arith.constant 0 : i32
    %dma_start3A_641 = tpu.memref_slice %arg5[%mul3A_626, %dma_start3A_640] : memref<65536x16xf32, #tpu.memory_space<hbm>> -> memref<128x16xf32, #tpu.memory_space<hbm>>
    %dma_start3A_642 = arith.constant 0 : i32
    %dma_start3A_643 = tpu.memref_slice %arg5[%mul3A_626, %dma_start3A_642] : memref<65536x16xf32, #tpu.memory_space<hbm>> -> memref<128x16xf32, #tpu.memory_space<hbm>>
    %dma_start3A_644 = arith.constant 0 : i32
    %dma_start3A_645 = arith.constant 128 : i32
    %dma_start3A_646 = tpu.memref_slice %arg7[%dma_start3A_644, %dma_start3A_645] : memref<128x144xf32, #tpu.memory_space<vmem>> -> memref<128x16xf32, #tpu.memory_space<vmem>>
    tpu.enqueue_dma source(%dma_start3A_646 : memref<128x16xf32, #tpu.memory_space<vmem>>) target(%dma_start3A_643 : memref<128x16xf32, #tpu.memory_space<hbm>>) target_semaphore(%arg11 : memref<!tpu.dma_semaphore, #tpu.memory_space<semaphore_mem>>)
    %dma_wait3A_647 = arith.constant 0 : i32
    %dma_wait3A_648 = arith.constant 0 : i32
    %dma_wait3A_649 = tpu.memref_slice %arg7[%dma_wait3A_647, %dma_wait3A_648] : memref<128x144xf32, #tpu.memory_space<vmem>> -> memref<128x128xf32, #tpu.memory_space<vmem>>
    %dma_wait3A_650 = arith.constant 0 : i32
    %dma_wait3A_651 = tpu.memref_slice %arg4[%mul3A_626, %dma_wait3A_650] : memref<65536x128xf32, #tpu.memory_space<hbm>> -> memref<128x128xf32, #tpu.memory_space<hbm>>
    %dma_wait3A_652 = arith.constant 0 : i32
    %dma_wait3A_653 = tpu.memref_slice %arg4[%mul3A_626, %dma_wait3A_652] : memref<65536x128xf32, #tpu.memory_space<hbm>> -> memref<128x128xf32, #tpu.memory_space<hbm>>
    %dma_wait3A_654 = arith.constant 0 : i32
    %dma_wait3A_655 = arith.constant 0 : i32
    %dma_wait3A_656 = tpu.memref_slice %arg7[%dma_wait3A_654, %dma_wait3A_655] : memref<128x144xf32, #tpu.memory_space<vmem>> -> memref<128x128xf32, #tpu.memory_space<vmem>>
    tpu.wait_dma2 semaphore(%arg11 : memref<!tpu.dma_semaphore, #tpu.memory_space<semaphore_mem>>) src(%dma_wait3A_656 : memref<128x128xf32, #tpu.memory_space<vmem>>) dst(%dma_wait3A_653 : memref<128x128xf32, #tpu.memory_space<hbm>>)
    %dma_wait3A_657 = arith.constant 0 : i32
    %dma_wait3A_658 = arith.constant 128 : i32
    %dma_wait3A_659 = tpu.memref_slice %arg7[%dma_wait3A_657, %dma_wait3A_658] : memref<128x144xf32, #tpu.memory_space<vmem>> -> memref<128x16xf32, #tpu.memory_space<vmem>>
    %dma_wait3A_660 = arith.constant 0 : i32
    %dma_wait3A_661 = tpu.memref_slice %arg5[%mul3A_626, %dma_wait3A_660] : memref<65536x16xf32, #tpu.memory_space<hbm>> -> memref<128x16xf32, #tpu.memory_space<hbm>>
    %dma_wait3A_662 = arith.constant 0 : i32
    %dma_wait3A_663 = tpu.memref_slice %arg5[%mul3A_626, %dma_wait3A_662] : memref<65536x16xf32, #tpu.memory_space<hbm>> -> memref<128x16xf32, #tpu.memory_space<hbm>>
    %dma_wait3A_664 = arith.constant 0 : i32
    %dma_wait3A_665 = arith.constant 128 : i32
    %dma_wait3A_666 = tpu.memref_slice %arg7[%dma_wait3A_664, %dma_wait3A_665] : memref<128x144xf32, #tpu.memory_space<vmem>> -> memref<128x16xf32, #tpu.memory_space<vmem>>
    tpu.wait_dma2 semaphore(%arg11 : memref<!tpu.dma_semaphore, #tpu.memory_space<semaphore_mem>>) src(%dma_wait3A_666 : memref<128x16xf32, #tpu.memory_space<vmem>>) dst(%dma_wait3A_663 : memref<128x16xf32, #tpu.memory_space<hbm>>)
    %dma_start3A_667 = arith.constant 12 : i32
    %dma_start3A_668 = arith.constant 0 : i32
    %dma_start3A_669 = tpu.memref_slice %arg6[%dma_start3A_667, %dma_start3A_668] : memref<16x128xi32, #tpu.memory_space<vmem>> -> memref<1x128xi32, #tpu.memory_space<vmem>>
    %dma_start3A_670 = tpu.memref_squeeze %dma_start3A_669 : memref<1x128xi32, #tpu.memory_space<vmem>> -> memref<128xi32, #tpu.memory_space<vmem>>
    %dma_start3A_671 = arith.constant 0 : i32
    %dma_start3A_672 = arith.constant 0 : i32
    %dma_start3A_673 = tpu.memref_slice %arg2[%dma_start3A_671, %dma_start3A_672] : memref<4096x144xf32, #tpu.memory_space<hbm>> -> memref<4096x144xf32, #tpu.memory_space<hbm>>
    tpu.enqueue_indirect_dma source(%dma_start3A_673 : memref<4096x144xf32, #tpu.memory_space<hbm>>) target(%arg7 : memref<128x144xf32, #tpu.memory_space<vmem>>) offsets(%dma_start3A_670 : memref<128xi32, #tpu.memory_space<vmem>>) semaphore(%arg9 : memref<!tpu.dma_semaphore, #tpu.memory_space<semaphore_mem>>)
    %dma_wait3A_674 = arith.constant 11 : i32
    %dma_wait3A_675 = arith.constant 0 : i32
    %dma_wait3A_676 = tpu.memref_slice %arg6[%dma_wait3A_674, %dma_wait3A_675] : memref<16x128xi32, #tpu.memory_space<vmem>> -> memref<1x128xi32, #tpu.memory_space<vmem>>
    %dma_wait3A_677 = tpu.memref_squeeze %dma_wait3A_676 : memref<1x128xi32, #tpu.memory_space<vmem>> -> memref<128xi32, #tpu.memory_space<vmem>>
    %dma_wait3A_678 = arith.constant 0 : i32
    %dma_wait3A_679 = arith.constant 0 : i32
    %dma_wait3A_680 = tpu.memref_slice %arg2[%dma_wait3A_678, %dma_wait3A_679] : memref<4096x144xf32, #tpu.memory_space<hbm>> -> memref<4096x144xf32, #tpu.memory_space<hbm>>
    tpu.wait_indirect_dma semaphore(%arg10 : memref<!tpu.dma_semaphore, #tpu.memory_space<semaphore_mem>>) src(%dma_wait3A_680 : memref<4096x144xf32, #tpu.memory_space<hbm>>) dst(%arg8 : memref<128x144xf32, #tpu.memory_space<vmem>>)
    %add3A_681 = arith.constant 12 : i32
    %add3A_682 = arith.addi %mul3A_2, %add3A_681 : i32
    %sub3A_683 = arith.constant 1 : i32
    %sub3A_684 = arith.subi %add3A_682, %sub3A_683 : i32
    %mul3A_685 = arith.constant 128 : i32
    %mul3A_686 = arith.muli %sub3A_684, %mul3A_685 : i32
    %dma_start3A_687 = arith.constant 0 : i32
    %dma_start3A_688 = arith.constant 0 : i32
    %dma_start3A_689 = tpu.memref_slice %arg8[%dma_start3A_687, %dma_start3A_688] : memref<128x144xf32, #tpu.memory_space<vmem>> -> memref<128x128xf32, #tpu.memory_space<vmem>>
    %dma_start3A_690 = arith.constant 0 : i32
    %dma_start3A_691 = tpu.memref_slice %arg4[%mul3A_686, %dma_start3A_690] : memref<65536x128xf32, #tpu.memory_space<hbm>> -> memref<128x128xf32, #tpu.memory_space<hbm>>
    %dma_start3A_692 = arith.constant 0 : i32
    %dma_start3A_693 = tpu.memref_slice %arg4[%mul3A_686, %dma_start3A_692] : memref<65536x128xf32, #tpu.memory_space<hbm>> -> memref<128x128xf32, #tpu.memory_space<hbm>>
    %dma_start3A_694 = arith.constant 0 : i32
    %dma_start3A_695 = arith.constant 0 : i32
    %dma_start3A_696 = tpu.memref_slice %arg8[%dma_start3A_694, %dma_start3A_695] : memref<128x144xf32, #tpu.memory_space<vmem>> -> memref<128x128xf32, #tpu.memory_space<vmem>>
    tpu.enqueue_dma source(%dma_start3A_696 : memref<128x128xf32, #tpu.memory_space<vmem>>) target(%dma_start3A_693 : memref<128x128xf32, #tpu.memory_space<hbm>>) target_semaphore(%arg12 : memref<!tpu.dma_semaphore, #tpu.memory_space<semaphore_mem>>)
    %dma_start3A_697 = arith.constant 0 : i32
    %dma_start3A_698 = arith.constant 128 : i32
    %dma_start3A_699 = tpu.memref_slice %arg8[%dma_start3A_697, %dma_start3A_698] : memref<128x144xf32, #tpu.memory_space<vmem>> -> memref<128x16xf32, #tpu.memory_space<vmem>>
    %dma_start3A_700 = arith.constant 0 : i32
    %dma_start3A_701 = tpu.memref_slice %arg5[%mul3A_686, %dma_start3A_700] : memref<65536x16xf32, #tpu.memory_space<hbm>> -> memref<128x16xf32, #tpu.memory_space<hbm>>
    %dma_start3A_702 = arith.constant 0 : i32
    %dma_start3A_703 = tpu.memref_slice %arg5[%mul3A_686, %dma_start3A_702] : memref<65536x16xf32, #tpu.memory_space<hbm>> -> memref<128x16xf32, #tpu.memory_space<hbm>>
    %dma_start3A_704 = arith.constant 0 : i32
    %dma_start3A_705 = arith.constant 128 : i32
    %dma_start3A_706 = tpu.memref_slice %arg8[%dma_start3A_704, %dma_start3A_705] : memref<128x144xf32, #tpu.memory_space<vmem>> -> memref<128x16xf32, #tpu.memory_space<vmem>>
    tpu.enqueue_dma source(%dma_start3A_706 : memref<128x16xf32, #tpu.memory_space<vmem>>) target(%dma_start3A_703 : memref<128x16xf32, #tpu.memory_space<hbm>>) target_semaphore(%arg12 : memref<!tpu.dma_semaphore, #tpu.memory_space<semaphore_mem>>)
    %dma_wait3A_707 = arith.constant 0 : i32
    %dma_wait3A_708 = arith.constant 0 : i32
    %dma_wait3A_709 = tpu.memref_slice %arg8[%dma_wait3A_707, %dma_wait3A_708] : memref<128x144xf32, #tpu.memory_space<vmem>> -> memref<128x128xf32, #tpu.memory_space<vmem>>
    %dma_wait3A_710 = arith.constant 0 : i32
    %dma_wait3A_711 = tpu.memref_slice %arg4[%mul3A_686, %dma_wait3A_710] : memref<65536x128xf32, #tpu.memory_space<hbm>> -> memref<128x128xf32, #tpu.memory_space<hbm>>
    %dma_wait3A_712 = arith.constant 0 : i32
    %dma_wait3A_713 = tpu.memref_slice %arg4[%mul3A_686, %dma_wait3A_712] : memref<65536x128xf32, #tpu.memory_space<hbm>> -> memref<128x128xf32, #tpu.memory_space<hbm>>
    %dma_wait3A_714 = arith.constant 0 : i32
    %dma_wait3A_715 = arith.constant 0 : i32
    %dma_wait3A_716 = tpu.memref_slice %arg8[%dma_wait3A_714, %dma_wait3A_715] : memref<128x144xf32, #tpu.memory_space<vmem>> -> memref<128x128xf32, #tpu.memory_space<vmem>>
    tpu.wait_dma2 semaphore(%arg12 : memref<!tpu.dma_semaphore, #tpu.memory_space<semaphore_mem>>) src(%dma_wait3A_716 : memref<128x128xf32, #tpu.memory_space<vmem>>) dst(%dma_wait3A_713 : memref<128x128xf32, #tpu.memory_space<hbm>>)
    %dma_wait3A_717 = arith.constant 0 : i32
    %dma_wait3A_718 = arith.constant 128 : i32
    %dma_wait3A_719 = tpu.memref_slice %arg8[%dma_wait3A_717, %dma_wait3A_718] : memref<128x144xf32, #tpu.memory_space<vmem>> -> memref<128x16xf32, #tpu.memory_space<vmem>>
    %dma_wait3A_720 = arith.constant 0 : i32
    %dma_wait3A_721 = tpu.memref_slice %arg5[%mul3A_686, %dma_wait3A_720] : memref<65536x16xf32, #tpu.memory_space<hbm>> -> memref<128x16xf32, #tpu.memory_space<hbm>>
    %dma_wait3A_722 = arith.constant 0 : i32
    %dma_wait3A_723 = tpu.memref_slice %arg5[%mul3A_686, %dma_wait3A_722] : memref<65536x16xf32, #tpu.memory_space<hbm>> -> memref<128x16xf32, #tpu.memory_space<hbm>>
    %dma_wait3A_724 = arith.constant 0 : i32
    %dma_wait3A_725 = arith.constant 128 : i32
    %dma_wait3A_726 = tpu.memref_slice %arg8[%dma_wait3A_724, %dma_wait3A_725] : memref<128x144xf32, #tpu.memory_space<vmem>> -> memref<128x16xf32, #tpu.memory_space<vmem>>
    tpu.wait_dma2 semaphore(%arg12 : memref<!tpu.dma_semaphore, #tpu.memory_space<semaphore_mem>>) src(%dma_wait3A_726 : memref<128x16xf32, #tpu.memory_space<vmem>>) dst(%dma_wait3A_723 : memref<128x16xf32, #tpu.memory_space<hbm>>)
    %dma_start3A_727 = arith.constant 13 : i32
    %dma_start3A_728 = arith.constant 0 : i32
    %dma_start3A_729 = tpu.memref_slice %arg6[%dma_start3A_727, %dma_start3A_728] : memref<16x128xi32, #tpu.memory_space<vmem>> -> memref<1x128xi32, #tpu.memory_space<vmem>>
    %dma_start3A_730 = tpu.memref_squeeze %dma_start3A_729 : memref<1x128xi32, #tpu.memory_space<vmem>> -> memref<128xi32, #tpu.memory_space<vmem>>
    %dma_start3A_731 = arith.constant 0 : i32
    %dma_start3A_732 = arith.constant 0 : i32
    %dma_start3A_733 = tpu.memref_slice %arg2[%dma_start3A_731, %dma_start3A_732] : memref<4096x144xf32, #tpu.memory_space<hbm>> -> memref<4096x144xf32, #tpu.memory_space<hbm>>
    tpu.enqueue_indirect_dma source(%dma_start3A_733 : memref<4096x144xf32, #tpu.memory_space<hbm>>) target(%arg8 : memref<128x144xf32, #tpu.memory_space<vmem>>) offsets(%dma_start3A_730 : memref<128xi32, #tpu.memory_space<vmem>>) semaphore(%arg10 : memref<!tpu.dma_semaphore, #tpu.memory_space<semaphore_mem>>)
    %dma_wait3A_734 = arith.constant 12 : i32
    %dma_wait3A_735 = arith.constant 0 : i32
    %dma_wait3A_736 = tpu.memref_slice %arg6[%dma_wait3A_734, %dma_wait3A_735] : memref<16x128xi32, #tpu.memory_space<vmem>> -> memref<1x128xi32, #tpu.memory_space<vmem>>
    %dma_wait3A_737 = tpu.memref_squeeze %dma_wait3A_736 : memref<1x128xi32, #tpu.memory_space<vmem>> -> memref<128xi32, #tpu.memory_space<vmem>>
    %dma_wait3A_738 = arith.constant 0 : i32
    %dma_wait3A_739 = arith.constant 0 : i32
    %dma_wait3A_740 = tpu.memref_slice %arg2[%dma_wait3A_738, %dma_wait3A_739] : memref<4096x144xf32, #tpu.memory_space<hbm>> -> memref<4096x144xf32, #tpu.memory_space<hbm>>
    tpu.wait_indirect_dma semaphore(%arg9 : memref<!tpu.dma_semaphore, #tpu.memory_space<semaphore_mem>>) src(%dma_wait3A_740 : memref<4096x144xf32, #tpu.memory_space<hbm>>) dst(%arg7 : memref<128x144xf32, #tpu.memory_space<vmem>>)
    %add3A_741 = arith.constant 13 : i32
    %add3A_742 = arith.addi %mul3A_2, %add3A_741 : i32
    %sub3A_743 = arith.constant 1 : i32
    %sub3A_744 = arith.subi %add3A_742, %sub3A_743 : i32
    %mul3A_745 = arith.constant 128 : i32
    %mul3A_746 = arith.muli %sub3A_744, %mul3A_745 : i32
    %dma_start3A_747 = arith.constant 0 : i32
    %dma_start3A_748 = arith.constant 0 : i32
    %dma_start3A_749 = tpu.memref_slice %arg7[%dma_start3A_747, %dma_start3A_748] : memref<128x144xf32, #tpu.memory_space<vmem>> -> memref<128x128xf32, #tpu.memory_space<vmem>>
    %dma_start3A_750 = arith.constant 0 : i32
    %dma_start3A_751 = tpu.memref_slice %arg4[%mul3A_746, %dma_start3A_750] : memref<65536x128xf32, #tpu.memory_space<hbm>> -> memref<128x128xf32, #tpu.memory_space<hbm>>
    %dma_start3A_752 = arith.constant 0 : i32
    %dma_start3A_753 = tpu.memref_slice %arg4[%mul3A_746, %dma_start3A_752] : memref<65536x128xf32, #tpu.memory_space<hbm>> -> memref<128x128xf32, #tpu.memory_space<hbm>>
    %dma_start3A_754 = arith.constant 0 : i32
    %dma_start3A_755 = arith.constant 0 : i32
    %dma_start3A_756 = tpu.memref_slice %arg7[%dma_start3A_754, %dma_start3A_755] : memref<128x144xf32, #tpu.memory_space<vmem>> -> memref<128x128xf32, #tpu.memory_space<vmem>>
    tpu.enqueue_dma source(%dma_start3A_756 : memref<128x128xf32, #tpu.memory_space<vmem>>) target(%dma_start3A_753 : memref<128x128xf32, #tpu.memory_space<hbm>>) target_semaphore(%arg11 : memref<!tpu.dma_semaphore, #tpu.memory_space<semaphore_mem>>)
    %dma_start3A_757 = arith.constant 0 : i32
    %dma_start3A_758 = arith.constant 128 : i32
    %dma_start3A_759 = tpu.memref_slice %arg7[%dma_start3A_757, %dma_start3A_758] : memref<128x144xf32, #tpu.memory_space<vmem>> -> memref<128x16xf32, #tpu.memory_space<vmem>>
    %dma_start3A_760 = arith.constant 0 : i32
    %dma_start3A_761 = tpu.memref_slice %arg5[%mul3A_746, %dma_start3A_760] : memref<65536x16xf32, #tpu.memory_space<hbm>> -> memref<128x16xf32, #tpu.memory_space<hbm>>
    %dma_start3A_762 = arith.constant 0 : i32
    %dma_start3A_763 = tpu.memref_slice %arg5[%mul3A_746, %dma_start3A_762] : memref<65536x16xf32, #tpu.memory_space<hbm>> -> memref<128x16xf32, #tpu.memory_space<hbm>>
    %dma_start3A_764 = arith.constant 0 : i32
    %dma_start3A_765 = arith.constant 128 : i32
    %dma_start3A_766 = tpu.memref_slice %arg7[%dma_start3A_764, %dma_start3A_765] : memref<128x144xf32, #tpu.memory_space<vmem>> -> memref<128x16xf32, #tpu.memory_space<vmem>>
    tpu.enqueue_dma source(%dma_start3A_766 : memref<128x16xf32, #tpu.memory_space<vmem>>) target(%dma_start3A_763 : memref<128x16xf32, #tpu.memory_space<hbm>>) target_semaphore(%arg11 : memref<!tpu.dma_semaphore, #tpu.memory_space<semaphore_mem>>)
    %dma_wait3A_767 = arith.constant 0 : i32
    %dma_wait3A_768 = arith.constant 0 : i32
    %dma_wait3A_769 = tpu.memref_slice %arg7[%dma_wait3A_767, %dma_wait3A_768] : memref<128x144xf32, #tpu.memory_space<vmem>> -> memref<128x128xf32, #tpu.memory_space<vmem>>
    %dma_wait3A_770 = arith.constant 0 : i32
    %dma_wait3A_771 = tpu.memref_slice %arg4[%mul3A_746, %dma_wait3A_770] : memref<65536x128xf32, #tpu.memory_space<hbm>> -> memref<128x128xf32, #tpu.memory_space<hbm>>
    %dma_wait3A_772 = arith.constant 0 : i32
    %dma_wait3A_773 = tpu.memref_slice %arg4[%mul3A_746, %dma_wait3A_772] : memref<65536x128xf32, #tpu.memory_space<hbm>> -> memref<128x128xf32, #tpu.memory_space<hbm>>
    %dma_wait3A_774 = arith.constant 0 : i32
    %dma_wait3A_775 = arith.constant 0 : i32
    %dma_wait3A_776 = tpu.memref_slice %arg7[%dma_wait3A_774, %dma_wait3A_775] : memref<128x144xf32, #tpu.memory_space<vmem>> -> memref<128x128xf32, #tpu.memory_space<vmem>>
    tpu.wait_dma2 semaphore(%arg11 : memref<!tpu.dma_semaphore, #tpu.memory_space<semaphore_mem>>) src(%dma_wait3A_776 : memref<128x128xf32, #tpu.memory_space<vmem>>) dst(%dma_wait3A_773 : memref<128x128xf32, #tpu.memory_space<hbm>>)
    %dma_wait3A_777 = arith.constant 0 : i32
    %dma_wait3A_778 = arith.constant 128 : i32
    %dma_wait3A_779 = tpu.memref_slice %arg7[%dma_wait3A_777, %dma_wait3A_778] : memref<128x144xf32, #tpu.memory_space<vmem>> -> memref<128x16xf32, #tpu.memory_space<vmem>>
    %dma_wait3A_780 = arith.constant 0 : i32
    %dma_wait3A_781 = tpu.memref_slice %arg5[%mul3A_746, %dma_wait3A_780] : memref<65536x16xf32, #tpu.memory_space<hbm>> -> memref<128x16xf32, #tpu.memory_space<hbm>>
    %dma_wait3A_782 = arith.constant 0 : i32
    %dma_wait3A_783 = tpu.memref_slice %arg5[%mul3A_746, %dma_wait3A_782] : memref<65536x16xf32, #tpu.memory_space<hbm>> -> memref<128x16xf32, #tpu.memory_space<hbm>>
    %dma_wait3A_784 = arith.constant 0 : i32
    %dma_wait3A_785 = arith.constant 128 : i32
    %dma_wait3A_786 = tpu.memref_slice %arg7[%dma_wait3A_784, %dma_wait3A_785] : memref<128x144xf32, #tpu.memory_space<vmem>> -> memref<128x16xf32, #tpu.memory_space<vmem>>
    tpu.wait_dma2 semaphore(%arg11 : memref<!tpu.dma_semaphore, #tpu.memory_space<semaphore_mem>>) src(%dma_wait3A_786 : memref<128x16xf32, #tpu.memory_space<vmem>>) dst(%dma_wait3A_783 : memref<128x16xf32, #tpu.memory_space<hbm>>)
    %dma_start3A_787 = arith.constant 14 : i32
    %dma_start3A_788 = arith.constant 0 : i32
    %dma_start3A_789 = tpu.memref_slice %arg6[%dma_start3A_787, %dma_start3A_788] : memref<16x128xi32, #tpu.memory_space<vmem>> -> memref<1x128xi32, #tpu.memory_space<vmem>>
    %dma_start3A_790 = tpu.memref_squeeze %dma_start3A_789 : memref<1x128xi32, #tpu.memory_space<vmem>> -> memref<128xi32, #tpu.memory_space<vmem>>
    %dma_start3A_791 = arith.constant 0 : i32
    %dma_start3A_792 = arith.constant 0 : i32
    %dma_start3A_793 = tpu.memref_slice %arg2[%dma_start3A_791, %dma_start3A_792] : memref<4096x144xf32, #tpu.memory_space<hbm>> -> memref<4096x144xf32, #tpu.memory_space<hbm>>
    tpu.enqueue_indirect_dma source(%dma_start3A_793 : memref<4096x144xf32, #tpu.memory_space<hbm>>) target(%arg7 : memref<128x144xf32, #tpu.memory_space<vmem>>) offsets(%dma_start3A_790 : memref<128xi32, #tpu.memory_space<vmem>>) semaphore(%arg9 : memref<!tpu.dma_semaphore, #tpu.memory_space<semaphore_mem>>)
    %dma_wait3A_794 = arith.constant 13 : i32
    %dma_wait3A_795 = arith.constant 0 : i32
    %dma_wait3A_796 = tpu.memref_slice %arg6[%dma_wait3A_794, %dma_wait3A_795] : memref<16x128xi32, #tpu.memory_space<vmem>> -> memref<1x128xi32, #tpu.memory_space<vmem>>
    %dma_wait3A_797 = tpu.memref_squeeze %dma_wait3A_796 : memref<1x128xi32, #tpu.memory_space<vmem>> -> memref<128xi32, #tpu.memory_space<vmem>>
    %dma_wait3A_798 = arith.constant 0 : i32
    %dma_wait3A_799 = arith.constant 0 : i32
    %dma_wait3A_800 = tpu.memref_slice %arg2[%dma_wait3A_798, %dma_wait3A_799] : memref<4096x144xf32, #tpu.memory_space<hbm>> -> memref<4096x144xf32, #tpu.memory_space<hbm>>
    tpu.wait_indirect_dma semaphore(%arg10 : memref<!tpu.dma_semaphore, #tpu.memory_space<semaphore_mem>>) src(%dma_wait3A_800 : memref<4096x144xf32, #tpu.memory_space<hbm>>) dst(%arg8 : memref<128x144xf32, #tpu.memory_space<vmem>>)
    %add3A_801 = arith.constant 14 : i32
    %add3A_802 = arith.addi %mul3A_2, %add3A_801 : i32
    %sub3A_803 = arith.constant 1 : i32
    %sub3A_804 = arith.subi %add3A_802, %sub3A_803 : i32
    %mul3A_805 = arith.constant 128 : i32
    %mul3A_806 = arith.muli %sub3A_804, %mul3A_805 : i32
    %dma_start3A_807 = arith.constant 0 : i32
    %dma_start3A_808 = arith.constant 0 : i32
    %dma_start3A_809 = tpu.memref_slice %arg8[%dma_start3A_807, %dma_start3A_808] : memref<128x144xf32, #tpu.memory_space<vmem>> -> memref<128x128xf32, #tpu.memory_space<vmem>>
    %dma_start3A_810 = arith.constant 0 : i32
    %dma_start3A_811 = tpu.memref_slice %arg4[%mul3A_806, %dma_start3A_810] : memref<65536x128xf32, #tpu.memory_space<hbm>> -> memref<128x128xf32, #tpu.memory_space<hbm>>
    %dma_start3A_812 = arith.constant 0 : i32
    %dma_start3A_813 = tpu.memref_slice %arg4[%mul3A_806, %dma_start3A_812] : memref<65536x128xf32, #tpu.memory_space<hbm>> -> memref<128x128xf32, #tpu.memory_space<hbm>>
    %dma_start3A_814 = arith.constant 0 : i32
    %dma_start3A_815 = arith.constant 0 : i32
    %dma_start3A_816 = tpu.memref_slice %arg8[%dma_start3A_814, %dma_start3A_815] : memref<128x144xf32, #tpu.memory_space<vmem>> -> memref<128x128xf32, #tpu.memory_space<vmem>>
    tpu.enqueue_dma source(%dma_start3A_816 : memref<128x128xf32, #tpu.memory_space<vmem>>) target(%dma_start3A_813 : memref<128x128xf32, #tpu.memory_space<hbm>>) target_semaphore(%arg12 : memref<!tpu.dma_semaphore, #tpu.memory_space<semaphore_mem>>)
    %dma_start3A_817 = arith.constant 0 : i32
    %dma_start3A_818 = arith.constant 128 : i32
    %dma_start3A_819 = tpu.memref_slice %arg8[%dma_start3A_817, %dma_start3A_818] : memref<128x144xf32, #tpu.memory_space<vmem>> -> memref<128x16xf32, #tpu.memory_space<vmem>>
    %dma_start3A_820 = arith.constant 0 : i32
    %dma_start3A_821 = tpu.memref_slice %arg5[%mul3A_806, %dma_start3A_820] : memref<65536x16xf32, #tpu.memory_space<hbm>> -> memref<128x16xf32, #tpu.memory_space<hbm>>
    %dma_start3A_822 = arith.constant 0 : i32
    %dma_start3A_823 = tpu.memref_slice %arg5[%mul3A_806, %dma_start3A_822] : memref<65536x16xf32, #tpu.memory_space<hbm>> -> memref<128x16xf32, #tpu.memory_space<hbm>>
    %dma_start3A_824 = arith.constant 0 : i32
    %dma_start3A_825 = arith.constant 128 : i32
    %dma_start3A_826 = tpu.memref_slice %arg8[%dma_start3A_824, %dma_start3A_825] : memref<128x144xf32, #tpu.memory_space<vmem>> -> memref<128x16xf32, #tpu.memory_space<vmem>>
    tpu.enqueue_dma source(%dma_start3A_826 : memref<128x16xf32, #tpu.memory_space<vmem>>) target(%dma_start3A_823 : memref<128x16xf32, #tpu.memory_space<hbm>>) target_semaphore(%arg12 : memref<!tpu.dma_semaphore, #tpu.memory_space<semaphore_mem>>)
    %dma_wait3A_827 = arith.constant 0 : i32
    %dma_wait3A_828 = arith.constant 0 : i32
    %dma_wait3A_829 = tpu.memref_slice %arg8[%dma_wait3A_827, %dma_wait3A_828] : memref<128x144xf32, #tpu.memory_space<vmem>> -> memref<128x128xf32, #tpu.memory_space<vmem>>
    %dma_wait3A_830 = arith.constant 0 : i32
    %dma_wait3A_831 = tpu.memref_slice %arg4[%mul3A_806, %dma_wait3A_830] : memref<65536x128xf32, #tpu.memory_space<hbm>> -> memref<128x128xf32, #tpu.memory_space<hbm>>
    %dma_wait3A_832 = arith.constant 0 : i32
    %dma_wait3A_833 = tpu.memref_slice %arg4[%mul3A_806, %dma_wait3A_832] : memref<65536x128xf32, #tpu.memory_space<hbm>> -> memref<128x128xf32, #tpu.memory_space<hbm>>
    %dma_wait3A_834 = arith.constant 0 : i32
    %dma_wait3A_835 = arith.constant 0 : i32
    %dma_wait3A_836 = tpu.memref_slice %arg8[%dma_wait3A_834, %dma_wait3A_835] : memref<128x144xf32, #tpu.memory_space<vmem>> -> memref<128x128xf32, #tpu.memory_space<vmem>>
    tpu.wait_dma2 semaphore(%arg12 : memref<!tpu.dma_semaphore, #tpu.memory_space<semaphore_mem>>) src(%dma_wait3A_836 : memref<128x128xf32, #tpu.memory_space<vmem>>) dst(%dma_wait3A_833 : memref<128x128xf32, #tpu.memory_space<hbm>>)
    %dma_wait3A_837 = arith.constant 0 : i32
    %dma_wait3A_838 = arith.constant 128 : i32
    %dma_wait3A_839 = tpu.memref_slice %arg8[%dma_wait3A_837, %dma_wait3A_838] : memref<128x144xf32, #tpu.memory_space<vmem>> -> memref<128x16xf32, #tpu.memory_space<vmem>>
    %dma_wait3A_840 = arith.constant 0 : i32
    %dma_wait3A_841 = tpu.memref_slice %arg5[%mul3A_806, %dma_wait3A_840] : memref<65536x16xf32, #tpu.memory_space<hbm>> -> memref<128x16xf32, #tpu.memory_space<hbm>>
    %dma_wait3A_842 = arith.constant 0 : i32
    %dma_wait3A_843 = tpu.memref_slice %arg5[%mul3A_806, %dma_wait3A_842] : memref<65536x16xf32, #tpu.memory_space<hbm>> -> memref<128x16xf32, #tpu.memory_space<hbm>>
    %dma_wait3A_844 = arith.constant 0 : i32
    %dma_wait3A_845 = arith.constant 128 : i32
    %dma_wait3A_846 = tpu.memref_slice %arg8[%dma_wait3A_844, %dma_wait3A_845] : memref<128x144xf32, #tpu.memory_space<vmem>> -> memref<128x16xf32, #tpu.memory_space<vmem>>
    tpu.wait_dma2 semaphore(%arg12 : memref<!tpu.dma_semaphore, #tpu.memory_space<semaphore_mem>>) src(%dma_wait3A_846 : memref<128x16xf32, #tpu.memory_space<vmem>>) dst(%dma_wait3A_843 : memref<128x16xf32, #tpu.memory_space<hbm>>)
    %dma_start3A_847 = arith.constant 15 : i32
    %dma_start3A_848 = arith.constant 0 : i32
    %dma_start3A_849 = tpu.memref_slice %arg6[%dma_start3A_847, %dma_start3A_848] : memref<16x128xi32, #tpu.memory_space<vmem>> -> memref<1x128xi32, #tpu.memory_space<vmem>>
    %dma_start3A_850 = tpu.memref_squeeze %dma_start3A_849 : memref<1x128xi32, #tpu.memory_space<vmem>> -> memref<128xi32, #tpu.memory_space<vmem>>
    %dma_start3A_851 = arith.constant 0 : i32
    %dma_start3A_852 = arith.constant 0 : i32
    %dma_start3A_853 = tpu.memref_slice %arg2[%dma_start3A_851, %dma_start3A_852] : memref<4096x144xf32, #tpu.memory_space<hbm>> -> memref<4096x144xf32, #tpu.memory_space<hbm>>
    tpu.enqueue_indirect_dma source(%dma_start3A_853 : memref<4096x144xf32, #tpu.memory_space<hbm>>) target(%arg8 : memref<128x144xf32, #tpu.memory_space<vmem>>) offsets(%dma_start3A_850 : memref<128xi32, #tpu.memory_space<vmem>>) semaphore(%arg10 : memref<!tpu.dma_semaphore, #tpu.memory_space<semaphore_mem>>)
    %dma_wait3A_854 = arith.constant 14 : i32
    %dma_wait3A_855 = arith.constant 0 : i32
    %dma_wait3A_856 = tpu.memref_slice %arg6[%dma_wait3A_854, %dma_wait3A_855] : memref<16x128xi32, #tpu.memory_space<vmem>> -> memref<1x128xi32, #tpu.memory_space<vmem>>
    %dma_wait3A_857 = tpu.memref_squeeze %dma_wait3A_856 : memref<1x128xi32, #tpu.memory_space<vmem>> -> memref<128xi32, #tpu.memory_space<vmem>>
    %dma_wait3A_858 = arith.constant 0 : i32
    %dma_wait3A_859 = arith.constant 0 : i32
    %dma_wait3A_860 = tpu.memref_slice %arg2[%dma_wait3A_858, %dma_wait3A_859] : memref<4096x144xf32, #tpu.memory_space<hbm>> -> memref<4096x144xf32, #tpu.memory_space<hbm>>
    tpu.wait_indirect_dma semaphore(%arg9 : memref<!tpu.dma_semaphore, #tpu.memory_space<semaphore_mem>>) src(%dma_wait3A_860 : memref<4096x144xf32, #tpu.memory_space<hbm>>) dst(%arg7 : memref<128x144xf32, #tpu.memory_space<vmem>>)
    %add3A_861 = arith.constant 15 : i32
    %add3A_862 = arith.addi %mul3A_2, %add3A_861 : i32
    %sub3A_863 = arith.constant 1 : i32
    %sub3A_864 = arith.subi %add3A_862, %sub3A_863 : i32
    %mul3A_865 = arith.constant 128 : i32
    %mul3A_866 = arith.muli %sub3A_864, %mul3A_865 : i32
    %dma_start3A_867 = arith.constant 0 : i32
    %dma_start3A_868 = arith.constant 0 : i32
    %dma_start3A_869 = tpu.memref_slice %arg7[%dma_start3A_867, %dma_start3A_868] : memref<128x144xf32, #tpu.memory_space<vmem>> -> memref<128x128xf32, #tpu.memory_space<vmem>>
    %dma_start3A_870 = arith.constant 0 : i32
    %dma_start3A_871 = tpu.memref_slice %arg4[%mul3A_866, %dma_start3A_870] : memref<65536x128xf32, #tpu.memory_space<hbm>> -> memref<128x128xf32, #tpu.memory_space<hbm>>
    %dma_start3A_872 = arith.constant 0 : i32
    %dma_start3A_873 = tpu.memref_slice %arg4[%mul3A_866, %dma_start3A_872] : memref<65536x128xf32, #tpu.memory_space<hbm>> -> memref<128x128xf32, #tpu.memory_space<hbm>>
    %dma_start3A_874 = arith.constant 0 : i32
    %dma_start3A_875 = arith.constant 0 : i32
    %dma_start3A_876 = tpu.memref_slice %arg7[%dma_start3A_874, %dma_start3A_875] : memref<128x144xf32, #tpu.memory_space<vmem>> -> memref<128x128xf32, #tpu.memory_space<vmem>>
    tpu.enqueue_dma source(%dma_start3A_876 : memref<128x128xf32, #tpu.memory_space<vmem>>) target(%dma_start3A_873 : memref<128x128xf32, #tpu.memory_space<hbm>>) target_semaphore(%arg11 : memref<!tpu.dma_semaphore, #tpu.memory_space<semaphore_mem>>)
    %dma_start3A_877 = arith.constant 0 : i32
    %dma_start3A_878 = arith.constant 128 : i32
    %dma_start3A_879 = tpu.memref_slice %arg7[%dma_start3A_877, %dma_start3A_878] : memref<128x144xf32, #tpu.memory_space<vmem>> -> memref<128x16xf32, #tpu.memory_space<vmem>>
    %dma_start3A_880 = arith.constant 0 : i32
    %dma_start3A_881 = tpu.memref_slice %arg5[%mul3A_866, %dma_start3A_880] : memref<65536x16xf32, #tpu.memory_space<hbm>> -> memref<128x16xf32, #tpu.memory_space<hbm>>
    %dma_start3A_882 = arith.constant 0 : i32
    %dma_start3A_883 = tpu.memref_slice %arg5[%mul3A_866, %dma_start3A_882] : memref<65536x16xf32, #tpu.memory_space<hbm>> -> memref<128x16xf32, #tpu.memory_space<hbm>>
    %dma_start3A_884 = arith.constant 0 : i32
    %dma_start3A_885 = arith.constant 128 : i32
    %dma_start3A_886 = tpu.memref_slice %arg7[%dma_start3A_884, %dma_start3A_885] : memref<128x144xf32, #tpu.memory_space<vmem>> -> memref<128x16xf32, #tpu.memory_space<vmem>>
    tpu.enqueue_dma source(%dma_start3A_886 : memref<128x16xf32, #tpu.memory_space<vmem>>) target(%dma_start3A_883 : memref<128x16xf32, #tpu.memory_space<hbm>>) target_semaphore(%arg11 : memref<!tpu.dma_semaphore, #tpu.memory_space<semaphore_mem>>)
    %dma_wait3A_887 = arith.constant 15 : i32
    %dma_wait3A_888 = arith.constant 0 : i32
    %dma_wait3A_889 = tpu.memref_slice %arg6[%dma_wait3A_887, %dma_wait3A_888] : memref<16x128xi32, #tpu.memory_space<vmem>> -> memref<1x128xi32, #tpu.memory_space<vmem>>
    %dma_wait3A_890 = tpu.memref_squeeze %dma_wait3A_889 : memref<1x128xi32, #tpu.memory_space<vmem>> -> memref<128xi32, #tpu.memory_space<vmem>>
    %dma_wait3A_891 = arith.constant 0 : i32
    %dma_wait3A_892 = arith.constant 0 : i32
    %dma_wait3A_893 = tpu.memref_slice %arg2[%dma_wait3A_891, %dma_wait3A_892] : memref<4096x144xf32, #tpu.memory_space<hbm>> -> memref<4096x144xf32, #tpu.memory_space<hbm>>
    tpu.wait_indirect_dma semaphore(%arg10 : memref<!tpu.dma_semaphore, #tpu.memory_space<semaphore_mem>>) src(%dma_wait3A_893 : memref<4096x144xf32, #tpu.memory_space<hbm>>) dst(%arg8 : memref<128x144xf32, #tpu.memory_space<vmem>>)
    %add3A_894 = arith.constant 15 : i32
    %add3A_895 = arith.addi %mul3A_2, %add3A_894 : i32
    %mul3A_896 = arith.constant 128 : i32
    %mul3A_897 = arith.muli %add3A_895, %mul3A_896 : i32
    %dma_start3A_898 = arith.constant 0 : i32
    %dma_start3A_899 = arith.constant 0 : i32
    %dma_start3A_900 = tpu.memref_slice %arg8[%dma_start3A_898, %dma_start3A_899] : memref<128x144xf32, #tpu.memory_space<vmem>> -> memref<128x128xf32, #tpu.memory_space<vmem>>
    %dma_start3A_901 = arith.constant 0 : i32
    %dma_start3A_902 = tpu.memref_slice %arg4[%mul3A_897, %dma_start3A_901] : memref<65536x128xf32, #tpu.memory_space<hbm>> -> memref<128x128xf32, #tpu.memory_space<hbm>>
    %dma_start3A_903 = arith.constant 0 : i32
    %dma_start3A_904 = tpu.memref_slice %arg4[%mul3A_897, %dma_start3A_903] : memref<65536x128xf32, #tpu.memory_space<hbm>> -> memref<128x128xf32, #tpu.memory_space<hbm>>
    %dma_start3A_905 = arith.constant 0 : i32
    %dma_start3A_906 = arith.constant 0 : i32
    %dma_start3A_907 = tpu.memref_slice %arg8[%dma_start3A_905, %dma_start3A_906] : memref<128x144xf32, #tpu.memory_space<vmem>> -> memref<128x128xf32, #tpu.memory_space<vmem>>
    tpu.enqueue_dma source(%dma_start3A_907 : memref<128x128xf32, #tpu.memory_space<vmem>>) target(%dma_start3A_904 : memref<128x128xf32, #tpu.memory_space<hbm>>) target_semaphore(%arg12 : memref<!tpu.dma_semaphore, #tpu.memory_space<semaphore_mem>>)
    %dma_start3A_908 = arith.constant 0 : i32
    %dma_start3A_909 = arith.constant 128 : i32
    %dma_start3A_910 = tpu.memref_slice %arg8[%dma_start3A_908, %dma_start3A_909] : memref<128x144xf32, #tpu.memory_space<vmem>> -> memref<128x16xf32, #tpu.memory_space<vmem>>
    %dma_start3A_911 = arith.constant 0 : i32
    %dma_start3A_912 = tpu.memref_slice %arg5[%mul3A_897, %dma_start3A_911] : memref<65536x16xf32, #tpu.memory_space<hbm>> -> memref<128x16xf32, #tpu.memory_space<hbm>>
    %dma_start3A_913 = arith.constant 0 : i32
    %dma_start3A_914 = tpu.memref_slice %arg5[%mul3A_897, %dma_start3A_913] : memref<65536x16xf32, #tpu.memory_space<hbm>> -> memref<128x16xf32, #tpu.memory_space<hbm>>
    %dma_start3A_915 = arith.constant 0 : i32
    %dma_start3A_916 = arith.constant 128 : i32
    %dma_start3A_917 = tpu.memref_slice %arg8[%dma_start3A_915, %dma_start3A_916] : memref<128x144xf32, #tpu.memory_space<vmem>> -> memref<128x16xf32, #tpu.memory_space<vmem>>
    tpu.enqueue_dma source(%dma_start3A_917 : memref<128x16xf32, #tpu.memory_space<vmem>>) target(%dma_start3A_914 : memref<128x16xf32, #tpu.memory_space<hbm>>) target_semaphore(%arg12 : memref<!tpu.dma_semaphore, #tpu.memory_space<semaphore_mem>>)
    %dma_wait3A_918 = arith.constant 0 : i32
    %dma_wait3A_919 = arith.constant 0 : i32
    %dma_wait3A_920 = tpu.memref_slice %arg7[%dma_wait3A_918, %dma_wait3A_919] : memref<128x144xf32, #tpu.memory_space<vmem>> -> memref<128x128xf32, #tpu.memory_space<vmem>>
    %dma_wait3A_921 = arith.constant 0 : i32
    %dma_wait3A_922 = tpu.memref_slice %arg4[%mul3A_866, %dma_wait3A_921] : memref<65536x128xf32, #tpu.memory_space<hbm>> -> memref<128x128xf32, #tpu.memory_space<hbm>>
    %dma_wait3A_923 = arith.constant 0 : i32
    %dma_wait3A_924 = tpu.memref_slice %arg4[%mul3A_866, %dma_wait3A_923] : memref<65536x128xf32, #tpu.memory_space<hbm>> -> memref<128x128xf32, #tpu.memory_space<hbm>>
    %dma_wait3A_925 = arith.constant 0 : i32
    %dma_wait3A_926 = arith.constant 0 : i32
    %dma_wait3A_927 = tpu.memref_slice %arg7[%dma_wait3A_925, %dma_wait3A_926] : memref<128x144xf32, #tpu.memory_space<vmem>> -> memref<128x128xf32, #tpu.memory_space<vmem>>
    tpu.wait_dma2 semaphore(%arg11 : memref<!tpu.dma_semaphore, #tpu.memory_space<semaphore_mem>>) src(%dma_wait3A_927 : memref<128x128xf32, #tpu.memory_space<vmem>>) dst(%dma_wait3A_924 : memref<128x128xf32, #tpu.memory_space<hbm>>)
    %dma_wait3A_928 = arith.constant 0 : i32
    %dma_wait3A_929 = arith.constant 128 : i32
    %dma_wait3A_930 = tpu.memref_slice %arg7[%dma_wait3A_928, %dma_wait3A_929] : memref<128x144xf32, #tpu.memory_space<vmem>> -> memref<128x16xf32, #tpu.memory_space<vmem>>
    %dma_wait3A_931 = arith.constant 0 : i32
    %dma_wait3A_932 = tpu.memref_slice %arg5[%mul3A_866, %dma_wait3A_931] : memref<65536x16xf32, #tpu.memory_space<hbm>> -> memref<128x16xf32, #tpu.memory_space<hbm>>
    %dma_wait3A_933 = arith.constant 0 : i32
    %dma_wait3A_934 = tpu.memref_slice %arg5[%mul3A_866, %dma_wait3A_933] : memref<65536x16xf32, #tpu.memory_space<hbm>> -> memref<128x16xf32, #tpu.memory_space<hbm>>
    %dma_wait3A_935 = arith.constant 0 : i32
    %dma_wait3A_936 = arith.constant 128 : i32
    %dma_wait3A_937 = tpu.memref_slice %arg7[%dma_wait3A_935, %dma_wait3A_936] : memref<128x144xf32, #tpu.memory_space<vmem>> -> memref<128x16xf32, #tpu.memory_space<vmem>>
    tpu.wait_dma2 semaphore(%arg11 : memref<!tpu.dma_semaphore, #tpu.memory_space<semaphore_mem>>) src(%dma_wait3A_937 : memref<128x16xf32, #tpu.memory_space<vmem>>) dst(%dma_wait3A_934 : memref<128x16xf32, #tpu.memory_space<hbm>>)
    %dma_wait3A_938 = arith.constant 0 : i32
    %dma_wait3A_939 = arith.constant 0 : i32
    %dma_wait3A_940 = tpu.memref_slice %arg8[%dma_wait3A_938, %dma_wait3A_939] : memref<128x144xf32, #tpu.memory_space<vmem>> -> memref<128x128xf32, #tpu.memory_space<vmem>>
    %dma_wait3A_941 = arith.constant 0 : i32
    %dma_wait3A_942 = tpu.memref_slice %arg4[%mul3A_897, %dma_wait3A_941] : memref<65536x128xf32, #tpu.memory_space<hbm>> -> memref<128x128xf32, #tpu.memory_space<hbm>>
    %dma_wait3A_943 = arith.constant 0 : i32
    %dma_wait3A_944 = tpu.memref_slice %arg4[%mul3A_897, %dma_wait3A_943] : memref<65536x128xf32, #tpu.memory_space<hbm>> -> memref<128x128xf32, #tpu.memory_space<hbm>>
    %dma_wait3A_945 = arith.constant 0 : i32
    %dma_wait3A_946 = arith.constant 0 : i32
    %dma_wait3A_947 = tpu.memref_slice %arg8[%dma_wait3A_945, %dma_wait3A_946] : memref<128x144xf32, #tpu.memory_space<vmem>> -> memref<128x128xf32, #tpu.memory_space<vmem>>
    tpu.wait_dma2 semaphore(%arg12 : memref<!tpu.dma_semaphore, #tpu.memory_space<semaphore_mem>>) src(%dma_wait3A_947 : memref<128x128xf32, #tpu.memory_space<vmem>>) dst(%dma_wait3A_944 : memref<128x128xf32, #tpu.memory_space<hbm>>)
    %dma_wait3A_948 = arith.constant 0 : i32
    %dma_wait3A_949 = arith.constant 128 : i32
    %dma_wait3A_950 = tpu.memref_slice %arg8[%dma_wait3A_948, %dma_wait3A_949] : memref<128x144xf32, #tpu.memory_space<vmem>> -> memref<128x16xf32, #tpu.memory_space<vmem>>
    %dma_wait3A_951 = arith.constant 0 : i32
    %dma_wait3A_952 = tpu.memref_slice %arg5[%mul3A_897, %dma_wait3A_951] : memref<65536x16xf32, #tpu.memory_space<hbm>> -> memref<128x16xf32, #tpu.memory_space<hbm>>
    %dma_wait3A_953 = arith.constant 0 : i32
    %dma_wait3A_954 = tpu.memref_slice %arg5[%mul3A_897, %dma_wait3A_953] : memref<65536x16xf32, #tpu.memory_space<hbm>> -> memref<128x16xf32, #tpu.memory_space<hbm>>
    %dma_wait3A_955 = arith.constant 0 : i32
    %dma_wait3A_956 = arith.constant 128 : i32
    %dma_wait3A_957 = tpu.memref_slice %arg8[%dma_wait3A_955, %dma_wait3A_956] : memref<128x144xf32, #tpu.memory_space<vmem>> -> memref<128x16xf32, #tpu.memory_space<vmem>>
    tpu.wait_dma2 semaphore(%arg12 : memref<!tpu.dma_semaphore, #tpu.memory_space<semaphore_mem>>) src(%dma_wait3A_957 : memref<128x16xf32, #tpu.memory_space<vmem>>) dst(%dma_wait3A_954 : memref<128x16xf32, #tpu.memory_space<hbm>>)
    return
  }
}

module attributes {stable_mosaic.version = 14 : i64} {
  func.func @_topk_body(%arg0: i32, %arg1: memref<4096x3xf32, #tpu.memory_space<vmem>>, %arg2: memref<8x256xf32, #tpu.memory_space<vmem>>, %arg3: memref<256x128xf32, #tpu.memory_space<vmem>>, %arg4: memref<256x3xf32, #tpu.memory_space<vmem>>, %arg5: memref<16x256xi32, #tpu.memory_space<vmem>>, %arg6: memref<256x144xf32, #tpu.memory_space<vmem>>) attributes {dimension_semantics = [#tpu.dimension_semantics<arbitrary>], iteration_bounds = array<i64: 16>, scalar_prefetch = 0 : i64, scratch_operands = 0 : i64, tpu.core_type = #tpu.core_type<tc>, window_params = [{pipeline_mode = #tpu.pipeline_mode<synchronous>, transform_indices = @transform_0, window_bounds = array<i64: 4096, 3>}, {transform_indices = @transform_1, window_bounds = array<i64: 8, 256>}, {transform_indices = @transform_2, window_bounds = array<i64: 256, 128>}, {transform_indices = @transform_3, window_bounds = array<i64: 256, 3>}, {transform_indices = @transform_4, window_bounds = array<i64: 16, 256>}, {transform_indices = @transform_5, window_bounds = array<i64: 256, 144>}]} {
    %get3A = arith.constant 0 : index
    %get3A_0 = arith.constant 0 : index
    %get3A_1 = vector.load %arg1[%get3A, %get3A_0] : memref<4096x3xf32, #tpu.memory_space<vmem>>, vector<4096x3xf32>
    %get3A_2 = arith.constant 0 : index
    %get3A_3 = arith.constant 0 : index
    %get3A_4 = vector.load %arg2[%get3A_2, %get3A_3] : memref<8x256xf32, #tpu.memory_space<vmem>>, vector<8x256xf32>
    %get3A_5 = arith.constant 0 : index
    %get3A_6 = arith.constant 0 : index
    %get3A_7 = vector.load %arg3[%get3A_5, %get3A_6] : memref<256x128xf32, #tpu.memory_space<vmem>>, vector<256x128xf32>
    %get3A_8 = arith.constant 0 : index
    %get3A_9 = arith.constant 0 : index
    %get3A_10 = vector.load %arg4[%get3A_8, %get3A_9] : memref<256x3xf32, #tpu.memory_space<vmem>>, vector<256x3xf32>
    %broadcast_in_dim3A = arith.constant 0.000000e+00 : f32
    %broadcast_in_dim3A_11 = vector.broadcast %broadcast_in_dim3A : f32 to vector<256x13xf32>
    %concatenate3A = tpu.concatenate %get3A_7, %get3A_10, %broadcast_in_dim3A_11 in 1 : vector<256x128xf32>, vector<256x3xf32>, vector<256x13xf32> -> vector<256x144xf32>
    %swap3A = arith.constant 0 : index
    %swap3A_12 = arith.constant 0 : index
    %swap3A_13 = vector.load %arg6[%swap3A, %swap3A_12] : memref<256x144xf32, #tpu.memory_space<vmem>>, vector<256x144xf32>
    tpu.vector_store %arg6[%swap3A, %swap3A_12], %concatenate3A {strides = array<i32>} : memref<256x144xf32, #tpu.memory_space<vmem>>, vector<256x144xf32>,
    %slice3A = vector.extract_strided_slice %get3A_1 {offsets = [0, 0], sizes = [4096, 1], strides = [1, 1]} : vector<4096x3xf32> to vector<4096x1xf32>
    %slice3A_14 = vector.extract_strided_slice %get3A_4 {offsets = [0, 0], sizes = [1, 256], strides = [1, 1]} : vector<8x256xf32> to vector<1x256xf32>
    %sub3A = vector.broadcast %slice3A : vector<4096x1xf32> to vector<4096x256xf32>
    %sub3A_15 = vector.broadcast %slice3A_14 : vector<1x256xf32> to vector<4096x256xf32>
    %sub3A_16 = arith.subf %sub3A, %sub3A_15 : vector<4096x256xf32>
    %slice3A_17 = vector.extract_strided_slice %get3A_1 {offsets = [0, 1], sizes = [4096, 1], strides = [1, 1]} : vector<4096x3xf32> to vector<4096x1xf32>
    %slice3A_18 = vector.extract_strided_slice %get3A_4 {offsets = [1, 0], sizes = [1, 256], strides = [1, 1]} : vector<8x256xf32> to vector<1x256xf32>
    %sub3A_19 = vector.broadcast %slice3A_17 : vector<4096x1xf32> to vector<4096x256xf32>
    %sub3A_20 = vector.broadcast %slice3A_18 : vector<1x256xf32> to vector<4096x256xf32>
    %sub3A_21 = arith.subf %sub3A_19, %sub3A_20 : vector<4096x256xf32>
    %slice3A_22 = vector.extract_strided_slice %get3A_1 {offsets = [0, 2], sizes = [4096, 1], strides = [1, 1]} : vector<4096x3xf32> to vector<4096x1xf32>
    %slice3A_23 = vector.extract_strided_slice %get3A_4 {offsets = [2, 0], sizes = [1, 256], strides = [1, 1]} : vector<8x256xf32> to vector<1x256xf32>
    %sub3A_24 = vector.broadcast %slice3A_22 : vector<4096x1xf32> to vector<4096x256xf32>
    %sub3A_25 = vector.broadcast %slice3A_23 : vector<1x256xf32> to vector<4096x256xf32>
    %sub3A_26 = arith.subf %sub3A_24, %sub3A_25 : vector<4096x256xf32>
    %mul3A = arith.mulf %sub3A_16, %sub3A_16 : vector<4096x256xf32>
    %mul3A_27 = arith.mulf %sub3A_21, %sub3A_21 : vector<4096x256xf32>
    %add3A = arith.addf %mul3A, %mul3A_27 : vector<4096x256xf32>
    %mul3A_28 = arith.mulf %sub3A_26, %sub3A_26 : vector<4096x256xf32>
    %add3A_29 = arith.addf %add3A, %mul3A_28 : vector<4096x256xf32>
    %iota3A = tpu.iota {dimensions = array<i32: 0>} : vector<4096x256xi32>
    %convert_element_type3A = arith.sitofp %iota3A : vector<4096x256xi32> to vector<4096x256xf32>
    %iota3A_30 = tpu.iota {dimensions = array<i32: 1>} : vector<1x256xi32>
    %convert_element_type3A_31 = arith.sitofp %iota3A_30 : vector<1x256xi32> to vector<1x256xf32>
    %convert_element_type3A_32 = arith.sitofp %arg0 : i32 to f32
    %mul3A_33 = arith.constant 2.560000e+02 : f32
    %mul3A_34 = arith.mulf %mul3A_33, %convert_element_type3A_32 : f32
    %add3A_35 = vector.broadcast %mul3A_34 : f32 to vector<1x256xf32>
    %add3A_36 = arith.addf %convert_element_type3A_31, %add3A_35 : vector<1x256xf32>
    %eq3A = vector.broadcast %add3A_36 : vector<1x256xf32> to vector<4096x256xf32>
    %eq3A_37 = arith.cmpf oeq, %convert_element_type3A, %eq3A : vector<4096x256xf32>
    %jit3A = arith.constant 1.000000e+30 : f32
    %broadcast_in_dim3A_38 = vector.broadcast %jit3A : f32 to vector<4096x256xf32>
    %select_n3A = arith.select %eq3A_37, %broadcast_in_dim3A_38, %add3A_29 : vector<4096x256xi1>, vector<4096x256xf32>
    %slice3A_39 = vector.extract_strided_slice %select_n3A {offsets = [0, 0], sizes = [128, 256], strides = [1, 1]} : vector<4096x256xf32> to vector<128x256xf32>
    %slice3A_40 = vector.extract_strided_slice %convert_element_type3A {offsets = [0, 0], sizes = [128, 256], strides = [1, 1]} : vector<4096x256xf32> to vector<128x256xf32>
    %reduce_min3A = arith.constant dense<0x7F800000> : vector<256xf32>
    %reduce_min3A_41 = vector.multi_reduction <minimumf>, %slice3A_39, %reduce_min3A [0] : vector<128x256xf32> to vector<256xf32>
    %broadcast_in_dim3A_42 = vector.shape_cast %reduce_min3A_41 : vector<256xf32> to vector<1x256xf32>
    %le3A = vector.broadcast %broadcast_in_dim3A_42 : vector<1x256xf32> to vector<128x256xf32>
    %le3A_43 = arith.cmpf ole, %slice3A_39, %le3A : vector<128x256xf32>
    %jit3A_44 = arith.constant 4.096000e+03 : f32
    %broadcast_in_dim3A_45 = vector.broadcast %jit3A_44 : f32 to vector<128x256xf32>
    %select_n3A_46 = arith.select %le3A_43, %slice3A_40, %broadcast_in_dim3A_45 : vector<128x256xi1>, vector<128x256xf32>
    %reduce_min3A_47 = arith.constant dense<0x7F800000> : vector<256xf32>
    %reduce_min3A_48 = vector.multi_reduction <minimumf>, %select_n3A_46, %reduce_min3A_47 [0] : vector<128x256xf32> to vector<256xf32>
    %broadcast_in_dim3A_49 = vector.shape_cast %reduce_min3A_48 : vector<256xf32> to vector<1x256xf32>
    %eq3A_50 = vector.broadcast %broadcast_in_dim3A_49 : vector<1x256xf32> to vector<128x256xf32>
    %eq3A_51 = arith.cmpf oeq, %slice3A_40, %eq3A_50 : vector<128x256xf32>
    %jit3A_52 = arith.constant 1.000000e+30 : f32
    %broadcast_in_dim3A_53 = vector.broadcast %jit3A_52 : f32 to vector<128x256xf32>
    %select_n3A_54 = arith.select %eq3A_51, %broadcast_in_dim3A_53, %slice3A_39 : vector<128x256xi1>, vector<128x256xf32>
    %reduce_min3A_55 = arith.constant dense<0x7F800000> : vector<256xf32>
    %reduce_min3A_56 = vector.multi_reduction <minimumf>, %select_n3A_54, %reduce_min3A_55 [0] : vector<128x256xf32> to vector<256xf32>
    %broadcast_in_dim3A_57 = vector.shape_cast %reduce_min3A_56 : vector<256xf32> to vector<1x256xf32>
    %le3A_58 = vector.broadcast %broadcast_in_dim3A_57 : vector<1x256xf32> to vector<128x256xf32>
    %le3A_59 = arith.cmpf ole, %select_n3A_54, %le3A_58 : vector<128x256xf32>
    %jit3A_60 = arith.constant 4.096000e+03 : f32
    %broadcast_in_dim3A_61 = vector.broadcast %jit3A_60 : f32 to vector<128x256xf32>
    %select_n3A_62 = arith.select %le3A_59, %slice3A_40, %broadcast_in_dim3A_61 : vector<128x256xi1>, vector<128x256xf32>
    %reduce_min3A_63 = arith.constant dense<0x7F800000> : vector<256xf32>
    %reduce_min3A_64 = vector.multi_reduction <minimumf>, %select_n3A_62, %reduce_min3A_63 [0] : vector<128x256xf32> to vector<256xf32>
    %broadcast_in_dim3A_65 = vector.shape_cast %reduce_min3A_64 : vector<256xf32> to vector<1x256xf32>
    %eq3A_66 = vector.broadcast %broadcast_in_dim3A_65 : vector<1x256xf32> to vector<128x256xf32>
    %eq3A_67 = arith.cmpf oeq, %slice3A_40, %eq3A_66 : vector<128x256xf32>
    %jit3A_68 = arith.constant 1.000000e+30 : f32
    %broadcast_in_dim3A_69 = vector.broadcast %jit3A_68 : f32 to vector<128x256xf32>
    %select_n3A_70 = arith.select %eq3A_67, %broadcast_in_dim3A_69, %select_n3A_54 : vector<128x256xi1>, vector<128x256xf32>
    %reduce_min3A_71 = arith.constant dense<0x7F800000> : vector<256xf32>
    %reduce_min3A_72 = vector.multi_reduction <minimumf>, %select_n3A_70, %reduce_min3A_71 [0] : vector<128x256xf32> to vector<256xf32>
    %broadcast_in_dim3A_73 = vector.shape_cast %reduce_min3A_72 : vector<256xf32> to vector<1x256xf32>
    %le3A_74 = vector.broadcast %broadcast_in_dim3A_73 : vector<1x256xf32> to vector<128x256xf32>
    %le3A_75 = arith.cmpf ole, %select_n3A_70, %le3A_74 : vector<128x256xf32>
    %jit3A_76 = arith.constant 4.096000e+03 : f32
    %broadcast_in_dim3A_77 = vector.broadcast %jit3A_76 : f32 to vector<128x256xf32>
    %select_n3A_78 = arith.select %le3A_75, %slice3A_40, %broadcast_in_dim3A_77 : vector<128x256xi1>, vector<128x256xf32>
    %reduce_min3A_79 = arith.constant dense<0x7F800000> : vector<256xf32>
    %reduce_min3A_80 = vector.multi_reduction <minimumf>, %select_n3A_78, %reduce_min3A_79 [0] : vector<128x256xf32> to vector<256xf32>
    %broadcast_in_dim3A_81 = vector.shape_cast %reduce_min3A_80 : vector<256xf32> to vector<1x256xf32>
    %eq3A_82 = vector.broadcast %broadcast_in_dim3A_81 : vector<1x256xf32> to vector<128x256xf32>
    %eq3A_83 = arith.cmpf oeq, %slice3A_40, %eq3A_82 : vector<128x256xf32>
    %jit3A_84 = arith.constant 1.000000e+30 : f32
    %broadcast_in_dim3A_85 = vector.broadcast %jit3A_84 : f32 to vector<128x256xf32>
    %select_n3A_86 = arith.select %eq3A_83, %broadcast_in_dim3A_85, %select_n3A_70 : vector<128x256xi1>, vector<128x256xf32>
    %reduce_min3A_87 = arith.constant dense<0x7F800000> : vector<256xf32>
    %reduce_min3A_88 = vector.multi_reduction <minimumf>, %select_n3A_86, %reduce_min3A_87 [0] : vector<128x256xf32> to vector<256xf32>
    %broadcast_in_dim3A_89 = vector.shape_cast %reduce_min3A_88 : vector<256xf32> to vector<1x256xf32>
    %le3A_90 = vector.broadcast %broadcast_in_dim3A_89 : vector<1x256xf32> to vector<128x256xf32>
    %le3A_91 = arith.cmpf ole, %select_n3A_86, %le3A_90 : vector<128x256xf32>
    %jit3A_92 = arith.constant 4.096000e+03 : f32
    %broadcast_in_dim3A_93 = vector.broadcast %jit3A_92 : f32 to vector<128x256xf32>
    %select_n3A_94 = arith.select %le3A_91, %slice3A_40, %broadcast_in_dim3A_93 : vector<128x256xi1>, vector<128x256xf32>
    %reduce_min3A_95 = arith.constant dense<0x7F800000> : vector<256xf32>
    %reduce_min3A_96 = vector.multi_reduction <minimumf>, %select_n3A_94, %reduce_min3A_95 [0] : vector<128x256xf32> to vector<256xf32>
    %broadcast_in_dim3A_97 = vector.shape_cast %reduce_min3A_96 : vector<256xf32> to vector<1x256xf32>
    %eq3A_98 = vector.broadcast %broadcast_in_dim3A_97 : vector<1x256xf32> to vector<128x256xf32>
    %eq3A_99 = arith.cmpf oeq, %slice3A_40, %eq3A_98 : vector<128x256xf32>
    %jit3A_100 = arith.constant 1.000000e+30 : f32
    %broadcast_in_dim3A_101 = vector.broadcast %jit3A_100 : f32 to vector<128x256xf32>
    %select_n3A_102 = arith.select %eq3A_99, %broadcast_in_dim3A_101, %select_n3A_86 : vector<128x256xi1>, vector<128x256xf32>
    %reduce_min3A_103 = arith.constant dense<0x7F800000> : vector<256xf32>
    %reduce_min3A_104 = vector.multi_reduction <minimumf>, %select_n3A_102, %reduce_min3A_103 [0] : vector<128x256xf32> to vector<256xf32>
    %broadcast_in_dim3A_105 = vector.shape_cast %reduce_min3A_104 : vector<256xf32> to vector<1x256xf32>
    %le3A_106 = vector.broadcast %broadcast_in_dim3A_105 : vector<1x256xf32> to vector<128x256xf32>
    %le3A_107 = arith.cmpf ole, %select_n3A_102, %le3A_106 : vector<128x256xf32>
    %jit3A_108 = arith.constant 4.096000e+03 : f32
    %broadcast_in_dim3A_109 = vector.broadcast %jit3A_108 : f32 to vector<128x256xf32>
    %select_n3A_110 = arith.select %le3A_107, %slice3A_40, %broadcast_in_dim3A_109 : vector<128x256xi1>, vector<128x256xf32>
    %reduce_min3A_111 = arith.constant dense<0x7F800000> : vector<256xf32>
    %reduce_min3A_112 = vector.multi_reduction <minimumf>, %select_n3A_110, %reduce_min3A_111 [0] : vector<128x256xf32> to vector<256xf32>
    %broadcast_in_dim3A_113 = vector.shape_cast %reduce_min3A_112 : vector<256xf32> to vector<1x256xf32>
    %eq3A_114 = vector.broadcast %broadcast_in_dim3A_113 : vector<1x256xf32> to vector<128x256xf32>
    %eq3A_115 = arith.cmpf oeq, %slice3A_40, %eq3A_114 : vector<128x256xf32>
    %jit3A_116 = arith.constant 1.000000e+30 : f32
    %broadcast_in_dim3A_117 = vector.broadcast %jit3A_116 : f32 to vector<128x256xf32>
    %select_n3A_118 = arith.select %eq3A_115, %broadcast_in_dim3A_117, %select_n3A_102 : vector<128x256xi1>, vector<128x256xf32>
    %reduce_min3A_119 = arith.constant dense<0x7F800000> : vector<256xf32>
    %reduce_min3A_120 = vector.multi_reduction <minimumf>, %select_n3A_118, %reduce_min3A_119 [0] : vector<128x256xf32> to vector<256xf32>
    %broadcast_in_dim3A_121 = vector.shape_cast %reduce_min3A_120 : vector<256xf32> to vector<1x256xf32>
    %le3A_122 = vector.broadcast %broadcast_in_dim3A_121 : vector<1x256xf32> to vector<128x256xf32>
    %le3A_123 = arith.cmpf ole, %select_n3A_118, %le3A_122 : vector<128x256xf32>
    %jit3A_124 = arith.constant 4.096000e+03 : f32
    %broadcast_in_dim3A_125 = vector.broadcast %jit3A_124 : f32 to vector<128x256xf32>
    %select_n3A_126 = arith.select %le3A_123, %slice3A_40, %broadcast_in_dim3A_125 : vector<128x256xi1>, vector<128x256xf32>
    %reduce_min3A_127 = arith.constant dense<0x7F800000> : vector<256xf32>
    %reduce_min3A_128 = vector.multi_reduction <minimumf>, %select_n3A_126, %reduce_min3A_127 [0] : vector<128x256xf32> to vector<256xf32>
    %broadcast_in_dim3A_129 = vector.shape_cast %reduce_min3A_128 : vector<256xf32> to vector<1x256xf32>
    %slice3A_130 = vector.extract_strided_slice %select_n3A {offsets = [128, 0], sizes = [128, 256], strides = [1, 1]} : vector<4096x256xf32> to vector<128x256xf32>
    %slice3A_131 = vector.extract_strided_slice %convert_element_type3A {offsets = [128, 0], sizes = [128, 256], strides = [1, 1]} : vector<4096x256xf32> to vector<128x256xf32>
    %reduce_min3A_132 = arith.constant dense<0x7F800000> : vector<256xf32>
    %reduce_min3A_133 = vector.multi_reduction <minimumf>, %slice3A_130, %reduce_min3A_132 [0] : vector<128x256xf32> to vector<256xf32>
    %broadcast_in_dim3A_134 = vector.shape_cast %reduce_min3A_133 : vector<256xf32> to vector<1x256xf32>
    %le3A_135 = vector.broadcast %broadcast_in_dim3A_134 : vector<1x256xf32> to vector<128x256xf32>
    %le3A_136 = arith.cmpf ole, %slice3A_130, %le3A_135 : vector<128x256xf32>
    %jit3A_137 = arith.constant 4.096000e+03 : f32
    %broadcast_in_dim3A_138 = vector.broadcast %jit3A_137 : f32 to vector<128x256xf32>
    %select_n3A_139 = arith.select %le3A_136, %slice3A_131, %broadcast_in_dim3A_138 : vector<128x256xi1>, vector<128x256xf32>
    %reduce_min3A_140 = arith.constant dense<0x7F800000> : vector<256xf32>
    %reduce_min3A_141 = vector.multi_reduction <minimumf>, %select_n3A_139, %reduce_min3A_140 [0] : vector<128x256xf32> to vector<256xf32>
    %broadcast_in_dim3A_142 = vector.shape_cast %reduce_min3A_141 : vector<256xf32> to vector<1x256xf32>
    %eq3A_143 = vector.broadcast %broadcast_in_dim3A_142 : vector<1x256xf32> to vector<128x256xf32>
    %eq3A_144 = arith.cmpf oeq, %slice3A_131, %eq3A_143 : vector<128x256xf32>
    %jit3A_145 = arith.constant 1.000000e+30 : f32
    %broadcast_in_dim3A_146 = vector.broadcast %jit3A_145 : f32 to vector<128x256xf32>
    %select_n3A_147 = arith.select %eq3A_144, %broadcast_in_dim3A_146, %slice3A_130 : vector<128x256xi1>, vector<128x256xf32>
    %reduce_min3A_148 = arith.constant dense<0x7F800000> : vector<256xf32>
    %reduce_min3A_149 = vector.multi_reduction <minimumf>, %select_n3A_147, %reduce_min3A_148 [0] : vector<128x256xf32> to vector<256xf32>
    %broadcast_in_dim3A_150 = vector.shape_cast %reduce_min3A_149 : vector<256xf32> to vector<1x256xf32>
    %le3A_151 = vector.broadcast %broadcast_in_dim3A_150 : vector<1x256xf32> to vector<128x256xf32>
    %le3A_152 = arith.cmpf ole, %select_n3A_147, %le3A_151 : vector<128x256xf32>
    %jit3A_153 = arith.constant 4.096000e+03 : f32
    %broadcast_in_dim3A_154 = vector.broadcast %jit3A_153 : f32 to vector<128x256xf32>
    %select_n3A_155 = arith.select %le3A_152, %slice3A_131, %broadcast_in_dim3A_154 : vector<128x256xi1>, vector<128x256xf32>
    %reduce_min3A_156 = arith.constant dense<0x7F800000> : vector<256xf32>
    %reduce_min3A_157 = vector.multi_reduction <minimumf>, %select_n3A_155, %reduce_min3A_156 [0] : vector<128x256xf32> to vector<256xf32>
    %broadcast_in_dim3A_158 = vector.shape_cast %reduce_min3A_157 : vector<256xf32> to vector<1x256xf32>
    %eq3A_159 = vector.broadcast %broadcast_in_dim3A_158 : vector<1x256xf32> to vector<128x256xf32>
    %eq3A_160 = arith.cmpf oeq, %slice3A_131, %eq3A_159 : vector<128x256xf32>
    %jit3A_161 = arith.constant 1.000000e+30 : f32
    %broadcast_in_dim3A_162 = vector.broadcast %jit3A_161 : f32 to vector<128x256xf32>
    %select_n3A_163 = arith.select %eq3A_160, %broadcast_in_dim3A_162, %select_n3A_147 : vector<128x256xi1>, vector<128x256xf32>
    %reduce_min3A_164 = arith.constant dense<0x7F800000> : vector<256xf32>
    %reduce_min3A_165 = vector.multi_reduction <minimumf>, %select_n3A_163, %reduce_min3A_164 [0] : vector<128x256xf32> to vector<256xf32>
    %broadcast_in_dim3A_166 = vector.shape_cast %reduce_min3A_165 : vector<256xf32> to vector<1x256xf32>
    %le3A_167 = vector.broadcast %broadcast_in_dim3A_166 : vector<1x256xf32> to vector<128x256xf32>
    %le3A_168 = arith.cmpf ole, %select_n3A_163, %le3A_167 : vector<128x256xf32>
    %jit3A_169 = arith.constant 4.096000e+03 : f32
    %broadcast_in_dim3A_170 = vector.broadcast %jit3A_169 : f32 to vector<128x256xf32>
    %select_n3A_171 = arith.select %le3A_168, %slice3A_131, %broadcast_in_dim3A_170 : vector<128x256xi1>, vector<128x256xf32>
    %reduce_min3A_172 = arith.constant dense<0x7F800000> : vector<256xf32>
    %reduce_min3A_173 = vector.multi_reduction <minimumf>, %select_n3A_171, %reduce_min3A_172 [0] : vector<128x256xf32> to vector<256xf32>
    %broadcast_in_dim3A_174 = vector.shape_cast %reduce_min3A_173 : vector<256xf32> to vector<1x256xf32>
    %eq3A_175 = vector.broadcast %broadcast_in_dim3A_174 : vector<1x256xf32> to vector<128x256xf32>
    %eq3A_176 = arith.cmpf oeq, %slice3A_131, %eq3A_175 : vector<128x256xf32>
    %jit3A_177 = arith.constant 1.000000e+30 : f32
    %broadcast_in_dim3A_178 = vector.broadcast %jit3A_177 : f32 to vector<128x256xf32>
    %select_n3A_179 = arith.select %eq3A_176, %broadcast_in_dim3A_178, %select_n3A_163 : vector<128x256xi1>, vector<128x256xf32>
    %reduce_min3A_180 = arith.constant dense<0x7F800000> : vector<256xf32>
    %reduce_min3A_181 = vector.multi_reduction <minimumf>, %select_n3A_179, %reduce_min3A_180 [0] : vector<128x256xf32> to vector<256xf32>
    %broadcast_in_dim3A_182 = vector.shape_cast %reduce_min3A_181 : vector<256xf32> to vector<1x256xf32>
    %le3A_183 = vector.broadcast %broadcast_in_dim3A_182 : vector<1x256xf32> to vector<128x256xf32>
    %le3A_184 = arith.cmpf ole, %select_n3A_179, %le3A_183 : vector<128x256xf32>
    %jit3A_185 = arith.constant 4.096000e+03 : f32
    %broadcast_in_dim3A_186 = vector.broadcast %jit3A_185 : f32 to vector<128x256xf32>
    %select_n3A_187 = arith.select %le3A_184, %slice3A_131, %broadcast_in_dim3A_186 : vector<128x256xi1>, vector<128x256xf32>
    %reduce_min3A_188 = arith.constant dense<0x7F800000> : vector<256xf32>
    %reduce_min3A_189 = vector.multi_reduction <minimumf>, %select_n3A_187, %reduce_min3A_188 [0] : vector<128x256xf32> to vector<256xf32>
    %broadcast_in_dim3A_190 = vector.shape_cast %reduce_min3A_189 : vector<256xf32> to vector<1x256xf32>
    %eq3A_191 = vector.broadcast %broadcast_in_dim3A_190 : vector<1x256xf32> to vector<128x256xf32>
    %eq3A_192 = arith.cmpf oeq, %slice3A_131, %eq3A_191 : vector<128x256xf32>
    %jit3A_193 = arith.constant 1.000000e+30 : f32
    %broadcast_in_dim3A_194 = vector.broadcast %jit3A_193 : f32 to vector<128x256xf32>
    %select_n3A_195 = arith.select %eq3A_192, %broadcast_in_dim3A_194, %select_n3A_179 : vector<128x256xi1>, vector<128x256xf32>
    %reduce_min3A_196 = arith.constant dense<0x7F800000> : vector<256xf32>
    %reduce_min3A_197 = vector.multi_reduction <minimumf>, %select_n3A_195, %reduce_min3A_196 [0] : vector<128x256xf32> to vector<256xf32>
    %broadcast_in_dim3A_198 = vector.shape_cast %reduce_min3A_197 : vector<256xf32> to vector<1x256xf32>
    %le3A_199 = vector.broadcast %broadcast_in_dim3A_198 : vector<1x256xf32> to vector<128x256xf32>
    %le3A_200 = arith.cmpf ole, %select_n3A_195, %le3A_199 : vector<128x256xf32>
    %jit3A_201 = arith.constant 4.096000e+03 : f32
    %broadcast_in_dim3A_202 = vector.broadcast %jit3A_201 : f32 to vector<128x256xf32>
    %select_n3A_203 = arith.select %le3A_200, %slice3A_131, %broadcast_in_dim3A_202 : vector<128x256xi1>, vector<128x256xf32>
    %reduce_min3A_204 = arith.constant dense<0x7F800000> : vector<256xf32>
    %reduce_min3A_205 = vector.multi_reduction <minimumf>, %select_n3A_203, %reduce_min3A_204 [0] : vector<128x256xf32> to vector<256xf32>
    %broadcast_in_dim3A_206 = vector.shape_cast %reduce_min3A_205 : vector<256xf32> to vector<1x256xf32>
    %eq3A_207 = vector.broadcast %broadcast_in_dim3A_206 : vector<1x256xf32> to vector<128x256xf32>
    %eq3A_208 = arith.cmpf oeq, %slice3A_131, %eq3A_207 : vector<128x256xf32>
    %jit3A_209 = arith.constant 1.000000e+30 : f32
    %broadcast_in_dim3A_210 = vector.broadcast %jit3A_209 : f32 to vector<128x256xf32>
    %select_n3A_211 = arith.select %eq3A_208, %broadcast_in_dim3A_210, %select_n3A_195 : vector<128x256xi1>, vector<128x256xf32>
    %reduce_min3A_212 = arith.constant dense<0x7F800000> : vector<256xf32>
    %reduce_min3A_213 = vector.multi_reduction <minimumf>, %select_n3A_211, %reduce_min3A_212 [0] : vector<128x256xf32> to vector<256xf32>
    %broadcast_in_dim3A_214 = vector.shape_cast %reduce_min3A_213 : vector<256xf32> to vector<1x256xf32>
    %le3A_215 = vector.broadcast %broadcast_in_dim3A_214 : vector<1x256xf32> to vector<128x256xf32>
    %le3A_216 = arith.cmpf ole, %select_n3A_211, %le3A_215 : vector<128x256xf32>
    %jit3A_217 = arith.constant 4.096000e+03 : f32
    %broadcast_in_dim3A_218 = vector.broadcast %jit3A_217 : f32 to vector<128x256xf32>
    %select_n3A_219 = arith.select %le3A_216, %slice3A_131, %broadcast_in_dim3A_218 : vector<128x256xi1>, vector<128x256xf32>
    %reduce_min3A_220 = arith.constant dense<0x7F800000> : vector<256xf32>
    %reduce_min3A_221 = vector.multi_reduction <minimumf>, %select_n3A_219, %reduce_min3A_220 [0] : vector<128x256xf32> to vector<256xf32>
    %broadcast_in_dim3A_222 = vector.shape_cast %reduce_min3A_221 : vector<256xf32> to vector<1x256xf32>
    %slice3A_223 = vector.extract_strided_slice %select_n3A {offsets = [256, 0], sizes = [128, 256], strides = [1, 1]} : vector<4096x256xf32> to vector<128x256xf32>
    %slice3A_224 = vector.extract_strided_slice %convert_element_type3A {offsets = [256, 0], sizes = [128, 256], strides = [1, 1]} : vector<4096x256xf32> to vector<128x256xf32>
    %reduce_min3A_225 = arith.constant dense<0x7F800000> : vector<256xf32>
    %reduce_min3A_226 = vector.multi_reduction <minimumf>, %slice3A_223, %reduce_min3A_225 [0] : vector<128x256xf32> to vector<256xf32>
    %broadcast_in_dim3A_227 = vector.shape_cast %reduce_min3A_226 : vector<256xf32> to vector<1x256xf32>
    %le3A_228 = vector.broadcast %broadcast_in_dim3A_227 : vector<1x256xf32> to vector<128x256xf32>
    %le3A_229 = arith.cmpf ole, %slice3A_223, %le3A_228 : vector<128x256xf32>
    %jit3A_230 = arith.constant 4.096000e+03 : f32
    %broadcast_in_dim3A_231 = vector.broadcast %jit3A_230 : f32 to vector<128x256xf32>
    %select_n3A_232 = arith.select %le3A_229, %slice3A_224, %broadcast_in_dim3A_231 : vector<128x256xi1>, vector<128x256xf32>
    %reduce_min3A_233 = arith.constant dense<0x7F800000> : vector<256xf32>
    %reduce_min3A_234 = vector.multi_reduction <minimumf>, %select_n3A_232, %reduce_min3A_233 [0] : vector<128x256xf32> to vector<256xf32>
    %broadcast_in_dim3A_235 = vector.shape_cast %reduce_min3A_234 : vector<256xf32> to vector<1x256xf32>
    %eq3A_236 = vector.broadcast %broadcast_in_dim3A_235 : vector<1x256xf32> to vector<128x256xf32>
    %eq3A_237 = arith.cmpf oeq, %slice3A_224, %eq3A_236 : vector<128x256xf32>
    %jit3A_238 = arith.constant 1.000000e+30 : f32
    %broadcast_in_dim3A_239 = vector.broadcast %jit3A_238 : f32 to vector<128x256xf32>
    %select_n3A_240 = arith.select %eq3A_237, %broadcast_in_dim3A_239, %slice3A_223 : vector<128x256xi1>, vector<128x256xf32>
    %reduce_min3A_241 = arith.constant dense<0x7F800000> : vector<256xf32>
    %reduce_min3A_242 = vector.multi_reduction <minimumf>, %select_n3A_240, %reduce_min3A_241 [0] : vector<128x256xf32> to vector<256xf32>
    %broadcast_in_dim3A_243 = vector.shape_cast %reduce_min3A_242 : vector<256xf32> to vector<1x256xf32>
    %le3A_244 = vector.broadcast %broadcast_in_dim3A_243 : vector<1x256xf32> to vector<128x256xf32>
    %le3A_245 = arith.cmpf ole, %select_n3A_240, %le3A_244 : vector<128x256xf32>
    %jit3A_246 = arith.constant 4.096000e+03 : f32
    %broadcast_in_dim3A_247 = vector.broadcast %jit3A_246 : f32 to vector<128x256xf32>
    %select_n3A_248 = arith.select %le3A_245, %slice3A_224, %broadcast_in_dim3A_247 : vector<128x256xi1>, vector<128x256xf32>
    %reduce_min3A_249 = arith.constant dense<0x7F800000> : vector<256xf32>
    %reduce_min3A_250 = vector.multi_reduction <minimumf>, %select_n3A_248, %reduce_min3A_249 [0] : vector<128x256xf32> to vector<256xf32>
    %broadcast_in_dim3A_251 = vector.shape_cast %reduce_min3A_250 : vector<256xf32> to vector<1x256xf32>
    %eq3A_252 = vector.broadcast %broadcast_in_dim3A_251 : vector<1x256xf32> to vector<128x256xf32>
    %eq3A_253 = arith.cmpf oeq, %slice3A_224, %eq3A_252 : vector<128x256xf32>
    %jit3A_254 = arith.constant 1.000000e+30 : f32
    %broadcast_in_dim3A_255 = vector.broadcast %jit3A_254 : f32 to vector<128x256xf32>
    %select_n3A_256 = arith.select %eq3A_253, %broadcast_in_dim3A_255, %select_n3A_240 : vector<128x256xi1>, vector<128x256xf32>
    %reduce_min3A_257 = arith.constant dense<0x7F800000> : vector<256xf32>
    %reduce_min3A_258 = vector.multi_reduction <minimumf>, %select_n3A_256, %reduce_min3A_257 [0] : vector<128x256xf32> to vector<256xf32>
    %broadcast_in_dim3A_259 = vector.shape_cast %reduce_min3A_258 : vector<256xf32> to vector<1x256xf32>
    %le3A_260 = vector.broadcast %broadcast_in_dim3A_259 : vector<1x256xf32> to vector<128x256xf32>
    %le3A_261 = arith.cmpf ole, %select_n3A_256, %le3A_260 : vector<128x256xf32>
    %jit3A_262 = arith.constant 4.096000e+03 : f32
    %broadcast_in_dim3A_263 = vector.broadcast %jit3A_262 : f32 to vector<128x256xf32>
    %select_n3A_264 = arith.select %le3A_261, %slice3A_224, %broadcast_in_dim3A_263 : vector<128x256xi1>, vector<128x256xf32>
    %reduce_min3A_265 = arith.constant dense<0x7F800000> : vector<256xf32>
    %reduce_min3A_266 = vector.multi_reduction <minimumf>, %select_n3A_264, %reduce_min3A_265 [0] : vector<128x256xf32> to vector<256xf32>
    %broadcast_in_dim3A_267 = vector.shape_cast %reduce_min3A_266 : vector<256xf32> to vector<1x256xf32>
    %eq3A_268 = vector.broadcast %broadcast_in_dim3A_267 : vector<1x256xf32> to vector<128x256xf32>
    %eq3A_269 = arith.cmpf oeq, %slice3A_224, %eq3A_268 : vector<128x256xf32>
    %jit3A_270 = arith.constant 1.000000e+30 : f32
    %broadcast_in_dim3A_271 = vector.broadcast %jit3A_270 : f32 to vector<128x256xf32>
    %select_n3A_272 = arith.select %eq3A_269, %broadcast_in_dim3A_271, %select_n3A_256 : vector<128x256xi1>, vector<128x256xf32>
    %reduce_min3A_273 = arith.constant dense<0x7F800000> : vector<256xf32>
    %reduce_min3A_274 = vector.multi_reduction <minimumf>, %select_n3A_272, %reduce_min3A_273 [0] : vector<128x256xf32> to vector<256xf32>
    %broadcast_in_dim3A_275 = vector.shape_cast %reduce_min3A_274 : vector<256xf32> to vector<1x256xf32>
    %le3A_276 = vector.broadcast %broadcast_in_dim3A_275 : vector<1x256xf32> to vector<128x256xf32>
    %le3A_277 = arith.cmpf ole, %select_n3A_272, %le3A_276 : vector<128x256xf32>
    %jit3A_278 = arith.constant 4.096000e+03 : f32
    %broadcast_in_dim3A_279 = vector.broadcast %jit3A_278 : f32 to vector<128x256xf32>
    %select_n3A_280 = arith.select %le3A_277, %slice3A_224, %broadcast_in_dim3A_279 : vector<128x256xi1>, vector<128x256xf32>
    %reduce_min3A_281 = arith.constant dense<0x7F800000> : vector<256xf32>
    %reduce_min3A_282 = vector.multi_reduction <minimumf>, %select_n3A_280, %reduce_min3A_281 [0] : vector<128x256xf32> to vector<256xf32>
    %broadcast_in_dim3A_283 = vector.shape_cast %reduce_min3A_282 : vector<256xf32> to vector<1x256xf32>
    %eq3A_284 = vector.broadcast %broadcast_in_dim3A_283 : vector<1x256xf32> to vector<128x256xf32>
    %eq3A_285 = arith.cmpf oeq, %slice3A_224, %eq3A_284 : vector<128x256xf32>
    %jit3A_286 = arith.constant 1.000000e+30 : f32
    %broadcast_in_dim3A_287 = vector.broadcast %jit3A_286 : f32 to vector<128x256xf32>
    %select_n3A_288 = arith.select %eq3A_285, %broadcast_in_dim3A_287, %select_n3A_272 : vector<128x256xi1>, vector<128x256xf32>
    %reduce_min3A_289 = arith.constant dense<0x7F800000> : vector<256xf32>
    %reduce_min3A_290 = vector.multi_reduction <minimumf>, %select_n3A_288, %reduce_min3A_289 [0] : vector<128x256xf32> to vector<256xf32>
    %broadcast_in_dim3A_291 = vector.shape_cast %reduce_min3A_290 : vector<256xf32> to vector<1x256xf32>
    %le3A_292 = vector.broadcast %broadcast_in_dim3A_291 : vector<1x256xf32> to vector<128x256xf32>
    %le3A_293 = arith.cmpf ole, %select_n3A_288, %le3A_292 : vector<128x256xf32>
    %jit3A_294 = arith.constant 4.096000e+03 : f32
    %broadcast_in_dim3A_295 = vector.broadcast %jit3A_294 : f32 to vector<128x256xf32>
    %select_n3A_296 = arith.select %le3A_293, %slice3A_224, %broadcast_in_dim3A_295 : vector<128x256xi1>, vector<128x256xf32>
    %reduce_min3A_297 = arith.constant dense<0x7F800000> : vector<256xf32>
    %reduce_min3A_298 = vector.multi_reduction <minimumf>, %select_n3A_296, %reduce_min3A_297 [0] : vector<128x256xf32> to vector<256xf32>
    %broadcast_in_dim3A_299 = vector.shape_cast %reduce_min3A_298 : vector<256xf32> to vector<1x256xf32>
    %eq3A_300 = vector.broadcast %broadcast_in_dim3A_299 : vector<1x256xf32> to vector<128x256xf32>
    %eq3A_301 = arith.cmpf oeq, %slice3A_224, %eq3A_300 : vector<128x256xf32>
    %jit3A_302 = arith.constant 1.000000e+30 : f32
    %broadcast_in_dim3A_303 = vector.broadcast %jit3A_302 : f32 to vector<128x256xf32>
    %select_n3A_304 = arith.select %eq3A_301, %broadcast_in_dim3A_303, %select_n3A_288 : vector<128x256xi1>, vector<128x256xf32>
    %reduce_min3A_305 = arith.constant dense<0x7F800000> : vector<256xf32>
    %reduce_min3A_306 = vector.multi_reduction <minimumf>, %select_n3A_304, %reduce_min3A_305 [0] : vector<128x256xf32> to vector<256xf32>
    %broadcast_in_dim3A_307 = vector.shape_cast %reduce_min3A_306 : vector<256xf32> to vector<1x256xf32>
    %le3A_308 = vector.broadcast %broadcast_in_dim3A_307 : vector<1x256xf32> to vector<128x256xf32>
    %le3A_309 = arith.cmpf ole, %select_n3A_304, %le3A_308 : vector<128x256xf32>
    %jit3A_310 = arith.constant 4.096000e+03 : f32
    %broadcast_in_dim3A_311 = vector.broadcast %jit3A_310 : f32 to vector<128x256xf32>
    %select_n3A_312 = arith.select %le3A_309, %slice3A_224, %broadcast_in_dim3A_311 : vector<128x256xi1>, vector<128x256xf32>
    %reduce_min3A_313 = arith.constant dense<0x7F800000> : vector<256xf32>
    %reduce_min3A_314 = vector.multi_reduction <minimumf>, %select_n3A_312, %reduce_min3A_313 [0] : vector<128x256xf32> to vector<256xf32>
    %broadcast_in_dim3A_315 = vector.shape_cast %reduce_min3A_314 : vector<256xf32> to vector<1x256xf32>
    %slice3A_316 = vector.extract_strided_slice %select_n3A {offsets = [384, 0], sizes = [128, 256], strides = [1, 1]} : vector<4096x256xf32> to vector<128x256xf32>
    %slice3A_317 = vector.extract_strided_slice %convert_element_type3A {offsets = [384, 0], sizes = [128, 256], strides = [1, 1]} : vector<4096x256xf32> to vector<128x256xf32>
    %reduce_min3A_318 = arith.constant dense<0x7F800000> : vector<256xf32>
    %reduce_min3A_319 = vector.multi_reduction <minimumf>, %slice3A_316, %reduce_min3A_318 [0] : vector<128x256xf32> to vector<256xf32>
    %broadcast_in_dim3A_320 = vector.shape_cast %reduce_min3A_319 : vector<256xf32> to vector<1x256xf32>
    %le3A_321 = vector.broadcast %broadcast_in_dim3A_320 : vector<1x256xf32> to vector<128x256xf32>
    %le3A_322 = arith.cmpf ole, %slice3A_316, %le3A_321 : vector<128x256xf32>
    %jit3A_323 = arith.constant 4.096000e+03 : f32
    %broadcast_in_dim3A_324 = vector.broadcast %jit3A_323 : f32 to vector<128x256xf32>
    %select_n3A_325 = arith.select %le3A_322, %slice3A_317, %broadcast_in_dim3A_324 : vector<128x256xi1>, vector<128x256xf32>
    %reduce_min3A_326 = arith.constant dense<0x7F800000> : vector<256xf32>
    %reduce_min3A_327 = vector.multi_reduction <minimumf>, %select_n3A_325, %reduce_min3A_326 [0] : vector<128x256xf32> to vector<256xf32>
    %broadcast_in_dim3A_328 = vector.shape_cast %reduce_min3A_327 : vector<256xf32> to vector<1x256xf32>
    %eq3A_329 = vector.broadcast %broadcast_in_dim3A_328 : vector<1x256xf32> to vector<128x256xf32>
    %eq3A_330 = arith.cmpf oeq, %slice3A_317, %eq3A_329 : vector<128x256xf32>
    %jit3A_331 = arith.constant 1.000000e+30 : f32
    %broadcast_in_dim3A_332 = vector.broadcast %jit3A_331 : f32 to vector<128x256xf32>
    %select_n3A_333 = arith.select %eq3A_330, %broadcast_in_dim3A_332, %slice3A_316 : vector<128x256xi1>, vector<128x256xf32>
    %reduce_min3A_334 = arith.constant dense<0x7F800000> : vector<256xf32>
    %reduce_min3A_335 = vector.multi_reduction <minimumf>, %select_n3A_333, %reduce_min3A_334 [0] : vector<128x256xf32> to vector<256xf32>
    %broadcast_in_dim3A_336 = vector.shape_cast %reduce_min3A_335 : vector<256xf32> to vector<1x256xf32>
    %le3A_337 = vector.broadcast %broadcast_in_dim3A_336 : vector<1x256xf32> to vector<128x256xf32>
    %le3A_338 = arith.cmpf ole, %select_n3A_333, %le3A_337 : vector<128x256xf32>
    %jit3A_339 = arith.constant 4.096000e+03 : f32
    %broadcast_in_dim3A_340 = vector.broadcast %jit3A_339 : f32 to vector<128x256xf32>
    %select_n3A_341 = arith.select %le3A_338, %slice3A_317, %broadcast_in_dim3A_340 : vector<128x256xi1>, vector<128x256xf32>
    %reduce_min3A_342 = arith.constant dense<0x7F800000> : vector<256xf32>
    %reduce_min3A_343 = vector.multi_reduction <minimumf>, %select_n3A_341, %reduce_min3A_342 [0] : vector<128x256xf32> to vector<256xf32>
    %broadcast_in_dim3A_344 = vector.shape_cast %reduce_min3A_343 : vector<256xf32> to vector<1x256xf32>
    %eq3A_345 = vector.broadcast %broadcast_in_dim3A_344 : vector<1x256xf32> to vector<128x256xf32>
    %eq3A_346 = arith.cmpf oeq, %slice3A_317, %eq3A_345 : vector<128x256xf32>
    %jit3A_347 = arith.constant 1.000000e+30 : f32
    %broadcast_in_dim3A_348 = vector.broadcast %jit3A_347 : f32 to vector<128x256xf32>
    %select_n3A_349 = arith.select %eq3A_346, %broadcast_in_dim3A_348, %select_n3A_333 : vector<128x256xi1>, vector<128x256xf32>
    %reduce_min3A_350 = arith.constant dense<0x7F800000> : vector<256xf32>
    %reduce_min3A_351 = vector.multi_reduction <minimumf>, %select_n3A_349, %reduce_min3A_350 [0] : vector<128x256xf32> to vector<256xf32>
    %broadcast_in_dim3A_352 = vector.shape_cast %reduce_min3A_351 : vector<256xf32> to vector<1x256xf32>
    %le3A_353 = vector.broadcast %broadcast_in_dim3A_352 : vector<1x256xf32> to vector<128x256xf32>
    %le3A_354 = arith.cmpf ole, %select_n3A_349, %le3A_353 : vector<128x256xf32>
    %jit3A_355 = arith.constant 4.096000e+03 : f32
    %broadcast_in_dim3A_356 = vector.broadcast %jit3A_355 : f32 to vector<128x256xf32>
    %select_n3A_357 = arith.select %le3A_354, %slice3A_317, %broadcast_in_dim3A_356 : vector<128x256xi1>, vector<128x256xf32>
    %reduce_min3A_358 = arith.constant dense<0x7F800000> : vector<256xf32>
    %reduce_min3A_359 = vector.multi_reduction <minimumf>, %select_n3A_357, %reduce_min3A_358 [0] : vector<128x256xf32> to vector<256xf32>
    %broadcast_in_dim3A_360 = vector.shape_cast %reduce_min3A_359 : vector<256xf32> to vector<1x256xf32>
    %eq3A_361 = vector.broadcast %broadcast_in_dim3A_360 : vector<1x256xf32> to vector<128x256xf32>
    %eq3A_362 = arith.cmpf oeq, %slice3A_317, %eq3A_361 : vector<128x256xf32>
    %jit3A_363 = arith.constant 1.000000e+30 : f32
    %broadcast_in_dim3A_364 = vector.broadcast %jit3A_363 : f32 to vector<128x256xf32>
    %select_n3A_365 = arith.select %eq3A_362, %broadcast_in_dim3A_364, %select_n3A_349 : vector<128x256xi1>, vector<128x256xf32>
    %reduce_min3A_366 = arith.constant dense<0x7F800000> : vector<256xf32>
    %reduce_min3A_367 = vector.multi_reduction <minimumf>, %select_n3A_365, %reduce_min3A_366 [0] : vector<128x256xf32> to vector<256xf32>
    %broadcast_in_dim3A_368 = vector.shape_cast %reduce_min3A_367 : vector<256xf32> to vector<1x256xf32>
    %le3A_369 = vector.broadcast %broadcast_in_dim3A_368 : vector<1x256xf32> to vector<128x256xf32>
    %le3A_370 = arith.cmpf ole, %select_n3A_365, %le3A_369 : vector<128x256xf32>
    %jit3A_371 = arith.constant 4.096000e+03 : f32
    %broadcast_in_dim3A_372 = vector.broadcast %jit3A_371 : f32 to vector<128x256xf32>
    %select_n3A_373 = arith.select %le3A_370, %slice3A_317, %broadcast_in_dim3A_372 : vector<128x256xi1>, vector<128x256xf32>
    %reduce_min3A_374 = arith.constant dense<0x7F800000> : vector<256xf32>
    %reduce_min3A_375 = vector.multi_reduction <minimumf>, %select_n3A_373, %reduce_min3A_374 [0] : vector<128x256xf32> to vector<256xf32>
    %broadcast_in_dim3A_376 = vector.shape_cast %reduce_min3A_375 : vector<256xf32> to vector<1x256xf32>
    %eq3A_377 = vector.broadcast %broadcast_in_dim3A_376 : vector<1x256xf32> to vector<128x256xf32>
    %eq3A_378 = arith.cmpf oeq, %slice3A_317, %eq3A_377 : vector<128x256xf32>
    %jit3A_379 = arith.constant 1.000000e+30 : f32
    %broadcast_in_dim3A_380 = vector.broadcast %jit3A_379 : f32 to vector<128x256xf32>
    %select_n3A_381 = arith.select %eq3A_378, %broadcast_in_dim3A_380, %select_n3A_365 : vector<128x256xi1>, vector<128x256xf32>
    %reduce_min3A_382 = arith.constant dense<0x7F800000> : vector<256xf32>
    %reduce_min3A_383 = vector.multi_reduction <minimumf>, %select_n3A_381, %reduce_min3A_382 [0] : vector<128x256xf32> to vector<256xf32>
    %broadcast_in_dim3A_384 = vector.shape_cast %reduce_min3A_383 : vector<256xf32> to vector<1x256xf32>
    %le3A_385 = vector.broadcast %broadcast_in_dim3A_384 : vector<1x256xf32> to vector<128x256xf32>
    %le3A_386 = arith.cmpf ole, %select_n3A_381, %le3A_385 : vector<128x256xf32>
    %jit3A_387 = arith.constant 4.096000e+03 : f32
    %broadcast_in_dim3A_388 = vector.broadcast %jit3A_387 : f32 to vector<128x256xf32>
    %select_n3A_389 = arith.select %le3A_386, %slice3A_317, %broadcast_in_dim3A_388 : vector<128x256xi1>, vector<128x256xf32>
    %reduce_min3A_390 = arith.constant dense<0x7F800000> : vector<256xf32>
    %reduce_min3A_391 = vector.multi_reduction <minimumf>, %select_n3A_389, %reduce_min3A_390 [0] : vector<128x256xf32> to vector<256xf32>
    %broadcast_in_dim3A_392 = vector.shape_cast %reduce_min3A_391 : vector<256xf32> to vector<1x256xf32>
    %eq3A_393 = vector.broadcast %broadcast_in_dim3A_392 : vector<1x256xf32> to vector<128x256xf32>
    %eq3A_394 = arith.cmpf oeq, %slice3A_317, %eq3A_393 : vector<128x256xf32>
    %jit3A_395 = arith.constant 1.000000e+30 : f32
    %broadcast_in_dim3A_396 = vector.broadcast %jit3A_395 : f32 to vector<128x256xf32>
    %select_n3A_397 = arith.select %eq3A_394, %broadcast_in_dim3A_396, %select_n3A_381 : vector<128x256xi1>, vector<128x256xf32>
    %reduce_min3A_398 = arith.constant dense<0x7F800000> : vector<256xf32>
    %reduce_min3A_399 = vector.multi_reduction <minimumf>, %select_n3A_397, %reduce_min3A_398 [0] : vector<128x256xf32> to vector<256xf32>
    %broadcast_in_dim3A_400 = vector.shape_cast %reduce_min3A_399 : vector<256xf32> to vector<1x256xf32>
    %le3A_401 = vector.broadcast %broadcast_in_dim3A_400 : vector<1x256xf32> to vector<128x256xf32>
    %le3A_402 = arith.cmpf ole, %select_n3A_397, %le3A_401 : vector<128x256xf32>
    %jit3A_403 = arith.constant 4.096000e+03 : f32
    %broadcast_in_dim3A_404 = vector.broadcast %jit3A_403 : f32 to vector<128x256xf32>
    %select_n3A_405 = arith.select %le3A_402, %slice3A_317, %broadcast_in_dim3A_404 : vector<128x256xi1>, vector<128x256xf32>
    %reduce_min3A_406 = arith.constant dense<0x7F800000> : vector<256xf32>
    %reduce_min3A_407 = vector.multi_reduction <minimumf>, %select_n3A_405, %reduce_min3A_406 [0] : vector<128x256xf32> to vector<256xf32>
    %broadcast_in_dim3A_408 = vector.shape_cast %reduce_min3A_407 : vector<256xf32> to vector<1x256xf32>
    %slice3A_409 = vector.extract_strided_slice %select_n3A {offsets = [512, 0], sizes = [128, 256], strides = [1, 1]} : vector<4096x256xf32> to vector<128x256xf32>
    %slice3A_410 = vector.extract_strided_slice %convert_element_type3A {offsets = [512, 0], sizes = [128, 256], strides = [1, 1]} : vector<4096x256xf32> to vector<128x256xf32>
    %reduce_min3A_411 = arith.constant dense<0x7F800000> : vector<256xf32>
    %reduce_min3A_412 = vector.multi_reduction <minimumf>, %slice3A_409, %reduce_min3A_411 [0] : vector<128x256xf32> to vector<256xf32>
    %broadcast_in_dim3A_413 = vector.shape_cast %reduce_min3A_412 : vector<256xf32> to vector<1x256xf32>
    %le3A_414 = vector.broadcast %broadcast_in_dim3A_413 : vector<1x256xf32> to vector<128x256xf32>
    %le3A_415 = arith.cmpf ole, %slice3A_409, %le3A_414 : vector<128x256xf32>
    %jit3A_416 = arith.constant 4.096000e+03 : f32
    %broadcast_in_dim3A_417 = vector.broadcast %jit3A_416 : f32 to vector<128x256xf32>
    %select_n3A_418 = arith.select %le3A_415, %slice3A_410, %broadcast_in_dim3A_417 : vector<128x256xi1>, vector<128x256xf32>
    %reduce_min3A_419 = arith.constant dense<0x7F800000> : vector<256xf32>
    %reduce_min3A_420 = vector.multi_reduction <minimumf>, %select_n3A_418, %reduce_min3A_419 [0] : vector<128x256xf32> to vector<256xf32>
    %broadcast_in_dim3A_421 = vector.shape_cast %reduce_min3A_420 : vector<256xf32> to vector<1x256xf32>
    %eq3A_422 = vector.broadcast %broadcast_in_dim3A_421 : vector<1x256xf32> to vector<128x256xf32>
    %eq3A_423 = arith.cmpf oeq, %slice3A_410, %eq3A_422 : vector<128x256xf32>
    %jit3A_424 = arith.constant 1.000000e+30 : f32
    %broadcast_in_dim3A_425 = vector.broadcast %jit3A_424 : f32 to vector<128x256xf32>
    %select_n3A_426 = arith.select %eq3A_423, %broadcast_in_dim3A_425, %slice3A_409 : vector<128x256xi1>, vector<128x256xf32>
    %reduce_min3A_427 = arith.constant dense<0x7F800000> : vector<256xf32>
    %reduce_min3A_428 = vector.multi_reduction <minimumf>, %select_n3A_426, %reduce_min3A_427 [0] : vector<128x256xf32> to vector<256xf32>
    %broadcast_in_dim3A_429 = vector.shape_cast %reduce_min3A_428 : vector<256xf32> to vector<1x256xf32>
    %le3A_430 = vector.broadcast %broadcast_in_dim3A_429 : vector<1x256xf32> to vector<128x256xf32>
    %le3A_431 = arith.cmpf ole, %select_n3A_426, %le3A_430 : vector<128x256xf32>
    %jit3A_432 = arith.constant 4.096000e+03 : f32
    %broadcast_in_dim3A_433 = vector.broadcast %jit3A_432 : f32 to vector<128x256xf32>
    %select_n3A_434 = arith.select %le3A_431, %slice3A_410, %broadcast_in_dim3A_433 : vector<128x256xi1>, vector<128x256xf32>
    %reduce_min3A_435 = arith.constant dense<0x7F800000> : vector<256xf32>
    %reduce_min3A_436 = vector.multi_reduction <minimumf>, %select_n3A_434, %reduce_min3A_435 [0] : vector<128x256xf32> to vector<256xf32>
    %broadcast_in_dim3A_437 = vector.shape_cast %reduce_min3A_436 : vector<256xf32> to vector<1x256xf32>
    %eq3A_438 = vector.broadcast %broadcast_in_dim3A_437 : vector<1x256xf32> to vector<128x256xf32>
    %eq3A_439 = arith.cmpf oeq, %slice3A_410, %eq3A_438 : vector<128x256xf32>
    %jit3A_440 = arith.constant 1.000000e+30 : f32
    %broadcast_in_dim3A_441 = vector.broadcast %jit3A_440 : f32 to vector<128x256xf32>
    %select_n3A_442 = arith.select %eq3A_439, %broadcast_in_dim3A_441, %select_n3A_426 : vector<128x256xi1>, vector<128x256xf32>
    %reduce_min3A_443 = arith.constant dense<0x7F800000> : vector<256xf32>
    %reduce_min3A_444 = vector.multi_reduction <minimumf>, %select_n3A_442, %reduce_min3A_443 [0] : vector<128x256xf32> to vector<256xf32>
    %broadcast_in_dim3A_445 = vector.shape_cast %reduce_min3A_444 : vector<256xf32> to vector<1x256xf32>
    %le3A_446 = vector.broadcast %broadcast_in_dim3A_445 : vector<1x256xf32> to vector<128x256xf32>
    %le3A_447 = arith.cmpf ole, %select_n3A_442, %le3A_446 : vector<128x256xf32>
    %jit3A_448 = arith.constant 4.096000e+03 : f32
    %broadcast_in_dim3A_449 = vector.broadcast %jit3A_448 : f32 to vector<128x256xf32>
    %select_n3A_450 = arith.select %le3A_447, %slice3A_410, %broadcast_in_dim3A_449 : vector<128x256xi1>, vector<128x256xf32>
    %reduce_min3A_451 = arith.constant dense<0x7F800000> : vector<256xf32>
    %reduce_min3A_452 = vector.multi_reduction <minimumf>, %select_n3A_450, %reduce_min3A_451 [0] : vector<128x256xf32> to vector<256xf32>
    %broadcast_in_dim3A_453 = vector.shape_cast %reduce_min3A_452 : vector<256xf32> to vector<1x256xf32>
    %eq3A_454 = vector.broadcast %broadcast_in_dim3A_453 : vector<1x256xf32> to vector<128x256xf32>
    %eq3A_455 = arith.cmpf oeq, %slice3A_410, %eq3A_454 : vector<128x256xf32>
    %jit3A_456 = arith.constant 1.000000e+30 : f32
    %broadcast_in_dim3A_457 = vector.broadcast %jit3A_456 : f32 to vector<128x256xf32>
    %select_n3A_458 = arith.select %eq3A_455, %broadcast_in_dim3A_457, %select_n3A_442 : vector<128x256xi1>, vector<128x256xf32>
    %reduce_min3A_459 = arith.constant dense<0x7F800000> : vector<256xf32>
    %reduce_min3A_460 = vector.multi_reduction <minimumf>, %select_n3A_458, %reduce_min3A_459 [0] : vector<128x256xf32> to vector<256xf32>
    %broadcast_in_dim3A_461 = vector.shape_cast %reduce_min3A_460 : vector<256xf32> to vector<1x256xf32>
    %le3A_462 = vector.broadcast %broadcast_in_dim3A_461 : vector<1x256xf32> to vector<128x256xf32>
    %le3A_463 = arith.cmpf ole, %select_n3A_458, %le3A_462 : vector<128x256xf32>
    %jit3A_464 = arith.constant 4.096000e+03 : f32
    %broadcast_in_dim3A_465 = vector.broadcast %jit3A_464 : f32 to vector<128x256xf32>
    %select_n3A_466 = arith.select %le3A_463, %slice3A_410, %broadcast_in_dim3A_465 : vector<128x256xi1>, vector<128x256xf32>
    %reduce_min3A_467 = arith.constant dense<0x7F800000> : vector<256xf32>
    %reduce_min3A_468 = vector.multi_reduction <minimumf>, %select_n3A_466, %reduce_min3A_467 [0] : vector<128x256xf32> to vector<256xf32>
    %broadcast_in_dim3A_469 = vector.shape_cast %reduce_min3A_468 : vector<256xf32> to vector<1x256xf32>
    %eq3A_470 = vector.broadcast %broadcast_in_dim3A_469 : vector<1x256xf32> to vector<128x256xf32>
    %eq3A_471 = arith.cmpf oeq, %slice3A_410, %eq3A_470 : vector<128x256xf32>
    %jit3A_472 = arith.constant 1.000000e+30 : f32
    %broadcast_in_dim3A_473 = vector.broadcast %jit3A_472 : f32 to vector<128x256xf32>
    %select_n3A_474 = arith.select %eq3A_471, %broadcast_in_dim3A_473, %select_n3A_458 : vector<128x256xi1>, vector<128x256xf32>
    %reduce_min3A_475 = arith.constant dense<0x7F800000> : vector<256xf32>
    %reduce_min3A_476 = vector.multi_reduction <minimumf>, %select_n3A_474, %reduce_min3A_475 [0] : vector<128x256xf32> to vector<256xf32>
    %broadcast_in_dim3A_477 = vector.shape_cast %reduce_min3A_476 : vector<256xf32> to vector<1x256xf32>
    %le3A_478 = vector.broadcast %broadcast_in_dim3A_477 : vector<1x256xf32> to vector<128x256xf32>
    %le3A_479 = arith.cmpf ole, %select_n3A_474, %le3A_478 : vector<128x256xf32>
    %jit3A_480 = arith.constant 4.096000e+03 : f32
    %broadcast_in_dim3A_481 = vector.broadcast %jit3A_480 : f32 to vector<128x256xf32>
    %select_n3A_482 = arith.select %le3A_479, %slice3A_410, %broadcast_in_dim3A_481 : vector<128x256xi1>, vector<128x256xf32>
    %reduce_min3A_483 = arith.constant dense<0x7F800000> : vector<256xf32>
    %reduce_min3A_484 = vector.multi_reduction <minimumf>, %select_n3A_482, %reduce_min3A_483 [0] : vector<128x256xf32> to vector<256xf32>
    %broadcast_in_dim3A_485 = vector.shape_cast %reduce_min3A_484 : vector<256xf32> to vector<1x256xf32>
    %eq3A_486 = vector.broadcast %broadcast_in_dim3A_485 : vector<1x256xf32> to vector<128x256xf32>
    %eq3A_487 = arith.cmpf oeq, %slice3A_410, %eq3A_486 : vector<128x256xf32>
    %jit3A_488 = arith.constant 1.000000e+30 : f32
    %broadcast_in_dim3A_489 = vector.broadcast %jit3A_488 : f32 to vector<128x256xf32>
    %select_n3A_490 = arith.select %eq3A_487, %broadcast_in_dim3A_489, %select_n3A_474 : vector<128x256xi1>, vector<128x256xf32>
    %reduce_min3A_491 = arith.constant dense<0x7F800000> : vector<256xf32>
    %reduce_min3A_492 = vector.multi_reduction <minimumf>, %select_n3A_490, %reduce_min3A_491 [0] : vector<128x256xf32> to vector<256xf32>
    %broadcast_in_dim3A_493 = vector.shape_cast %reduce_min3A_492 : vector<256xf32> to vector<1x256xf32>
    %le3A_494 = vector.broadcast %broadcast_in_dim3A_493 : vector<1x256xf32> to vector<128x256xf32>
    %le3A_495 = arith.cmpf ole, %select_n3A_490, %le3A_494 : vector<128x256xf32>
    %jit3A_496 = arith.constant 4.096000e+03 : f32
    %broadcast_in_dim3A_497 = vector.broadcast %jit3A_496 : f32 to vector<128x256xf32>
    %select_n3A_498 = arith.select %le3A_495, %slice3A_410, %broadcast_in_dim3A_497 : vector<128x256xi1>, vector<128x256xf32>
    %reduce_min3A_499 = arith.constant dense<0x7F800000> : vector<256xf32>
    %reduce_min3A_500 = vector.multi_reduction <minimumf>, %select_n3A_498, %reduce_min3A_499 [0] : vector<128x256xf32> to vector<256xf32>
    %broadcast_in_dim3A_501 = vector.shape_cast %reduce_min3A_500 : vector<256xf32> to vector<1x256xf32>
    %slice3A_502 = vector.extract_strided_slice %select_n3A {offsets = [640, 0], sizes = [128, 256], strides = [1, 1]} : vector<4096x256xf32> to vector<128x256xf32>
    %slice3A_503 = vector.extract_strided_slice %convert_element_type3A {offsets = [640, 0], sizes = [128, 256], strides = [1, 1]} : vector<4096x256xf32> to vector<128x256xf32>
    %reduce_min3A_504 = arith.constant dense<0x7F800000> : vector<256xf32>
    %reduce_min3A_505 = vector.multi_reduction <minimumf>, %slice3A_502, %reduce_min3A_504 [0] : vector<128x256xf32> to vector<256xf32>
    %broadcast_in_dim3A_506 = vector.shape_cast %reduce_min3A_505 : vector<256xf32> to vector<1x256xf32>
    %le3A_507 = vector.broadcast %broadcast_in_dim3A_506 : vector<1x256xf32> to vector<128x256xf32>
    %le3A_508 = arith.cmpf ole, %slice3A_502, %le3A_507 : vector<128x256xf32>
    %jit3A_509 = arith.constant 4.096000e+03 : f32
    %broadcast_in_dim3A_510 = vector.broadcast %jit3A_509 : f32 to vector<128x256xf32>
    %select_n3A_511 = arith.select %le3A_508, %slice3A_503, %broadcast_in_dim3A_510 : vector<128x256xi1>, vector<128x256xf32>
    %reduce_min3A_512 = arith.constant dense<0x7F800000> : vector<256xf32>
    %reduce_min3A_513 = vector.multi_reduction <minimumf>, %select_n3A_511, %reduce_min3A_512 [0] : vector<128x256xf32> to vector<256xf32>
    %broadcast_in_dim3A_514 = vector.shape_cast %reduce_min3A_513 : vector<256xf32> to vector<1x256xf32>
    %eq3A_515 = vector.broadcast %broadcast_in_dim3A_514 : vector<1x256xf32> to vector<128x256xf32>
    %eq3A_516 = arith.cmpf oeq, %slice3A_503, %eq3A_515 : vector<128x256xf32>
    %jit3A_517 = arith.constant 1.000000e+30 : f32
    %broadcast_in_dim3A_518 = vector.broadcast %jit3A_517 : f32 to vector<128x256xf32>
    %select_n3A_519 = arith.select %eq3A_516, %broadcast_in_dim3A_518, %slice3A_502 : vector<128x256xi1>, vector<128x256xf32>
    %reduce_min3A_520 = arith.constant dense<0x7F800000> : vector<256xf32>
    %reduce_min3A_521 = vector.multi_reduction <minimumf>, %select_n3A_519, %reduce_min3A_520 [0] : vector<128x256xf32> to vector<256xf32>
    %broadcast_in_dim3A_522 = vector.shape_cast %reduce_min3A_521 : vector<256xf32> to vector<1x256xf32>
    %le3A_523 = vector.broadcast %broadcast_in_dim3A_522 : vector<1x256xf32> to vector<128x256xf32>
    %le3A_524 = arith.cmpf ole, %select_n3A_519, %le3A_523 : vector<128x256xf32>
    %jit3A_525 = arith.constant 4.096000e+03 : f32
    %broadcast_in_dim3A_526 = vector.broadcast %jit3A_525 : f32 to vector<128x256xf32>
    %select_n3A_527 = arith.select %le3A_524, %slice3A_503, %broadcast_in_dim3A_526 : vector<128x256xi1>, vector<128x256xf32>
    %reduce_min3A_528 = arith.constant dense<0x7F800000> : vector<256xf32>
    %reduce_min3A_529 = vector.multi_reduction <minimumf>, %select_n3A_527, %reduce_min3A_528 [0] : vector<128x256xf32> to vector<256xf32>
    %broadcast_in_dim3A_530 = vector.shape_cast %reduce_min3A_529 : vector<256xf32> to vector<1x256xf32>
    %eq3A_531 = vector.broadcast %broadcast_in_dim3A_530 : vector<1x256xf32> to vector<128x256xf32>
    %eq3A_532 = arith.cmpf oeq, %slice3A_503, %eq3A_531 : vector<128x256xf32>
    %jit3A_533 = arith.constant 1.000000e+30 : f32
    %broadcast_in_dim3A_534 = vector.broadcast %jit3A_533 : f32 to vector<128x256xf32>
    %select_n3A_535 = arith.select %eq3A_532, %broadcast_in_dim3A_534, %select_n3A_519 : vector<128x256xi1>, vector<128x256xf32>
    %reduce_min3A_536 = arith.constant dense<0x7F800000> : vector<256xf32>
    %reduce_min3A_537 = vector.multi_reduction <minimumf>, %select_n3A_535, %reduce_min3A_536 [0] : vector<128x256xf32> to vector<256xf32>
    %broadcast_in_dim3A_538 = vector.shape_cast %reduce_min3A_537 : vector<256xf32> to vector<1x256xf32>
    %le3A_539 = vector.broadcast %broadcast_in_dim3A_538 : vector<1x256xf32> to vector<128x256xf32>
    %le3A_540 = arith.cmpf ole, %select_n3A_535, %le3A_539 : vector<128x256xf32>
    %jit3A_541 = arith.constant 4.096000e+03 : f32
    %broadcast_in_dim3A_542 = vector.broadcast %jit3A_541 : f32 to vector<128x256xf32>
    %select_n3A_543 = arith.select %le3A_540, %slice3A_503, %broadcast_in_dim3A_542 : vector<128x256xi1>, vector<128x256xf32>
    %reduce_min3A_544 = arith.constant dense<0x7F800000> : vector<256xf32>
    %reduce_min3A_545 = vector.multi_reduction <minimumf>, %select_n3A_543, %reduce_min3A_544 [0] : vector<128x256xf32> to vector<256xf32>
    %broadcast_in_dim3A_546 = vector.shape_cast %reduce_min3A_545 : vector<256xf32> to vector<1x256xf32>
    %eq3A_547 = vector.broadcast %broadcast_in_dim3A_546 : vector<1x256xf32> to vector<128x256xf32>
    %eq3A_548 = arith.cmpf oeq, %slice3A_503, %eq3A_547 : vector<128x256xf32>
    %jit3A_549 = arith.constant 1.000000e+30 : f32
    %broadcast_in_dim3A_550 = vector.broadcast %jit3A_549 : f32 to vector<128x256xf32>
    %select_n3A_551 = arith.select %eq3A_548, %broadcast_in_dim3A_550, %select_n3A_535 : vector<128x256xi1>, vector<128x256xf32>
    %reduce_min3A_552 = arith.constant dense<0x7F800000> : vector<256xf32>
    %reduce_min3A_553 = vector.multi_reduction <minimumf>, %select_n3A_551, %reduce_min3A_552 [0] : vector<128x256xf32> to vector<256xf32>
    %broadcast_in_dim3A_554 = vector.shape_cast %reduce_min3A_553 : vector<256xf32> to vector<1x256xf32>
    %le3A_555 = vector.broadcast %broadcast_in_dim3A_554 : vector<1x256xf32> to vector<128x256xf32>
    %le3A_556 = arith.cmpf ole, %select_n3A_551, %le3A_555 : vector<128x256xf32>
    %jit3A_557 = arith.constant 4.096000e+03 : f32
    %broadcast_in_dim3A_558 = vector.broadcast %jit3A_557 : f32 to vector<128x256xf32>
    %select_n3A_559 = arith.select %le3A_556, %slice3A_503, %broadcast_in_dim3A_558 : vector<128x256xi1>, vector<128x256xf32>
    %reduce_min3A_560 = arith.constant dense<0x7F800000> : vector<256xf32>
    %reduce_min3A_561 = vector.multi_reduction <minimumf>, %select_n3A_559, %reduce_min3A_560 [0] : vector<128x256xf32> to vector<256xf32>
    %broadcast_in_dim3A_562 = vector.shape_cast %reduce_min3A_561 : vector<256xf32> to vector<1x256xf32>
    %eq3A_563 = vector.broadcast %broadcast_in_dim3A_562 : vector<1x256xf32> to vector<128x256xf32>
    %eq3A_564 = arith.cmpf oeq, %slice3A_503, %eq3A_563 : vector<128x256xf32>
    %jit3A_565 = arith.constant 1.000000e+30 : f32
    %broadcast_in_dim3A_566 = vector.broadcast %jit3A_565 : f32 to vector<128x256xf32>
    %select_n3A_567 = arith.select %eq3A_564, %broadcast_in_dim3A_566, %select_n3A_551 : vector<128x256xi1>, vector<128x256xf32>
    %reduce_min3A_568 = arith.constant dense<0x7F800000> : vector<256xf32>
    %reduce_min3A_569 = vector.multi_reduction <minimumf>, %select_n3A_567, %reduce_min3A_568 [0] : vector<128x256xf32> to vector<256xf32>
    %broadcast_in_dim3A_570 = vector.shape_cast %reduce_min3A_569 : vector<256xf32> to vector<1x256xf32>
    %le3A_571 = vector.broadcast %broadcast_in_dim3A_570 : vector<1x256xf32> to vector<128x256xf32>
    %le3A_572 = arith.cmpf ole, %select_n3A_567, %le3A_571 : vector<128x256xf32>
    %jit3A_573 = arith.constant 4.096000e+03 : f32
    %broadcast_in_dim3A_574 = vector.broadcast %jit3A_573 : f32 to vector<128x256xf32>
    %select_n3A_575 = arith.select %le3A_572, %slice3A_503, %broadcast_in_dim3A_574 : vector<128x256xi1>, vector<128x256xf32>
    %reduce_min3A_576 = arith.constant dense<0x7F800000> : vector<256xf32>
    %reduce_min3A_577 = vector.multi_reduction <minimumf>, %select_n3A_575, %reduce_min3A_576 [0] : vector<128x256xf32> to vector<256xf32>
    %broadcast_in_dim3A_578 = vector.shape_cast %reduce_min3A_577 : vector<256xf32> to vector<1x256xf32>
    %eq3A_579 = vector.broadcast %broadcast_in_dim3A_578 : vector<1x256xf32> to vector<128x256xf32>
    %eq3A_580 = arith.cmpf oeq, %slice3A_503, %eq3A_579 : vector<128x256xf32>
    %jit3A_581 = arith.constant 1.000000e+30 : f32
    %broadcast_in_dim3A_582 = vector.broadcast %jit3A_581 : f32 to vector<128x256xf32>
    %select_n3A_583 = arith.select %eq3A_580, %broadcast_in_dim3A_582, %select_n3A_567 : vector<128x256xi1>, vector<128x256xf32>
    %reduce_min3A_584 = arith.constant dense<0x7F800000> : vector<256xf32>
    %reduce_min3A_585 = vector.multi_reduction <minimumf>, %select_n3A_583, %reduce_min3A_584 [0] : vector<128x256xf32> to vector<256xf32>
    %broadcast_in_dim3A_586 = vector.shape_cast %reduce_min3A_585 : vector<256xf32> to vector<1x256xf32>
    %le3A_587 = vector.broadcast %broadcast_in_dim3A_586 : vector<1x256xf32> to vector<128x256xf32>
    %le3A_588 = arith.cmpf ole, %select_n3A_583, %le3A_587 : vector<128x256xf32>
    %jit3A_589 = arith.constant 4.096000e+03 : f32
    %broadcast_in_dim3A_590 = vector.broadcast %jit3A_589 : f32 to vector<128x256xf32>
    %select_n3A_591 = arith.select %le3A_588, %slice3A_503, %broadcast_in_dim3A_590 : vector<128x256xi1>, vector<128x256xf32>
    %reduce_min3A_592 = arith.constant dense<0x7F800000> : vector<256xf32>
    %reduce_min3A_593 = vector.multi_reduction <minimumf>, %select_n3A_591, %reduce_min3A_592 [0] : vector<128x256xf32> to vector<256xf32>
    %broadcast_in_dim3A_594 = vector.shape_cast %reduce_min3A_593 : vector<256xf32> to vector<1x256xf32>
    %slice3A_595 = vector.extract_strided_slice %select_n3A {offsets = [768, 0], sizes = [128, 256], strides = [1, 1]} : vector<4096x256xf32> to vector<128x256xf32>
    %slice3A_596 = vector.extract_strided_slice %convert_element_type3A {offsets = [768, 0], sizes = [128, 256], strides = [1, 1]} : vector<4096x256xf32> to vector<128x256xf32>
    %reduce_min3A_597 = arith.constant dense<0x7F800000> : vector<256xf32>
    %reduce_min3A_598 = vector.multi_reduction <minimumf>, %slice3A_595, %reduce_min3A_597 [0] : vector<128x256xf32> to vector<256xf32>
    %broadcast_in_dim3A_599 = vector.shape_cast %reduce_min3A_598 : vector<256xf32> to vector<1x256xf32>
    %le3A_600 = vector.broadcast %broadcast_in_dim3A_599 : vector<1x256xf32> to vector<128x256xf32>
    %le3A_601 = arith.cmpf ole, %slice3A_595, %le3A_600 : vector<128x256xf32>
    %jit3A_602 = arith.constant 4.096000e+03 : f32
    %broadcast_in_dim3A_603 = vector.broadcast %jit3A_602 : f32 to vector<128x256xf32>
    %select_n3A_604 = arith.select %le3A_601, %slice3A_596, %broadcast_in_dim3A_603 : vector<128x256xi1>, vector<128x256xf32>
    %reduce_min3A_605 = arith.constant dense<0x7F800000> : vector<256xf32>
    %reduce_min3A_606 = vector.multi_reduction <minimumf>, %select_n3A_604, %reduce_min3A_605 [0] : vector<128x256xf32> to vector<256xf32>
    %broadcast_in_dim3A_607 = vector.shape_cast %reduce_min3A_606 : vector<256xf32> to vector<1x256xf32>
    %eq3A_608 = vector.broadcast %broadcast_in_dim3A_607 : vector<1x256xf32> to vector<128x256xf32>
    %eq3A_609 = arith.cmpf oeq, %slice3A_596, %eq3A_608 : vector<128x256xf32>
    %jit3A_610 = arith.constant 1.000000e+30 : f32
    %broadcast_in_dim3A_611 = vector.broadcast %jit3A_610 : f32 to vector<128x256xf32>
    %select_n3A_612 = arith.select %eq3A_609, %broadcast_in_dim3A_611, %slice3A_595 : vector<128x256xi1>, vector<128x256xf32>
    %reduce_min3A_613 = arith.constant dense<0x7F800000> : vector<256xf32>
    %reduce_min3A_614 = vector.multi_reduction <minimumf>, %select_n3A_612, %reduce_min3A_613 [0] : vector<128x256xf32> to vector<256xf32>
    %broadcast_in_dim3A_615 = vector.shape_cast %reduce_min3A_614 : vector<256xf32> to vector<1x256xf32>
    %le3A_616 = vector.broadcast %broadcast_in_dim3A_615 : vector<1x256xf32> to vector<128x256xf32>
    %le3A_617 = arith.cmpf ole, %select_n3A_612, %le3A_616 : vector<128x256xf32>
    %jit3A_618 = arith.constant 4.096000e+03 : f32
    %broadcast_in_dim3A_619 = vector.broadcast %jit3A_618 : f32 to vector<128x256xf32>
    %select_n3A_620 = arith.select %le3A_617, %slice3A_596, %broadcast_in_dim3A_619 : vector<128x256xi1>, vector<128x256xf32>
    %reduce_min3A_621 = arith.constant dense<0x7F800000> : vector<256xf32>
    %reduce_min3A_622 = vector.multi_reduction <minimumf>, %select_n3A_620, %reduce_min3A_621 [0] : vector<128x256xf32> to vector<256xf32>
    %broadcast_in_dim3A_623 = vector.shape_cast %reduce_min3A_622 : vector<256xf32> to vector<1x256xf32>
    %eq3A_624 = vector.broadcast %broadcast_in_dim3A_623 : vector<1x256xf32> to vector<128x256xf32>
    %eq3A_625 = arith.cmpf oeq, %slice3A_596, %eq3A_624 : vector<128x256xf32>
    %jit3A_626 = arith.constant 1.000000e+30 : f32
    %broadcast_in_dim3A_627 = vector.broadcast %jit3A_626 : f32 to vector<128x256xf32>
    %select_n3A_628 = arith.select %eq3A_625, %broadcast_in_dim3A_627, %select_n3A_612 : vector<128x256xi1>, vector<128x256xf32>
    %reduce_min3A_629 = arith.constant dense<0x7F800000> : vector<256xf32>
    %reduce_min3A_630 = vector.multi_reduction <minimumf>, %select_n3A_628, %reduce_min3A_629 [0] : vector<128x256xf32> to vector<256xf32>
    %broadcast_in_dim3A_631 = vector.shape_cast %reduce_min3A_630 : vector<256xf32> to vector<1x256xf32>
    %le3A_632 = vector.broadcast %broadcast_in_dim3A_631 : vector<1x256xf32> to vector<128x256xf32>
    %le3A_633 = arith.cmpf ole, %select_n3A_628, %le3A_632 : vector<128x256xf32>
    %jit3A_634 = arith.constant 4.096000e+03 : f32
    %broadcast_in_dim3A_635 = vector.broadcast %jit3A_634 : f32 to vector<128x256xf32>
    %select_n3A_636 = arith.select %le3A_633, %slice3A_596, %broadcast_in_dim3A_635 : vector<128x256xi1>, vector<128x256xf32>
    %reduce_min3A_637 = arith.constant dense<0x7F800000> : vector<256xf32>
    %reduce_min3A_638 = vector.multi_reduction <minimumf>, %select_n3A_636, %reduce_min3A_637 [0] : vector<128x256xf32> to vector<256xf32>
    %broadcast_in_dim3A_639 = vector.shape_cast %reduce_min3A_638 : vector<256xf32> to vector<1x256xf32>
    %eq3A_640 = vector.broadcast %broadcast_in_dim3A_639 : vector<1x256xf32> to vector<128x256xf32>
    %eq3A_641 = arith.cmpf oeq, %slice3A_596, %eq3A_640 : vector<128x256xf32>
    %jit3A_642 = arith.constant 1.000000e+30 : f32
    %broadcast_in_dim3A_643 = vector.broadcast %jit3A_642 : f32 to vector<128x256xf32>
    %select_n3A_644 = arith.select %eq3A_641, %broadcast_in_dim3A_643, %select_n3A_628 : vector<128x256xi1>, vector<128x256xf32>
    %reduce_min3A_645 = arith.constant dense<0x7F800000> : vector<256xf32>
    %reduce_min3A_646 = vector.multi_reduction <minimumf>, %select_n3A_644, %reduce_min3A_645 [0] : vector<128x256xf32> to vector<256xf32>
    %broadcast_in_dim3A_647 = vector.shape_cast %reduce_min3A_646 : vector<256xf32> to vector<1x256xf32>
    %le3A_648 = vector.broadcast %broadcast_in_dim3A_647 : vector<1x256xf32> to vector<128x256xf32>
    %le3A_649 = arith.cmpf ole, %select_n3A_644, %le3A_648 : vector<128x256xf32>
    %jit3A_650 = arith.constant 4.096000e+03 : f32
    %broadcast_in_dim3A_651 = vector.broadcast %jit3A_650 : f32 to vector<128x256xf32>
    %select_n3A_652 = arith.select %le3A_649, %slice3A_596, %broadcast_in_dim3A_651 : vector<128x256xi1>, vector<128x256xf32>
    %reduce_min3A_653 = arith.constant dense<0x7F800000> : vector<256xf32>
    %reduce_min3A_654 = vector.multi_reduction <minimumf>, %select_n3A_652, %reduce_min3A_653 [0] : vector<128x256xf32> to vector<256xf32>
    %broadcast_in_dim3A_655 = vector.shape_cast %reduce_min3A_654 : vector<256xf32> to vector<1x256xf32>
    %eq3A_656 = vector.broadcast %broadcast_in_dim3A_655 : vector<1x256xf32> to vector<128x256xf32>
    %eq3A_657 = arith.cmpf oeq, %slice3A_596, %eq3A_656 : vector<128x256xf32>
    %jit3A_658 = arith.constant 1.000000e+30 : f32
    %broadcast_in_dim3A_659 = vector.broadcast %jit3A_658 : f32 to vector<128x256xf32>
    %select_n3A_660 = arith.select %eq3A_657, %broadcast_in_dim3A_659, %select_n3A_644 : vector<128x256xi1>, vector<128x256xf32>
    %reduce_min3A_661 = arith.constant dense<0x7F800000> : vector<256xf32>
    %reduce_min3A_662 = vector.multi_reduction <minimumf>, %select_n3A_660, %reduce_min3A_661 [0] : vector<128x256xf32> to vector<256xf32>
    %broadcast_in_dim3A_663 = vector.shape_cast %reduce_min3A_662 : vector<256xf32> to vector<1x256xf32>
    %le3A_664 = vector.broadcast %broadcast_in_dim3A_663 : vector<1x256xf32> to vector<128x256xf32>
    %le3A_665 = arith.cmpf ole, %select_n3A_660, %le3A_664 : vector<128x256xf32>
    %jit3A_666 = arith.constant 4.096000e+03 : f32
    %broadcast_in_dim3A_667 = vector.broadcast %jit3A_666 : f32 to vector<128x256xf32>
    %select_n3A_668 = arith.select %le3A_665, %slice3A_596, %broadcast_in_dim3A_667 : vector<128x256xi1>, vector<128x256xf32>
    %reduce_min3A_669 = arith.constant dense<0x7F800000> : vector<256xf32>
    %reduce_min3A_670 = vector.multi_reduction <minimumf>, %select_n3A_668, %reduce_min3A_669 [0] : vector<128x256xf32> to vector<256xf32>
    %broadcast_in_dim3A_671 = vector.shape_cast %reduce_min3A_670 : vector<256xf32> to vector<1x256xf32>
    %eq3A_672 = vector.broadcast %broadcast_in_dim3A_671 : vector<1x256xf32> to vector<128x256xf32>
    %eq3A_673 = arith.cmpf oeq, %slice3A_596, %eq3A_672 : vector<128x256xf32>
    %jit3A_674 = arith.constant 1.000000e+30 : f32
    %broadcast_in_dim3A_675 = vector.broadcast %jit3A_674 : f32 to vector<128x256xf32>
    %select_n3A_676 = arith.select %eq3A_673, %broadcast_in_dim3A_675, %select_n3A_660 : vector<128x256xi1>, vector<128x256xf32>
    %reduce_min3A_677 = arith.constant dense<0x7F800000> : vector<256xf32>
    %reduce_min3A_678 = vector.multi_reduction <minimumf>, %select_n3A_676, %reduce_min3A_677 [0] : vector<128x256xf32> to vector<256xf32>
    %broadcast_in_dim3A_679 = vector.shape_cast %reduce_min3A_678 : vector<256xf32> to vector<1x256xf32>
    %le3A_680 = vector.broadcast %broadcast_in_dim3A_679 : vector<1x256xf32> to vector<128x256xf32>
    %le3A_681 = arith.cmpf ole, %select_n3A_676, %le3A_680 : vector<128x256xf32>
    %jit3A_682 = arith.constant 4.096000e+03 : f32
    %broadcast_in_dim3A_683 = vector.broadcast %jit3A_682 : f32 to vector<128x256xf32>
    %select_n3A_684 = arith.select %le3A_681, %slice3A_596, %broadcast_in_dim3A_683 : vector<128x256xi1>, vector<128x256xf32>
    %reduce_min3A_685 = arith.constant dense<0x7F800000> : vector<256xf32>
    %reduce_min3A_686 = vector.multi_reduction <minimumf>, %select_n3A_684, %reduce_min3A_685 [0] : vector<128x256xf32> to vector<256xf32>
    %broadcast_in_dim3A_687 = vector.shape_cast %reduce_min3A_686 : vector<256xf32> to vector<1x256xf32>
    %slice3A_688 = vector.extract_strided_slice %select_n3A {offsets = [896, 0], sizes = [128, 256], strides = [1, 1]} : vector<4096x256xf32> to vector<128x256xf32>
    %slice3A_689 = vector.extract_strided_slice %convert_element_type3A {offsets = [896, 0], sizes = [128, 256], strides = [1, 1]} : vector<4096x256xf32> to vector<128x256xf32>
    %reduce_min3A_690 = arith.constant dense<0x7F800000> : vector<256xf32>
    %reduce_min3A_691 = vector.multi_reduction <minimumf>, %slice3A_688, %reduce_min3A_690 [0] : vector<128x256xf32> to vector<256xf32>
    %broadcast_in_dim3A_692 = vector.shape_cast %reduce_min3A_691 : vector<256xf32> to vector<1x256xf32>
    %le3A_693 = vector.broadcast %broadcast_in_dim3A_692 : vector<1x256xf32> to vector<128x256xf32>
    %le3A_694 = arith.cmpf ole, %slice3A_688, %le3A_693 : vector<128x256xf32>
    %jit3A_695 = arith.constant 4.096000e+03 : f32
    %broadcast_in_dim3A_696 = vector.broadcast %jit3A_695 : f32 to vector<128x256xf32>
    %select_n3A_697 = arith.select %le3A_694, %slice3A_689, %broadcast_in_dim3A_696 : vector<128x256xi1>, vector<128x256xf32>
    %reduce_min3A_698 = arith.constant dense<0x7F800000> : vector<256xf32>
    %reduce_min3A_699 = vector.multi_reduction <minimumf>, %select_n3A_697, %reduce_min3A_698 [0] : vector<128x256xf32> to vector<256xf32>
    %broadcast_in_dim3A_700 = vector.shape_cast %reduce_min3A_699 : vector<256xf32> to vector<1x256xf32>
    %eq3A_701 = vector.broadcast %broadcast_in_dim3A_700 : vector<1x256xf32> to vector<128x256xf32>
    %eq3A_702 = arith.cmpf oeq, %slice3A_689, %eq3A_701 : vector<128x256xf32>
    %jit3A_703 = arith.constant 1.000000e+30 : f32
    %broadcast_in_dim3A_704 = vector.broadcast %jit3A_703 : f32 to vector<128x256xf32>
    %select_n3A_705 = arith.select %eq3A_702, %broadcast_in_dim3A_704, %slice3A_688 : vector<128x256xi1>, vector<128x256xf32>
    %reduce_min3A_706 = arith.constant dense<0x7F800000> : vector<256xf32>
    %reduce_min3A_707 = vector.multi_reduction <minimumf>, %select_n3A_705, %reduce_min3A_706 [0] : vector<128x256xf32> to vector<256xf32>
    %broadcast_in_dim3A_708 = vector.shape_cast %reduce_min3A_707 : vector<256xf32> to vector<1x256xf32>
    %le3A_709 = vector.broadcast %broadcast_in_dim3A_708 : vector<1x256xf32> to vector<128x256xf32>
    %le3A_710 = arith.cmpf ole, %select_n3A_705, %le3A_709 : vector<128x256xf32>
    %jit3A_711 = arith.constant 4.096000e+03 : f32
    %broadcast_in_dim3A_712 = vector.broadcast %jit3A_711 : f32 to vector<128x256xf32>
    %select_n3A_713 = arith.select %le3A_710, %slice3A_689, %broadcast_in_dim3A_712 : vector<128x256xi1>, vector<128x256xf32>
    %reduce_min3A_714 = arith.constant dense<0x7F800000> : vector<256xf32>
    %reduce_min3A_715 = vector.multi_reduction <minimumf>, %select_n3A_713, %reduce_min3A_714 [0] : vector<128x256xf32> to vector<256xf32>
    %broadcast_in_dim3A_716 = vector.shape_cast %reduce_min3A_715 : vector<256xf32> to vector<1x256xf32>
    %eq3A_717 = vector.broadcast %broadcast_in_dim3A_716 : vector<1x256xf32> to vector<128x256xf32>
    %eq3A_718 = arith.cmpf oeq, %slice3A_689, %eq3A_717 : vector<128x256xf32>
    %jit3A_719 = arith.constant 1.000000e+30 : f32
    %broadcast_in_dim3A_720 = vector.broadcast %jit3A_719 : f32 to vector<128x256xf32>
    %select_n3A_721 = arith.select %eq3A_718, %broadcast_in_dim3A_720, %select_n3A_705 : vector<128x256xi1>, vector<128x256xf32>
    %reduce_min3A_722 = arith.constant dense<0x7F800000> : vector<256xf32>
    %reduce_min3A_723 = vector.multi_reduction <minimumf>, %select_n3A_721, %reduce_min3A_722 [0] : vector<128x256xf32> to vector<256xf32>
    %broadcast_in_dim3A_724 = vector.shape_cast %reduce_min3A_723 : vector<256xf32> to vector<1x256xf32>
    %le3A_725 = vector.broadcast %broadcast_in_dim3A_724 : vector<1x256xf32> to vector<128x256xf32>
    %le3A_726 = arith.cmpf ole, %select_n3A_721, %le3A_725 : vector<128x256xf32>
    %jit3A_727 = arith.constant 4.096000e+03 : f32
    %broadcast_in_dim3A_728 = vector.broadcast %jit3A_727 : f32 to vector<128x256xf32>
    %select_n3A_729 = arith.select %le3A_726, %slice3A_689, %broadcast_in_dim3A_728 : vector<128x256xi1>, vector<128x256xf32>
    %reduce_min3A_730 = arith.constant dense<0x7F800000> : vector<256xf32>
    %reduce_min3A_731 = vector.multi_reduction <minimumf>, %select_n3A_729, %reduce_min3A_730 [0] : vector<128x256xf32> to vector<256xf32>
    %broadcast_in_dim3A_732 = vector.shape_cast %reduce_min3A_731 : vector<256xf32> to vector<1x256xf32>
    %eq3A_733 = vector.broadcast %broadcast_in_dim3A_732 : vector<1x256xf32> to vector<128x256xf32>
    %eq3A_734 = arith.cmpf oeq, %slice3A_689, %eq3A_733 : vector<128x256xf32>
    %jit3A_735 = arith.constant 1.000000e+30 : f32
    %broadcast_in_dim3A_736 = vector.broadcast %jit3A_735 : f32 to vector<128x256xf32>
    %select_n3A_737 = arith.select %eq3A_734, %broadcast_in_dim3A_736, %select_n3A_721 : vector<128x256xi1>, vector<128x256xf32>
    %reduce_min3A_738 = arith.constant dense<0x7F800000> : vector<256xf32>
    %reduce_min3A_739 = vector.multi_reduction <minimumf>, %select_n3A_737, %reduce_min3A_738 [0] : vector<128x256xf32> to vector<256xf32>
    %broadcast_in_dim3A_740 = vector.shape_cast %reduce_min3A_739 : vector<256xf32> to vector<1x256xf32>
    %le3A_741 = vector.broadcast %broadcast_in_dim3A_740 : vector<1x256xf32> to vector<128x256xf32>
    %le3A_742 = arith.cmpf ole, %select_n3A_737, %le3A_741 : vector<128x256xf32>
    %jit3A_743 = arith.constant 4.096000e+03 : f32
    %broadcast_in_dim3A_744 = vector.broadcast %jit3A_743 : f32 to vector<128x256xf32>
    %select_n3A_745 = arith.select %le3A_742, %slice3A_689, %broadcast_in_dim3A_744 : vector<128x256xi1>, vector<128x256xf32>
    %reduce_min3A_746 = arith.constant dense<0x7F800000> : vector<256xf32>
    %reduce_min3A_747 = vector.multi_reduction <minimumf>, %select_n3A_745, %reduce_min3A_746 [0] : vector<128x256xf32> to vector<256xf32>
    %broadcast_in_dim3A_748 = vector.shape_cast %reduce_min3A_747 : vector<256xf32> to vector<1x256xf32>
    %eq3A_749 = vector.broadcast %broadcast_in_dim3A_748 : vector<1x256xf32> to vector<128x256xf32>
    %eq3A_750 = arith.cmpf oeq, %slice3A_689, %eq3A_749 : vector<128x256xf32>
    %jit3A_751 = arith.constant 1.000000e+30 : f32
    %broadcast_in_dim3A_752 = vector.broadcast %jit3A_751 : f32 to vector<128x256xf32>
    %select_n3A_753 = arith.select %eq3A_750, %broadcast_in_dim3A_752, %select_n3A_737 : vector<128x256xi1>, vector<128x256xf32>
    %reduce_min3A_754 = arith.constant dense<0x7F800000> : vector<256xf32>
    %reduce_min3A_755 = vector.multi_reduction <minimumf>, %select_n3A_753, %reduce_min3A_754 [0] : vector<128x256xf32> to vector<256xf32>
    %broadcast_in_dim3A_756 = vector.shape_cast %reduce_min3A_755 : vector<256xf32> to vector<1x256xf32>
    %le3A_757 = vector.broadcast %broadcast_in_dim3A_756 : vector<1x256xf32> to vector<128x256xf32>
    %le3A_758 = arith.cmpf ole, %select_n3A_753, %le3A_757 : vector<128x256xf32>
    %jit3A_759 = arith.constant 4.096000e+03 : f32
    %broadcast_in_dim3A_760 = vector.broadcast %jit3A_759 : f32 to vector<128x256xf32>
    %select_n3A_761 = arith.select %le3A_758, %slice3A_689, %broadcast_in_dim3A_760 : vector<128x256xi1>, vector<128x256xf32>
    %reduce_min3A_762 = arith.constant dense<0x7F800000> : vector<256xf32>
    %reduce_min3A_763 = vector.multi_reduction <minimumf>, %select_n3A_761, %reduce_min3A_762 [0] : vector<128x256xf32> to vector<256xf32>
    %broadcast_in_dim3A_764 = vector.shape_cast %reduce_min3A_763 : vector<256xf32> to vector<1x256xf32>
    %eq3A_765 = vector.broadcast %broadcast_in_dim3A_764 : vector<1x256xf32> to vector<128x256xf32>
    %eq3A_766 = arith.cmpf oeq, %slice3A_689, %eq3A_765 : vector<128x256xf32>
    %jit3A_767 = arith.constant 1.000000e+30 : f32
    %broadcast_in_dim3A_768 = vector.broadcast %jit3A_767 : f32 to vector<128x256xf32>
    %select_n3A_769 = arith.select %eq3A_766, %broadcast_in_dim3A_768, %select_n3A_753 : vector<128x256xi1>, vector<128x256xf32>
    %reduce_min3A_770 = arith.constant dense<0x7F800000> : vector<256xf32>
    %reduce_min3A_771 = vector.multi_reduction <minimumf>, %select_n3A_769, %reduce_min3A_770 [0] : vector<128x256xf32> to vector<256xf32>
    %broadcast_in_dim3A_772 = vector.shape_cast %reduce_min3A_771 : vector<256xf32> to vector<1x256xf32>
    %le3A_773 = vector.broadcast %broadcast_in_dim3A_772 : vector<1x256xf32> to vector<128x256xf32>
    %le3A_774 = arith.cmpf ole, %select_n3A_769, %le3A_773 : vector<128x256xf32>
    %jit3A_775 = arith.constant 4.096000e+03 : f32
    %broadcast_in_dim3A_776 = vector.broadcast %jit3A_775 : f32 to vector<128x256xf32>
    %select_n3A_777 = arith.select %le3A_774, %slice3A_689, %broadcast_in_dim3A_776 : vector<128x256xi1>, vector<128x256xf32>
    %reduce_min3A_778 = arith.constant dense<0x7F800000> : vector<256xf32>
    %reduce_min3A_779 = vector.multi_reduction <minimumf>, %select_n3A_777, %reduce_min3A_778 [0] : vector<128x256xf32> to vector<256xf32>
    %broadcast_in_dim3A_780 = vector.shape_cast %reduce_min3A_779 : vector<256xf32> to vector<1x256xf32>
    %slice3A_781 = vector.extract_strided_slice %select_n3A {offsets = [1024, 0], sizes = [128, 256], strides = [1, 1]} : vector<4096x256xf32> to vector<128x256xf32>
    %slice3A_782 = vector.extract_strided_slice %convert_element_type3A {offsets = [1024, 0], sizes = [128, 256], strides = [1, 1]} : vector<4096x256xf32> to vector<128x256xf32>
    %reduce_min3A_783 = arith.constant dense<0x7F800000> : vector<256xf32>
    %reduce_min3A_784 = vector.multi_reduction <minimumf>, %slice3A_781, %reduce_min3A_783 [0] : vector<128x256xf32> to vector<256xf32>
    %broadcast_in_dim3A_785 = vector.shape_cast %reduce_min3A_784 : vector<256xf32> to vector<1x256xf32>
    %le3A_786 = vector.broadcast %broadcast_in_dim3A_785 : vector<1x256xf32> to vector<128x256xf32>
    %le3A_787 = arith.cmpf ole, %slice3A_781, %le3A_786 : vector<128x256xf32>
    %jit3A_788 = arith.constant 4.096000e+03 : f32
    %broadcast_in_dim3A_789 = vector.broadcast %jit3A_788 : f32 to vector<128x256xf32>
    %select_n3A_790 = arith.select %le3A_787, %slice3A_782, %broadcast_in_dim3A_789 : vector<128x256xi1>, vector<128x256xf32>
    %reduce_min3A_791 = arith.constant dense<0x7F800000> : vector<256xf32>
    %reduce_min3A_792 = vector.multi_reduction <minimumf>, %select_n3A_790, %reduce_min3A_791 [0] : vector<128x256xf32> to vector<256xf32>
    %broadcast_in_dim3A_793 = vector.shape_cast %reduce_min3A_792 : vector<256xf32> to vector<1x256xf32>
    %eq3A_794 = vector.broadcast %broadcast_in_dim3A_793 : vector<1x256xf32> to vector<128x256xf32>
    %eq3A_795 = arith.cmpf oeq, %slice3A_782, %eq3A_794 : vector<128x256xf32>
    %jit3A_796 = arith.constant 1.000000e+30 : f32
    %broadcast_in_dim3A_797 = vector.broadcast %jit3A_796 : f32 to vector<128x256xf32>
    %select_n3A_798 = arith.select %eq3A_795, %broadcast_in_dim3A_797, %slice3A_781 : vector<128x256xi1>, vector<128x256xf32>
    %reduce_min3A_799 = arith.constant dense<0x7F800000> : vector<256xf32>
    %reduce_min3A_800 = vector.multi_reduction <minimumf>, %select_n3A_798, %reduce_min3A_799 [0] : vector<128x256xf32> to vector<256xf32>
    %broadcast_in_dim3A_801 = vector.shape_cast %reduce_min3A_800 : vector<256xf32> to vector<1x256xf32>
    %le3A_802 = vector.broadcast %broadcast_in_dim3A_801 : vector<1x256xf32> to vector<128x256xf32>
    %le3A_803 = arith.cmpf ole, %select_n3A_798, %le3A_802 : vector<128x256xf32>
    %jit3A_804 = arith.constant 4.096000e+03 : f32
    %broadcast_in_dim3A_805 = vector.broadcast %jit3A_804 : f32 to vector<128x256xf32>
    %select_n3A_806 = arith.select %le3A_803, %slice3A_782, %broadcast_in_dim3A_805 : vector<128x256xi1>, vector<128x256xf32>
    %reduce_min3A_807 = arith.constant dense<0x7F800000> : vector<256xf32>
    %reduce_min3A_808 = vector.multi_reduction <minimumf>, %select_n3A_806, %reduce_min3A_807 [0] : vector<128x256xf32> to vector<256xf32>
    %broadcast_in_dim3A_809 = vector.shape_cast %reduce_min3A_808 : vector<256xf32> to vector<1x256xf32>
    %eq3A_810 = vector.broadcast %broadcast_in_dim3A_809 : vector<1x256xf32> to vector<128x256xf32>
    %eq3A_811 = arith.cmpf oeq, %slice3A_782, %eq3A_810 : vector<128x256xf32>
    %jit3A_812 = arith.constant 1.000000e+30 : f32
    %broadcast_in_dim3A_813 = vector.broadcast %jit3A_812 : f32 to vector<128x256xf32>
    %select_n3A_814 = arith.select %eq3A_811, %broadcast_in_dim3A_813, %select_n3A_798 : vector<128x256xi1>, vector<128x256xf32>
    %reduce_min3A_815 = arith.constant dense<0x7F800000> : vector<256xf32>
    %reduce_min3A_816 = vector.multi_reduction <minimumf>, %select_n3A_814, %reduce_min3A_815 [0] : vector<128x256xf32> to vector<256xf32>
    %broadcast_in_dim3A_817 = vector.shape_cast %reduce_min3A_816 : vector<256xf32> to vector<1x256xf32>
    %le3A_818 = vector.broadcast %broadcast_in_dim3A_817 : vector<1x256xf32> to vector<128x256xf32>
    %le3A_819 = arith.cmpf ole, %select_n3A_814, %le3A_818 : vector<128x256xf32>
    %jit3A_820 = arith.constant 4.096000e+03 : f32
    %broadcast_in_dim3A_821 = vector.broadcast %jit3A_820 : f32 to vector<128x256xf32>
    %select_n3A_822 = arith.select %le3A_819, %slice3A_782, %broadcast_in_dim3A_821 : vector<128x256xi1>, vector<128x256xf32>
    %reduce_min3A_823 = arith.constant dense<0x7F800000> : vector<256xf32>
    %reduce_min3A_824 = vector.multi_reduction <minimumf>, %select_n3A_822, %reduce_min3A_823 [0] : vector<128x256xf32> to vector<256xf32>
    %broadcast_in_dim3A_825 = vector.shape_cast %reduce_min3A_824 : vector<256xf32> to vector<1x256xf32>
    %eq3A_826 = vector.broadcast %broadcast_in_dim3A_825 : vector<1x256xf32> to vector<128x256xf32>
    %eq3A_827 = arith.cmpf oeq, %slice3A_782, %eq3A_826 : vector<128x256xf32>
    %jit3A_828 = arith.constant 1.000000e+30 : f32
    %broadcast_in_dim3A_829 = vector.broadcast %jit3A_828 : f32 to vector<128x256xf32>
    %select_n3A_830 = arith.select %eq3A_827, %broadcast_in_dim3A_829, %select_n3A_814 : vector<128x256xi1>, vector<128x256xf32>
    %reduce_min3A_831 = arith.constant dense<0x7F800000> : vector<256xf32>
    %reduce_min3A_832 = vector.multi_reduction <minimumf>, %select_n3A_830, %reduce_min3A_831 [0] : vector<128x256xf32> to vector<256xf32>
    %broadcast_in_dim3A_833 = vector.shape_cast %reduce_min3A_832 : vector<256xf32> to vector<1x256xf32>
    %le3A_834 = vector.broadcast %broadcast_in_dim3A_833 : vector<1x256xf32> to vector<128x256xf32>
    %le3A_835 = arith.cmpf ole, %select_n3A_830, %le3A_834 : vector<128x256xf32>
    %jit3A_836 = arith.constant 4.096000e+03 : f32
    %broadcast_in_dim3A_837 = vector.broadcast %jit3A_836 : f32 to vector<128x256xf32>
    %select_n3A_838 = arith.select %le3A_835, %slice3A_782, %broadcast_in_dim3A_837 : vector<128x256xi1>, vector<128x256xf32>
    %reduce_min3A_839 = arith.constant dense<0x7F800000> : vector<256xf32>
    %reduce_min3A_840 = vector.multi_reduction <minimumf>, %select_n3A_838, %reduce_min3A_839 [0] : vector<128x256xf32> to vector<256xf32>
    %broadcast_in_dim3A_841 = vector.shape_cast %reduce_min3A_840 : vector<256xf32> to vector<1x256xf32>
    %eq3A_842 = vector.broadcast %broadcast_in_dim3A_841 : vector<1x256xf32> to vector<128x256xf32>
    %eq3A_843 = arith.cmpf oeq, %slice3A_782, %eq3A_842 : vector<128x256xf32>
    %jit3A_844 = arith.constant 1.000000e+30 : f32
    %broadcast_in_dim3A_845 = vector.broadcast %jit3A_844 : f32 to vector<128x256xf32>
    %select_n3A_846 = arith.select %eq3A_843, %broadcast_in_dim3A_845, %select_n3A_830 : vector<128x256xi1>, vector<128x256xf32>
    %reduce_min3A_847 = arith.constant dense<0x7F800000> : vector<256xf32>
    %reduce_min3A_848 = vector.multi_reduction <minimumf>, %select_n3A_846, %reduce_min3A_847 [0] : vector<128x256xf32> to vector<256xf32>
    %broadcast_in_dim3A_849 = vector.shape_cast %reduce_min3A_848 : vector<256xf32> to vector<1x256xf32>
    %le3A_850 = vector.broadcast %broadcast_in_dim3A_849 : vector<1x256xf32> to vector<128x256xf32>
    %le3A_851 = arith.cmpf ole, %select_n3A_846, %le3A_850 : vector<128x256xf32>
    %jit3A_852 = arith.constant 4.096000e+03 : f32
    %broadcast_in_dim3A_853 = vector.broadcast %jit3A_852 : f32 to vector<128x256xf32>
    %select_n3A_854 = arith.select %le3A_851, %slice3A_782, %broadcast_in_dim3A_853 : vector<128x256xi1>, vector<128x256xf32>
    %reduce_min3A_855 = arith.constant dense<0x7F800000> : vector<256xf32>
    %reduce_min3A_856 = vector.multi_reduction <minimumf>, %select_n3A_854, %reduce_min3A_855 [0] : vector<128x256xf32> to vector<256xf32>
    %broadcast_in_dim3A_857 = vector.shape_cast %reduce_min3A_856 : vector<256xf32> to vector<1x256xf32>
    %eq3A_858 = vector.broadcast %broadcast_in_dim3A_857 : vector<1x256xf32> to vector<128x256xf32>
    %eq3A_859 = arith.cmpf oeq, %slice3A_782, %eq3A_858 : vector<128x256xf32>
    %jit3A_860 = arith.constant 1.000000e+30 : f32
    %broadcast_in_dim3A_861 = vector.broadcast %jit3A_860 : f32 to vector<128x256xf32>
    %select_n3A_862 = arith.select %eq3A_859, %broadcast_in_dim3A_861, %select_n3A_846 : vector<128x256xi1>, vector<128x256xf32>
    %reduce_min3A_863 = arith.constant dense<0x7F800000> : vector<256xf32>
    %reduce_min3A_864 = vector.multi_reduction <minimumf>, %select_n3A_862, %reduce_min3A_863 [0] : vector<128x256xf32> to vector<256xf32>
    %broadcast_in_dim3A_865 = vector.shape_cast %reduce_min3A_864 : vector<256xf32> to vector<1x256xf32>
    %le3A_866 = vector.broadcast %broadcast_in_dim3A_865 : vector<1x256xf32> to vector<128x256xf32>
    %le3A_867 = arith.cmpf ole, %select_n3A_862, %le3A_866 : vector<128x256xf32>
    %jit3A_868 = arith.constant 4.096000e+03 : f32
    %broadcast_in_dim3A_869 = vector.broadcast %jit3A_868 : f32 to vector<128x256xf32>
    %select_n3A_870 = arith.select %le3A_867, %slice3A_782, %broadcast_in_dim3A_869 : vector<128x256xi1>, vector<128x256xf32>
    %reduce_min3A_871 = arith.constant dense<0x7F800000> : vector<256xf32>
    %reduce_min3A_872 = vector.multi_reduction <minimumf>, %select_n3A_870, %reduce_min3A_871 [0] : vector<128x256xf32> to vector<256xf32>
    %broadcast_in_dim3A_873 = vector.shape_cast %reduce_min3A_872 : vector<256xf32> to vector<1x256xf32>
    %slice3A_874 = vector.extract_strided_slice %select_n3A {offsets = [1152, 0], sizes = [128, 256], strides = [1, 1]} : vector<4096x256xf32> to vector<128x256xf32>
    %slice3A_875 = vector.extract_strided_slice %convert_element_type3A {offsets = [1152, 0], sizes = [128, 256], strides = [1, 1]} : vector<4096x256xf32> to vector<128x256xf32>
    %reduce_min3A_876 = arith.constant dense<0x7F800000> : vector<256xf32>
    %reduce_min3A_877 = vector.multi_reduction <minimumf>, %slice3A_874, %reduce_min3A_876 [0] : vector<128x256xf32> to vector<256xf32>
    %broadcast_in_dim3A_878 = vector.shape_cast %reduce_min3A_877 : vector<256xf32> to vector<1x256xf32>
    %le3A_879 = vector.broadcast %broadcast_in_dim3A_878 : vector<1x256xf32> to vector<128x256xf32>
    %le3A_880 = arith.cmpf ole, %slice3A_874, %le3A_879 : vector<128x256xf32>
    %jit3A_881 = arith.constant 4.096000e+03 : f32
    %broadcast_in_dim3A_882 = vector.broadcast %jit3A_881 : f32 to vector<128x256xf32>
    %select_n3A_883 = arith.select %le3A_880, %slice3A_875, %broadcast_in_dim3A_882 : vector<128x256xi1>, vector<128x256xf32>
    %reduce_min3A_884 = arith.constant dense<0x7F800000> : vector<256xf32>
    %reduce_min3A_885 = vector.multi_reduction <minimumf>, %select_n3A_883, %reduce_min3A_884 [0] : vector<128x256xf32> to vector<256xf32>
    %broadcast_in_dim3A_886 = vector.shape_cast %reduce_min3A_885 : vector<256xf32> to vector<1x256xf32>
    %eq3A_887 = vector.broadcast %broadcast_in_dim3A_886 : vector<1x256xf32> to vector<128x256xf32>
    %eq3A_888 = arith.cmpf oeq, %slice3A_875, %eq3A_887 : vector<128x256xf32>
    %jit3A_889 = arith.constant 1.000000e+30 : f32
    %broadcast_in_dim3A_890 = vector.broadcast %jit3A_889 : f32 to vector<128x256xf32>
    %select_n3A_891 = arith.select %eq3A_888, %broadcast_in_dim3A_890, %slice3A_874 : vector<128x256xi1>, vector<128x256xf32>
    %reduce_min3A_892 = arith.constant dense<0x7F800000> : vector<256xf32>
    %reduce_min3A_893 = vector.multi_reduction <minimumf>, %select_n3A_891, %reduce_min3A_892 [0] : vector<128x256xf32> to vector<256xf32>
    %broadcast_in_dim3A_894 = vector.shape_cast %reduce_min3A_893 : vector<256xf32> to vector<1x256xf32>
    %le3A_895 = vector.broadcast %broadcast_in_dim3A_894 : vector<1x256xf32> to vector<128x256xf32>
    %le3A_896 = arith.cmpf ole, %select_n3A_891, %le3A_895 : vector<128x256xf32>
    %jit3A_897 = arith.constant 4.096000e+03 : f32
    %broadcast_in_dim3A_898 = vector.broadcast %jit3A_897 : f32 to vector<128x256xf32>
    %select_n3A_899 = arith.select %le3A_896, %slice3A_875, %broadcast_in_dim3A_898 : vector<128x256xi1>, vector<128x256xf32>
    %reduce_min3A_900 = arith.constant dense<0x7F800000> : vector<256xf32>
    %reduce_min3A_901 = vector.multi_reduction <minimumf>, %select_n3A_899, %reduce_min3A_900 [0] : vector<128x256xf32> to vector<256xf32>
    %broadcast_in_dim3A_902 = vector.shape_cast %reduce_min3A_901 : vector<256xf32> to vector<1x256xf32>
    %eq3A_903 = vector.broadcast %broadcast_in_dim3A_902 : vector<1x256xf32> to vector<128x256xf32>
    %eq3A_904 = arith.cmpf oeq, %slice3A_875, %eq3A_903 : vector<128x256xf32>
    %jit3A_905 = arith.constant 1.000000e+30 : f32
    %broadcast_in_dim3A_906 = vector.broadcast %jit3A_905 : f32 to vector<128x256xf32>
    %select_n3A_907 = arith.select %eq3A_904, %broadcast_in_dim3A_906, %select_n3A_891 : vector<128x256xi1>, vector<128x256xf32>
    %reduce_min3A_908 = arith.constant dense<0x7F800000> : vector<256xf32>
    %reduce_min3A_909 = vector.multi_reduction <minimumf>, %select_n3A_907, %reduce_min3A_908 [0] : vector<128x256xf32> to vector<256xf32>
    %broadcast_in_dim3A_910 = vector.shape_cast %reduce_min3A_909 : vector<256xf32> to vector<1x256xf32>
    %le3A_911 = vector.broadcast %broadcast_in_dim3A_910 : vector<1x256xf32> to vector<128x256xf32>
    %le3A_912 = arith.cmpf ole, %select_n3A_907, %le3A_911 : vector<128x256xf32>
    %jit3A_913 = arith.constant 4.096000e+03 : f32
    %broadcast_in_dim3A_914 = vector.broadcast %jit3A_913 : f32 to vector<128x256xf32>
    %select_n3A_915 = arith.select %le3A_912, %slice3A_875, %broadcast_in_dim3A_914 : vector<128x256xi1>, vector<128x256xf32>
    %reduce_min3A_916 = arith.constant dense<0x7F800000> : vector<256xf32>
    %reduce_min3A_917 = vector.multi_reduction <minimumf>, %select_n3A_915, %reduce_min3A_916 [0] : vector<128x256xf32> to vector<256xf32>
    %broadcast_in_dim3A_918 = vector.shape_cast %reduce_min3A_917 : vector<256xf32> to vector<1x256xf32>
    %eq3A_919 = vector.broadcast %broadcast_in_dim3A_918 : vector<1x256xf32> to vector<128x256xf32>
    %eq3A_920 = arith.cmpf oeq, %slice3A_875, %eq3A_919 : vector<128x256xf32>
    %jit3A_921 = arith.constant 1.000000e+30 : f32
    %broadcast_in_dim3A_922 = vector.broadcast %jit3A_921 : f32 to vector<128x256xf32>
    %select_n3A_923 = arith.select %eq3A_920, %broadcast_in_dim3A_922, %select_n3A_907 : vector<128x256xi1>, vector<128x256xf32>
    %reduce_min3A_924 = arith.constant dense<0x7F800000> : vector<256xf32>
    %reduce_min3A_925 = vector.multi_reduction <minimumf>, %select_n3A_923, %reduce_min3A_924 [0] : vector<128x256xf32> to vector<256xf32>
    %broadcast_in_dim3A_926 = vector.shape_cast %reduce_min3A_925 : vector<256xf32> to vector<1x256xf32>
    %le3A_927 = vector.broadcast %broadcast_in_dim3A_926 : vector<1x256xf32> to vector<128x256xf32>
    %le3A_928 = arith.cmpf ole, %select_n3A_923, %le3A_927 : vector<128x256xf32>
    %jit3A_929 = arith.constant 4.096000e+03 : f32
    %broadcast_in_dim3A_930 = vector.broadcast %jit3A_929 : f32 to vector<128x256xf32>
    %select_n3A_931 = arith.select %le3A_928, %slice3A_875, %broadcast_in_dim3A_930 : vector<128x256xi1>, vector<128x256xf32>
    %reduce_min3A_932 = arith.constant dense<0x7F800000> : vector<256xf32>
    %reduce_min3A_933 = vector.multi_reduction <minimumf>, %select_n3A_931, %reduce_min3A_932 [0] : vector<128x256xf32> to vector<256xf32>
    %broadcast_in_dim3A_934 = vector.shape_cast %reduce_min3A_933 : vector<256xf32> to vector<1x256xf32>
    %eq3A_935 = vector.broadcast %broadcast_in_dim3A_934 : vector<1x256xf32> to vector<128x256xf32>
    %eq3A_936 = arith.cmpf oeq, %slice3A_875, %eq3A_935 : vector<128x256xf32>
    %jit3A_937 = arith.constant 1.000000e+30 : f32
    %broadcast_in_dim3A_938 = vector.broadcast %jit3A_937 : f32 to vector<128x256xf32>
    %select_n3A_939 = arith.select %eq3A_936, %broadcast_in_dim3A_938, %select_n3A_923 : vector<128x256xi1>, vector<128x256xf32>
    %reduce_min3A_940 = arith.constant dense<0x7F800000> : vector<256xf32>
    %reduce_min3A_941 = vector.multi_reduction <minimumf>, %select_n3A_939, %reduce_min3A_940 [0] : vector<128x256xf32> to vector<256xf32>
    %broadcast_in_dim3A_942 = vector.shape_cast %reduce_min3A_941 : vector<256xf32> to vector<1x256xf32>
    %le3A_943 = vector.broadcast %broadcast_in_dim3A_942 : vector<1x256xf32> to vector<128x256xf32>
    %le3A_944 = arith.cmpf ole, %select_n3A_939, %le3A_943 : vector<128x256xf32>
    %jit3A_945 = arith.constant 4.096000e+03 : f32
    %broadcast_in_dim3A_946 = vector.broadcast %jit3A_945 : f32 to vector<128x256xf32>
    %select_n3A_947 = arith.select %le3A_944, %slice3A_875, %broadcast_in_dim3A_946 : vector<128x256xi1>, vector<128x256xf32>
    %reduce_min3A_948 = arith.constant dense<0x7F800000> : vector<256xf32>
    %reduce_min3A_949 = vector.multi_reduction <minimumf>, %select_n3A_947, %reduce_min3A_948 [0] : vector<128x256xf32> to vector<256xf32>
    %broadcast_in_dim3A_950 = vector.shape_cast %reduce_min3A_949 : vector<256xf32> to vector<1x256xf32>
    %eq3A_951 = vector.broadcast %broadcast_in_dim3A_950 : vector<1x256xf32> to vector<128x256xf32>
    %eq3A_952 = arith.cmpf oeq, %slice3A_875, %eq3A_951 : vector<128x256xf32>
    %jit3A_953 = arith.constant 1.000000e+30 : f32
    %broadcast_in_dim3A_954 = vector.broadcast %jit3A_953 : f32 to vector<128x256xf32>
    %select_n3A_955 = arith.select %eq3A_952, %broadcast_in_dim3A_954, %select_n3A_939 : vector<128x256xi1>, vector<128x256xf32>
    %reduce_min3A_956 = arith.constant dense<0x7F800000> : vector<256xf32>
    %reduce_min3A_957 = vector.multi_reduction <minimumf>, %select_n3A_955, %reduce_min3A_956 [0] : vector<128x256xf32> to vector<256xf32>
    %broadcast_in_dim3A_958 = vector.shape_cast %reduce_min3A_957 : vector<256xf32> to vector<1x256xf32>
    %le3A_959 = vector.broadcast %broadcast_in_dim3A_958 : vector<1x256xf32> to vector<128x256xf32>
    %le3A_960 = arith.cmpf ole, %select_n3A_955, %le3A_959 : vector<128x256xf32>
    %jit3A_961 = arith.constant 4.096000e+03 : f32
    %broadcast_in_dim3A_962 = vector.broadcast %jit3A_961 : f32 to vector<128x256xf32>
    %select_n3A_963 = arith.select %le3A_960, %slice3A_875, %broadcast_in_dim3A_962 : vector<128x256xi1>, vector<128x256xf32>
    %reduce_min3A_964 = arith.constant dense<0x7F800000> : vector<256xf32>
    %reduce_min3A_965 = vector.multi_reduction <minimumf>, %select_n3A_963, %reduce_min3A_964 [0] : vector<128x256xf32> to vector<256xf32>
    %broadcast_in_dim3A_966 = vector.shape_cast %reduce_min3A_965 : vector<256xf32> to vector<1x256xf32>
    %slice3A_967 = vector.extract_strided_slice %select_n3A {offsets = [1280, 0], sizes = [128, 256], strides = [1, 1]} : vector<4096x256xf32> to vector<128x256xf32>
    %slice3A_968 = vector.extract_strided_slice %convert_element_type3A {offsets = [1280, 0], sizes = [128, 256], strides = [1, 1]} : vector<4096x256xf32> to vector<128x256xf32>
    %reduce_min3A_969 = arith.constant dense<0x7F800000> : vector<256xf32>
    %reduce_min3A_970 = vector.multi_reduction <minimumf>, %slice3A_967, %reduce_min3A_969 [0] : vector<128x256xf32> to vector<256xf32>
    %broadcast_in_dim3A_971 = vector.shape_cast %reduce_min3A_970 : vector<256xf32> to vector<1x256xf32>
    %le3A_972 = vector.broadcast %broadcast_in_dim3A_971 : vector<1x256xf32> to vector<128x256xf32>
    %le3A_973 = arith.cmpf ole, %slice3A_967, %le3A_972 : vector<128x256xf32>
    %jit3A_974 = arith.constant 4.096000e+03 : f32
    %broadcast_in_dim3A_975 = vector.broadcast %jit3A_974 : f32 to vector<128x256xf32>
    %select_n3A_976 = arith.select %le3A_973, %slice3A_968, %broadcast_in_dim3A_975 : vector<128x256xi1>, vector<128x256xf32>
    %reduce_min3A_977 = arith.constant dense<0x7F800000> : vector<256xf32>
    %reduce_min3A_978 = vector.multi_reduction <minimumf>, %select_n3A_976, %reduce_min3A_977 [0] : vector<128x256xf32> to vector<256xf32>
    %broadcast_in_dim3A_979 = vector.shape_cast %reduce_min3A_978 : vector<256xf32> to vector<1x256xf32>
    %eq3A_980 = vector.broadcast %broadcast_in_dim3A_979 : vector<1x256xf32> to vector<128x256xf32>
    %eq3A_981 = arith.cmpf oeq, %slice3A_968, %eq3A_980 : vector<128x256xf32>
    %jit3A_982 = arith.constant 1.000000e+30 : f32
    %broadcast_in_dim3A_983 = vector.broadcast %jit3A_982 : f32 to vector<128x256xf32>
    %select_n3A_984 = arith.select %eq3A_981, %broadcast_in_dim3A_983, %slice3A_967 : vector<128x256xi1>, vector<128x256xf32>
    %reduce_min3A_985 = arith.constant dense<0x7F800000> : vector<256xf32>
    %reduce_min3A_986 = vector.multi_reduction <minimumf>, %select_n3A_984, %reduce_min3A_985 [0] : vector<128x256xf32> to vector<256xf32>
    %broadcast_in_dim3A_987 = vector.shape_cast %reduce_min3A_986 : vector<256xf32> to vector<1x256xf32>
    %le3A_988 = vector.broadcast %broadcast_in_dim3A_987 : vector<1x256xf32> to vector<128x256xf32>
    %le3A_989 = arith.cmpf ole, %select_n3A_984, %le3A_988 : vector<128x256xf32>
    %jit3A_990 = arith.constant 4.096000e+03 : f32
    %broadcast_in_dim3A_991 = vector.broadcast %jit3A_990 : f32 to vector<128x256xf32>
    %select_n3A_992 = arith.select %le3A_989, %slice3A_968, %broadcast_in_dim3A_991 : vector<128x256xi1>, vector<128x256xf32>
    %reduce_min3A_993 = arith.constant dense<0x7F800000> : vector<256xf32>
    %reduce_min3A_994 = vector.multi_reduction <minimumf>, %select_n3A_992, %reduce_min3A_993 [0] : vector<128x256xf32> to vector<256xf32>
    %broadcast_in_dim3A_995 = vector.shape_cast %reduce_min3A_994 : vector<256xf32> to vector<1x256xf32>
    %eq3A_996 = vector.broadcast %broadcast_in_dim3A_995 : vector<1x256xf32> to vector<128x256xf32>
    %eq3A_997 = arith.cmpf oeq, %slice3A_968, %eq3A_996 : vector<128x256xf32>
    %jit3A_998 = arith.constant 1.000000e+30 : f32
    %broadcast_in_dim3A_999 = vector.broadcast %jit3A_998 : f32 to vector<128x256xf32>
    %select_n3A_1000 = arith.select %eq3A_997, %broadcast_in_dim3A_999, %select_n3A_984 : vector<128x256xi1>, vector<128x256xf32>
    %reduce_min3A_1001 = arith.constant dense<0x7F800000> : vector<256xf32>
    %reduce_min3A_1002 = vector.multi_reduction <minimumf>, %select_n3A_1000, %reduce_min3A_1001 [0] : vector<128x256xf32> to vector<256xf32>
    %broadcast_in_dim3A_1003 = vector.shape_cast %reduce_min3A_1002 : vector<256xf32> to vector<1x256xf32>
    %le3A_1004 = vector.broadcast %broadcast_in_dim3A_1003 : vector<1x256xf32> to vector<128x256xf32>
    %le3A_1005 = arith.cmpf ole, %select_n3A_1000, %le3A_1004 : vector<128x256xf32>
    %jit3A_1006 = arith.constant 4.096000e+03 : f32
    %broadcast_in_dim3A_1007 = vector.broadcast %jit3A_1006 : f32 to vector<128x256xf32>
    %select_n3A_1008 = arith.select %le3A_1005, %slice3A_968, %broadcast_in_dim3A_1007 : vector<128x256xi1>, vector<128x256xf32>
    %reduce_min3A_1009 = arith.constant dense<0x7F800000> : vector<256xf32>
    %reduce_min3A_1010 = vector.multi_reduction <minimumf>, %select_n3A_1008, %reduce_min3A_1009 [0] : vector<128x256xf32> to vector<256xf32>
    %broadcast_in_dim3A_1011 = vector.shape_cast %reduce_min3A_1010 : vector<256xf32> to vector<1x256xf32>
    %eq3A_1012 = vector.broadcast %broadcast_in_dim3A_1011 : vector<1x256xf32> to vector<128x256xf32>
    %eq3A_1013 = arith.cmpf oeq, %slice3A_968, %eq3A_1012 : vector<128x256xf32>
    %jit3A_1014 = arith.constant 1.000000e+30 : f32
    %broadcast_in_dim3A_1015 = vector.broadcast %jit3A_1014 : f32 to vector<128x256xf32>
    %select_n3A_1016 = arith.select %eq3A_1013, %broadcast_in_dim3A_1015, %select_n3A_1000 : vector<128x256xi1>, vector<128x256xf32>
    %reduce_min3A_1017 = arith.constant dense<0x7F800000> : vector<256xf32>
    %reduce_min3A_1018 = vector.multi_reduction <minimumf>, %select_n3A_1016, %reduce_min3A_1017 [0] : vector<128x256xf32> to vector<256xf32>
    %broadcast_in_dim3A_1019 = vector.shape_cast %reduce_min3A_1018 : vector<256xf32> to vector<1x256xf32>
    %le3A_1020 = vector.broadcast %broadcast_in_dim3A_1019 : vector<1x256xf32> to vector<128x256xf32>
    %le3A_1021 = arith.cmpf ole, %select_n3A_1016, %le3A_1020 : vector<128x256xf32>
    %jit3A_1022 = arith.constant 4.096000e+03 : f32
    %broadcast_in_dim3A_1023 = vector.broadcast %jit3A_1022 : f32 to vector<128x256xf32>
    %select_n3A_1024 = arith.select %le3A_1021, %slice3A_968, %broadcast_in_dim3A_1023 : vector<128x256xi1>, vector<128x256xf32>
    %reduce_min3A_1025 = arith.constant dense<0x7F800000> : vector<256xf32>
    %reduce_min3A_1026 = vector.multi_reduction <minimumf>, %select_n3A_1024, %reduce_min3A_1025 [0] : vector<128x256xf32> to vector<256xf32>
    %broadcast_in_dim3A_1027 = vector.shape_cast %reduce_min3A_1026 : vector<256xf32> to vector<1x256xf32>
    %eq3A_1028 = vector.broadcast %broadcast_in_dim3A_1027 : vector<1x256xf32> to vector<128x256xf32>
    %eq3A_1029 = arith.cmpf oeq, %slice3A_968, %eq3A_1028 : vector<128x256xf32>
    %jit3A_1030 = arith.constant 1.000000e+30 : f32
    %broadcast_in_dim3A_1031 = vector.broadcast %jit3A_1030 : f32 to vector<128x256xf32>
    %select_n3A_1032 = arith.select %eq3A_1029, %broadcast_in_dim3A_1031, %select_n3A_1016 : vector<128x256xi1>, vector<128x256xf32>
    %reduce_min3A_1033 = arith.constant dense<0x7F800000> : vector<256xf32>
    %reduce_min3A_1034 = vector.multi_reduction <minimumf>, %select_n3A_1032, %reduce_min3A_1033 [0] : vector<128x256xf32> to vector<256xf32>
    %broadcast_in_dim3A_1035 = vector.shape_cast %reduce_min3A_1034 : vector<256xf32> to vector<1x256xf32>
    %le3A_1036 = vector.broadcast %broadcast_in_dim3A_1035 : vector<1x256xf32> to vector<128x256xf32>
    %le3A_1037 = arith.cmpf ole, %select_n3A_1032, %le3A_1036 : vector<128x256xf32>
    %jit3A_1038 = arith.constant 4.096000e+03 : f32
    %broadcast_in_dim3A_1039 = vector.broadcast %jit3A_1038 : f32 to vector<128x256xf32>
    %select_n3A_1040 = arith.select %le3A_1037, %slice3A_968, %broadcast_in_dim3A_1039 : vector<128x256xi1>, vector<128x256xf32>
    %reduce_min3A_1041 = arith.constant dense<0x7F800000> : vector<256xf32>
    %reduce_min3A_1042 = vector.multi_reduction <minimumf>, %select_n3A_1040, %reduce_min3A_1041 [0] : vector<128x256xf32> to vector<256xf32>
    %broadcast_in_dim3A_1043 = vector.shape_cast %reduce_min3A_1042 : vector<256xf32> to vector<1x256xf32>
    %eq3A_1044 = vector.broadcast %broadcast_in_dim3A_1043 : vector<1x256xf32> to vector<128x256xf32>
    %eq3A_1045 = arith.cmpf oeq, %slice3A_968, %eq3A_1044 : vector<128x256xf32>
    %jit3A_1046 = arith.constant 1.000000e+30 : f32
    %broadcast_in_dim3A_1047 = vector.broadcast %jit3A_1046 : f32 to vector<128x256xf32>
    %select_n3A_1048 = arith.select %eq3A_1045, %broadcast_in_dim3A_1047, %select_n3A_1032 : vector<128x256xi1>, vector<128x256xf32>
    %reduce_min3A_1049 = arith.constant dense<0x7F800000> : vector<256xf32>
    %reduce_min3A_1050 = vector.multi_reduction <minimumf>, %select_n3A_1048, %reduce_min3A_1049 [0] : vector<128x256xf32> to vector<256xf32>
    %broadcast_in_dim3A_1051 = vector.shape_cast %reduce_min3A_1050 : vector<256xf32> to vector<1x256xf32>
    %le3A_1052 = vector.broadcast %broadcast_in_dim3A_1051 : vector<1x256xf32> to vector<128x256xf32>
    %le3A_1053 = arith.cmpf ole, %select_n3A_1048, %le3A_1052 : vector<128x256xf32>
    %jit3A_1054 = arith.constant 4.096000e+03 : f32
    %broadcast_in_dim3A_1055 = vector.broadcast %jit3A_1054 : f32 to vector<128x256xf32>
    %select_n3A_1056 = arith.select %le3A_1053, %slice3A_968, %broadcast_in_dim3A_1055 : vector<128x256xi1>, vector<128x256xf32>
    %reduce_min3A_1057 = arith.constant dense<0x7F800000> : vector<256xf32>
    %reduce_min3A_1058 = vector.multi_reduction <minimumf>, %select_n3A_1056, %reduce_min3A_1057 [0] : vector<128x256xf32> to vector<256xf32>
    %broadcast_in_dim3A_1059 = vector.shape_cast %reduce_min3A_1058 : vector<256xf32> to vector<1x256xf32>
    %slice3A_1060 = vector.extract_strided_slice %select_n3A {offsets = [1408, 0], sizes = [128, 256], strides = [1, 1]} : vector<4096x256xf32> to vector<128x256xf32>
    %slice3A_1061 = vector.extract_strided_slice %convert_element_type3A {offsets = [1408, 0], sizes = [128, 256], strides = [1, 1]} : vector<4096x256xf32> to vector<128x256xf32>
    %reduce_min3A_1062 = arith.constant dense<0x7F800000> : vector<256xf32>
    %reduce_min3A_1063 = vector.multi_reduction <minimumf>, %slice3A_1060, %reduce_min3A_1062 [0] : vector<128x256xf32> to vector<256xf32>
    %broadcast_in_dim3A_1064 = vector.shape_cast %reduce_min3A_1063 : vector<256xf32> to vector<1x256xf32>
    %le3A_1065 = vector.broadcast %broadcast_in_dim3A_1064 : vector<1x256xf32> to vector<128x256xf32>
    %le3A_1066 = arith.cmpf ole, %slice3A_1060, %le3A_1065 : vector<128x256xf32>
    %jit3A_1067 = arith.constant 4.096000e+03 : f32
    %broadcast_in_dim3A_1068 = vector.broadcast %jit3A_1067 : f32 to vector<128x256xf32>
    %select_n3A_1069 = arith.select %le3A_1066, %slice3A_1061, %broadcast_in_dim3A_1068 : vector<128x256xi1>, vector<128x256xf32>
    %reduce_min3A_1070 = arith.constant dense<0x7F800000> : vector<256xf32>
    %reduce_min3A_1071 = vector.multi_reduction <minimumf>, %select_n3A_1069, %reduce_min3A_1070 [0] : vector<128x256xf32> to vector<256xf32>
    %broadcast_in_dim3A_1072 = vector.shape_cast %reduce_min3A_1071 : vector<256xf32> to vector<1x256xf32>
    %eq3A_1073 = vector.broadcast %broadcast_in_dim3A_1072 : vector<1x256xf32> to vector<128x256xf32>
    %eq3A_1074 = arith.cmpf oeq, %slice3A_1061, %eq3A_1073 : vector<128x256xf32>
    %jit3A_1075 = arith.constant 1.000000e+30 : f32
    %broadcast_in_dim3A_1076 = vector.broadcast %jit3A_1075 : f32 to vector<128x256xf32>
    %select_n3A_1077 = arith.select %eq3A_1074, %broadcast_in_dim3A_1076, %slice3A_1060 : vector<128x256xi1>, vector<128x256xf32>
    %reduce_min3A_1078 = arith.constant dense<0x7F800000> : vector<256xf32>
    %reduce_min3A_1079 = vector.multi_reduction <minimumf>, %select_n3A_1077, %reduce_min3A_1078 [0] : vector<128x256xf32> to vector<256xf32>
    %broadcast_in_dim3A_1080 = vector.shape_cast %reduce_min3A_1079 : vector<256xf32> to vector<1x256xf32>
    %le3A_1081 = vector.broadcast %broadcast_in_dim3A_1080 : vector<1x256xf32> to vector<128x256xf32>
    %le3A_1082 = arith.cmpf ole, %select_n3A_1077, %le3A_1081 : vector<128x256xf32>
    %jit3A_1083 = arith.constant 4.096000e+03 : f32
    %broadcast_in_dim3A_1084 = vector.broadcast %jit3A_1083 : f32 to vector<128x256xf32>
    %select_n3A_1085 = arith.select %le3A_1082, %slice3A_1061, %broadcast_in_dim3A_1084 : vector<128x256xi1>, vector<128x256xf32>
    %reduce_min3A_1086 = arith.constant dense<0x7F800000> : vector<256xf32>
    %reduce_min3A_1087 = vector.multi_reduction <minimumf>, %select_n3A_1085, %reduce_min3A_1086 [0] : vector<128x256xf32> to vector<256xf32>
    %broadcast_in_dim3A_1088 = vector.shape_cast %reduce_min3A_1087 : vector<256xf32> to vector<1x256xf32>
    %eq3A_1089 = vector.broadcast %broadcast_in_dim3A_1088 : vector<1x256xf32> to vector<128x256xf32>
    %eq3A_1090 = arith.cmpf oeq, %slice3A_1061, %eq3A_1089 : vector<128x256xf32>
    %jit3A_1091 = arith.constant 1.000000e+30 : f32
    %broadcast_in_dim3A_1092 = vector.broadcast %jit3A_1091 : f32 to vector<128x256xf32>
    %select_n3A_1093 = arith.select %eq3A_1090, %broadcast_in_dim3A_1092, %select_n3A_1077 : vector<128x256xi1>, vector<128x256xf32>
    %reduce_min3A_1094 = arith.constant dense<0x7F800000> : vector<256xf32>
    %reduce_min3A_1095 = vector.multi_reduction <minimumf>, %select_n3A_1093, %reduce_min3A_1094 [0] : vector<128x256xf32> to vector<256xf32>
    %broadcast_in_dim3A_1096 = vector.shape_cast %reduce_min3A_1095 : vector<256xf32> to vector<1x256xf32>
    %le3A_1097 = vector.broadcast %broadcast_in_dim3A_1096 : vector<1x256xf32> to vector<128x256xf32>
    %le3A_1098 = arith.cmpf ole, %select_n3A_1093, %le3A_1097 : vector<128x256xf32>
    %jit3A_1099 = arith.constant 4.096000e+03 : f32
    %broadcast_in_dim3A_1100 = vector.broadcast %jit3A_1099 : f32 to vector<128x256xf32>
    %select_n3A_1101 = arith.select %le3A_1098, %slice3A_1061, %broadcast_in_dim3A_1100 : vector<128x256xi1>, vector<128x256xf32>
    %reduce_min3A_1102 = arith.constant dense<0x7F800000> : vector<256xf32>
    %reduce_min3A_1103 = vector.multi_reduction <minimumf>, %select_n3A_1101, %reduce_min3A_1102 [0] : vector<128x256xf32> to vector<256xf32>
    %broadcast_in_dim3A_1104 = vector.shape_cast %reduce_min3A_1103 : vector<256xf32> to vector<1x256xf32>
    %eq3A_1105 = vector.broadcast %broadcast_in_dim3A_1104 : vector<1x256xf32> to vector<128x256xf32>
    %eq3A_1106 = arith.cmpf oeq, %slice3A_1061, %eq3A_1105 : vector<128x256xf32>
    %jit3A_1107 = arith.constant 1.000000e+30 : f32
    %broadcast_in_dim3A_1108 = vector.broadcast %jit3A_1107 : f32 to vector<128x256xf32>
    %select_n3A_1109 = arith.select %eq3A_1106, %broadcast_in_dim3A_1108, %select_n3A_1093 : vector<128x256xi1>, vector<128x256xf32>
    %reduce_min3A_1110 = arith.constant dense<0x7F800000> : vector<256xf32>
    %reduce_min3A_1111 = vector.multi_reduction <minimumf>, %select_n3A_1109, %reduce_min3A_1110 [0] : vector<128x256xf32> to vector<256xf32>
    %broadcast_in_dim3A_1112 = vector.shape_cast %reduce_min3A_1111 : vector<256xf32> to vector<1x256xf32>
    %le3A_1113 = vector.broadcast %broadcast_in_dim3A_1112 : vector<1x256xf32> to vector<128x256xf32>
    %le3A_1114 = arith.cmpf ole, %select_n3A_1109, %le3A_1113 : vector<128x256xf32>
    %jit3A_1115 = arith.constant 4.096000e+03 : f32
    %broadcast_in_dim3A_1116 = vector.broadcast %jit3A_1115 : f32 to vector<128x256xf32>
    %select_n3A_1117 = arith.select %le3A_1114, %slice3A_1061, %broadcast_in_dim3A_1116 : vector<128x256xi1>, vector<128x256xf32>
    %reduce_min3A_1118 = arith.constant dense<0x7F800000> : vector<256xf32>
    %reduce_min3A_1119 = vector.multi_reduction <minimumf>, %select_n3A_1117, %reduce_min3A_1118 [0] : vector<128x256xf32> to vector<256xf32>
    %broadcast_in_dim3A_1120 = vector.shape_cast %reduce_min3A_1119 : vector<256xf32> to vector<1x256xf32>
    %eq3A_1121 = vector.broadcast %broadcast_in_dim3A_1120 : vector<1x256xf32> to vector<128x256xf32>
    %eq3A_1122 = arith.cmpf oeq, %slice3A_1061, %eq3A_1121 : vector<128x256xf32>
    %jit3A_1123 = arith.constant 1.000000e+30 : f32
    %broadcast_in_dim3A_1124 = vector.broadcast %jit3A_1123 : f32 to vector<128x256xf32>
    %select_n3A_1125 = arith.select %eq3A_1122, %broadcast_in_dim3A_1124, %select_n3A_1109 : vector<128x256xi1>, vector<128x256xf32>
    %reduce_min3A_1126 = arith.constant dense<0x7F800000> : vector<256xf32>
    %reduce_min3A_1127 = vector.multi_reduction <minimumf>, %select_n3A_1125, %reduce_min3A_1126 [0] : vector<128x256xf32> to vector<256xf32>
    %broadcast_in_dim3A_1128 = vector.shape_cast %reduce_min3A_1127 : vector<256xf32> to vector<1x256xf32>
    %le3A_1129 = vector.broadcast %broadcast_in_dim3A_1128 : vector<1x256xf32> to vector<128x256xf32>
    %le3A_1130 = arith.cmpf ole, %select_n3A_1125, %le3A_1129 : vector<128x256xf32>
    %jit3A_1131 = arith.constant 4.096000e+03 : f32
    %broadcast_in_dim3A_1132 = vector.broadcast %jit3A_1131 : f32 to vector<128x256xf32>
    %select_n3A_1133 = arith.select %le3A_1130, %slice3A_1061, %broadcast_in_dim3A_1132 : vector<128x256xi1>, vector<128x256xf32>
    %reduce_min3A_1134 = arith.constant dense<0x7F800000> : vector<256xf32>
    %reduce_min3A_1135 = vector.multi_reduction <minimumf>, %select_n3A_1133, %reduce_min3A_1134 [0] : vector<128x256xf32> to vector<256xf32>
    %broadcast_in_dim3A_1136 = vector.shape_cast %reduce_min3A_1135 : vector<256xf32> to vector<1x256xf32>
    %eq3A_1137 = vector.broadcast %broadcast_in_dim3A_1136 : vector<1x256xf32> to vector<128x256xf32>
    %eq3A_1138 = arith.cmpf oeq, %slice3A_1061, %eq3A_1137 : vector<128x256xf32>
    %jit3A_1139 = arith.constant 1.000000e+30 : f32
    %broadcast_in_dim3A_1140 = vector.broadcast %jit3A_1139 : f32 to vector<128x256xf32>
    %select_n3A_1141 = arith.select %eq3A_1138, %broadcast_in_dim3A_1140, %select_n3A_1125 : vector<128x256xi1>, vector<128x256xf32>
    %reduce_min3A_1142 = arith.constant dense<0x7F800000> : vector<256xf32>
    %reduce_min3A_1143 = vector.multi_reduction <minimumf>, %select_n3A_1141, %reduce_min3A_1142 [0] : vector<128x256xf32> to vector<256xf32>
    %broadcast_in_dim3A_1144 = vector.shape_cast %reduce_min3A_1143 : vector<256xf32> to vector<1x256xf32>
    %le3A_1145 = vector.broadcast %broadcast_in_dim3A_1144 : vector<1x256xf32> to vector<128x256xf32>
    %le3A_1146 = arith.cmpf ole, %select_n3A_1141, %le3A_1145 : vector<128x256xf32>
    %jit3A_1147 = arith.constant 4.096000e+03 : f32
    %broadcast_in_dim3A_1148 = vector.broadcast %jit3A_1147 : f32 to vector<128x256xf32>
    %select_n3A_1149 = arith.select %le3A_1146, %slice3A_1061, %broadcast_in_dim3A_1148 : vector<128x256xi1>, vector<128x256xf32>
    %reduce_min3A_1150 = arith.constant dense<0x7F800000> : vector<256xf32>
    %reduce_min3A_1151 = vector.multi_reduction <minimumf>, %select_n3A_1149, %reduce_min3A_1150 [0] : vector<128x256xf32> to vector<256xf32>
    %broadcast_in_dim3A_1152 = vector.shape_cast %reduce_min3A_1151 : vector<256xf32> to vector<1x256xf32>
    %slice3A_1153 = vector.extract_strided_slice %select_n3A {offsets = [1536, 0], sizes = [128, 256], strides = [1, 1]} : vector<4096x256xf32> to vector<128x256xf32>
    %slice3A_1154 = vector.extract_strided_slice %convert_element_type3A {offsets = [1536, 0], sizes = [128, 256], strides = [1, 1]} : vector<4096x256xf32> to vector<128x256xf32>
    %reduce_min3A_1155 = arith.constant dense<0x7F800000> : vector<256xf32>
    %reduce_min3A_1156 = vector.multi_reduction <minimumf>, %slice3A_1153, %reduce_min3A_1155 [0] : vector<128x256xf32> to vector<256xf32>
    %broadcast_in_dim3A_1157 = vector.shape_cast %reduce_min3A_1156 : vector<256xf32> to vector<1x256xf32>
    %le3A_1158 = vector.broadcast %broadcast_in_dim3A_1157 : vector<1x256xf32> to vector<128x256xf32>
    %le3A_1159 = arith.cmpf ole, %slice3A_1153, %le3A_1158 : vector<128x256xf32>
    %jit3A_1160 = arith.constant 4.096000e+03 : f32
    %broadcast_in_dim3A_1161 = vector.broadcast %jit3A_1160 : f32 to vector<128x256xf32>
    %select_n3A_1162 = arith.select %le3A_1159, %slice3A_1154, %broadcast_in_dim3A_1161 : vector<128x256xi1>, vector<128x256xf32>
    %reduce_min3A_1163 = arith.constant dense<0x7F800000> : vector<256xf32>
    %reduce_min3A_1164 = vector.multi_reduction <minimumf>, %select_n3A_1162, %reduce_min3A_1163 [0] : vector<128x256xf32> to vector<256xf32>
    %broadcast_in_dim3A_1165 = vector.shape_cast %reduce_min3A_1164 : vector<256xf32> to vector<1x256xf32>
    %eq3A_1166 = vector.broadcast %broadcast_in_dim3A_1165 : vector<1x256xf32> to vector<128x256xf32>
    %eq3A_1167 = arith.cmpf oeq, %slice3A_1154, %eq3A_1166 : vector<128x256xf32>
    %jit3A_1168 = arith.constant 1.000000e+30 : f32
    %broadcast_in_dim3A_1169 = vector.broadcast %jit3A_1168 : f32 to vector<128x256xf32>
    %select_n3A_1170 = arith.select %eq3A_1167, %broadcast_in_dim3A_1169, %slice3A_1153 : vector<128x256xi1>, vector<128x256xf32>
    %reduce_min3A_1171 = arith.constant dense<0x7F800000> : vector<256xf32>
    %reduce_min3A_1172 = vector.multi_reduction <minimumf>, %select_n3A_1170, %reduce_min3A_1171 [0] : vector<128x256xf32> to vector<256xf32>
    %broadcast_in_dim3A_1173 = vector.shape_cast %reduce_min3A_1172 : vector<256xf32> to vector<1x256xf32>
    %le3A_1174 = vector.broadcast %broadcast_in_dim3A_1173 : vector<1x256xf32> to vector<128x256xf32>
    %le3A_1175 = arith.cmpf ole, %select_n3A_1170, %le3A_1174 : vector<128x256xf32>
    %jit3A_1176 = arith.constant 4.096000e+03 : f32
    %broadcast_in_dim3A_1177 = vector.broadcast %jit3A_1176 : f32 to vector<128x256xf32>
    %select_n3A_1178 = arith.select %le3A_1175, %slice3A_1154, %broadcast_in_dim3A_1177 : vector<128x256xi1>, vector<128x256xf32>
    %reduce_min3A_1179 = arith.constant dense<0x7F800000> : vector<256xf32>
    %reduce_min3A_1180 = vector.multi_reduction <minimumf>, %select_n3A_1178, %reduce_min3A_1179 [0] : vector<128x256xf32> to vector<256xf32>
    %broadcast_in_dim3A_1181 = vector.shape_cast %reduce_min3A_1180 : vector<256xf32> to vector<1x256xf32>
    %eq3A_1182 = vector.broadcast %broadcast_in_dim3A_1181 : vector<1x256xf32> to vector<128x256xf32>
    %eq3A_1183 = arith.cmpf oeq, %slice3A_1154, %eq3A_1182 : vector<128x256xf32>
    %jit3A_1184 = arith.constant 1.000000e+30 : f32
    %broadcast_in_dim3A_1185 = vector.broadcast %jit3A_1184 : f32 to vector<128x256xf32>
    %select_n3A_1186 = arith.select %eq3A_1183, %broadcast_in_dim3A_1185, %select_n3A_1170 : vector<128x256xi1>, vector<128x256xf32>
    %reduce_min3A_1187 = arith.constant dense<0x7F800000> : vector<256xf32>
    %reduce_min3A_1188 = vector.multi_reduction <minimumf>, %select_n3A_1186, %reduce_min3A_1187 [0] : vector<128x256xf32> to vector<256xf32>
    %broadcast_in_dim3A_1189 = vector.shape_cast %reduce_min3A_1188 : vector<256xf32> to vector<1x256xf32>
    %le3A_1190 = vector.broadcast %broadcast_in_dim3A_1189 : vector<1x256xf32> to vector<128x256xf32>
    %le3A_1191 = arith.cmpf ole, %select_n3A_1186, %le3A_1190 : vector<128x256xf32>
    %jit3A_1192 = arith.constant 4.096000e+03 : f32
    %broadcast_in_dim3A_1193 = vector.broadcast %jit3A_1192 : f32 to vector<128x256xf32>
    %select_n3A_1194 = arith.select %le3A_1191, %slice3A_1154, %broadcast_in_dim3A_1193 : vector<128x256xi1>, vector<128x256xf32>
    %reduce_min3A_1195 = arith.constant dense<0x7F800000> : vector<256xf32>
    %reduce_min3A_1196 = vector.multi_reduction <minimumf>, %select_n3A_1194, %reduce_min3A_1195 [0] : vector<128x256xf32> to vector<256xf32>
    %broadcast_in_dim3A_1197 = vector.shape_cast %reduce_min3A_1196 : vector<256xf32> to vector<1x256xf32>
    %eq3A_1198 = vector.broadcast %broadcast_in_dim3A_1197 : vector<1x256xf32> to vector<128x256xf32>
    %eq3A_1199 = arith.cmpf oeq, %slice3A_1154, %eq3A_1198 : vector<128x256xf32>
    %jit3A_1200 = arith.constant 1.000000e+30 : f32
    %broadcast_in_dim3A_1201 = vector.broadcast %jit3A_1200 : f32 to vector<128x256xf32>
    %select_n3A_1202 = arith.select %eq3A_1199, %broadcast_in_dim3A_1201, %select_n3A_1186 : vector<128x256xi1>, vector<128x256xf32>
    %reduce_min3A_1203 = arith.constant dense<0x7F800000> : vector<256xf32>
    %reduce_min3A_1204 = vector.multi_reduction <minimumf>, %select_n3A_1202, %reduce_min3A_1203 [0] : vector<128x256xf32> to vector<256xf32>
    %broadcast_in_dim3A_1205 = vector.shape_cast %reduce_min3A_1204 : vector<256xf32> to vector<1x256xf32>
    %le3A_1206 = vector.broadcast %broadcast_in_dim3A_1205 : vector<1x256xf32> to vector<128x256xf32>
    %le3A_1207 = arith.cmpf ole, %select_n3A_1202, %le3A_1206 : vector<128x256xf32>
    %jit3A_1208 = arith.constant 4.096000e+03 : f32
    %broadcast_in_dim3A_1209 = vector.broadcast %jit3A_1208 : f32 to vector<128x256xf32>
    %select_n3A_1210 = arith.select %le3A_1207, %slice3A_1154, %broadcast_in_dim3A_1209 : vector<128x256xi1>, vector<128x256xf32>
    %reduce_min3A_1211 = arith.constant dense<0x7F800000> : vector<256xf32>
    %reduce_min3A_1212 = vector.multi_reduction <minimumf>, %select_n3A_1210, %reduce_min3A_1211 [0] : vector<128x256xf32> to vector<256xf32>
    %broadcast_in_dim3A_1213 = vector.shape_cast %reduce_min3A_1212 : vector<256xf32> to vector<1x256xf32>
    %eq3A_1214 = vector.broadcast %broadcast_in_dim3A_1213 : vector<1x256xf32> to vector<128x256xf32>
    %eq3A_1215 = arith.cmpf oeq, %slice3A_1154, %eq3A_1214 : vector<128x256xf32>
    %jit3A_1216 = arith.constant 1.000000e+30 : f32
    %broadcast_in_dim3A_1217 = vector.broadcast %jit3A_1216 : f32 to vector<128x256xf32>
    %select_n3A_1218 = arith.select %eq3A_1215, %broadcast_in_dim3A_1217, %select_n3A_1202 : vector<128x256xi1>, vector<128x256xf32>
    %reduce_min3A_1219 = arith.constant dense<0x7F800000> : vector<256xf32>
    %reduce_min3A_1220 = vector.multi_reduction <minimumf>, %select_n3A_1218, %reduce_min3A_1219 [0] : vector<128x256xf32> to vector<256xf32>
    %broadcast_in_dim3A_1221 = vector.shape_cast %reduce_min3A_1220 : vector<256xf32> to vector<1x256xf32>
    %le3A_1222 = vector.broadcast %broadcast_in_dim3A_1221 : vector<1x256xf32> to vector<128x256xf32>
    %le3A_1223 = arith.cmpf ole, %select_n3A_1218, %le3A_1222 : vector<128x256xf32>
    %jit3A_1224 = arith.constant 4.096000e+03 : f32
    %broadcast_in_dim3A_1225 = vector.broadcast %jit3A_1224 : f32 to vector<128x256xf32>
    %select_n3A_1226 = arith.select %le3A_1223, %slice3A_1154, %broadcast_in_dim3A_1225 : vector<128x256xi1>, vector<128x256xf32>
    %reduce_min3A_1227 = arith.constant dense<0x7F800000> : vector<256xf32>
    %reduce_min3A_1228 = vector.multi_reduction <minimumf>, %select_n3A_1226, %reduce_min3A_1227 [0] : vector<128x256xf32> to vector<256xf32>
    %broadcast_in_dim3A_1229 = vector.shape_cast %reduce_min3A_1228 : vector<256xf32> to vector<1x256xf32>
    %eq3A_1230 = vector.broadcast %broadcast_in_dim3A_1229 : vector<1x256xf32> to vector<128x256xf32>
    %eq3A_1231 = arith.cmpf oeq, %slice3A_1154, %eq3A_1230 : vector<128x256xf32>
    %jit3A_1232 = arith.constant 1.000000e+30 : f32
    %broadcast_in_dim3A_1233 = vector.broadcast %jit3A_1232 : f32 to vector<128x256xf32>
    %select_n3A_1234 = arith.select %eq3A_1231, %broadcast_in_dim3A_1233, %select_n3A_1218 : vector<128x256xi1>, vector<128x256xf32>
    %reduce_min3A_1235 = arith.constant dense<0x7F800000> : vector<256xf32>
    %reduce_min3A_1236 = vector.multi_reduction <minimumf>, %select_n3A_1234, %reduce_min3A_1235 [0] : vector<128x256xf32> to vector<256xf32>
    %broadcast_in_dim3A_1237 = vector.shape_cast %reduce_min3A_1236 : vector<256xf32> to vector<1x256xf32>
    %le3A_1238 = vector.broadcast %broadcast_in_dim3A_1237 : vector<1x256xf32> to vector<128x256xf32>
    %le3A_1239 = arith.cmpf ole, %select_n3A_1234, %le3A_1238 : vector<128x256xf32>
    %jit3A_1240 = arith.constant 4.096000e+03 : f32
    %broadcast_in_dim3A_1241 = vector.broadcast %jit3A_1240 : f32 to vector<128x256xf32>
    %select_n3A_1242 = arith.select %le3A_1239, %slice3A_1154, %broadcast_in_dim3A_1241 : vector<128x256xi1>, vector<128x256xf32>
    %reduce_min3A_1243 = arith.constant dense<0x7F800000> : vector<256xf32>
    %reduce_min3A_1244 = vector.multi_reduction <minimumf>, %select_n3A_1242, %reduce_min3A_1243 [0] : vector<128x256xf32> to vector<256xf32>
    %broadcast_in_dim3A_1245 = vector.shape_cast %reduce_min3A_1244 : vector<256xf32> to vector<1x256xf32>
    %slice3A_1246 = vector.extract_strided_slice %select_n3A {offsets = [1664, 0], sizes = [128, 256], strides = [1, 1]} : vector<4096x256xf32> to vector<128x256xf32>
    %slice3A_1247 = vector.extract_strided_slice %convert_element_type3A {offsets = [1664, 0], sizes = [128, 256], strides = [1, 1]} : vector<4096x256xf32> to vector<128x256xf32>
    %reduce_min3A_1248 = arith.constant dense<0x7F800000> : vector<256xf32>
    %reduce_min3A_1249 = vector.multi_reduction <minimumf>, %slice3A_1246, %reduce_min3A_1248 [0] : vector<128x256xf32> to vector<256xf32>
    %broadcast_in_dim3A_1250 = vector.shape_cast %reduce_min3A_1249 : vector<256xf32> to vector<1x256xf32>
    %le3A_1251 = vector.broadcast %broadcast_in_dim3A_1250 : vector<1x256xf32> to vector<128x256xf32>
    %le3A_1252 = arith.cmpf ole, %slice3A_1246, %le3A_1251 : vector<128x256xf32>
    %jit3A_1253 = arith.constant 4.096000e+03 : f32
    %broadcast_in_dim3A_1254 = vector.broadcast %jit3A_1253 : f32 to vector<128x256xf32>
    %select_n3A_1255 = arith.select %le3A_1252, %slice3A_1247, %broadcast_in_dim3A_1254 : vector<128x256xi1>, vector<128x256xf32>
    %reduce_min3A_1256 = arith.constant dense<0x7F800000> : vector<256xf32>
    %reduce_min3A_1257 = vector.multi_reduction <minimumf>, %select_n3A_1255, %reduce_min3A_1256 [0] : vector<128x256xf32> to vector<256xf32>
    %broadcast_in_dim3A_1258 = vector.shape_cast %reduce_min3A_1257 : vector<256xf32> to vector<1x256xf32>
    %eq3A_1259 = vector.broadcast %broadcast_in_dim3A_1258 : vector<1x256xf32> to vector<128x256xf32>
    %eq3A_1260 = arith.cmpf oeq, %slice3A_1247, %eq3A_1259 : vector<128x256xf32>
    %jit3A_1261 = arith.constant 1.000000e+30 : f32
    %broadcast_in_dim3A_1262 = vector.broadcast %jit3A_1261 : f32 to vector<128x256xf32>
    %select_n3A_1263 = arith.select %eq3A_1260, %broadcast_in_dim3A_1262, %slice3A_1246 : vector<128x256xi1>, vector<128x256xf32>
    %reduce_min3A_1264 = arith.constant dense<0x7F800000> : vector<256xf32>
    %reduce_min3A_1265 = vector.multi_reduction <minimumf>, %select_n3A_1263, %reduce_min3A_1264 [0] : vector<128x256xf32> to vector<256xf32>
    %broadcast_in_dim3A_1266 = vector.shape_cast %reduce_min3A_1265 : vector<256xf32> to vector<1x256xf32>
    %le3A_1267 = vector.broadcast %broadcast_in_dim3A_1266 : vector<1x256xf32> to vector<128x256xf32>
    %le3A_1268 = arith.cmpf ole, %select_n3A_1263, %le3A_1267 : vector<128x256xf32>
    %jit3A_1269 = arith.constant 4.096000e+03 : f32
    %broadcast_in_dim3A_1270 = vector.broadcast %jit3A_1269 : f32 to vector<128x256xf32>
    %select_n3A_1271 = arith.select %le3A_1268, %slice3A_1247, %broadcast_in_dim3A_1270 : vector<128x256xi1>, vector<128x256xf32>
    %reduce_min3A_1272 = arith.constant dense<0x7F800000> : vector<256xf32>
    %reduce_min3A_1273 = vector.multi_reduction <minimumf>, %select_n3A_1271, %reduce_min3A_1272 [0] : vector<128x256xf32> to vector<256xf32>
    %broadcast_in_dim3A_1274 = vector.shape_cast %reduce_min3A_1273 : vector<256xf32> to vector<1x256xf32>
    %eq3A_1275 = vector.broadcast %broadcast_in_dim3A_1274 : vector<1x256xf32> to vector<128x256xf32>
    %eq3A_1276 = arith.cmpf oeq, %slice3A_1247, %eq3A_1275 : vector<128x256xf32>
    %jit3A_1277 = arith.constant 1.000000e+30 : f32
    %broadcast_in_dim3A_1278 = vector.broadcast %jit3A_1277 : f32 to vector<128x256xf32>
    %select_n3A_1279 = arith.select %eq3A_1276, %broadcast_in_dim3A_1278, %select_n3A_1263 : vector<128x256xi1>, vector<128x256xf32>
    %reduce_min3A_1280 = arith.constant dense<0x7F800000> : vector<256xf32>
    %reduce_min3A_1281 = vector.multi_reduction <minimumf>, %select_n3A_1279, %reduce_min3A_1280 [0] : vector<128x256xf32> to vector<256xf32>
    %broadcast_in_dim3A_1282 = vector.shape_cast %reduce_min3A_1281 : vector<256xf32> to vector<1x256xf32>
    %le3A_1283 = vector.broadcast %broadcast_in_dim3A_1282 : vector<1x256xf32> to vector<128x256xf32>
    %le3A_1284 = arith.cmpf ole, %select_n3A_1279, %le3A_1283 : vector<128x256xf32>
    %jit3A_1285 = arith.constant 4.096000e+03 : f32
    %broadcast_in_dim3A_1286 = vector.broadcast %jit3A_1285 : f32 to vector<128x256xf32>
    %select_n3A_1287 = arith.select %le3A_1284, %slice3A_1247, %broadcast_in_dim3A_1286 : vector<128x256xi1>, vector<128x256xf32>
    %reduce_min3A_1288 = arith.constant dense<0x7F800000> : vector<256xf32>
    %reduce_min3A_1289 = vector.multi_reduction <minimumf>, %select_n3A_1287, %reduce_min3A_1288 [0] : vector<128x256xf32> to vector<256xf32>
    %broadcast_in_dim3A_1290 = vector.shape_cast %reduce_min3A_1289 : vector<256xf32> to vector<1x256xf32>
    %eq3A_1291 = vector.broadcast %broadcast_in_dim3A_1290 : vector<1x256xf32> to vector<128x256xf32>
    %eq3A_1292 = arith.cmpf oeq, %slice3A_1247, %eq3A_1291 : vector<128x256xf32>
    %jit3A_1293 = arith.constant 1.000000e+30 : f32
    %broadcast_in_dim3A_1294 = vector.broadcast %jit3A_1293 : f32 to vector<128x256xf32>
    %select_n3A_1295 = arith.select %eq3A_1292, %broadcast_in_dim3A_1294, %select_n3A_1279 : vector<128x256xi1>, vector<128x256xf32>
    %reduce_min3A_1296 = arith.constant dense<0x7F800000> : vector<256xf32>
    %reduce_min3A_1297 = vector.multi_reduction <minimumf>, %select_n3A_1295, %reduce_min3A_1296 [0] : vector<128x256xf32> to vector<256xf32>
    %broadcast_in_dim3A_1298 = vector.shape_cast %reduce_min3A_1297 : vector<256xf32> to vector<1x256xf32>
    %le3A_1299 = vector.broadcast %broadcast_in_dim3A_1298 : vector<1x256xf32> to vector<128x256xf32>
    %le3A_1300 = arith.cmpf ole, %select_n3A_1295, %le3A_1299 : vector<128x256xf32>
    %jit3A_1301 = arith.constant 4.096000e+03 : f32
    %broadcast_in_dim3A_1302 = vector.broadcast %jit3A_1301 : f32 to vector<128x256xf32>
    %select_n3A_1303 = arith.select %le3A_1300, %slice3A_1247, %broadcast_in_dim3A_1302 : vector<128x256xi1>, vector<128x256xf32>
    %reduce_min3A_1304 = arith.constant dense<0x7F800000> : vector<256xf32>
    %reduce_min3A_1305 = vector.multi_reduction <minimumf>, %select_n3A_1303, %reduce_min3A_1304 [0] : vector<128x256xf32> to vector<256xf32>
    %broadcast_in_dim3A_1306 = vector.shape_cast %reduce_min3A_1305 : vector<256xf32> to vector<1x256xf32>
    %eq3A_1307 = vector.broadcast %broadcast_in_dim3A_1306 : vector<1x256xf32> to vector<128x256xf32>
    %eq3A_1308 = arith.cmpf oeq, %slice3A_1247, %eq3A_1307 : vector<128x256xf32>
    %jit3A_1309 = arith.constant 1.000000e+30 : f32
    %broadcast_in_dim3A_1310 = vector.broadcast %jit3A_1309 : f32 to vector<128x256xf32>
    %select_n3A_1311 = arith.select %eq3A_1308, %broadcast_in_dim3A_1310, %select_n3A_1295 : vector<128x256xi1>, vector<128x256xf32>
    %reduce_min3A_1312 = arith.constant dense<0x7F800000> : vector<256xf32>
    %reduce_min3A_1313 = vector.multi_reduction <minimumf>, %select_n3A_1311, %reduce_min3A_1312 [0] : vector<128x256xf32> to vector<256xf32>
    %broadcast_in_dim3A_1314 = vector.shape_cast %reduce_min3A_1313 : vector<256xf32> to vector<1x256xf32>
    %le3A_1315 = vector.broadcast %broadcast_in_dim3A_1314 : vector<1x256xf32> to vector<128x256xf32>
    %le3A_1316 = arith.cmpf ole, %select_n3A_1311, %le3A_1315 : vector<128x256xf32>
    %jit3A_1317 = arith.constant 4.096000e+03 : f32
    %broadcast_in_dim3A_1318 = vector.broadcast %jit3A_1317 : f32 to vector<128x256xf32>
    %select_n3A_1319 = arith.select %le3A_1316, %slice3A_1247, %broadcast_in_dim3A_1318 : vector<128x256xi1>, vector<128x256xf32>
    %reduce_min3A_1320 = arith.constant dense<0x7F800000> : vector<256xf32>
    %reduce_min3A_1321 = vector.multi_reduction <minimumf>, %select_n3A_1319, %reduce_min3A_1320 [0] : vector<128x256xf32> to vector<256xf32>
    %broadcast_in_dim3A_1322 = vector.shape_cast %reduce_min3A_1321 : vector<256xf32> to vector<1x256xf32>
    %eq3A_1323 = vector.broadcast %broadcast_in_dim3A_1322 : vector<1x256xf32> to vector<128x256xf32>
    %eq3A_1324 = arith.cmpf oeq, %slice3A_1247, %eq3A_1323 : vector<128x256xf32>
    %jit3A_1325 = arith.constant 1.000000e+30 : f32
    %broadcast_in_dim3A_1326 = vector.broadcast %jit3A_1325 : f32 to vector<128x256xf32>
    %select_n3A_1327 = arith.select %eq3A_1324, %broadcast_in_dim3A_1326, %select_n3A_1311 : vector<128x256xi1>, vector<128x256xf32>
    %reduce_min3A_1328 = arith.constant dense<0x7F800000> : vector<256xf32>
    %reduce_min3A_1329 = vector.multi_reduction <minimumf>, %select_n3A_1327, %reduce_min3A_1328 [0] : vector<128x256xf32> to vector<256xf32>
    %broadcast_in_dim3A_1330 = vector.shape_cast %reduce_min3A_1329 : vector<256xf32> to vector<1x256xf32>
    %le3A_1331 = vector.broadcast %broadcast_in_dim3A_1330 : vector<1x256xf32> to vector<128x256xf32>
    %le3A_1332 = arith.cmpf ole, %select_n3A_1327, %le3A_1331 : vector<128x256xf32>
    %jit3A_1333 = arith.constant 4.096000e+03 : f32
    %broadcast_in_dim3A_1334 = vector.broadcast %jit3A_1333 : f32 to vector<128x256xf32>
    %select_n3A_1335 = arith.select %le3A_1332, %slice3A_1247, %broadcast_in_dim3A_1334 : vector<128x256xi1>, vector<128x256xf32>
    %reduce_min3A_1336 = arith.constant dense<0x7F800000> : vector<256xf32>
    %reduce_min3A_1337 = vector.multi_reduction <minimumf>, %select_n3A_1335, %reduce_min3A_1336 [0] : vector<128x256xf32> to vector<256xf32>
    %broadcast_in_dim3A_1338 = vector.shape_cast %reduce_min3A_1337 : vector<256xf32> to vector<1x256xf32>
    %slice3A_1339 = vector.extract_strided_slice %select_n3A {offsets = [1792, 0], sizes = [128, 256], strides = [1, 1]} : vector<4096x256xf32> to vector<128x256xf32>
    %slice3A_1340 = vector.extract_strided_slice %convert_element_type3A {offsets = [1792, 0], sizes = [128, 256], strides = [1, 1]} : vector<4096x256xf32> to vector<128x256xf32>
    %reduce_min3A_1341 = arith.constant dense<0x7F800000> : vector<256xf32>
    %reduce_min3A_1342 = vector.multi_reduction <minimumf>, %slice3A_1339, %reduce_min3A_1341 [0] : vector<128x256xf32> to vector<256xf32>
    %broadcast_in_dim3A_1343 = vector.shape_cast %reduce_min3A_1342 : vector<256xf32> to vector<1x256xf32>
    %le3A_1344 = vector.broadcast %broadcast_in_dim3A_1343 : vector<1x256xf32> to vector<128x256xf32>
    %le3A_1345 = arith.cmpf ole, %slice3A_1339, %le3A_1344 : vector<128x256xf32>
    %jit3A_1346 = arith.constant 4.096000e+03 : f32
    %broadcast_in_dim3A_1347 = vector.broadcast %jit3A_1346 : f32 to vector<128x256xf32>
    %select_n3A_1348 = arith.select %le3A_1345, %slice3A_1340, %broadcast_in_dim3A_1347 : vector<128x256xi1>, vector<128x256xf32>
    %reduce_min3A_1349 = arith.constant dense<0x7F800000> : vector<256xf32>
    %reduce_min3A_1350 = vector.multi_reduction <minimumf>, %select_n3A_1348, %reduce_min3A_1349 [0] : vector<128x256xf32> to vector<256xf32>
    %broadcast_in_dim3A_1351 = vector.shape_cast %reduce_min3A_1350 : vector<256xf32> to vector<1x256xf32>
    %eq3A_1352 = vector.broadcast %broadcast_in_dim3A_1351 : vector<1x256xf32> to vector<128x256xf32>
    %eq3A_1353 = arith.cmpf oeq, %slice3A_1340, %eq3A_1352 : vector<128x256xf32>
    %jit3A_1354 = arith.constant 1.000000e+30 : f32
    %broadcast_in_dim3A_1355 = vector.broadcast %jit3A_1354 : f32 to vector<128x256xf32>
    %select_n3A_1356 = arith.select %eq3A_1353, %broadcast_in_dim3A_1355, %slice3A_1339 : vector<128x256xi1>, vector<128x256xf32>
    %reduce_min3A_1357 = arith.constant dense<0x7F800000> : vector<256xf32>
    %reduce_min3A_1358 = vector.multi_reduction <minimumf>, %select_n3A_1356, %reduce_min3A_1357 [0] : vector<128x256xf32> to vector<256xf32>
    %broadcast_in_dim3A_1359 = vector.shape_cast %reduce_min3A_1358 : vector<256xf32> to vector<1x256xf32>
    %le3A_1360 = vector.broadcast %broadcast_in_dim3A_1359 : vector<1x256xf32> to vector<128x256xf32>
    %le3A_1361 = arith.cmpf ole, %select_n3A_1356, %le3A_1360 : vector<128x256xf32>
    %jit3A_1362 = arith.constant 4.096000e+03 : f32
    %broadcast_in_dim3A_1363 = vector.broadcast %jit3A_1362 : f32 to vector<128x256xf32>
    %select_n3A_1364 = arith.select %le3A_1361, %slice3A_1340, %broadcast_in_dim3A_1363 : vector<128x256xi1>, vector<128x256xf32>
    %reduce_min3A_1365 = arith.constant dense<0x7F800000> : vector<256xf32>
    %reduce_min3A_1366 = vector.multi_reduction <minimumf>, %select_n3A_1364, %reduce_min3A_1365 [0] : vector<128x256xf32> to vector<256xf32>
    %broadcast_in_dim3A_1367 = vector.shape_cast %reduce_min3A_1366 : vector<256xf32> to vector<1x256xf32>
    %eq3A_1368 = vector.broadcast %broadcast_in_dim3A_1367 : vector<1x256xf32> to vector<128x256xf32>
    %eq3A_1369 = arith.cmpf oeq, %slice3A_1340, %eq3A_1368 : vector<128x256xf32>
    %jit3A_1370 = arith.constant 1.000000e+30 : f32
    %broadcast_in_dim3A_1371 = vector.broadcast %jit3A_1370 : f32 to vector<128x256xf32>
    %select_n3A_1372 = arith.select %eq3A_1369, %broadcast_in_dim3A_1371, %select_n3A_1356 : vector<128x256xi1>, vector<128x256xf32>
    %reduce_min3A_1373 = arith.constant dense<0x7F800000> : vector<256xf32>
    %reduce_min3A_1374 = vector.multi_reduction <minimumf>, %select_n3A_1372, %reduce_min3A_1373 [0] : vector<128x256xf32> to vector<256xf32>
    %broadcast_in_dim3A_1375 = vector.shape_cast %reduce_min3A_1374 : vector<256xf32> to vector<1x256xf32>
    %le3A_1376 = vector.broadcast %broadcast_in_dim3A_1375 : vector<1x256xf32> to vector<128x256xf32>
    %le3A_1377 = arith.cmpf ole, %select_n3A_1372, %le3A_1376 : vector<128x256xf32>
    %jit3A_1378 = arith.constant 4.096000e+03 : f32
    %broadcast_in_dim3A_1379 = vector.broadcast %jit3A_1378 : f32 to vector<128x256xf32>
    %select_n3A_1380 = arith.select %le3A_1377, %slice3A_1340, %broadcast_in_dim3A_1379 : vector<128x256xi1>, vector<128x256xf32>
    %reduce_min3A_1381 = arith.constant dense<0x7F800000> : vector<256xf32>
    %reduce_min3A_1382 = vector.multi_reduction <minimumf>, %select_n3A_1380, %reduce_min3A_1381 [0] : vector<128x256xf32> to vector<256xf32>
    %broadcast_in_dim3A_1383 = vector.shape_cast %reduce_min3A_1382 : vector<256xf32> to vector<1x256xf32>
    %eq3A_1384 = vector.broadcast %broadcast_in_dim3A_1383 : vector<1x256xf32> to vector<128x256xf32>
    %eq3A_1385 = arith.cmpf oeq, %slice3A_1340, %eq3A_1384 : vector<128x256xf32>
    %jit3A_1386 = arith.constant 1.000000e+30 : f32
    %broadcast_in_dim3A_1387 = vector.broadcast %jit3A_1386 : f32 to vector<128x256xf32>
    %select_n3A_1388 = arith.select %eq3A_1385, %broadcast_in_dim3A_1387, %select_n3A_1372 : vector<128x256xi1>, vector<128x256xf32>
    %reduce_min3A_1389 = arith.constant dense<0x7F800000> : vector<256xf32>
    %reduce_min3A_1390 = vector.multi_reduction <minimumf>, %select_n3A_1388, %reduce_min3A_1389 [0] : vector<128x256xf32> to vector<256xf32>
    %broadcast_in_dim3A_1391 = vector.shape_cast %reduce_min3A_1390 : vector<256xf32> to vector<1x256xf32>
    %le3A_1392 = vector.broadcast %broadcast_in_dim3A_1391 : vector<1x256xf32> to vector<128x256xf32>
    %le3A_1393 = arith.cmpf ole, %select_n3A_1388, %le3A_1392 : vector<128x256xf32>
    %jit3A_1394 = arith.constant 4.096000e+03 : f32
    %broadcast_in_dim3A_1395 = vector.broadcast %jit3A_1394 : f32 to vector<128x256xf32>
    %select_n3A_1396 = arith.select %le3A_1393, %slice3A_1340, %broadcast_in_dim3A_1395 : vector<128x256xi1>, vector<128x256xf32>
    %reduce_min3A_1397 = arith.constant dense<0x7F800000> : vector<256xf32>
    %reduce_min3A_1398 = vector.multi_reduction <minimumf>, %select_n3A_1396, %reduce_min3A_1397 [0] : vector<128x256xf32> to vector<256xf32>
    %broadcast_in_dim3A_1399 = vector.shape_cast %reduce_min3A_1398 : vector<256xf32> to vector<1x256xf32>
    %eq3A_1400 = vector.broadcast %broadcast_in_dim3A_1399 : vector<1x256xf32> to vector<128x256xf32>
    %eq3A_1401 = arith.cmpf oeq, %slice3A_1340, %eq3A_1400 : vector<128x256xf32>
    %jit3A_1402 = arith.constant 1.000000e+30 : f32
    %broadcast_in_dim3A_1403 = vector.broadcast %jit3A_1402 : f32 to vector<128x256xf32>
    %select_n3A_1404 = arith.select %eq3A_1401, %broadcast_in_dim3A_1403, %select_n3A_1388 : vector<128x256xi1>, vector<128x256xf32>
    %reduce_min3A_1405 = arith.constant dense<0x7F800000> : vector<256xf32>
    %reduce_min3A_1406 = vector.multi_reduction <minimumf>, %select_n3A_1404, %reduce_min3A_1405 [0] : vector<128x256xf32> to vector<256xf32>
    %broadcast_in_dim3A_1407 = vector.shape_cast %reduce_min3A_1406 : vector<256xf32> to vector<1x256xf32>
    %le3A_1408 = vector.broadcast %broadcast_in_dim3A_1407 : vector<1x256xf32> to vector<128x256xf32>
    %le3A_1409 = arith.cmpf ole, %select_n3A_1404, %le3A_1408 : vector<128x256xf32>
    %jit3A_1410 = arith.constant 4.096000e+03 : f32
    %broadcast_in_dim3A_1411 = vector.broadcast %jit3A_1410 : f32 to vector<128x256xf32>
    %select_n3A_1412 = arith.select %le3A_1409, %slice3A_1340, %broadcast_in_dim3A_1411 : vector<128x256xi1>, vector<128x256xf32>
    %reduce_min3A_1413 = arith.constant dense<0x7F800000> : vector<256xf32>
    %reduce_min3A_1414 = vector.multi_reduction <minimumf>, %select_n3A_1412, %reduce_min3A_1413 [0] : vector<128x256xf32> to vector<256xf32>
    %broadcast_in_dim3A_1415 = vector.shape_cast %reduce_min3A_1414 : vector<256xf32> to vector<1x256xf32>
    %eq3A_1416 = vector.broadcast %broadcast_in_dim3A_1415 : vector<1x256xf32> to vector<128x256xf32>
    %eq3A_1417 = arith.cmpf oeq, %slice3A_1340, %eq3A_1416 : vector<128x256xf32>
    %jit3A_1418 = arith.constant 1.000000e+30 : f32
    %broadcast_in_dim3A_1419 = vector.broadcast %jit3A_1418 : f32 to vector<128x256xf32>
    %select_n3A_1420 = arith.select %eq3A_1417, %broadcast_in_dim3A_1419, %select_n3A_1404 : vector<128x256xi1>, vector<128x256xf32>
    %reduce_min3A_1421 = arith.constant dense<0x7F800000> : vector<256xf32>
    %reduce_min3A_1422 = vector.multi_reduction <minimumf>, %select_n3A_1420, %reduce_min3A_1421 [0] : vector<128x256xf32> to vector<256xf32>
    %broadcast_in_dim3A_1423 = vector.shape_cast %reduce_min3A_1422 : vector<256xf32> to vector<1x256xf32>
    %le3A_1424 = vector.broadcast %broadcast_in_dim3A_1423 : vector<1x256xf32> to vector<128x256xf32>
    %le3A_1425 = arith.cmpf ole, %select_n3A_1420, %le3A_1424 : vector<128x256xf32>
    %jit3A_1426 = arith.constant 4.096000e+03 : f32
    %broadcast_in_dim3A_1427 = vector.broadcast %jit3A_1426 : f32 to vector<128x256xf32>
    %select_n3A_1428 = arith.select %le3A_1425, %slice3A_1340, %broadcast_in_dim3A_1427 : vector<128x256xi1>, vector<128x256xf32>
    %reduce_min3A_1429 = arith.constant dense<0x7F800000> : vector<256xf32>
    %reduce_min3A_1430 = vector.multi_reduction <minimumf>, %select_n3A_1428, %reduce_min3A_1429 [0] : vector<128x256xf32> to vector<256xf32>
    %broadcast_in_dim3A_1431 = vector.shape_cast %reduce_min3A_1430 : vector<256xf32> to vector<1x256xf32>
    %slice3A_1432 = vector.extract_strided_slice %select_n3A {offsets = [1920, 0], sizes = [128, 256], strides = [1, 1]} : vector<4096x256xf32> to vector<128x256xf32>
    %slice3A_1433 = vector.extract_strided_slice %convert_element_type3A {offsets = [1920, 0], sizes = [128, 256], strides = [1, 1]} : vector<4096x256xf32> to vector<128x256xf32>
    %reduce_min3A_1434 = arith.constant dense<0x7F800000> : vector<256xf32>
    %reduce_min3A_1435 = vector.multi_reduction <minimumf>, %slice3A_1432, %reduce_min3A_1434 [0] : vector<128x256xf32> to vector<256xf32>
    %broadcast_in_dim3A_1436 = vector.shape_cast %reduce_min3A_1435 : vector<256xf32> to vector<1x256xf32>
    %le3A_1437 = vector.broadcast %broadcast_in_dim3A_1436 : vector<1x256xf32> to vector<128x256xf32>
    %le3A_1438 = arith.cmpf ole, %slice3A_1432, %le3A_1437 : vector<128x256xf32>
    %jit3A_1439 = arith.constant 4.096000e+03 : f32
    %broadcast_in_dim3A_1440 = vector.broadcast %jit3A_1439 : f32 to vector<128x256xf32>
    %select_n3A_1441 = arith.select %le3A_1438, %slice3A_1433, %broadcast_in_dim3A_1440 : vector<128x256xi1>, vector<128x256xf32>
    %reduce_min3A_1442 = arith.constant dense<0x7F800000> : vector<256xf32>
    %reduce_min3A_1443 = vector.multi_reduction <minimumf>, %select_n3A_1441, %reduce_min3A_1442 [0] : vector<128x256xf32> to vector<256xf32>
    %broadcast_in_dim3A_1444 = vector.shape_cast %reduce_min3A_1443 : vector<256xf32> to vector<1x256xf32>
    %eq3A_1445 = vector.broadcast %broadcast_in_dim3A_1444 : vector<1x256xf32> to vector<128x256xf32>
    %eq3A_1446 = arith.cmpf oeq, %slice3A_1433, %eq3A_1445 : vector<128x256xf32>
    %jit3A_1447 = arith.constant 1.000000e+30 : f32
    %broadcast_in_dim3A_1448 = vector.broadcast %jit3A_1447 : f32 to vector<128x256xf32>
    %select_n3A_1449 = arith.select %eq3A_1446, %broadcast_in_dim3A_1448, %slice3A_1432 : vector<128x256xi1>, vector<128x256xf32>
    %reduce_min3A_1450 = arith.constant dense<0x7F800000> : vector<256xf32>
    %reduce_min3A_1451 = vector.multi_reduction <minimumf>, %select_n3A_1449, %reduce_min3A_1450 [0] : vector<128x256xf32> to vector<256xf32>
    %broadcast_in_dim3A_1452 = vector.shape_cast %reduce_min3A_1451 : vector<256xf32> to vector<1x256xf32>
    %le3A_1453 = vector.broadcast %broadcast_in_dim3A_1452 : vector<1x256xf32> to vector<128x256xf32>
    %le3A_1454 = arith.cmpf ole, %select_n3A_1449, %le3A_1453 : vector<128x256xf32>
    %jit3A_1455 = arith.constant 4.096000e+03 : f32
    %broadcast_in_dim3A_1456 = vector.broadcast %jit3A_1455 : f32 to vector<128x256xf32>
    %select_n3A_1457 = arith.select %le3A_1454, %slice3A_1433, %broadcast_in_dim3A_1456 : vector<128x256xi1>, vector<128x256xf32>
    %reduce_min3A_1458 = arith.constant dense<0x7F800000> : vector<256xf32>
    %reduce_min3A_1459 = vector.multi_reduction <minimumf>, %select_n3A_1457, %reduce_min3A_1458 [0] : vector<128x256xf32> to vector<256xf32>
    %broadcast_in_dim3A_1460 = vector.shape_cast %reduce_min3A_1459 : vector<256xf32> to vector<1x256xf32>
    %eq3A_1461 = vector.broadcast %broadcast_in_dim3A_1460 : vector<1x256xf32> to vector<128x256xf32>
    %eq3A_1462 = arith.cmpf oeq, %slice3A_1433, %eq3A_1461 : vector<128x256xf32>
    %jit3A_1463 = arith.constant 1.000000e+30 : f32
    %broadcast_in_dim3A_1464 = vector.broadcast %jit3A_1463 : f32 to vector<128x256xf32>
    %select_n3A_1465 = arith.select %eq3A_1462, %broadcast_in_dim3A_1464, %select_n3A_1449 : vector<128x256xi1>, vector<128x256xf32>
    %reduce_min3A_1466 = arith.constant dense<0x7F800000> : vector<256xf32>
    %reduce_min3A_1467 = vector.multi_reduction <minimumf>, %select_n3A_1465, %reduce_min3A_1466 [0] : vector<128x256xf32> to vector<256xf32>
    %broadcast_in_dim3A_1468 = vector.shape_cast %reduce_min3A_1467 : vector<256xf32> to vector<1x256xf32>
    %le3A_1469 = vector.broadcast %broadcast_in_dim3A_1468 : vector<1x256xf32> to vector<128x256xf32>
    %le3A_1470 = arith.cmpf ole, %select_n3A_1465, %le3A_1469 : vector<128x256xf32>
    %jit3A_1471 = arith.constant 4.096000e+03 : f32
    %broadcast_in_dim3A_1472 = vector.broadcast %jit3A_1471 : f32 to vector<128x256xf32>
    %select_n3A_1473 = arith.select %le3A_1470, %slice3A_1433, %broadcast_in_dim3A_1472 : vector<128x256xi1>, vector<128x256xf32>
    %reduce_min3A_1474 = arith.constant dense<0x7F800000> : vector<256xf32>
    %reduce_min3A_1475 = vector.multi_reduction <minimumf>, %select_n3A_1473, %reduce_min3A_1474 [0] : vector<128x256xf32> to vector<256xf32>
    %broadcast_in_dim3A_1476 = vector.shape_cast %reduce_min3A_1475 : vector<256xf32> to vector<1x256xf32>
    %eq3A_1477 = vector.broadcast %broadcast_in_dim3A_1476 : vector<1x256xf32> to vector<128x256xf32>
    %eq3A_1478 = arith.cmpf oeq, %slice3A_1433, %eq3A_1477 : vector<128x256xf32>
    %jit3A_1479 = arith.constant 1.000000e+30 : f32
    %broadcast_in_dim3A_1480 = vector.broadcast %jit3A_1479 : f32 to vector<128x256xf32>
    %select_n3A_1481 = arith.select %eq3A_1478, %broadcast_in_dim3A_1480, %select_n3A_1465 : vector<128x256xi1>, vector<128x256xf32>
    %reduce_min3A_1482 = arith.constant dense<0x7F800000> : vector<256xf32>
    %reduce_min3A_1483 = vector.multi_reduction <minimumf>, %select_n3A_1481, %reduce_min3A_1482 [0] : vector<128x256xf32> to vector<256xf32>
    %broadcast_in_dim3A_1484 = vector.shape_cast %reduce_min3A_1483 : vector<256xf32> to vector<1x256xf32>
    %le3A_1485 = vector.broadcast %broadcast_in_dim3A_1484 : vector<1x256xf32> to vector<128x256xf32>
    %le3A_1486 = arith.cmpf ole, %select_n3A_1481, %le3A_1485 : vector<128x256xf32>
    %jit3A_1487 = arith.constant 4.096000e+03 : f32
    %broadcast_in_dim3A_1488 = vector.broadcast %jit3A_1487 : f32 to vector<128x256xf32>
    %select_n3A_1489 = arith.select %le3A_1486, %slice3A_1433, %broadcast_in_dim3A_1488 : vector<128x256xi1>, vector<128x256xf32>
    %reduce_min3A_1490 = arith.constant dense<0x7F800000> : vector<256xf32>
    %reduce_min3A_1491 = vector.multi_reduction <minimumf>, %select_n3A_1489, %reduce_min3A_1490 [0] : vector<128x256xf32> to vector<256xf32>
    %broadcast_in_dim3A_1492 = vector.shape_cast %reduce_min3A_1491 : vector<256xf32> to vector<1x256xf32>
    %eq3A_1493 = vector.broadcast %broadcast_in_dim3A_1492 : vector<1x256xf32> to vector<128x256xf32>
    %eq3A_1494 = arith.cmpf oeq, %slice3A_1433, %eq3A_1493 : vector<128x256xf32>
    %jit3A_1495 = arith.constant 1.000000e+30 : f32
    %broadcast_in_dim3A_1496 = vector.broadcast %jit3A_1495 : f32 to vector<128x256xf32>
    %select_n3A_1497 = arith.select %eq3A_1494, %broadcast_in_dim3A_1496, %select_n3A_1481 : vector<128x256xi1>, vector<128x256xf32>
    %reduce_min3A_1498 = arith.constant dense<0x7F800000> : vector<256xf32>
    %reduce_min3A_1499 = vector.multi_reduction <minimumf>, %select_n3A_1497, %reduce_min3A_1498 [0] : vector<128x256xf32> to vector<256xf32>
    %broadcast_in_dim3A_1500 = vector.shape_cast %reduce_min3A_1499 : vector<256xf32> to vector<1x256xf32>
    %le3A_1501 = vector.broadcast %broadcast_in_dim3A_1500 : vector<1x256xf32> to vector<128x256xf32>
    %le3A_1502 = arith.cmpf ole, %select_n3A_1497, %le3A_1501 : vector<128x256xf32>
    %jit3A_1503 = arith.constant 4.096000e+03 : f32
    %broadcast_in_dim3A_1504 = vector.broadcast %jit3A_1503 : f32 to vector<128x256xf32>
    %select_n3A_1505 = arith.select %le3A_1502, %slice3A_1433, %broadcast_in_dim3A_1504 : vector<128x256xi1>, vector<128x256xf32>
    %reduce_min3A_1506 = arith.constant dense<0x7F800000> : vector<256xf32>
    %reduce_min3A_1507 = vector.multi_reduction <minimumf>, %select_n3A_1505, %reduce_min3A_1506 [0] : vector<128x256xf32> to vector<256xf32>
    %broadcast_in_dim3A_1508 = vector.shape_cast %reduce_min3A_1507 : vector<256xf32> to vector<1x256xf32>
    %eq3A_1509 = vector.broadcast %broadcast_in_dim3A_1508 : vector<1x256xf32> to vector<128x256xf32>
    %eq3A_1510 = arith.cmpf oeq, %slice3A_1433, %eq3A_1509 : vector<128x256xf32>
    %jit3A_1511 = arith.constant 1.000000e+30 : f32
    %broadcast_in_dim3A_1512 = vector.broadcast %jit3A_1511 : f32 to vector<128x256xf32>
    %select_n3A_1513 = arith.select %eq3A_1510, %broadcast_in_dim3A_1512, %select_n3A_1497 : vector<128x256xi1>, vector<128x256xf32>
    %reduce_min3A_1514 = arith.constant dense<0x7F800000> : vector<256xf32>
    %reduce_min3A_1515 = vector.multi_reduction <minimumf>, %select_n3A_1513, %reduce_min3A_1514 [0] : vector<128x256xf32> to vector<256xf32>
    %broadcast_in_dim3A_1516 = vector.shape_cast %reduce_min3A_1515 : vector<256xf32> to vector<1x256xf32>
    %le3A_1517 = vector.broadcast %broadcast_in_dim3A_1516 : vector<1x256xf32> to vector<128x256xf32>
    %le3A_1518 = arith.cmpf ole, %select_n3A_1513, %le3A_1517 : vector<128x256xf32>
    %jit3A_1519 = arith.constant 4.096000e+03 : f32
    %broadcast_in_dim3A_1520 = vector.broadcast %jit3A_1519 : f32 to vector<128x256xf32>
    %select_n3A_1521 = arith.select %le3A_1518, %slice3A_1433, %broadcast_in_dim3A_1520 : vector<128x256xi1>, vector<128x256xf32>
    %reduce_min3A_1522 = arith.constant dense<0x7F800000> : vector<256xf32>
    %reduce_min3A_1523 = vector.multi_reduction <minimumf>, %select_n3A_1521, %reduce_min3A_1522 [0] : vector<128x256xf32> to vector<256xf32>
    %broadcast_in_dim3A_1524 = vector.shape_cast %reduce_min3A_1523 : vector<256xf32> to vector<1x256xf32>
    %slice3A_1525 = vector.extract_strided_slice %select_n3A {offsets = [2048, 0], sizes = [128, 256], strides = [1, 1]} : vector<4096x256xf32> to vector<128x256xf32>
    %slice3A_1526 = vector.extract_strided_slice %convert_element_type3A {offsets = [2048, 0], sizes = [128, 256], strides = [1, 1]} : vector<4096x256xf32> to vector<128x256xf32>
    %reduce_min3A_1527 = arith.constant dense<0x7F800000> : vector<256xf32>
    %reduce_min3A_1528 = vector.multi_reduction <minimumf>, %slice3A_1525, %reduce_min3A_1527 [0] : vector<128x256xf32> to vector<256xf32>
    %broadcast_in_dim3A_1529 = vector.shape_cast %reduce_min3A_1528 : vector<256xf32> to vector<1x256xf32>
    %le3A_1530 = vector.broadcast %broadcast_in_dim3A_1529 : vector<1x256xf32> to vector<128x256xf32>
    %le3A_1531 = arith.cmpf ole, %slice3A_1525, %le3A_1530 : vector<128x256xf32>
    %jit3A_1532 = arith.constant 4.096000e+03 : f32
    %broadcast_in_dim3A_1533 = vector.broadcast %jit3A_1532 : f32 to vector<128x256xf32>
    %select_n3A_1534 = arith.select %le3A_1531, %slice3A_1526, %broadcast_in_dim3A_1533 : vector<128x256xi1>, vector<128x256xf32>
    %reduce_min3A_1535 = arith.constant dense<0x7F800000> : vector<256xf32>
    %reduce_min3A_1536 = vector.multi_reduction <minimumf>, %select_n3A_1534, %reduce_min3A_1535 [0] : vector<128x256xf32> to vector<256xf32>
    %broadcast_in_dim3A_1537 = vector.shape_cast %reduce_min3A_1536 : vector<256xf32> to vector<1x256xf32>
    %eq3A_1538 = vector.broadcast %broadcast_in_dim3A_1537 : vector<1x256xf32> to vector<128x256xf32>
    %eq3A_1539 = arith.cmpf oeq, %slice3A_1526, %eq3A_1538 : vector<128x256xf32>
    %jit3A_1540 = arith.constant 1.000000e+30 : f32
    %broadcast_in_dim3A_1541 = vector.broadcast %jit3A_1540 : f32 to vector<128x256xf32>
    %select_n3A_1542 = arith.select %eq3A_1539, %broadcast_in_dim3A_1541, %slice3A_1525 : vector<128x256xi1>, vector<128x256xf32>
    %reduce_min3A_1543 = arith.constant dense<0x7F800000> : vector<256xf32>
    %reduce_min3A_1544 = vector.multi_reduction <minimumf>, %select_n3A_1542, %reduce_min3A_1543 [0] : vector<128x256xf32> to vector<256xf32>
    %broadcast_in_dim3A_1545 = vector.shape_cast %reduce_min3A_1544 : vector<256xf32> to vector<1x256xf32>
    %le3A_1546 = vector.broadcast %broadcast_in_dim3A_1545 : vector<1x256xf32> to vector<128x256xf32>
    %le3A_1547 = arith.cmpf ole, %select_n3A_1542, %le3A_1546 : vector<128x256xf32>
    %jit3A_1548 = arith.constant 4.096000e+03 : f32
    %broadcast_in_dim3A_1549 = vector.broadcast %jit3A_1548 : f32 to vector<128x256xf32>
    %select_n3A_1550 = arith.select %le3A_1547, %slice3A_1526, %broadcast_in_dim3A_1549 : vector<128x256xi1>, vector<128x256xf32>
    %reduce_min3A_1551 = arith.constant dense<0x7F800000> : vector<256xf32>
    %reduce_min3A_1552 = vector.multi_reduction <minimumf>, %select_n3A_1550, %reduce_min3A_1551 [0] : vector<128x256xf32> to vector<256xf32>
    %broadcast_in_dim3A_1553 = vector.shape_cast %reduce_min3A_1552 : vector<256xf32> to vector<1x256xf32>
    %eq3A_1554 = vector.broadcast %broadcast_in_dim3A_1553 : vector<1x256xf32> to vector<128x256xf32>
    %eq3A_1555 = arith.cmpf oeq, %slice3A_1526, %eq3A_1554 : vector<128x256xf32>
    %jit3A_1556 = arith.constant 1.000000e+30 : f32
    %broadcast_in_dim3A_1557 = vector.broadcast %jit3A_1556 : f32 to vector<128x256xf32>
    %select_n3A_1558 = arith.select %eq3A_1555, %broadcast_in_dim3A_1557, %select_n3A_1542 : vector<128x256xi1>, vector<128x256xf32>
    %reduce_min3A_1559 = arith.constant dense<0x7F800000> : vector<256xf32>
    %reduce_min3A_1560 = vector.multi_reduction <minimumf>, %select_n3A_1558, %reduce_min3A_1559 [0] : vector<128x256xf32> to vector<256xf32>
    %broadcast_in_dim3A_1561 = vector.shape_cast %reduce_min3A_1560 : vector<256xf32> to vector<1x256xf32>
    %le3A_1562 = vector.broadcast %broadcast_in_dim3A_1561 : vector<1x256xf32> to vector<128x256xf32>
    %le3A_1563 = arith.cmpf ole, %select_n3A_1558, %le3A_1562 : vector<128x256xf32>
    %jit3A_1564 = arith.constant 4.096000e+03 : f32
    %broadcast_in_dim3A_1565 = vector.broadcast %jit3A_1564 : f32 to vector<128x256xf32>
    %select_n3A_1566 = arith.select %le3A_1563, %slice3A_1526, %broadcast_in_dim3A_1565 : vector<128x256xi1>, vector<128x256xf32>
    %reduce_min3A_1567 = arith.constant dense<0x7F800000> : vector<256xf32>
    %reduce_min3A_1568 = vector.multi_reduction <minimumf>, %select_n3A_1566, %reduce_min3A_1567 [0] : vector<128x256xf32> to vector<256xf32>
    %broadcast_in_dim3A_1569 = vector.shape_cast %reduce_min3A_1568 : vector<256xf32> to vector<1x256xf32>
    %eq3A_1570 = vector.broadcast %broadcast_in_dim3A_1569 : vector<1x256xf32> to vector<128x256xf32>
    %eq3A_1571 = arith.cmpf oeq, %slice3A_1526, %eq3A_1570 : vector<128x256xf32>
    %jit3A_1572 = arith.constant 1.000000e+30 : f32
    %broadcast_in_dim3A_1573 = vector.broadcast %jit3A_1572 : f32 to vector<128x256xf32>
    %select_n3A_1574 = arith.select %eq3A_1571, %broadcast_in_dim3A_1573, %select_n3A_1558 : vector<128x256xi1>, vector<128x256xf32>
    %reduce_min3A_1575 = arith.constant dense<0x7F800000> : vector<256xf32>
    %reduce_min3A_1576 = vector.multi_reduction <minimumf>, %select_n3A_1574, %reduce_min3A_1575 [0] : vector<128x256xf32> to vector<256xf32>
    %broadcast_in_dim3A_1577 = vector.shape_cast %reduce_min3A_1576 : vector<256xf32> to vector<1x256xf32>
    %le3A_1578 = vector.broadcast %broadcast_in_dim3A_1577 : vector<1x256xf32> to vector<128x256xf32>
    %le3A_1579 = arith.cmpf ole, %select_n3A_1574, %le3A_1578 : vector<128x256xf32>
    %jit3A_1580 = arith.constant 4.096000e+03 : f32
    %broadcast_in_dim3A_1581 = vector.broadcast %jit3A_1580 : f32 to vector<128x256xf32>
    %select_n3A_1582 = arith.select %le3A_1579, %slice3A_1526, %broadcast_in_dim3A_1581 : vector<128x256xi1>, vector<128x256xf32>
    %reduce_min3A_1583 = arith.constant dense<0x7F800000> : vector<256xf32>
    %reduce_min3A_1584 = vector.multi_reduction <minimumf>, %select_n3A_1582, %reduce_min3A_1583 [0] : vector<128x256xf32> to vector<256xf32>
    %broadcast_in_dim3A_1585 = vector.shape_cast %reduce_min3A_1584 : vector<256xf32> to vector<1x256xf32>
    %eq3A_1586 = vector.broadcast %broadcast_in_dim3A_1585 : vector<1x256xf32> to vector<128x256xf32>
    %eq3A_1587 = arith.cmpf oeq, %slice3A_1526, %eq3A_1586 : vector<128x256xf32>
    %jit3A_1588 = arith.constant 1.000000e+30 : f32
    %broadcast_in_dim3A_1589 = vector.broadcast %jit3A_1588 : f32 to vector<128x256xf32>
    %select_n3A_1590 = arith.select %eq3A_1587, %broadcast_in_dim3A_1589, %select_n3A_1574 : vector<128x256xi1>, vector<128x256xf32>
    %reduce_min3A_1591 = arith.constant dense<0x7F800000> : vector<256xf32>
    %reduce_min3A_1592 = vector.multi_reduction <minimumf>, %select_n3A_1590, %reduce_min3A_1591 [0] : vector<128x256xf32> to vector<256xf32>
    %broadcast_in_dim3A_1593 = vector.shape_cast %reduce_min3A_1592 : vector<256xf32> to vector<1x256xf32>
    %le3A_1594 = vector.broadcast %broadcast_in_dim3A_1593 : vector<1x256xf32> to vector<128x256xf32>
    %le3A_1595 = arith.cmpf ole, %select_n3A_1590, %le3A_1594 : vector<128x256xf32>
    %jit3A_1596 = arith.constant 4.096000e+03 : f32
    %broadcast_in_dim3A_1597 = vector.broadcast %jit3A_1596 : f32 to vector<128x256xf32>
    %select_n3A_1598 = arith.select %le3A_1595, %slice3A_1526, %broadcast_in_dim3A_1597 : vector<128x256xi1>, vector<128x256xf32>
    %reduce_min3A_1599 = arith.constant dense<0x7F800000> : vector<256xf32>
    %reduce_min3A_1600 = vector.multi_reduction <minimumf>, %select_n3A_1598, %reduce_min3A_1599 [0] : vector<128x256xf32> to vector<256xf32>
    %broadcast_in_dim3A_1601 = vector.shape_cast %reduce_min3A_1600 : vector<256xf32> to vector<1x256xf32>
    %eq3A_1602 = vector.broadcast %broadcast_in_dim3A_1601 : vector<1x256xf32> to vector<128x256xf32>
    %eq3A_1603 = arith.cmpf oeq, %slice3A_1526, %eq3A_1602 : vector<128x256xf32>
    %jit3A_1604 = arith.constant 1.000000e+30 : f32
    %broadcast_in_dim3A_1605 = vector.broadcast %jit3A_1604 : f32 to vector<128x256xf32>
    %select_n3A_1606 = arith.select %eq3A_1603, %broadcast_in_dim3A_1605, %select_n3A_1590 : vector<128x256xi1>, vector<128x256xf32>
    %reduce_min3A_1607 = arith.constant dense<0x7F800000> : vector<256xf32>
    %reduce_min3A_1608 = vector.multi_reduction <minimumf>, %select_n3A_1606, %reduce_min3A_1607 [0] : vector<128x256xf32> to vector<256xf32>
    %broadcast_in_dim3A_1609 = vector.shape_cast %reduce_min3A_1608 : vector<256xf32> to vector<1x256xf32>
    %le3A_1610 = vector.broadcast %broadcast_in_dim3A_1609 : vector<1x256xf32> to vector<128x256xf32>
    %le3A_1611 = arith.cmpf ole, %select_n3A_1606, %le3A_1610 : vector<128x256xf32>
    %jit3A_1612 = arith.constant 4.096000e+03 : f32
    %broadcast_in_dim3A_1613 = vector.broadcast %jit3A_1612 : f32 to vector<128x256xf32>
    %select_n3A_1614 = arith.select %le3A_1611, %slice3A_1526, %broadcast_in_dim3A_1613 : vector<128x256xi1>, vector<128x256xf32>
    %reduce_min3A_1615 = arith.constant dense<0x7F800000> : vector<256xf32>
    %reduce_min3A_1616 = vector.multi_reduction <minimumf>, %select_n3A_1614, %reduce_min3A_1615 [0] : vector<128x256xf32> to vector<256xf32>
    %broadcast_in_dim3A_1617 = vector.shape_cast %reduce_min3A_1616 : vector<256xf32> to vector<1x256xf32>
    %slice3A_1618 = vector.extract_strided_slice %select_n3A {offsets = [2176, 0], sizes = [128, 256], strides = [1, 1]} : vector<4096x256xf32> to vector<128x256xf32>
    %slice3A_1619 = vector.extract_strided_slice %convert_element_type3A {offsets = [2176, 0], sizes = [128, 256], strides = [1, 1]} : vector<4096x256xf32> to vector<128x256xf32>
    %reduce_min3A_1620 = arith.constant dense<0x7F800000> : vector<256xf32>
    %reduce_min3A_1621 = vector.multi_reduction <minimumf>, %slice3A_1618, %reduce_min3A_1620 [0] : vector<128x256xf32> to vector<256xf32>
    %broadcast_in_dim3A_1622 = vector.shape_cast %reduce_min3A_1621 : vector<256xf32> to vector<1x256xf32>
    %le3A_1623 = vector.broadcast %broadcast_in_dim3A_1622 : vector<1x256xf32> to vector<128x256xf32>
    %le3A_1624 = arith.cmpf ole, %slice3A_1618, %le3A_1623 : vector<128x256xf32>
    %jit3A_1625 = arith.constant 4.096000e+03 : f32
    %broadcast_in_dim3A_1626 = vector.broadcast %jit3A_1625 : f32 to vector<128x256xf32>
    %select_n3A_1627 = arith.select %le3A_1624, %slice3A_1619, %broadcast_in_dim3A_1626 : vector<128x256xi1>, vector<128x256xf32>
    %reduce_min3A_1628 = arith.constant dense<0x7F800000> : vector<256xf32>
    %reduce_min3A_1629 = vector.multi_reduction <minimumf>, %select_n3A_1627, %reduce_min3A_1628 [0] : vector<128x256xf32> to vector<256xf32>
    %broadcast_in_dim3A_1630 = vector.shape_cast %reduce_min3A_1629 : vector<256xf32> to vector<1x256xf32>
    %eq3A_1631 = vector.broadcast %broadcast_in_dim3A_1630 : vector<1x256xf32> to vector<128x256xf32>
    %eq3A_1632 = arith.cmpf oeq, %slice3A_1619, %eq3A_1631 : vector<128x256xf32>
    %jit3A_1633 = arith.constant 1.000000e+30 : f32
    %broadcast_in_dim3A_1634 = vector.broadcast %jit3A_1633 : f32 to vector<128x256xf32>
    %select_n3A_1635 = arith.select %eq3A_1632, %broadcast_in_dim3A_1634, %slice3A_1618 : vector<128x256xi1>, vector<128x256xf32>
    %reduce_min3A_1636 = arith.constant dense<0x7F800000> : vector<256xf32>
    %reduce_min3A_1637 = vector.multi_reduction <minimumf>, %select_n3A_1635, %reduce_min3A_1636 [0] : vector<128x256xf32> to vector<256xf32>
    %broadcast_in_dim3A_1638 = vector.shape_cast %reduce_min3A_1637 : vector<256xf32> to vector<1x256xf32>
    %le3A_1639 = vector.broadcast %broadcast_in_dim3A_1638 : vector<1x256xf32> to vector<128x256xf32>
    %le3A_1640 = arith.cmpf ole, %select_n3A_1635, %le3A_1639 : vector<128x256xf32>
    %jit3A_1641 = arith.constant 4.096000e+03 : f32
    %broadcast_in_dim3A_1642 = vector.broadcast %jit3A_1641 : f32 to vector<128x256xf32>
    %select_n3A_1643 = arith.select %le3A_1640, %slice3A_1619, %broadcast_in_dim3A_1642 : vector<128x256xi1>, vector<128x256xf32>
    %reduce_min3A_1644 = arith.constant dense<0x7F800000> : vector<256xf32>
    %reduce_min3A_1645 = vector.multi_reduction <minimumf>, %select_n3A_1643, %reduce_min3A_1644 [0] : vector<128x256xf32> to vector<256xf32>
    %broadcast_in_dim3A_1646 = vector.shape_cast %reduce_min3A_1645 : vector<256xf32> to vector<1x256xf32>
    %eq3A_1647 = vector.broadcast %broadcast_in_dim3A_1646 : vector<1x256xf32> to vector<128x256xf32>
    %eq3A_1648 = arith.cmpf oeq, %slice3A_1619, %eq3A_1647 : vector<128x256xf32>
    %jit3A_1649 = arith.constant 1.000000e+30 : f32
    %broadcast_in_dim3A_1650 = vector.broadcast %jit3A_1649 : f32 to vector<128x256xf32>
    %select_n3A_1651 = arith.select %eq3A_1648, %broadcast_in_dim3A_1650, %select_n3A_1635 : vector<128x256xi1>, vector<128x256xf32>
    %reduce_min3A_1652 = arith.constant dense<0x7F800000> : vector<256xf32>
    %reduce_min3A_1653 = vector.multi_reduction <minimumf>, %select_n3A_1651, %reduce_min3A_1652 [0] : vector<128x256xf32> to vector<256xf32>
    %broadcast_in_dim3A_1654 = vector.shape_cast %reduce_min3A_1653 : vector<256xf32> to vector<1x256xf32>
    %le3A_1655 = vector.broadcast %broadcast_in_dim3A_1654 : vector<1x256xf32> to vector<128x256xf32>
    %le3A_1656 = arith.cmpf ole, %select_n3A_1651, %le3A_1655 : vector<128x256xf32>
    %jit3A_1657 = arith.constant 4.096000e+03 : f32
    %broadcast_in_dim3A_1658 = vector.broadcast %jit3A_1657 : f32 to vector<128x256xf32>
    %select_n3A_1659 = arith.select %le3A_1656, %slice3A_1619, %broadcast_in_dim3A_1658 : vector<128x256xi1>, vector<128x256xf32>
    %reduce_min3A_1660 = arith.constant dense<0x7F800000> : vector<256xf32>
    %reduce_min3A_1661 = vector.multi_reduction <minimumf>, %select_n3A_1659, %reduce_min3A_1660 [0] : vector<128x256xf32> to vector<256xf32>
    %broadcast_in_dim3A_1662 = vector.shape_cast %reduce_min3A_1661 : vector<256xf32> to vector<1x256xf32>
    %eq3A_1663 = vector.broadcast %broadcast_in_dim3A_1662 : vector<1x256xf32> to vector<128x256xf32>
    %eq3A_1664 = arith.cmpf oeq, %slice3A_1619, %eq3A_1663 : vector<128x256xf32>
    %jit3A_1665 = arith.constant 1.000000e+30 : f32
    %broadcast_in_dim3A_1666 = vector.broadcast %jit3A_1665 : f32 to vector<128x256xf32>
    %select_n3A_1667 = arith.select %eq3A_1664, %broadcast_in_dim3A_1666, %select_n3A_1651 : vector<128x256xi1>, vector<128x256xf32>
    %reduce_min3A_1668 = arith.constant dense<0x7F800000> : vector<256xf32>
    %reduce_min3A_1669 = vector.multi_reduction <minimumf>, %select_n3A_1667, %reduce_min3A_1668 [0] : vector<128x256xf32> to vector<256xf32>
    %broadcast_in_dim3A_1670 = vector.shape_cast %reduce_min3A_1669 : vector<256xf32> to vector<1x256xf32>
    %le3A_1671 = vector.broadcast %broadcast_in_dim3A_1670 : vector<1x256xf32> to vector<128x256xf32>
    %le3A_1672 = arith.cmpf ole, %select_n3A_1667, %le3A_1671 : vector<128x256xf32>
    %jit3A_1673 = arith.constant 4.096000e+03 : f32
    %broadcast_in_dim3A_1674 = vector.broadcast %jit3A_1673 : f32 to vector<128x256xf32>
    %select_n3A_1675 = arith.select %le3A_1672, %slice3A_1619, %broadcast_in_dim3A_1674 : vector<128x256xi1>, vector<128x256xf32>
    %reduce_min3A_1676 = arith.constant dense<0x7F800000> : vector<256xf32>
    %reduce_min3A_1677 = vector.multi_reduction <minimumf>, %select_n3A_1675, %reduce_min3A_1676 [0] : vector<128x256xf32> to vector<256xf32>
    %broadcast_in_dim3A_1678 = vector.shape_cast %reduce_min3A_1677 : vector<256xf32> to vector<1x256xf32>
    %eq3A_1679 = vector.broadcast %broadcast_in_dim3A_1678 : vector<1x256xf32> to vector<128x256xf32>
    %eq3A_1680 = arith.cmpf oeq, %slice3A_1619, %eq3A_1679 : vector<128x256xf32>
    %jit3A_1681 = arith.constant 1.000000e+30 : f32
    %broadcast_in_dim3A_1682 = vector.broadcast %jit3A_1681 : f32 to vector<128x256xf32>
    %select_n3A_1683 = arith.select %eq3A_1680, %broadcast_in_dim3A_1682, %select_n3A_1667 : vector<128x256xi1>, vector<128x256xf32>
    %reduce_min3A_1684 = arith.constant dense<0x7F800000> : vector<256xf32>
    %reduce_min3A_1685 = vector.multi_reduction <minimumf>, %select_n3A_1683, %reduce_min3A_1684 [0] : vector<128x256xf32> to vector<256xf32>
    %broadcast_in_dim3A_1686 = vector.shape_cast %reduce_min3A_1685 : vector<256xf32> to vector<1x256xf32>
    %le3A_1687 = vector.broadcast %broadcast_in_dim3A_1686 : vector<1x256xf32> to vector<128x256xf32>
    %le3A_1688 = arith.cmpf ole, %select_n3A_1683, %le3A_1687 : vector<128x256xf32>
    %jit3A_1689 = arith.constant 4.096000e+03 : f32
    %broadcast_in_dim3A_1690 = vector.broadcast %jit3A_1689 : f32 to vector<128x256xf32>
    %select_n3A_1691 = arith.select %le3A_1688, %slice3A_1619, %broadcast_in_dim3A_1690 : vector<128x256xi1>, vector<128x256xf32>
    %reduce_min3A_1692 = arith.constant dense<0x7F800000> : vector<256xf32>
    %reduce_min3A_1693 = vector.multi_reduction <minimumf>, %select_n3A_1691, %reduce_min3A_1692 [0] : vector<128x256xf32> to vector<256xf32>
    %broadcast_in_dim3A_1694 = vector.shape_cast %reduce_min3A_1693 : vector<256xf32> to vector<1x256xf32>
    %eq3A_1695 = vector.broadcast %broadcast_in_dim3A_1694 : vector<1x256xf32> to vector<128x256xf32>
    %eq3A_1696 = arith.cmpf oeq, %slice3A_1619, %eq3A_1695 : vector<128x256xf32>
    %jit3A_1697 = arith.constant 1.000000e+30 : f32
    %broadcast_in_dim3A_1698 = vector.broadcast %jit3A_1697 : f32 to vector<128x256xf32>
    %select_n3A_1699 = arith.select %eq3A_1696, %broadcast_in_dim3A_1698, %select_n3A_1683 : vector<128x256xi1>, vector<128x256xf32>
    %reduce_min3A_1700 = arith.constant dense<0x7F800000> : vector<256xf32>
    %reduce_min3A_1701 = vector.multi_reduction <minimumf>, %select_n3A_1699, %reduce_min3A_1700 [0] : vector<128x256xf32> to vector<256xf32>
    %broadcast_in_dim3A_1702 = vector.shape_cast %reduce_min3A_1701 : vector<256xf32> to vector<1x256xf32>
    %le3A_1703 = vector.broadcast %broadcast_in_dim3A_1702 : vector<1x256xf32> to vector<128x256xf32>
    %le3A_1704 = arith.cmpf ole, %select_n3A_1699, %le3A_1703 : vector<128x256xf32>
    %jit3A_1705 = arith.constant 4.096000e+03 : f32
    %broadcast_in_dim3A_1706 = vector.broadcast %jit3A_1705 : f32 to vector<128x256xf32>
    %select_n3A_1707 = arith.select %le3A_1704, %slice3A_1619, %broadcast_in_dim3A_1706 : vector<128x256xi1>, vector<128x256xf32>
    %reduce_min3A_1708 = arith.constant dense<0x7F800000> : vector<256xf32>
    %reduce_min3A_1709 = vector.multi_reduction <minimumf>, %select_n3A_1707, %reduce_min3A_1708 [0] : vector<128x256xf32> to vector<256xf32>
    %broadcast_in_dim3A_1710 = vector.shape_cast %reduce_min3A_1709 : vector<256xf32> to vector<1x256xf32>
    %slice3A_1711 = vector.extract_strided_slice %select_n3A {offsets = [2304, 0], sizes = [128, 256], strides = [1, 1]} : vector<4096x256xf32> to vector<128x256xf32>
    %slice3A_1712 = vector.extract_strided_slice %convert_element_type3A {offsets = [2304, 0], sizes = [128, 256], strides = [1, 1]} : vector<4096x256xf32> to vector<128x256xf32>
    %reduce_min3A_1713 = arith.constant dense<0x7F800000> : vector<256xf32>
    %reduce_min3A_1714 = vector.multi_reduction <minimumf>, %slice3A_1711, %reduce_min3A_1713 [0] : vector<128x256xf32> to vector<256xf32>
    %broadcast_in_dim3A_1715 = vector.shape_cast %reduce_min3A_1714 : vector<256xf32> to vector<1x256xf32>
    %le3A_1716 = vector.broadcast %broadcast_in_dim3A_1715 : vector<1x256xf32> to vector<128x256xf32>
    %le3A_1717 = arith.cmpf ole, %slice3A_1711, %le3A_1716 : vector<128x256xf32>
    %jit3A_1718 = arith.constant 4.096000e+03 : f32
    %broadcast_in_dim3A_1719 = vector.broadcast %jit3A_1718 : f32 to vector<128x256xf32>
    %select_n3A_1720 = arith.select %le3A_1717, %slice3A_1712, %broadcast_in_dim3A_1719 : vector<128x256xi1>, vector<128x256xf32>
    %reduce_min3A_1721 = arith.constant dense<0x7F800000> : vector<256xf32>
    %reduce_min3A_1722 = vector.multi_reduction <minimumf>, %select_n3A_1720, %reduce_min3A_1721 [0] : vector<128x256xf32> to vector<256xf32>
    %broadcast_in_dim3A_1723 = vector.shape_cast %reduce_min3A_1722 : vector<256xf32> to vector<1x256xf32>
    %eq3A_1724 = vector.broadcast %broadcast_in_dim3A_1723 : vector<1x256xf32> to vector<128x256xf32>
    %eq3A_1725 = arith.cmpf oeq, %slice3A_1712, %eq3A_1724 : vector<128x256xf32>
    %jit3A_1726 = arith.constant 1.000000e+30 : f32
    %broadcast_in_dim3A_1727 = vector.broadcast %jit3A_1726 : f32 to vector<128x256xf32>
    %select_n3A_1728 = arith.select %eq3A_1725, %broadcast_in_dim3A_1727, %slice3A_1711 : vector<128x256xi1>, vector<128x256xf32>
    %reduce_min3A_1729 = arith.constant dense<0x7F800000> : vector<256xf32>
    %reduce_min3A_1730 = vector.multi_reduction <minimumf>, %select_n3A_1728, %reduce_min3A_1729 [0] : vector<128x256xf32> to vector<256xf32>
    %broadcast_in_dim3A_1731 = vector.shape_cast %reduce_min3A_1730 : vector<256xf32> to vector<1x256xf32>
    %le3A_1732 = vector.broadcast %broadcast_in_dim3A_1731 : vector<1x256xf32> to vector<128x256xf32>
    %le3A_1733 = arith.cmpf ole, %select_n3A_1728, %le3A_1732 : vector<128x256xf32>
    %jit3A_1734 = arith.constant 4.096000e+03 : f32
    %broadcast_in_dim3A_1735 = vector.broadcast %jit3A_1734 : f32 to vector<128x256xf32>
    %select_n3A_1736 = arith.select %le3A_1733, %slice3A_1712, %broadcast_in_dim3A_1735 : vector<128x256xi1>, vector<128x256xf32>
    %reduce_min3A_1737 = arith.constant dense<0x7F800000> : vector<256xf32>
    %reduce_min3A_1738 = vector.multi_reduction <minimumf>, %select_n3A_1736, %reduce_min3A_1737 [0] : vector<128x256xf32> to vector<256xf32>
    %broadcast_in_dim3A_1739 = vector.shape_cast %reduce_min3A_1738 : vector<256xf32> to vector<1x256xf32>
    %eq3A_1740 = vector.broadcast %broadcast_in_dim3A_1739 : vector<1x256xf32> to vector<128x256xf32>
    %eq3A_1741 = arith.cmpf oeq, %slice3A_1712, %eq3A_1740 : vector<128x256xf32>
    %jit3A_1742 = arith.constant 1.000000e+30 : f32
    %broadcast_in_dim3A_1743 = vector.broadcast %jit3A_1742 : f32 to vector<128x256xf32>
    %select_n3A_1744 = arith.select %eq3A_1741, %broadcast_in_dim3A_1743, %select_n3A_1728 : vector<128x256xi1>, vector<128x256xf32>
    %reduce_min3A_1745 = arith.constant dense<0x7F800000> : vector<256xf32>
    %reduce_min3A_1746 = vector.multi_reduction <minimumf>, %select_n3A_1744, %reduce_min3A_1745 [0] : vector<128x256xf32> to vector<256xf32>
    %broadcast_in_dim3A_1747 = vector.shape_cast %reduce_min3A_1746 : vector<256xf32> to vector<1x256xf32>
    %le3A_1748 = vector.broadcast %broadcast_in_dim3A_1747 : vector<1x256xf32> to vector<128x256xf32>
    %le3A_1749 = arith.cmpf ole, %select_n3A_1744, %le3A_1748 : vector<128x256xf32>
    %jit3A_1750 = arith.constant 4.096000e+03 : f32
    %broadcast_in_dim3A_1751 = vector.broadcast %jit3A_1750 : f32 to vector<128x256xf32>
    %select_n3A_1752 = arith.select %le3A_1749, %slice3A_1712, %broadcast_in_dim3A_1751 : vector<128x256xi1>, vector<128x256xf32>
    %reduce_min3A_1753 = arith.constant dense<0x7F800000> : vector<256xf32>
    %reduce_min3A_1754 = vector.multi_reduction <minimumf>, %select_n3A_1752, %reduce_min3A_1753 [0] : vector<128x256xf32> to vector<256xf32>
    %broadcast_in_dim3A_1755 = vector.shape_cast %reduce_min3A_1754 : vector<256xf32> to vector<1x256xf32>
    %eq3A_1756 = vector.broadcast %broadcast_in_dim3A_1755 : vector<1x256xf32> to vector<128x256xf32>
    %eq3A_1757 = arith.cmpf oeq, %slice3A_1712, %eq3A_1756 : vector<128x256xf32>
    %jit3A_1758 = arith.constant 1.000000e+30 : f32
    %broadcast_in_dim3A_1759 = vector.broadcast %jit3A_1758 : f32 to vector<128x256xf32>
    %select_n3A_1760 = arith.select %eq3A_1757, %broadcast_in_dim3A_1759, %select_n3A_1744 : vector<128x256xi1>, vector<128x256xf32>
    %reduce_min3A_1761 = arith.constant dense<0x7F800000> : vector<256xf32>
    %reduce_min3A_1762 = vector.multi_reduction <minimumf>, %select_n3A_1760, %reduce_min3A_1761 [0] : vector<128x256xf32> to vector<256xf32>
    %broadcast_in_dim3A_1763 = vector.shape_cast %reduce_min3A_1762 : vector<256xf32> to vector<1x256xf32>
    %le3A_1764 = vector.broadcast %broadcast_in_dim3A_1763 : vector<1x256xf32> to vector<128x256xf32>
    %le3A_1765 = arith.cmpf ole, %select_n3A_1760, %le3A_1764 : vector<128x256xf32>
    %jit3A_1766 = arith.constant 4.096000e+03 : f32
    %broadcast_in_dim3A_1767 = vector.broadcast %jit3A_1766 : f32 to vector<128x256xf32>
    %select_n3A_1768 = arith.select %le3A_1765, %slice3A_1712, %broadcast_in_dim3A_1767 : vector<128x256xi1>, vector<128x256xf32>
    %reduce_min3A_1769 = arith.constant dense<0x7F800000> : vector<256xf32>
    %reduce_min3A_1770 = vector.multi_reduction <minimumf>, %select_n3A_1768, %reduce_min3A_1769 [0] : vector<128x256xf32> to vector<256xf32>
    %broadcast_in_dim3A_1771 = vector.shape_cast %reduce_min3A_1770 : vector<256xf32> to vector<1x256xf32>
    %eq3A_1772 = vector.broadcast %broadcast_in_dim3A_1771 : vector<1x256xf32> to vector<128x256xf32>
    %eq3A_1773 = arith.cmpf oeq, %slice3A_1712, %eq3A_1772 : vector<128x256xf32>
    %jit3A_1774 = arith.constant 1.000000e+30 : f32
    %broadcast_in_dim3A_1775 = vector.broadcast %jit3A_1774 : f32 to vector<128x256xf32>
    %select_n3A_1776 = arith.select %eq3A_1773, %broadcast_in_dim3A_1775, %select_n3A_1760 : vector<128x256xi1>, vector<128x256xf32>
    %reduce_min3A_1777 = arith.constant dense<0x7F800000> : vector<256xf32>
    %reduce_min3A_1778 = vector.multi_reduction <minimumf>, %select_n3A_1776, %reduce_min3A_1777 [0] : vector<128x256xf32> to vector<256xf32>
    %broadcast_in_dim3A_1779 = vector.shape_cast %reduce_min3A_1778 : vector<256xf32> to vector<1x256xf32>
    %le3A_1780 = vector.broadcast %broadcast_in_dim3A_1779 : vector<1x256xf32> to vector<128x256xf32>
    %le3A_1781 = arith.cmpf ole, %select_n3A_1776, %le3A_1780 : vector<128x256xf32>
    %jit3A_1782 = arith.constant 4.096000e+03 : f32
    %broadcast_in_dim3A_1783 = vector.broadcast %jit3A_1782 : f32 to vector<128x256xf32>
    %select_n3A_1784 = arith.select %le3A_1781, %slice3A_1712, %broadcast_in_dim3A_1783 : vector<128x256xi1>, vector<128x256xf32>
    %reduce_min3A_1785 = arith.constant dense<0x7F800000> : vector<256xf32>
    %reduce_min3A_1786 = vector.multi_reduction <minimumf>, %select_n3A_1784, %reduce_min3A_1785 [0] : vector<128x256xf32> to vector<256xf32>
    %broadcast_in_dim3A_1787 = vector.shape_cast %reduce_min3A_1786 : vector<256xf32> to vector<1x256xf32>
    %eq3A_1788 = vector.broadcast %broadcast_in_dim3A_1787 : vector<1x256xf32> to vector<128x256xf32>
    %eq3A_1789 = arith.cmpf oeq, %slice3A_1712, %eq3A_1788 : vector<128x256xf32>
    %jit3A_1790 = arith.constant 1.000000e+30 : f32
    %broadcast_in_dim3A_1791 = vector.broadcast %jit3A_1790 : f32 to vector<128x256xf32>
    %select_n3A_1792 = arith.select %eq3A_1789, %broadcast_in_dim3A_1791, %select_n3A_1776 : vector<128x256xi1>, vector<128x256xf32>
    %reduce_min3A_1793 = arith.constant dense<0x7F800000> : vector<256xf32>
    %reduce_min3A_1794 = vector.multi_reduction <minimumf>, %select_n3A_1792, %reduce_min3A_1793 [0] : vector<128x256xf32> to vector<256xf32>
    %broadcast_in_dim3A_1795 = vector.shape_cast %reduce_min3A_1794 : vector<256xf32> to vector<1x256xf32>
    %le3A_1796 = vector.broadcast %broadcast_in_dim3A_1795 : vector<1x256xf32> to vector<128x256xf32>
    %le3A_1797 = arith.cmpf ole, %select_n3A_1792, %le3A_1796 : vector<128x256xf32>
    %jit3A_1798 = arith.constant 4.096000e+03 : f32
    %broadcast_in_dim3A_1799 = vector.broadcast %jit3A_1798 : f32 to vector<128x256xf32>
    %select_n3A_1800 = arith.select %le3A_1797, %slice3A_1712, %broadcast_in_dim3A_1799 : vector<128x256xi1>, vector<128x256xf32>
    %reduce_min3A_1801 = arith.constant dense<0x7F800000> : vector<256xf32>
    %reduce_min3A_1802 = vector.multi_reduction <minimumf>, %select_n3A_1800, %reduce_min3A_1801 [0] : vector<128x256xf32> to vector<256xf32>
    %broadcast_in_dim3A_1803 = vector.shape_cast %reduce_min3A_1802 : vector<256xf32> to vector<1x256xf32>
    %slice3A_1804 = vector.extract_strided_slice %select_n3A {offsets = [2432, 0], sizes = [128, 256], strides = [1, 1]} : vector<4096x256xf32> to vector<128x256xf32>
    %slice3A_1805 = vector.extract_strided_slice %convert_element_type3A {offsets = [2432, 0], sizes = [128, 256], strides = [1, 1]} : vector<4096x256xf32> to vector<128x256xf32>
    %reduce_min3A_1806 = arith.constant dense<0x7F800000> : vector<256xf32>
    %reduce_min3A_1807 = vector.multi_reduction <minimumf>, %slice3A_1804, %reduce_min3A_1806 [0] : vector<128x256xf32> to vector<256xf32>
    %broadcast_in_dim3A_1808 = vector.shape_cast %reduce_min3A_1807 : vector<256xf32> to vector<1x256xf32>
    %le3A_1809 = vector.broadcast %broadcast_in_dim3A_1808 : vector<1x256xf32> to vector<128x256xf32>
    %le3A_1810 = arith.cmpf ole, %slice3A_1804, %le3A_1809 : vector<128x256xf32>
    %jit3A_1811 = arith.constant 4.096000e+03 : f32
    %broadcast_in_dim3A_1812 = vector.broadcast %jit3A_1811 : f32 to vector<128x256xf32>
    %select_n3A_1813 = arith.select %le3A_1810, %slice3A_1805, %broadcast_in_dim3A_1812 : vector<128x256xi1>, vector<128x256xf32>
    %reduce_min3A_1814 = arith.constant dense<0x7F800000> : vector<256xf32>
    %reduce_min3A_1815 = vector.multi_reduction <minimumf>, %select_n3A_1813, %reduce_min3A_1814 [0] : vector<128x256xf32> to vector<256xf32>
    %broadcast_in_dim3A_1816 = vector.shape_cast %reduce_min3A_1815 : vector<256xf32> to vector<1x256xf32>
    %eq3A_1817 = vector.broadcast %broadcast_in_dim3A_1816 : vector<1x256xf32> to vector<128x256xf32>
    %eq3A_1818 = arith.cmpf oeq, %slice3A_1805, %eq3A_1817 : vector<128x256xf32>
    %jit3A_1819 = arith.constant 1.000000e+30 : f32
    %broadcast_in_dim3A_1820 = vector.broadcast %jit3A_1819 : f32 to vector<128x256xf32>
    %select_n3A_1821 = arith.select %eq3A_1818, %broadcast_in_dim3A_1820, %slice3A_1804 : vector<128x256xi1>, vector<128x256xf32>
    %reduce_min3A_1822 = arith.constant dense<0x7F800000> : vector<256xf32>
    %reduce_min3A_1823 = vector.multi_reduction <minimumf>, %select_n3A_1821, %reduce_min3A_1822 [0] : vector<128x256xf32> to vector<256xf32>
    %broadcast_in_dim3A_1824 = vector.shape_cast %reduce_min3A_1823 : vector<256xf32> to vector<1x256xf32>
    %le3A_1825 = vector.broadcast %broadcast_in_dim3A_1824 : vector<1x256xf32> to vector<128x256xf32>
    %le3A_1826 = arith.cmpf ole, %select_n3A_1821, %le3A_1825 : vector<128x256xf32>
    %jit3A_1827 = arith.constant 4.096000e+03 : f32
    %broadcast_in_dim3A_1828 = vector.broadcast %jit3A_1827 : f32 to vector<128x256xf32>
    %select_n3A_1829 = arith.select %le3A_1826, %slice3A_1805, %broadcast_in_dim3A_1828 : vector<128x256xi1>, vector<128x256xf32>
    %reduce_min3A_1830 = arith.constant dense<0x7F800000> : vector<256xf32>
    %reduce_min3A_1831 = vector.multi_reduction <minimumf>, %select_n3A_1829, %reduce_min3A_1830 [0] : vector<128x256xf32> to vector<256xf32>
    %broadcast_in_dim3A_1832 = vector.shape_cast %reduce_min3A_1831 : vector<256xf32> to vector<1x256xf32>
    %eq3A_1833 = vector.broadcast %broadcast_in_dim3A_1832 : vector<1x256xf32> to vector<128x256xf32>
    %eq3A_1834 = arith.cmpf oeq, %slice3A_1805, %eq3A_1833 : vector<128x256xf32>
    %jit3A_1835 = arith.constant 1.000000e+30 : f32
    %broadcast_in_dim3A_1836 = vector.broadcast %jit3A_1835 : f32 to vector<128x256xf32>
    %select_n3A_1837 = arith.select %eq3A_1834, %broadcast_in_dim3A_1836, %select_n3A_1821 : vector<128x256xi1>, vector<128x256xf32>
    %reduce_min3A_1838 = arith.constant dense<0x7F800000> : vector<256xf32>
    %reduce_min3A_1839 = vector.multi_reduction <minimumf>, %select_n3A_1837, %reduce_min3A_1838 [0] : vector<128x256xf32> to vector<256xf32>
    %broadcast_in_dim3A_1840 = vector.shape_cast %reduce_min3A_1839 : vector<256xf32> to vector<1x256xf32>
    %le3A_1841 = vector.broadcast %broadcast_in_dim3A_1840 : vector<1x256xf32> to vector<128x256xf32>
    %le3A_1842 = arith.cmpf ole, %select_n3A_1837, %le3A_1841 : vector<128x256xf32>
    %jit3A_1843 = arith.constant 4.096000e+03 : f32
    %broadcast_in_dim3A_1844 = vector.broadcast %jit3A_1843 : f32 to vector<128x256xf32>
    %select_n3A_1845 = arith.select %le3A_1842, %slice3A_1805, %broadcast_in_dim3A_1844 : vector<128x256xi1>, vector<128x256xf32>
    %reduce_min3A_1846 = arith.constant dense<0x7F800000> : vector<256xf32>
    %reduce_min3A_1847 = vector.multi_reduction <minimumf>, %select_n3A_1845, %reduce_min3A_1846 [0] : vector<128x256xf32> to vector<256xf32>
    %broadcast_in_dim3A_1848 = vector.shape_cast %reduce_min3A_1847 : vector<256xf32> to vector<1x256xf32>
    %eq3A_1849 = vector.broadcast %broadcast_in_dim3A_1848 : vector<1x256xf32> to vector<128x256xf32>
    %eq3A_1850 = arith.cmpf oeq, %slice3A_1805, %eq3A_1849 : vector<128x256xf32>
    %jit3A_1851 = arith.constant 1.000000e+30 : f32
    %broadcast_in_dim3A_1852 = vector.broadcast %jit3A_1851 : f32 to vector<128x256xf32>
    %select_n3A_1853 = arith.select %eq3A_1850, %broadcast_in_dim3A_1852, %select_n3A_1837 : vector<128x256xi1>, vector<128x256xf32>
    %reduce_min3A_1854 = arith.constant dense<0x7F800000> : vector<256xf32>
    %reduce_min3A_1855 = vector.multi_reduction <minimumf>, %select_n3A_1853, %reduce_min3A_1854 [0] : vector<128x256xf32> to vector<256xf32>
    %broadcast_in_dim3A_1856 = vector.shape_cast %reduce_min3A_1855 : vector<256xf32> to vector<1x256xf32>
    %le3A_1857 = vector.broadcast %broadcast_in_dim3A_1856 : vector<1x256xf32> to vector<128x256xf32>
    %le3A_1858 = arith.cmpf ole, %select_n3A_1853, %le3A_1857 : vector<128x256xf32>
    %jit3A_1859 = arith.constant 4.096000e+03 : f32
    %broadcast_in_dim3A_1860 = vector.broadcast %jit3A_1859 : f32 to vector<128x256xf32>
    %select_n3A_1861 = arith.select %le3A_1858, %slice3A_1805, %broadcast_in_dim3A_1860 : vector<128x256xi1>, vector<128x256xf32>
    %reduce_min3A_1862 = arith.constant dense<0x7F800000> : vector<256xf32>
    %reduce_min3A_1863 = vector.multi_reduction <minimumf>, %select_n3A_1861, %reduce_min3A_1862 [0] : vector<128x256xf32> to vector<256xf32>
    %broadcast_in_dim3A_1864 = vector.shape_cast %reduce_min3A_1863 : vector<256xf32> to vector<1x256xf32>
    %eq3A_1865 = vector.broadcast %broadcast_in_dim3A_1864 : vector<1x256xf32> to vector<128x256xf32>
    %eq3A_1866 = arith.cmpf oeq, %slice3A_1805, %eq3A_1865 : vector<128x256xf32>
    %jit3A_1867 = arith.constant 1.000000e+30 : f32
    %broadcast_in_dim3A_1868 = vector.broadcast %jit3A_1867 : f32 to vector<128x256xf32>
    %select_n3A_1869 = arith.select %eq3A_1866, %broadcast_in_dim3A_1868, %select_n3A_1853 : vector<128x256xi1>, vector<128x256xf32>
    %reduce_min3A_1870 = arith.constant dense<0x7F800000> : vector<256xf32>
    %reduce_min3A_1871 = vector.multi_reduction <minimumf>, %select_n3A_1869, %reduce_min3A_1870 [0] : vector<128x256xf32> to vector<256xf32>
    %broadcast_in_dim3A_1872 = vector.shape_cast %reduce_min3A_1871 : vector<256xf32> to vector<1x256xf32>
    %le3A_1873 = vector.broadcast %broadcast_in_dim3A_1872 : vector<1x256xf32> to vector<128x256xf32>
    %le3A_1874 = arith.cmpf ole, %select_n3A_1869, %le3A_1873 : vector<128x256xf32>
    %jit3A_1875 = arith.constant 4.096000e+03 : f32
    %broadcast_in_dim3A_1876 = vector.broadcast %jit3A_1875 : f32 to vector<128x256xf32>
    %select_n3A_1877 = arith.select %le3A_1874, %slice3A_1805, %broadcast_in_dim3A_1876 : vector<128x256xi1>, vector<128x256xf32>
    %reduce_min3A_1878 = arith.constant dense<0x7F800000> : vector<256xf32>
    %reduce_min3A_1879 = vector.multi_reduction <minimumf>, %select_n3A_1877, %reduce_min3A_1878 [0] : vector<128x256xf32> to vector<256xf32>
    %broadcast_in_dim3A_1880 = vector.shape_cast %reduce_min3A_1879 : vector<256xf32> to vector<1x256xf32>
    %eq3A_1881 = vector.broadcast %broadcast_in_dim3A_1880 : vector<1x256xf32> to vector<128x256xf32>
    %eq3A_1882 = arith.cmpf oeq, %slice3A_1805, %eq3A_1881 : vector<128x256xf32>
    %jit3A_1883 = arith.constant 1.000000e+30 : f32
    %broadcast_in_dim3A_1884 = vector.broadcast %jit3A_1883 : f32 to vector<128x256xf32>
    %select_n3A_1885 = arith.select %eq3A_1882, %broadcast_in_dim3A_1884, %select_n3A_1869 : vector<128x256xi1>, vector<128x256xf32>
    %reduce_min3A_1886 = arith.constant dense<0x7F800000> : vector<256xf32>
    %reduce_min3A_1887 = vector.multi_reduction <minimumf>, %select_n3A_1885, %reduce_min3A_1886 [0] : vector<128x256xf32> to vector<256xf32>
    %broadcast_in_dim3A_1888 = vector.shape_cast %reduce_min3A_1887 : vector<256xf32> to vector<1x256xf32>
    %le3A_1889 = vector.broadcast %broadcast_in_dim3A_1888 : vector<1x256xf32> to vector<128x256xf32>
    %le3A_1890 = arith.cmpf ole, %select_n3A_1885, %le3A_1889 : vector<128x256xf32>
    %jit3A_1891 = arith.constant 4.096000e+03 : f32
    %broadcast_in_dim3A_1892 = vector.broadcast %jit3A_1891 : f32 to vector<128x256xf32>
    %select_n3A_1893 = arith.select %le3A_1890, %slice3A_1805, %broadcast_in_dim3A_1892 : vector<128x256xi1>, vector<128x256xf32>
    %reduce_min3A_1894 = arith.constant dense<0x7F800000> : vector<256xf32>
    %reduce_min3A_1895 = vector.multi_reduction <minimumf>, %select_n3A_1893, %reduce_min3A_1894 [0] : vector<128x256xf32> to vector<256xf32>
    %broadcast_in_dim3A_1896 = vector.shape_cast %reduce_min3A_1895 : vector<256xf32> to vector<1x256xf32>
    %slice3A_1897 = vector.extract_strided_slice %select_n3A {offsets = [2560, 0], sizes = [128, 256], strides = [1, 1]} : vector<4096x256xf32> to vector<128x256xf32>
    %slice3A_1898 = vector.extract_strided_slice %convert_element_type3A {offsets = [2560, 0], sizes = [128, 256], strides = [1, 1]} : vector<4096x256xf32> to vector<128x256xf32>
    %reduce_min3A_1899 = arith.constant dense<0x7F800000> : vector<256xf32>
    %reduce_min3A_1900 = vector.multi_reduction <minimumf>, %slice3A_1897, %reduce_min3A_1899 [0] : vector<128x256xf32> to vector<256xf32>
    %broadcast_in_dim3A_1901 = vector.shape_cast %reduce_min3A_1900 : vector<256xf32> to vector<1x256xf32>
    %le3A_1902 = vector.broadcast %broadcast_in_dim3A_1901 : vector<1x256xf32> to vector<128x256xf32>
    %le3A_1903 = arith.cmpf ole, %slice3A_1897, %le3A_1902 : vector<128x256xf32>
    %jit3A_1904 = arith.constant 4.096000e+03 : f32
    %broadcast_in_dim3A_1905 = vector.broadcast %jit3A_1904 : f32 to vector<128x256xf32>
    %select_n3A_1906 = arith.select %le3A_1903, %slice3A_1898, %broadcast_in_dim3A_1905 : vector<128x256xi1>, vector<128x256xf32>
    %reduce_min3A_1907 = arith.constant dense<0x7F800000> : vector<256xf32>
    %reduce_min3A_1908 = vector.multi_reduction <minimumf>, %select_n3A_1906, %reduce_min3A_1907 [0] : vector<128x256xf32> to vector<256xf32>
    %broadcast_in_dim3A_1909 = vector.shape_cast %reduce_min3A_1908 : vector<256xf32> to vector<1x256xf32>
    %eq3A_1910 = vector.broadcast %broadcast_in_dim3A_1909 : vector<1x256xf32> to vector<128x256xf32>
    %eq3A_1911 = arith.cmpf oeq, %slice3A_1898, %eq3A_1910 : vector<128x256xf32>
    %jit3A_1912 = arith.constant 1.000000e+30 : f32
    %broadcast_in_dim3A_1913 = vector.broadcast %jit3A_1912 : f32 to vector<128x256xf32>
    %select_n3A_1914 = arith.select %eq3A_1911, %broadcast_in_dim3A_1913, %slice3A_1897 : vector<128x256xi1>, vector<128x256xf32>
    %reduce_min3A_1915 = arith.constant dense<0x7F800000> : vector<256xf32>
    %reduce_min3A_1916 = vector.multi_reduction <minimumf>, %select_n3A_1914, %reduce_min3A_1915 [0] : vector<128x256xf32> to vector<256xf32>
    %broadcast_in_dim3A_1917 = vector.shape_cast %reduce_min3A_1916 : vector<256xf32> to vector<1x256xf32>
    %le3A_1918 = vector.broadcast %broadcast_in_dim3A_1917 : vector<1x256xf32> to vector<128x256xf32>
    %le3A_1919 = arith.cmpf ole, %select_n3A_1914, %le3A_1918 : vector<128x256xf32>
    %jit3A_1920 = arith.constant 4.096000e+03 : f32
    %broadcast_in_dim3A_1921 = vector.broadcast %jit3A_1920 : f32 to vector<128x256xf32>
    %select_n3A_1922 = arith.select %le3A_1919, %slice3A_1898, %broadcast_in_dim3A_1921 : vector<128x256xi1>, vector<128x256xf32>
    %reduce_min3A_1923 = arith.constant dense<0x7F800000> : vector<256xf32>
    %reduce_min3A_1924 = vector.multi_reduction <minimumf>, %select_n3A_1922, %reduce_min3A_1923 [0] : vector<128x256xf32> to vector<256xf32>
    %broadcast_in_dim3A_1925 = vector.shape_cast %reduce_min3A_1924 : vector<256xf32> to vector<1x256xf32>
    %eq3A_1926 = vector.broadcast %broadcast_in_dim3A_1925 : vector<1x256xf32> to vector<128x256xf32>
    %eq3A_1927 = arith.cmpf oeq, %slice3A_1898, %eq3A_1926 : vector<128x256xf32>
    %jit3A_1928 = arith.constant 1.000000e+30 : f32
    %broadcast_in_dim3A_1929 = vector.broadcast %jit3A_1928 : f32 to vector<128x256xf32>
    %select_n3A_1930 = arith.select %eq3A_1927, %broadcast_in_dim3A_1929, %select_n3A_1914 : vector<128x256xi1>, vector<128x256xf32>
    %reduce_min3A_1931 = arith.constant dense<0x7F800000> : vector<256xf32>
    %reduce_min3A_1932 = vector.multi_reduction <minimumf>, %select_n3A_1930, %reduce_min3A_1931 [0] : vector<128x256xf32> to vector<256xf32>
    %broadcast_in_dim3A_1933 = vector.shape_cast %reduce_min3A_1932 : vector<256xf32> to vector<1x256xf32>
    %le3A_1934 = vector.broadcast %broadcast_in_dim3A_1933 : vector<1x256xf32> to vector<128x256xf32>
    %le3A_1935 = arith.cmpf ole, %select_n3A_1930, %le3A_1934 : vector<128x256xf32>
    %jit3A_1936 = arith.constant 4.096000e+03 : f32
    %broadcast_in_dim3A_1937 = vector.broadcast %jit3A_1936 : f32 to vector<128x256xf32>
    %select_n3A_1938 = arith.select %le3A_1935, %slice3A_1898, %broadcast_in_dim3A_1937 : vector<128x256xi1>, vector<128x256xf32>
    %reduce_min3A_1939 = arith.constant dense<0x7F800000> : vector<256xf32>
    %reduce_min3A_1940 = vector.multi_reduction <minimumf>, %select_n3A_1938, %reduce_min3A_1939 [0] : vector<128x256xf32> to vector<256xf32>
    %broadcast_in_dim3A_1941 = vector.shape_cast %reduce_min3A_1940 : vector<256xf32> to vector<1x256xf32>
    %eq3A_1942 = vector.broadcast %broadcast_in_dim3A_1941 : vector<1x256xf32> to vector<128x256xf32>
    %eq3A_1943 = arith.cmpf oeq, %slice3A_1898, %eq3A_1942 : vector<128x256xf32>
    %jit3A_1944 = arith.constant 1.000000e+30 : f32
    %broadcast_in_dim3A_1945 = vector.broadcast %jit3A_1944 : f32 to vector<128x256xf32>
    %select_n3A_1946 = arith.select %eq3A_1943, %broadcast_in_dim3A_1945, %select_n3A_1930 : vector<128x256xi1>, vector<128x256xf32>
    %reduce_min3A_1947 = arith.constant dense<0x7F800000> : vector<256xf32>
    %reduce_min3A_1948 = vector.multi_reduction <minimumf>, %select_n3A_1946, %reduce_min3A_1947 [0] : vector<128x256xf32> to vector<256xf32>
    %broadcast_in_dim3A_1949 = vector.shape_cast %reduce_min3A_1948 : vector<256xf32> to vector<1x256xf32>
    %le3A_1950 = vector.broadcast %broadcast_in_dim3A_1949 : vector<1x256xf32> to vector<128x256xf32>
    %le3A_1951 = arith.cmpf ole, %select_n3A_1946, %le3A_1950 : vector<128x256xf32>
    %jit3A_1952 = arith.constant 4.096000e+03 : f32
    %broadcast_in_dim3A_1953 = vector.broadcast %jit3A_1952 : f32 to vector<128x256xf32>
    %select_n3A_1954 = arith.select %le3A_1951, %slice3A_1898, %broadcast_in_dim3A_1953 : vector<128x256xi1>, vector<128x256xf32>
    %reduce_min3A_1955 = arith.constant dense<0x7F800000> : vector<256xf32>
    %reduce_min3A_1956 = vector.multi_reduction <minimumf>, %select_n3A_1954, %reduce_min3A_1955 [0] : vector<128x256xf32> to vector<256xf32>
    %broadcast_in_dim3A_1957 = vector.shape_cast %reduce_min3A_1956 : vector<256xf32> to vector<1x256xf32>
    %eq3A_1958 = vector.broadcast %broadcast_in_dim3A_1957 : vector<1x256xf32> to vector<128x256xf32>
    %eq3A_1959 = arith.cmpf oeq, %slice3A_1898, %eq3A_1958 : vector<128x256xf32>
    %jit3A_1960 = arith.constant 1.000000e+30 : f32
    %broadcast_in_dim3A_1961 = vector.broadcast %jit3A_1960 : f32 to vector<128x256xf32>
    %select_n3A_1962 = arith.select %eq3A_1959, %broadcast_in_dim3A_1961, %select_n3A_1946 : vector<128x256xi1>, vector<128x256xf32>
    %reduce_min3A_1963 = arith.constant dense<0x7F800000> : vector<256xf32>
    %reduce_min3A_1964 = vector.multi_reduction <minimumf>, %select_n3A_1962, %reduce_min3A_1963 [0] : vector<128x256xf32> to vector<256xf32>
    %broadcast_in_dim3A_1965 = vector.shape_cast %reduce_min3A_1964 : vector<256xf32> to vector<1x256xf32>
    %le3A_1966 = vector.broadcast %broadcast_in_dim3A_1965 : vector<1x256xf32> to vector<128x256xf32>
    %le3A_1967 = arith.cmpf ole, %select_n3A_1962, %le3A_1966 : vector<128x256xf32>
    %jit3A_1968 = arith.constant 4.096000e+03 : f32
    %broadcast_in_dim3A_1969 = vector.broadcast %jit3A_1968 : f32 to vector<128x256xf32>
    %select_n3A_1970 = arith.select %le3A_1967, %slice3A_1898, %broadcast_in_dim3A_1969 : vector<128x256xi1>, vector<128x256xf32>
    %reduce_min3A_1971 = arith.constant dense<0x7F800000> : vector<256xf32>
    %reduce_min3A_1972 = vector.multi_reduction <minimumf>, %select_n3A_1970, %reduce_min3A_1971 [0] : vector<128x256xf32> to vector<256xf32>
    %broadcast_in_dim3A_1973 = vector.shape_cast %reduce_min3A_1972 : vector<256xf32> to vector<1x256xf32>
    %eq3A_1974 = vector.broadcast %broadcast_in_dim3A_1973 : vector<1x256xf32> to vector<128x256xf32>
    %eq3A_1975 = arith.cmpf oeq, %slice3A_1898, %eq3A_1974 : vector<128x256xf32>
    %jit3A_1976 = arith.constant 1.000000e+30 : f32
    %broadcast_in_dim3A_1977 = vector.broadcast %jit3A_1976 : f32 to vector<128x256xf32>
    %select_n3A_1978 = arith.select %eq3A_1975, %broadcast_in_dim3A_1977, %select_n3A_1962 : vector<128x256xi1>, vector<128x256xf32>
    %reduce_min3A_1979 = arith.constant dense<0x7F800000> : vector<256xf32>
    %reduce_min3A_1980 = vector.multi_reduction <minimumf>, %select_n3A_1978, %reduce_min3A_1979 [0] : vector<128x256xf32> to vector<256xf32>
    %broadcast_in_dim3A_1981 = vector.shape_cast %reduce_min3A_1980 : vector<256xf32> to vector<1x256xf32>
    %le3A_1982 = vector.broadcast %broadcast_in_dim3A_1981 : vector<1x256xf32> to vector<128x256xf32>
    %le3A_1983 = arith.cmpf ole, %select_n3A_1978, %le3A_1982 : vector<128x256xf32>
    %jit3A_1984 = arith.constant 4.096000e+03 : f32
    %broadcast_in_dim3A_1985 = vector.broadcast %jit3A_1984 : f32 to vector<128x256xf32>
    %select_n3A_1986 = arith.select %le3A_1983, %slice3A_1898, %broadcast_in_dim3A_1985 : vector<128x256xi1>, vector<128x256xf32>
    %reduce_min3A_1987 = arith.constant dense<0x7F800000> : vector<256xf32>
    %reduce_min3A_1988 = vector.multi_reduction <minimumf>, %select_n3A_1986, %reduce_min3A_1987 [0] : vector<128x256xf32> to vector<256xf32>
    %broadcast_in_dim3A_1989 = vector.shape_cast %reduce_min3A_1988 : vector<256xf32> to vector<1x256xf32>
    %slice3A_1990 = vector.extract_strided_slice %select_n3A {offsets = [2688, 0], sizes = [128, 256], strides = [1, 1]} : vector<4096x256xf32> to vector<128x256xf32>
    %slice3A_1991 = vector.extract_strided_slice %convert_element_type3A {offsets = [2688, 0], sizes = [128, 256], strides = [1, 1]} : vector<4096x256xf32> to vector<128x256xf32>
    %reduce_min3A_1992 = arith.constant dense<0x7F800000> : vector<256xf32>
    %reduce_min3A_1993 = vector.multi_reduction <minimumf>, %slice3A_1990, %reduce_min3A_1992 [0] : vector<128x256xf32> to vector<256xf32>
    %broadcast_in_dim3A_1994 = vector.shape_cast %reduce_min3A_1993 : vector<256xf32> to vector<1x256xf32>
    %le3A_1995 = vector.broadcast %broadcast_in_dim3A_1994 : vector<1x256xf32> to vector<128x256xf32>
    %le3A_1996 = arith.cmpf ole, %slice3A_1990, %le3A_1995 : vector<128x256xf32>
    %jit3A_1997 = arith.constant 4.096000e+03 : f32
    %broadcast_in_dim3A_1998 = vector.broadcast %jit3A_1997 : f32 to vector<128x256xf32>
    %select_n3A_1999 = arith.select %le3A_1996, %slice3A_1991, %broadcast_in_dim3A_1998 : vector<128x256xi1>, vector<128x256xf32>
    %reduce_min3A_2000 = arith.constant dense<0x7F800000> : vector<256xf32>
    %reduce_min3A_2001 = vector.multi_reduction <minimumf>, %select_n3A_1999, %reduce_min3A_2000 [0] : vector<128x256xf32> to vector<256xf32>
    %broadcast_in_dim3A_2002 = vector.shape_cast %reduce_min3A_2001 : vector<256xf32> to vector<1x256xf32>
    %eq3A_2003 = vector.broadcast %broadcast_in_dim3A_2002 : vector<1x256xf32> to vector<128x256xf32>
    %eq3A_2004 = arith.cmpf oeq, %slice3A_1991, %eq3A_2003 : vector<128x256xf32>
    %jit3A_2005 = arith.constant 1.000000e+30 : f32
    %broadcast_in_dim3A_2006 = vector.broadcast %jit3A_2005 : f32 to vector<128x256xf32>
    %select_n3A_2007 = arith.select %eq3A_2004, %broadcast_in_dim3A_2006, %slice3A_1990 : vector<128x256xi1>, vector<128x256xf32>
    %reduce_min3A_2008 = arith.constant dense<0x7F800000> : vector<256xf32>
    %reduce_min3A_2009 = vector.multi_reduction <minimumf>, %select_n3A_2007, %reduce_min3A_2008 [0] : vector<128x256xf32> to vector<256xf32>
    %broadcast_in_dim3A_2010 = vector.shape_cast %reduce_min3A_2009 : vector<256xf32> to vector<1x256xf32>
    %le3A_2011 = vector.broadcast %broadcast_in_dim3A_2010 : vector<1x256xf32> to vector<128x256xf32>
    %le3A_2012 = arith.cmpf ole, %select_n3A_2007, %le3A_2011 : vector<128x256xf32>
    %jit3A_2013 = arith.constant 4.096000e+03 : f32
    %broadcast_in_dim3A_2014 = vector.broadcast %jit3A_2013 : f32 to vector<128x256xf32>
    %select_n3A_2015 = arith.select %le3A_2012, %slice3A_1991, %broadcast_in_dim3A_2014 : vector<128x256xi1>, vector<128x256xf32>
    %reduce_min3A_2016 = arith.constant dense<0x7F800000> : vector<256xf32>
    %reduce_min3A_2017 = vector.multi_reduction <minimumf>, %select_n3A_2015, %reduce_min3A_2016 [0] : vector<128x256xf32> to vector<256xf32>
    %broadcast_in_dim3A_2018 = vector.shape_cast %reduce_min3A_2017 : vector<256xf32> to vector<1x256xf32>
    %eq3A_2019 = vector.broadcast %broadcast_in_dim3A_2018 : vector<1x256xf32> to vector<128x256xf32>
    %eq3A_2020 = arith.cmpf oeq, %slice3A_1991, %eq3A_2019 : vector<128x256xf32>
    %jit3A_2021 = arith.constant 1.000000e+30 : f32
    %broadcast_in_dim3A_2022 = vector.broadcast %jit3A_2021 : f32 to vector<128x256xf32>
    %select_n3A_2023 = arith.select %eq3A_2020, %broadcast_in_dim3A_2022, %select_n3A_2007 : vector<128x256xi1>, vector<128x256xf32>
    %reduce_min3A_2024 = arith.constant dense<0x7F800000> : vector<256xf32>
    %reduce_min3A_2025 = vector.multi_reduction <minimumf>, %select_n3A_2023, %reduce_min3A_2024 [0] : vector<128x256xf32> to vector<256xf32>
    %broadcast_in_dim3A_2026 = vector.shape_cast %reduce_min3A_2025 : vector<256xf32> to vector<1x256xf32>
    %le3A_2027 = vector.broadcast %broadcast_in_dim3A_2026 : vector<1x256xf32> to vector<128x256xf32>
    %le3A_2028 = arith.cmpf ole, %select_n3A_2023, %le3A_2027 : vector<128x256xf32>
    %jit3A_2029 = arith.constant 4.096000e+03 : f32
    %broadcast_in_dim3A_2030 = vector.broadcast %jit3A_2029 : f32 to vector<128x256xf32>
    %select_n3A_2031 = arith.select %le3A_2028, %slice3A_1991, %broadcast_in_dim3A_2030 : vector<128x256xi1>, vector<128x256xf32>
    %reduce_min3A_2032 = arith.constant dense<0x7F800000> : vector<256xf32>
    %reduce_min3A_2033 = vector.multi_reduction <minimumf>, %select_n3A_2031, %reduce_min3A_2032 [0] : vector<128x256xf32> to vector<256xf32>
    %broadcast_in_dim3A_2034 = vector.shape_cast %reduce_min3A_2033 : vector<256xf32> to vector<1x256xf32>
    %eq3A_2035 = vector.broadcast %broadcast_in_dim3A_2034 : vector<1x256xf32> to vector<128x256xf32>
    %eq3A_2036 = arith.cmpf oeq, %slice3A_1991, %eq3A_2035 : vector<128x256xf32>
    %jit3A_2037 = arith.constant 1.000000e+30 : f32
    %broadcast_in_dim3A_2038 = vector.broadcast %jit3A_2037 : f32 to vector<128x256xf32>
    %select_n3A_2039 = arith.select %eq3A_2036, %broadcast_in_dim3A_2038, %select_n3A_2023 : vector<128x256xi1>, vector<128x256xf32>
    %reduce_min3A_2040 = arith.constant dense<0x7F800000> : vector<256xf32>
    %reduce_min3A_2041 = vector.multi_reduction <minimumf>, %select_n3A_2039, %reduce_min3A_2040 [0] : vector<128x256xf32> to vector<256xf32>
    %broadcast_in_dim3A_2042 = vector.shape_cast %reduce_min3A_2041 : vector<256xf32> to vector<1x256xf32>
    %le3A_2043 = vector.broadcast %broadcast_in_dim3A_2042 : vector<1x256xf32> to vector<128x256xf32>
    %le3A_2044 = arith.cmpf ole, %select_n3A_2039, %le3A_2043 : vector<128x256xf32>
    %jit3A_2045 = arith.constant 4.096000e+03 : f32
    %broadcast_in_dim3A_2046 = vector.broadcast %jit3A_2045 : f32 to vector<128x256xf32>
    %select_n3A_2047 = arith.select %le3A_2044, %slice3A_1991, %broadcast_in_dim3A_2046 : vector<128x256xi1>, vector<128x256xf32>
    %reduce_min3A_2048 = arith.constant dense<0x7F800000> : vector<256xf32>
    %reduce_min3A_2049 = vector.multi_reduction <minimumf>, %select_n3A_2047, %reduce_min3A_2048 [0] : vector<128x256xf32> to vector<256xf32>
    %broadcast_in_dim3A_2050 = vector.shape_cast %reduce_min3A_2049 : vector<256xf32> to vector<1x256xf32>
    %eq3A_2051 = vector.broadcast %broadcast_in_dim3A_2050 : vector<1x256xf32> to vector<128x256xf32>
    %eq3A_2052 = arith.cmpf oeq, %slice3A_1991, %eq3A_2051 : vector<128x256xf32>
    %jit3A_2053 = arith.constant 1.000000e+30 : f32
    %broadcast_in_dim3A_2054 = vector.broadcast %jit3A_2053 : f32 to vector<128x256xf32>
    %select_n3A_2055 = arith.select %eq3A_2052, %broadcast_in_dim3A_2054, %select_n3A_2039 : vector<128x256xi1>, vector<128x256xf32>
    %reduce_min3A_2056 = arith.constant dense<0x7F800000> : vector<256xf32>
    %reduce_min3A_2057 = vector.multi_reduction <minimumf>, %select_n3A_2055, %reduce_min3A_2056 [0] : vector<128x256xf32> to vector<256xf32>
    %broadcast_in_dim3A_2058 = vector.shape_cast %reduce_min3A_2057 : vector<256xf32> to vector<1x256xf32>
    %le3A_2059 = vector.broadcast %broadcast_in_dim3A_2058 : vector<1x256xf32> to vector<128x256xf32>
    %le3A_2060 = arith.cmpf ole, %select_n3A_2055, %le3A_2059 : vector<128x256xf32>
    %jit3A_2061 = arith.constant 4.096000e+03 : f32
    %broadcast_in_dim3A_2062 = vector.broadcast %jit3A_2061 : f32 to vector<128x256xf32>
    %select_n3A_2063 = arith.select %le3A_2060, %slice3A_1991, %broadcast_in_dim3A_2062 : vector<128x256xi1>, vector<128x256xf32>
    %reduce_min3A_2064 = arith.constant dense<0x7F800000> : vector<256xf32>
    %reduce_min3A_2065 = vector.multi_reduction <minimumf>, %select_n3A_2063, %reduce_min3A_2064 [0] : vector<128x256xf32> to vector<256xf32>
    %broadcast_in_dim3A_2066 = vector.shape_cast %reduce_min3A_2065 : vector<256xf32> to vector<1x256xf32>
    %eq3A_2067 = vector.broadcast %broadcast_in_dim3A_2066 : vector<1x256xf32> to vector<128x256xf32>
    %eq3A_2068 = arith.cmpf oeq, %slice3A_1991, %eq3A_2067 : vector<128x256xf32>
    %jit3A_2069 = arith.constant 1.000000e+30 : f32
    %broadcast_in_dim3A_2070 = vector.broadcast %jit3A_2069 : f32 to vector<128x256xf32>
    %select_n3A_2071 = arith.select %eq3A_2068, %broadcast_in_dim3A_2070, %select_n3A_2055 : vector<128x256xi1>, vector<128x256xf32>
    %reduce_min3A_2072 = arith.constant dense<0x7F800000> : vector<256xf32>
    %reduce_min3A_2073 = vector.multi_reduction <minimumf>, %select_n3A_2071, %reduce_min3A_2072 [0] : vector<128x256xf32> to vector<256xf32>
    %broadcast_in_dim3A_2074 = vector.shape_cast %reduce_min3A_2073 : vector<256xf32> to vector<1x256xf32>
    %le3A_2075 = vector.broadcast %broadcast_in_dim3A_2074 : vector<1x256xf32> to vector<128x256xf32>
    %le3A_2076 = arith.cmpf ole, %select_n3A_2071, %le3A_2075 : vector<128x256xf32>
    %jit3A_2077 = arith.constant 4.096000e+03 : f32
    %broadcast_in_dim3A_2078 = vector.broadcast %jit3A_2077 : f32 to vector<128x256xf32>
    %select_n3A_2079 = arith.select %le3A_2076, %slice3A_1991, %broadcast_in_dim3A_2078 : vector<128x256xi1>, vector<128x256xf32>
    %reduce_min3A_2080 = arith.constant dense<0x7F800000> : vector<256xf32>
    %reduce_min3A_2081 = vector.multi_reduction <minimumf>, %select_n3A_2079, %reduce_min3A_2080 [0] : vector<128x256xf32> to vector<256xf32>
    %broadcast_in_dim3A_2082 = vector.shape_cast %reduce_min3A_2081 : vector<256xf32> to vector<1x256xf32>
    %slice3A_2083 = vector.extract_strided_slice %select_n3A {offsets = [2816, 0], sizes = [128, 256], strides = [1, 1]} : vector<4096x256xf32> to vector<128x256xf32>
    %slice3A_2084 = vector.extract_strided_slice %convert_element_type3A {offsets = [2816, 0], sizes = [128, 256], strides = [1, 1]} : vector<4096x256xf32> to vector<128x256xf32>
    %reduce_min3A_2085 = arith.constant dense<0x7F800000> : vector<256xf32>
    %reduce_min3A_2086 = vector.multi_reduction <minimumf>, %slice3A_2083, %reduce_min3A_2085 [0] : vector<128x256xf32> to vector<256xf32>
    %broadcast_in_dim3A_2087 = vector.shape_cast %reduce_min3A_2086 : vector<256xf32> to vector<1x256xf32>
    %le3A_2088 = vector.broadcast %broadcast_in_dim3A_2087 : vector<1x256xf32> to vector<128x256xf32>
    %le3A_2089 = arith.cmpf ole, %slice3A_2083, %le3A_2088 : vector<128x256xf32>
    %jit3A_2090 = arith.constant 4.096000e+03 : f32
    %broadcast_in_dim3A_2091 = vector.broadcast %jit3A_2090 : f32 to vector<128x256xf32>
    %select_n3A_2092 = arith.select %le3A_2089, %slice3A_2084, %broadcast_in_dim3A_2091 : vector<128x256xi1>, vector<128x256xf32>
    %reduce_min3A_2093 = arith.constant dense<0x7F800000> : vector<256xf32>
    %reduce_min3A_2094 = vector.multi_reduction <minimumf>, %select_n3A_2092, %reduce_min3A_2093 [0] : vector<128x256xf32> to vector<256xf32>
    %broadcast_in_dim3A_2095 = vector.shape_cast %reduce_min3A_2094 : vector<256xf32> to vector<1x256xf32>
    %eq3A_2096 = vector.broadcast %broadcast_in_dim3A_2095 : vector<1x256xf32> to vector<128x256xf32>
    %eq3A_2097 = arith.cmpf oeq, %slice3A_2084, %eq3A_2096 : vector<128x256xf32>
    %jit3A_2098 = arith.constant 1.000000e+30 : f32
    %broadcast_in_dim3A_2099 = vector.broadcast %jit3A_2098 : f32 to vector<128x256xf32>
    %select_n3A_2100 = arith.select %eq3A_2097, %broadcast_in_dim3A_2099, %slice3A_2083 : vector<128x256xi1>, vector<128x256xf32>
    %reduce_min3A_2101 = arith.constant dense<0x7F800000> : vector<256xf32>
    %reduce_min3A_2102 = vector.multi_reduction <minimumf>, %select_n3A_2100, %reduce_min3A_2101 [0] : vector<128x256xf32> to vector<256xf32>
    %broadcast_in_dim3A_2103 = vector.shape_cast %reduce_min3A_2102 : vector<256xf32> to vector<1x256xf32>
    %le3A_2104 = vector.broadcast %broadcast_in_dim3A_2103 : vector<1x256xf32> to vector<128x256xf32>
    %le3A_2105 = arith.cmpf ole, %select_n3A_2100, %le3A_2104 : vector<128x256xf32>
    %jit3A_2106 = arith.constant 4.096000e+03 : f32
    %broadcast_in_dim3A_2107 = vector.broadcast %jit3A_2106 : f32 to vector<128x256xf32>
    %select_n3A_2108 = arith.select %le3A_2105, %slice3A_2084, %broadcast_in_dim3A_2107 : vector<128x256xi1>, vector<128x256xf32>
    %reduce_min3A_2109 = arith.constant dense<0x7F800000> : vector<256xf32>
    %reduce_min3A_2110 = vector.multi_reduction <minimumf>, %select_n3A_2108, %reduce_min3A_2109 [0] : vector<128x256xf32> to vector<256xf32>
    %broadcast_in_dim3A_2111 = vector.shape_cast %reduce_min3A_2110 : vector<256xf32> to vector<1x256xf32>
    %eq3A_2112 = vector.broadcast %broadcast_in_dim3A_2111 : vector<1x256xf32> to vector<128x256xf32>
    %eq3A_2113 = arith.cmpf oeq, %slice3A_2084, %eq3A_2112 : vector<128x256xf32>
    %jit3A_2114 = arith.constant 1.000000e+30 : f32
    %broadcast_in_dim3A_2115 = vector.broadcast %jit3A_2114 : f32 to vector<128x256xf32>
    %select_n3A_2116 = arith.select %eq3A_2113, %broadcast_in_dim3A_2115, %select_n3A_2100 : vector<128x256xi1>, vector<128x256xf32>
    %reduce_min3A_2117 = arith.constant dense<0x7F800000> : vector<256xf32>
    %reduce_min3A_2118 = vector.multi_reduction <minimumf>, %select_n3A_2116, %reduce_min3A_2117 [0] : vector<128x256xf32> to vector<256xf32>
    %broadcast_in_dim3A_2119 = vector.shape_cast %reduce_min3A_2118 : vector<256xf32> to vector<1x256xf32>
    %le3A_2120 = vector.broadcast %broadcast_in_dim3A_2119 : vector<1x256xf32> to vector<128x256xf32>
    %le3A_2121 = arith.cmpf ole, %select_n3A_2116, %le3A_2120 : vector<128x256xf32>
    %jit3A_2122 = arith.constant 4.096000e+03 : f32
    %broadcast_in_dim3A_2123 = vector.broadcast %jit3A_2122 : f32 to vector<128x256xf32>
    %select_n3A_2124 = arith.select %le3A_2121, %slice3A_2084, %broadcast_in_dim3A_2123 : vector<128x256xi1>, vector<128x256xf32>
    %reduce_min3A_2125 = arith.constant dense<0x7F800000> : vector<256xf32>
    %reduce_min3A_2126 = vector.multi_reduction <minimumf>, %select_n3A_2124, %reduce_min3A_2125 [0] : vector<128x256xf32> to vector<256xf32>
    %broadcast_in_dim3A_2127 = vector.shape_cast %reduce_min3A_2126 : vector<256xf32> to vector<1x256xf32>
    %eq3A_2128 = vector.broadcast %broadcast_in_dim3A_2127 : vector<1x256xf32> to vector<128x256xf32>
    %eq3A_2129 = arith.cmpf oeq, %slice3A_2084, %eq3A_2128 : vector<128x256xf32>
    %jit3A_2130 = arith.constant 1.000000e+30 : f32
    %broadcast_in_dim3A_2131 = vector.broadcast %jit3A_2130 : f32 to vector<128x256xf32>
    %select_n3A_2132 = arith.select %eq3A_2129, %broadcast_in_dim3A_2131, %select_n3A_2116 : vector<128x256xi1>, vector<128x256xf32>
    %reduce_min3A_2133 = arith.constant dense<0x7F800000> : vector<256xf32>
    %reduce_min3A_2134 = vector.multi_reduction <minimumf>, %select_n3A_2132, %reduce_min3A_2133 [0] : vector<128x256xf32> to vector<256xf32>
    %broadcast_in_dim3A_2135 = vector.shape_cast %reduce_min3A_2134 : vector<256xf32> to vector<1x256xf32>
    %le3A_2136 = vector.broadcast %broadcast_in_dim3A_2135 : vector<1x256xf32> to vector<128x256xf32>
    %le3A_2137 = arith.cmpf ole, %select_n3A_2132, %le3A_2136 : vector<128x256xf32>
    %jit3A_2138 = arith.constant 4.096000e+03 : f32
    %broadcast_in_dim3A_2139 = vector.broadcast %jit3A_2138 : f32 to vector<128x256xf32>
    %select_n3A_2140 = arith.select %le3A_2137, %slice3A_2084, %broadcast_in_dim3A_2139 : vector<128x256xi1>, vector<128x256xf32>
    %reduce_min3A_2141 = arith.constant dense<0x7F800000> : vector<256xf32>
    %reduce_min3A_2142 = vector.multi_reduction <minimumf>, %select_n3A_2140, %reduce_min3A_2141 [0] : vector<128x256xf32> to vector<256xf32>
    %broadcast_in_dim3A_2143 = vector.shape_cast %reduce_min3A_2142 : vector<256xf32> to vector<1x256xf32>
    %eq3A_2144 = vector.broadcast %broadcast_in_dim3A_2143 : vector<1x256xf32> to vector<128x256xf32>
    %eq3A_2145 = arith.cmpf oeq, %slice3A_2084, %eq3A_2144 : vector<128x256xf32>
    %jit3A_2146 = arith.constant 1.000000e+30 : f32
    %broadcast_in_dim3A_2147 = vector.broadcast %jit3A_2146 : f32 to vector<128x256xf32>
    %select_n3A_2148 = arith.select %eq3A_2145, %broadcast_in_dim3A_2147, %select_n3A_2132 : vector<128x256xi1>, vector<128x256xf32>
    %reduce_min3A_2149 = arith.constant dense<0x7F800000> : vector<256xf32>
    %reduce_min3A_2150 = vector.multi_reduction <minimumf>, %select_n3A_2148, %reduce_min3A_2149 [0] : vector<128x256xf32> to vector<256xf32>
    %broadcast_in_dim3A_2151 = vector.shape_cast %reduce_min3A_2150 : vector<256xf32> to vector<1x256xf32>
    %le3A_2152 = vector.broadcast %broadcast_in_dim3A_2151 : vector<1x256xf32> to vector<128x256xf32>
    %le3A_2153 = arith.cmpf ole, %select_n3A_2148, %le3A_2152 : vector<128x256xf32>
    %jit3A_2154 = arith.constant 4.096000e+03 : f32
    %broadcast_in_dim3A_2155 = vector.broadcast %jit3A_2154 : f32 to vector<128x256xf32>
    %select_n3A_2156 = arith.select %le3A_2153, %slice3A_2084, %broadcast_in_dim3A_2155 : vector<128x256xi1>, vector<128x256xf32>
    %reduce_min3A_2157 = arith.constant dense<0x7F800000> : vector<256xf32>
    %reduce_min3A_2158 = vector.multi_reduction <minimumf>, %select_n3A_2156, %reduce_min3A_2157 [0] : vector<128x256xf32> to vector<256xf32>
    %broadcast_in_dim3A_2159 = vector.shape_cast %reduce_min3A_2158 : vector<256xf32> to vector<1x256xf32>
    %eq3A_2160 = vector.broadcast %broadcast_in_dim3A_2159 : vector<1x256xf32> to vector<128x256xf32>
    %eq3A_2161 = arith.cmpf oeq, %slice3A_2084, %eq3A_2160 : vector<128x256xf32>
    %jit3A_2162 = arith.constant 1.000000e+30 : f32
    %broadcast_in_dim3A_2163 = vector.broadcast %jit3A_2162 : f32 to vector<128x256xf32>
    %select_n3A_2164 = arith.select %eq3A_2161, %broadcast_in_dim3A_2163, %select_n3A_2148 : vector<128x256xi1>, vector<128x256xf32>
    %reduce_min3A_2165 = arith.constant dense<0x7F800000> : vector<256xf32>
    %reduce_min3A_2166 = vector.multi_reduction <minimumf>, %select_n3A_2164, %reduce_min3A_2165 [0] : vector<128x256xf32> to vector<256xf32>
    %broadcast_in_dim3A_2167 = vector.shape_cast %reduce_min3A_2166 : vector<256xf32> to vector<1x256xf32>
    %le3A_2168 = vector.broadcast %broadcast_in_dim3A_2167 : vector<1x256xf32> to vector<128x256xf32>
    %le3A_2169 = arith.cmpf ole, %select_n3A_2164, %le3A_2168 : vector<128x256xf32>
    %jit3A_2170 = arith.constant 4.096000e+03 : f32
    %broadcast_in_dim3A_2171 = vector.broadcast %jit3A_2170 : f32 to vector<128x256xf32>
    %select_n3A_2172 = arith.select %le3A_2169, %slice3A_2084, %broadcast_in_dim3A_2171 : vector<128x256xi1>, vector<128x256xf32>
    %reduce_min3A_2173 = arith.constant dense<0x7F800000> : vector<256xf32>
    %reduce_min3A_2174 = vector.multi_reduction <minimumf>, %select_n3A_2172, %reduce_min3A_2173 [0] : vector<128x256xf32> to vector<256xf32>
    %broadcast_in_dim3A_2175 = vector.shape_cast %reduce_min3A_2174 : vector<256xf32> to vector<1x256xf32>
    %slice3A_2176 = vector.extract_strided_slice %select_n3A {offsets = [2944, 0], sizes = [128, 256], strides = [1, 1]} : vector<4096x256xf32> to vector<128x256xf32>
    %slice3A_2177 = vector.extract_strided_slice %convert_element_type3A {offsets = [2944, 0], sizes = [128, 256], strides = [1, 1]} : vector<4096x256xf32> to vector<128x256xf32>
    %reduce_min3A_2178 = arith.constant dense<0x7F800000> : vector<256xf32>
    %reduce_min3A_2179 = vector.multi_reduction <minimumf>, %slice3A_2176, %reduce_min3A_2178 [0] : vector<128x256xf32> to vector<256xf32>
    %broadcast_in_dim3A_2180 = vector.shape_cast %reduce_min3A_2179 : vector<256xf32> to vector<1x256xf32>
    %le3A_2181 = vector.broadcast %broadcast_in_dim3A_2180 : vector<1x256xf32> to vector<128x256xf32>
    %le3A_2182 = arith.cmpf ole, %slice3A_2176, %le3A_2181 : vector<128x256xf32>
    %jit3A_2183 = arith.constant 4.096000e+03 : f32
    %broadcast_in_dim3A_2184 = vector.broadcast %jit3A_2183 : f32 to vector<128x256xf32>
    %select_n3A_2185 = arith.select %le3A_2182, %slice3A_2177, %broadcast_in_dim3A_2184 : vector<128x256xi1>, vector<128x256xf32>
    %reduce_min3A_2186 = arith.constant dense<0x7F800000> : vector<256xf32>
    %reduce_min3A_2187 = vector.multi_reduction <minimumf>, %select_n3A_2185, %reduce_min3A_2186 [0] : vector<128x256xf32> to vector<256xf32>
    %broadcast_in_dim3A_2188 = vector.shape_cast %reduce_min3A_2187 : vector<256xf32> to vector<1x256xf32>
    %eq3A_2189 = vector.broadcast %broadcast_in_dim3A_2188 : vector<1x256xf32> to vector<128x256xf32>
    %eq3A_2190 = arith.cmpf oeq, %slice3A_2177, %eq3A_2189 : vector<128x256xf32>
    %jit3A_2191 = arith.constant 1.000000e+30 : f32
    %broadcast_in_dim3A_2192 = vector.broadcast %jit3A_2191 : f32 to vector<128x256xf32>
    %select_n3A_2193 = arith.select %eq3A_2190, %broadcast_in_dim3A_2192, %slice3A_2176 : vector<128x256xi1>, vector<128x256xf32>
    %reduce_min3A_2194 = arith.constant dense<0x7F800000> : vector<256xf32>
    %reduce_min3A_2195 = vector.multi_reduction <minimumf>, %select_n3A_2193, %reduce_min3A_2194 [0] : vector<128x256xf32> to vector<256xf32>
    %broadcast_in_dim3A_2196 = vector.shape_cast %reduce_min3A_2195 : vector<256xf32> to vector<1x256xf32>
    %le3A_2197 = vector.broadcast %broadcast_in_dim3A_2196 : vector<1x256xf32> to vector<128x256xf32>
    %le3A_2198 = arith.cmpf ole, %select_n3A_2193, %le3A_2197 : vector<128x256xf32>
    %jit3A_2199 = arith.constant 4.096000e+03 : f32
    %broadcast_in_dim3A_2200 = vector.broadcast %jit3A_2199 : f32 to vector<128x256xf32>
    %select_n3A_2201 = arith.select %le3A_2198, %slice3A_2177, %broadcast_in_dim3A_2200 : vector<128x256xi1>, vector<128x256xf32>
    %reduce_min3A_2202 = arith.constant dense<0x7F800000> : vector<256xf32>
    %reduce_min3A_2203 = vector.multi_reduction <minimumf>, %select_n3A_2201, %reduce_min3A_2202 [0] : vector<128x256xf32> to vector<256xf32>
    %broadcast_in_dim3A_2204 = vector.shape_cast %reduce_min3A_2203 : vector<256xf32> to vector<1x256xf32>
    %eq3A_2205 = vector.broadcast %broadcast_in_dim3A_2204 : vector<1x256xf32> to vector<128x256xf32>
    %eq3A_2206 = arith.cmpf oeq, %slice3A_2177, %eq3A_2205 : vector<128x256xf32>
    %jit3A_2207 = arith.constant 1.000000e+30 : f32
    %broadcast_in_dim3A_2208 = vector.broadcast %jit3A_2207 : f32 to vector<128x256xf32>
    %select_n3A_2209 = arith.select %eq3A_2206, %broadcast_in_dim3A_2208, %select_n3A_2193 : vector<128x256xi1>, vector<128x256xf32>
    %reduce_min3A_2210 = arith.constant dense<0x7F800000> : vector<256xf32>
    %reduce_min3A_2211 = vector.multi_reduction <minimumf>, %select_n3A_2209, %reduce_min3A_2210 [0] : vector<128x256xf32> to vector<256xf32>
    %broadcast_in_dim3A_2212 = vector.shape_cast %reduce_min3A_2211 : vector<256xf32> to vector<1x256xf32>
    %le3A_2213 = vector.broadcast %broadcast_in_dim3A_2212 : vector<1x256xf32> to vector<128x256xf32>
    %le3A_2214 = arith.cmpf ole, %select_n3A_2209, %le3A_2213 : vector<128x256xf32>
    %jit3A_2215 = arith.constant 4.096000e+03 : f32
    %broadcast_in_dim3A_2216 = vector.broadcast %jit3A_2215 : f32 to vector<128x256xf32>
    %select_n3A_2217 = arith.select %le3A_2214, %slice3A_2177, %broadcast_in_dim3A_2216 : vector<128x256xi1>, vector<128x256xf32>
    %reduce_min3A_2218 = arith.constant dense<0x7F800000> : vector<256xf32>
    %reduce_min3A_2219 = vector.multi_reduction <minimumf>, %select_n3A_2217, %reduce_min3A_2218 [0] : vector<128x256xf32> to vector<256xf32>
    %broadcast_in_dim3A_2220 = vector.shape_cast %reduce_min3A_2219 : vector<256xf32> to vector<1x256xf32>
    %eq3A_2221 = vector.broadcast %broadcast_in_dim3A_2220 : vector<1x256xf32> to vector<128x256xf32>
    %eq3A_2222 = arith.cmpf oeq, %slice3A_2177, %eq3A_2221 : vector<128x256xf32>
    %jit3A_2223 = arith.constant 1.000000e+30 : f32
    %broadcast_in_dim3A_2224 = vector.broadcast %jit3A_2223 : f32 to vector<128x256xf32>
    %select_n3A_2225 = arith.select %eq3A_2222, %broadcast_in_dim3A_2224, %select_n3A_2209 : vector<128x256xi1>, vector<128x256xf32>
    %reduce_min3A_2226 = arith.constant dense<0x7F800000> : vector<256xf32>
    %reduce_min3A_2227 = vector.multi_reduction <minimumf>, %select_n3A_2225, %reduce_min3A_2226 [0] : vector<128x256xf32> to vector<256xf32>
    %broadcast_in_dim3A_2228 = vector.shape_cast %reduce_min3A_2227 : vector<256xf32> to vector<1x256xf32>
    %le3A_2229 = vector.broadcast %broadcast_in_dim3A_2228 : vector<1x256xf32> to vector<128x256xf32>
    %le3A_2230 = arith.cmpf ole, %select_n3A_2225, %le3A_2229 : vector<128x256xf32>
    %jit3A_2231 = arith.constant 4.096000e+03 : f32
    %broadcast_in_dim3A_2232 = vector.broadcast %jit3A_2231 : f32 to vector<128x256xf32>
    %select_n3A_2233 = arith.select %le3A_2230, %slice3A_2177, %broadcast_in_dim3A_2232 : vector<128x256xi1>, vector<128x256xf32>
    %reduce_min3A_2234 = arith.constant dense<0x7F800000> : vector<256xf32>
    %reduce_min3A_2235 = vector.multi_reduction <minimumf>, %select_n3A_2233, %reduce_min3A_2234 [0] : vector<128x256xf32> to vector<256xf32>
    %broadcast_in_dim3A_2236 = vector.shape_cast %reduce_min3A_2235 : vector<256xf32> to vector<1x256xf32>
    %eq3A_2237 = vector.broadcast %broadcast_in_dim3A_2236 : vector<1x256xf32> to vector<128x256xf32>
    %eq3A_2238 = arith.cmpf oeq, %slice3A_2177, %eq3A_2237 : vector<128x256xf32>
    %jit3A_2239 = arith.constant 1.000000e+30 : f32
    %broadcast_in_dim3A_2240 = vector.broadcast %jit3A_2239 : f32 to vector<128x256xf32>
    %select_n3A_2241 = arith.select %eq3A_2238, %broadcast_in_dim3A_2240, %select_n3A_2225 : vector<128x256xi1>, vector<128x256xf32>
    %reduce_min3A_2242 = arith.constant dense<0x7F800000> : vector<256xf32>
    %reduce_min3A_2243 = vector.multi_reduction <minimumf>, %select_n3A_2241, %reduce_min3A_2242 [0] : vector<128x256xf32> to vector<256xf32>
    %broadcast_in_dim3A_2244 = vector.shape_cast %reduce_min3A_2243 : vector<256xf32> to vector<1x256xf32>
    %le3A_2245 = vector.broadcast %broadcast_in_dim3A_2244 : vector<1x256xf32> to vector<128x256xf32>
    %le3A_2246 = arith.cmpf ole, %select_n3A_2241, %le3A_2245 : vector<128x256xf32>
    %jit3A_2247 = arith.constant 4.096000e+03 : f32
    %broadcast_in_dim3A_2248 = vector.broadcast %jit3A_2247 : f32 to vector<128x256xf32>
    %select_n3A_2249 = arith.select %le3A_2246, %slice3A_2177, %broadcast_in_dim3A_2248 : vector<128x256xi1>, vector<128x256xf32>
    %reduce_min3A_2250 = arith.constant dense<0x7F800000> : vector<256xf32>
    %reduce_min3A_2251 = vector.multi_reduction <minimumf>, %select_n3A_2249, %reduce_min3A_2250 [0] : vector<128x256xf32> to vector<256xf32>
    %broadcast_in_dim3A_2252 = vector.shape_cast %reduce_min3A_2251 : vector<256xf32> to vector<1x256xf32>
    %eq3A_2253 = vector.broadcast %broadcast_in_dim3A_2252 : vector<1x256xf32> to vector<128x256xf32>
    %eq3A_2254 = arith.cmpf oeq, %slice3A_2177, %eq3A_2253 : vector<128x256xf32>
    %jit3A_2255 = arith.constant 1.000000e+30 : f32
    %broadcast_in_dim3A_2256 = vector.broadcast %jit3A_2255 : f32 to vector<128x256xf32>
    %select_n3A_2257 = arith.select %eq3A_2254, %broadcast_in_dim3A_2256, %select_n3A_2241 : vector<128x256xi1>, vector<128x256xf32>
    %reduce_min3A_2258 = arith.constant dense<0x7F800000> : vector<256xf32>
    %reduce_min3A_2259 = vector.multi_reduction <minimumf>, %select_n3A_2257, %reduce_min3A_2258 [0] : vector<128x256xf32> to vector<256xf32>
    %broadcast_in_dim3A_2260 = vector.shape_cast %reduce_min3A_2259 : vector<256xf32> to vector<1x256xf32>
    %le3A_2261 = vector.broadcast %broadcast_in_dim3A_2260 : vector<1x256xf32> to vector<128x256xf32>
    %le3A_2262 = arith.cmpf ole, %select_n3A_2257, %le3A_2261 : vector<128x256xf32>
    %jit3A_2263 = arith.constant 4.096000e+03 : f32
    %broadcast_in_dim3A_2264 = vector.broadcast %jit3A_2263 : f32 to vector<128x256xf32>
    %select_n3A_2265 = arith.select %le3A_2262, %slice3A_2177, %broadcast_in_dim3A_2264 : vector<128x256xi1>, vector<128x256xf32>
    %reduce_min3A_2266 = arith.constant dense<0x7F800000> : vector<256xf32>
    %reduce_min3A_2267 = vector.multi_reduction <minimumf>, %select_n3A_2265, %reduce_min3A_2266 [0] : vector<128x256xf32> to vector<256xf32>
    %broadcast_in_dim3A_2268 = vector.shape_cast %reduce_min3A_2267 : vector<256xf32> to vector<1x256xf32>
    %slice3A_2269 = vector.extract_strided_slice %select_n3A {offsets = [3072, 0], sizes = [128, 256], strides = [1, 1]} : vector<4096x256xf32> to vector<128x256xf32>
    %slice3A_2270 = vector.extract_strided_slice %convert_element_type3A {offsets = [3072, 0], sizes = [128, 256], strides = [1, 1]} : vector<4096x256xf32> to vector<128x256xf32>
    %reduce_min3A_2271 = arith.constant dense<0x7F800000> : vector<256xf32>
    %reduce_min3A_2272 = vector.multi_reduction <minimumf>, %slice3A_2269, %reduce_min3A_2271 [0] : vector<128x256xf32> to vector<256xf32>
    %broadcast_in_dim3A_2273 = vector.shape_cast %reduce_min3A_2272 : vector<256xf32> to vector<1x256xf32>
    %le3A_2274 = vector.broadcast %broadcast_in_dim3A_2273 : vector<1x256xf32> to vector<128x256xf32>
    %le3A_2275 = arith.cmpf ole, %slice3A_2269, %le3A_2274 : vector<128x256xf32>
    %jit3A_2276 = arith.constant 4.096000e+03 : f32
    %broadcast_in_dim3A_2277 = vector.broadcast %jit3A_2276 : f32 to vector<128x256xf32>
    %select_n3A_2278 = arith.select %le3A_2275, %slice3A_2270, %broadcast_in_dim3A_2277 : vector<128x256xi1>, vector<128x256xf32>
    %reduce_min3A_2279 = arith.constant dense<0x7F800000> : vector<256xf32>
    %reduce_min3A_2280 = vector.multi_reduction <minimumf>, %select_n3A_2278, %reduce_min3A_2279 [0] : vector<128x256xf32> to vector<256xf32>
    %broadcast_in_dim3A_2281 = vector.shape_cast %reduce_min3A_2280 : vector<256xf32> to vector<1x256xf32>
    %eq3A_2282 = vector.broadcast %broadcast_in_dim3A_2281 : vector<1x256xf32> to vector<128x256xf32>
    %eq3A_2283 = arith.cmpf oeq, %slice3A_2270, %eq3A_2282 : vector<128x256xf32>
    %jit3A_2284 = arith.constant 1.000000e+30 : f32
    %broadcast_in_dim3A_2285 = vector.broadcast %jit3A_2284 : f32 to vector<128x256xf32>
    %select_n3A_2286 = arith.select %eq3A_2283, %broadcast_in_dim3A_2285, %slice3A_2269 : vector<128x256xi1>, vector<128x256xf32>
    %reduce_min3A_2287 = arith.constant dense<0x7F800000> : vector<256xf32>
    %reduce_min3A_2288 = vector.multi_reduction <minimumf>, %select_n3A_2286, %reduce_min3A_2287 [0] : vector<128x256xf32> to vector<256xf32>
    %broadcast_in_dim3A_2289 = vector.shape_cast %reduce_min3A_2288 : vector<256xf32> to vector<1x256xf32>
    %le3A_2290 = vector.broadcast %broadcast_in_dim3A_2289 : vector<1x256xf32> to vector<128x256xf32>
    %le3A_2291 = arith.cmpf ole, %select_n3A_2286, %le3A_2290 : vector<128x256xf32>
    %jit3A_2292 = arith.constant 4.096000e+03 : f32
    %broadcast_in_dim3A_2293 = vector.broadcast %jit3A_2292 : f32 to vector<128x256xf32>
    %select_n3A_2294 = arith.select %le3A_2291, %slice3A_2270, %broadcast_in_dim3A_2293 : vector<128x256xi1>, vector<128x256xf32>
    %reduce_min3A_2295 = arith.constant dense<0x7F800000> : vector<256xf32>
    %reduce_min3A_2296 = vector.multi_reduction <minimumf>, %select_n3A_2294, %reduce_min3A_2295 [0] : vector<128x256xf32> to vector<256xf32>
    %broadcast_in_dim3A_2297 = vector.shape_cast %reduce_min3A_2296 : vector<256xf32> to vector<1x256xf32>
    %eq3A_2298 = vector.broadcast %broadcast_in_dim3A_2297 : vector<1x256xf32> to vector<128x256xf32>
    %eq3A_2299 = arith.cmpf oeq, %slice3A_2270, %eq3A_2298 : vector<128x256xf32>
    %jit3A_2300 = arith.constant 1.000000e+30 : f32
    %broadcast_in_dim3A_2301 = vector.broadcast %jit3A_2300 : f32 to vector<128x256xf32>
    %select_n3A_2302 = arith.select %eq3A_2299, %broadcast_in_dim3A_2301, %select_n3A_2286 : vector<128x256xi1>, vector<128x256xf32>
    %reduce_min3A_2303 = arith.constant dense<0x7F800000> : vector<256xf32>
    %reduce_min3A_2304 = vector.multi_reduction <minimumf>, %select_n3A_2302, %reduce_min3A_2303 [0] : vector<128x256xf32> to vector<256xf32>
    %broadcast_in_dim3A_2305 = vector.shape_cast %reduce_min3A_2304 : vector<256xf32> to vector<1x256xf32>
    %le3A_2306 = vector.broadcast %broadcast_in_dim3A_2305 : vector<1x256xf32> to vector<128x256xf32>
    %le3A_2307 = arith.cmpf ole, %select_n3A_2302, %le3A_2306 : vector<128x256xf32>
    %jit3A_2308 = arith.constant 4.096000e+03 : f32
    %broadcast_in_dim3A_2309 = vector.broadcast %jit3A_2308 : f32 to vector<128x256xf32>
    %select_n3A_2310 = arith.select %le3A_2307, %slice3A_2270, %broadcast_in_dim3A_2309 : vector<128x256xi1>, vector<128x256xf32>
    %reduce_min3A_2311 = arith.constant dense<0x7F800000> : vector<256xf32>
    %reduce_min3A_2312 = vector.multi_reduction <minimumf>, %select_n3A_2310, %reduce_min3A_2311 [0] : vector<128x256xf32> to vector<256xf32>
    %broadcast_in_dim3A_2313 = vector.shape_cast %reduce_min3A_2312 : vector<256xf32> to vector<1x256xf32>
    %eq3A_2314 = vector.broadcast %broadcast_in_dim3A_2313 : vector<1x256xf32> to vector<128x256xf32>
    %eq3A_2315 = arith.cmpf oeq, %slice3A_2270, %eq3A_2314 : vector<128x256xf32>
    %jit3A_2316 = arith.constant 1.000000e+30 : f32
    %broadcast_in_dim3A_2317 = vector.broadcast %jit3A_2316 : f32 to vector<128x256xf32>
    %select_n3A_2318 = arith.select %eq3A_2315, %broadcast_in_dim3A_2317, %select_n3A_2302 : vector<128x256xi1>, vector<128x256xf32>
    %reduce_min3A_2319 = arith.constant dense<0x7F800000> : vector<256xf32>
    %reduce_min3A_2320 = vector.multi_reduction <minimumf>, %select_n3A_2318, %reduce_min3A_2319 [0] : vector<128x256xf32> to vector<256xf32>
    %broadcast_in_dim3A_2321 = vector.shape_cast %reduce_min3A_2320 : vector<256xf32> to vector<1x256xf32>
    %le3A_2322 = vector.broadcast %broadcast_in_dim3A_2321 : vector<1x256xf32> to vector<128x256xf32>
    %le3A_2323 = arith.cmpf ole, %select_n3A_2318, %le3A_2322 : vector<128x256xf32>
    %jit3A_2324 = arith.constant 4.096000e+03 : f32
    %broadcast_in_dim3A_2325 = vector.broadcast %jit3A_2324 : f32 to vector<128x256xf32>
    %select_n3A_2326 = arith.select %le3A_2323, %slice3A_2270, %broadcast_in_dim3A_2325 : vector<128x256xi1>, vector<128x256xf32>
    %reduce_min3A_2327 = arith.constant dense<0x7F800000> : vector<256xf32>
    %reduce_min3A_2328 = vector.multi_reduction <minimumf>, %select_n3A_2326, %reduce_min3A_2327 [0] : vector<128x256xf32> to vector<256xf32>
    %broadcast_in_dim3A_2329 = vector.shape_cast %reduce_min3A_2328 : vector<256xf32> to vector<1x256xf32>
    %eq3A_2330 = vector.broadcast %broadcast_in_dim3A_2329 : vector<1x256xf32> to vector<128x256xf32>
    %eq3A_2331 = arith.cmpf oeq, %slice3A_2270, %eq3A_2330 : vector<128x256xf32>
    %jit3A_2332 = arith.constant 1.000000e+30 : f32
    %broadcast_in_dim3A_2333 = vector.broadcast %jit3A_2332 : f32 to vector<128x256xf32>
    %select_n3A_2334 = arith.select %eq3A_2331, %broadcast_in_dim3A_2333, %select_n3A_2318 : vector<128x256xi1>, vector<128x256xf32>
    %reduce_min3A_2335 = arith.constant dense<0x7F800000> : vector<256xf32>
    %reduce_min3A_2336 = vector.multi_reduction <minimumf>, %select_n3A_2334, %reduce_min3A_2335 [0] : vector<128x256xf32> to vector<256xf32>
    %broadcast_in_dim3A_2337 = vector.shape_cast %reduce_min3A_2336 : vector<256xf32> to vector<1x256xf32>
    %le3A_2338 = vector.broadcast %broadcast_in_dim3A_2337 : vector<1x256xf32> to vector<128x256xf32>
    %le3A_2339 = arith.cmpf ole, %select_n3A_2334, %le3A_2338 : vector<128x256xf32>
    %jit3A_2340 = arith.constant 4.096000e+03 : f32
    %broadcast_in_dim3A_2341 = vector.broadcast %jit3A_2340 : f32 to vector<128x256xf32>
    %select_n3A_2342 = arith.select %le3A_2339, %slice3A_2270, %broadcast_in_dim3A_2341 : vector<128x256xi1>, vector<128x256xf32>
    %reduce_min3A_2343 = arith.constant dense<0x7F800000> : vector<256xf32>
    %reduce_min3A_2344 = vector.multi_reduction <minimumf>, %select_n3A_2342, %reduce_min3A_2343 [0] : vector<128x256xf32> to vector<256xf32>
    %broadcast_in_dim3A_2345 = vector.shape_cast %reduce_min3A_2344 : vector<256xf32> to vector<1x256xf32>
    %eq3A_2346 = vector.broadcast %broadcast_in_dim3A_2345 : vector<1x256xf32> to vector<128x256xf32>
    %eq3A_2347 = arith.cmpf oeq, %slice3A_2270, %eq3A_2346 : vector<128x256xf32>
    %jit3A_2348 = arith.constant 1.000000e+30 : f32
    %broadcast_in_dim3A_2349 = vector.broadcast %jit3A_2348 : f32 to vector<128x256xf32>
    %select_n3A_2350 = arith.select %eq3A_2347, %broadcast_in_dim3A_2349, %select_n3A_2334 : vector<128x256xi1>, vector<128x256xf32>
    %reduce_min3A_2351 = arith.constant dense<0x7F800000> : vector<256xf32>
    %reduce_min3A_2352 = vector.multi_reduction <minimumf>, %select_n3A_2350, %reduce_min3A_2351 [0] : vector<128x256xf32> to vector<256xf32>
    %broadcast_in_dim3A_2353 = vector.shape_cast %reduce_min3A_2352 : vector<256xf32> to vector<1x256xf32>
    %le3A_2354 = vector.broadcast %broadcast_in_dim3A_2353 : vector<1x256xf32> to vector<128x256xf32>
    %le3A_2355 = arith.cmpf ole, %select_n3A_2350, %le3A_2354 : vector<128x256xf32>
    %jit3A_2356 = arith.constant 4.096000e+03 : f32
    %broadcast_in_dim3A_2357 = vector.broadcast %jit3A_2356 : f32 to vector<128x256xf32>
    %select_n3A_2358 = arith.select %le3A_2355, %slice3A_2270, %broadcast_in_dim3A_2357 : vector<128x256xi1>, vector<128x256xf32>
    %reduce_min3A_2359 = arith.constant dense<0x7F800000> : vector<256xf32>
    %reduce_min3A_2360 = vector.multi_reduction <minimumf>, %select_n3A_2358, %reduce_min3A_2359 [0] : vector<128x256xf32> to vector<256xf32>
    %broadcast_in_dim3A_2361 = vector.shape_cast %reduce_min3A_2360 : vector<256xf32> to vector<1x256xf32>
    %slice3A_2362 = vector.extract_strided_slice %select_n3A {offsets = [3200, 0], sizes = [128, 256], strides = [1, 1]} : vector<4096x256xf32> to vector<128x256xf32>
    %slice3A_2363 = vector.extract_strided_slice %convert_element_type3A {offsets = [3200, 0], sizes = [128, 256], strides = [1, 1]} : vector<4096x256xf32> to vector<128x256xf32>
    %reduce_min3A_2364 = arith.constant dense<0x7F800000> : vector<256xf32>
    %reduce_min3A_2365 = vector.multi_reduction <minimumf>, %slice3A_2362, %reduce_min3A_2364 [0] : vector<128x256xf32> to vector<256xf32>
    %broadcast_in_dim3A_2366 = vector.shape_cast %reduce_min3A_2365 : vector<256xf32> to vector<1x256xf32>
    %le3A_2367 = vector.broadcast %broadcast_in_dim3A_2366 : vector<1x256xf32> to vector<128x256xf32>
    %le3A_2368 = arith.cmpf ole, %slice3A_2362, %le3A_2367 : vector<128x256xf32>
    %jit3A_2369 = arith.constant 4.096000e+03 : f32
    %broadcast_in_dim3A_2370 = vector.broadcast %jit3A_2369 : f32 to vector<128x256xf32>
    %select_n3A_2371 = arith.select %le3A_2368, %slice3A_2363, %broadcast_in_dim3A_2370 : vector<128x256xi1>, vector<128x256xf32>
    %reduce_min3A_2372 = arith.constant dense<0x7F800000> : vector<256xf32>
    %reduce_min3A_2373 = vector.multi_reduction <minimumf>, %select_n3A_2371, %reduce_min3A_2372 [0] : vector<128x256xf32> to vector<256xf32>
    %broadcast_in_dim3A_2374 = vector.shape_cast %reduce_min3A_2373 : vector<256xf32> to vector<1x256xf32>
    %eq3A_2375 = vector.broadcast %broadcast_in_dim3A_2374 : vector<1x256xf32> to vector<128x256xf32>
    %eq3A_2376 = arith.cmpf oeq, %slice3A_2363, %eq3A_2375 : vector<128x256xf32>
    %jit3A_2377 = arith.constant 1.000000e+30 : f32
    %broadcast_in_dim3A_2378 = vector.broadcast %jit3A_2377 : f32 to vector<128x256xf32>
    %select_n3A_2379 = arith.select %eq3A_2376, %broadcast_in_dim3A_2378, %slice3A_2362 : vector<128x256xi1>, vector<128x256xf32>
    %reduce_min3A_2380 = arith.constant dense<0x7F800000> : vector<256xf32>
    %reduce_min3A_2381 = vector.multi_reduction <minimumf>, %select_n3A_2379, %reduce_min3A_2380 [0] : vector<128x256xf32> to vector<256xf32>
    %broadcast_in_dim3A_2382 = vector.shape_cast %reduce_min3A_2381 : vector<256xf32> to vector<1x256xf32>
    %le3A_2383 = vector.broadcast %broadcast_in_dim3A_2382 : vector<1x256xf32> to vector<128x256xf32>
    %le3A_2384 = arith.cmpf ole, %select_n3A_2379, %le3A_2383 : vector<128x256xf32>
    %jit3A_2385 = arith.constant 4.096000e+03 : f32
    %broadcast_in_dim3A_2386 = vector.broadcast %jit3A_2385 : f32 to vector<128x256xf32>
    %select_n3A_2387 = arith.select %le3A_2384, %slice3A_2363, %broadcast_in_dim3A_2386 : vector<128x256xi1>, vector<128x256xf32>
    %reduce_min3A_2388 = arith.constant dense<0x7F800000> : vector<256xf32>
    %reduce_min3A_2389 = vector.multi_reduction <minimumf>, %select_n3A_2387, %reduce_min3A_2388 [0] : vector<128x256xf32> to vector<256xf32>
    %broadcast_in_dim3A_2390 = vector.shape_cast %reduce_min3A_2389 : vector<256xf32> to vector<1x256xf32>
    %eq3A_2391 = vector.broadcast %broadcast_in_dim3A_2390 : vector<1x256xf32> to vector<128x256xf32>
    %eq3A_2392 = arith.cmpf oeq, %slice3A_2363, %eq3A_2391 : vector<128x256xf32>
    %jit3A_2393 = arith.constant 1.000000e+30 : f32
    %broadcast_in_dim3A_2394 = vector.broadcast %jit3A_2393 : f32 to vector<128x256xf32>
    %select_n3A_2395 = arith.select %eq3A_2392, %broadcast_in_dim3A_2394, %select_n3A_2379 : vector<128x256xi1>, vector<128x256xf32>
    %reduce_min3A_2396 = arith.constant dense<0x7F800000> : vector<256xf32>
    %reduce_min3A_2397 = vector.multi_reduction <minimumf>, %select_n3A_2395, %reduce_min3A_2396 [0] : vector<128x256xf32> to vector<256xf32>
    %broadcast_in_dim3A_2398 = vector.shape_cast %reduce_min3A_2397 : vector<256xf32> to vector<1x256xf32>
    %le3A_2399 = vector.broadcast %broadcast_in_dim3A_2398 : vector<1x256xf32> to vector<128x256xf32>
    %le3A_2400 = arith.cmpf ole, %select_n3A_2395, %le3A_2399 : vector<128x256xf32>
    %jit3A_2401 = arith.constant 4.096000e+03 : f32
    %broadcast_in_dim3A_2402 = vector.broadcast %jit3A_2401 : f32 to vector<128x256xf32>
    %select_n3A_2403 = arith.select %le3A_2400, %slice3A_2363, %broadcast_in_dim3A_2402 : vector<128x256xi1>, vector<128x256xf32>
    %reduce_min3A_2404 = arith.constant dense<0x7F800000> : vector<256xf32>
    %reduce_min3A_2405 = vector.multi_reduction <minimumf>, %select_n3A_2403, %reduce_min3A_2404 [0] : vector<128x256xf32> to vector<256xf32>
    %broadcast_in_dim3A_2406 = vector.shape_cast %reduce_min3A_2405 : vector<256xf32> to vector<1x256xf32>
    %eq3A_2407 = vector.broadcast %broadcast_in_dim3A_2406 : vector<1x256xf32> to vector<128x256xf32>
    %eq3A_2408 = arith.cmpf oeq, %slice3A_2363, %eq3A_2407 : vector<128x256xf32>
    %jit3A_2409 = arith.constant 1.000000e+30 : f32
    %broadcast_in_dim3A_2410 = vector.broadcast %jit3A_2409 : f32 to vector<128x256xf32>
    %select_n3A_2411 = arith.select %eq3A_2408, %broadcast_in_dim3A_2410, %select_n3A_2395 : vector<128x256xi1>, vector<128x256xf32>
    %reduce_min3A_2412 = arith.constant dense<0x7F800000> : vector<256xf32>
    %reduce_min3A_2413 = vector.multi_reduction <minimumf>, %select_n3A_2411, %reduce_min3A_2412 [0] : vector<128x256xf32> to vector<256xf32>
    %broadcast_in_dim3A_2414 = vector.shape_cast %reduce_min3A_2413 : vector<256xf32> to vector<1x256xf32>
    %le3A_2415 = vector.broadcast %broadcast_in_dim3A_2414 : vector<1x256xf32> to vector<128x256xf32>
    %le3A_2416 = arith.cmpf ole, %select_n3A_2411, %le3A_2415 : vector<128x256xf32>
    %jit3A_2417 = arith.constant 4.096000e+03 : f32
    %broadcast_in_dim3A_2418 = vector.broadcast %jit3A_2417 : f32 to vector<128x256xf32>
    %select_n3A_2419 = arith.select %le3A_2416, %slice3A_2363, %broadcast_in_dim3A_2418 : vector<128x256xi1>, vector<128x256xf32>
    %reduce_min3A_2420 = arith.constant dense<0x7F800000> : vector<256xf32>
    %reduce_min3A_2421 = vector.multi_reduction <minimumf>, %select_n3A_2419, %reduce_min3A_2420 [0] : vector<128x256xf32> to vector<256xf32>
    %broadcast_in_dim3A_2422 = vector.shape_cast %reduce_min3A_2421 : vector<256xf32> to vector<1x256xf32>
    %eq3A_2423 = vector.broadcast %broadcast_in_dim3A_2422 : vector<1x256xf32> to vector<128x256xf32>
    %eq3A_2424 = arith.cmpf oeq, %slice3A_2363, %eq3A_2423 : vector<128x256xf32>
    %jit3A_2425 = arith.constant 1.000000e+30 : f32
    %broadcast_in_dim3A_2426 = vector.broadcast %jit3A_2425 : f32 to vector<128x256xf32>
    %select_n3A_2427 = arith.select %eq3A_2424, %broadcast_in_dim3A_2426, %select_n3A_2411 : vector<128x256xi1>, vector<128x256xf32>
    %reduce_min3A_2428 = arith.constant dense<0x7F800000> : vector<256xf32>
    %reduce_min3A_2429 = vector.multi_reduction <minimumf>, %select_n3A_2427, %reduce_min3A_2428 [0] : vector<128x256xf32> to vector<256xf32>
    %broadcast_in_dim3A_2430 = vector.shape_cast %reduce_min3A_2429 : vector<256xf32> to vector<1x256xf32>
    %le3A_2431 = vector.broadcast %broadcast_in_dim3A_2430 : vector<1x256xf32> to vector<128x256xf32>
    %le3A_2432 = arith.cmpf ole, %select_n3A_2427, %le3A_2431 : vector<128x256xf32>
    %jit3A_2433 = arith.constant 4.096000e+03 : f32
    %broadcast_in_dim3A_2434 = vector.broadcast %jit3A_2433 : f32 to vector<128x256xf32>
    %select_n3A_2435 = arith.select %le3A_2432, %slice3A_2363, %broadcast_in_dim3A_2434 : vector<128x256xi1>, vector<128x256xf32>
    %reduce_min3A_2436 = arith.constant dense<0x7F800000> : vector<256xf32>
    %reduce_min3A_2437 = vector.multi_reduction <minimumf>, %select_n3A_2435, %reduce_min3A_2436 [0] : vector<128x256xf32> to vector<256xf32>
    %broadcast_in_dim3A_2438 = vector.shape_cast %reduce_min3A_2437 : vector<256xf32> to vector<1x256xf32>
    %eq3A_2439 = vector.broadcast %broadcast_in_dim3A_2438 : vector<1x256xf32> to vector<128x256xf32>
    %eq3A_2440 = arith.cmpf oeq, %slice3A_2363, %eq3A_2439 : vector<128x256xf32>
    %jit3A_2441 = arith.constant 1.000000e+30 : f32
    %broadcast_in_dim3A_2442 = vector.broadcast %jit3A_2441 : f32 to vector<128x256xf32>
    %select_n3A_2443 = arith.select %eq3A_2440, %broadcast_in_dim3A_2442, %select_n3A_2427 : vector<128x256xi1>, vector<128x256xf32>
    %reduce_min3A_2444 = arith.constant dense<0x7F800000> : vector<256xf32>
    %reduce_min3A_2445 = vector.multi_reduction <minimumf>, %select_n3A_2443, %reduce_min3A_2444 [0] : vector<128x256xf32> to vector<256xf32>
    %broadcast_in_dim3A_2446 = vector.shape_cast %reduce_min3A_2445 : vector<256xf32> to vector<1x256xf32>
    %le3A_2447 = vector.broadcast %broadcast_in_dim3A_2446 : vector<1x256xf32> to vector<128x256xf32>
    %le3A_2448 = arith.cmpf ole, %select_n3A_2443, %le3A_2447 : vector<128x256xf32>
    %jit3A_2449 = arith.constant 4.096000e+03 : f32
    %broadcast_in_dim3A_2450 = vector.broadcast %jit3A_2449 : f32 to vector<128x256xf32>
    %select_n3A_2451 = arith.select %le3A_2448, %slice3A_2363, %broadcast_in_dim3A_2450 : vector<128x256xi1>, vector<128x256xf32>
    %reduce_min3A_2452 = arith.constant dense<0x7F800000> : vector<256xf32>
    %reduce_min3A_2453 = vector.multi_reduction <minimumf>, %select_n3A_2451, %reduce_min3A_2452 [0] : vector<128x256xf32> to vector<256xf32>
    %broadcast_in_dim3A_2454 = vector.shape_cast %reduce_min3A_2453 : vector<256xf32> to vector<1x256xf32>
    %slice3A_2455 = vector.extract_strided_slice %select_n3A {offsets = [3328, 0], sizes = [128, 256], strides = [1, 1]} : vector<4096x256xf32> to vector<128x256xf32>
    %slice3A_2456 = vector.extract_strided_slice %convert_element_type3A {offsets = [3328, 0], sizes = [128, 256], strides = [1, 1]} : vector<4096x256xf32> to vector<128x256xf32>
    %reduce_min3A_2457 = arith.constant dense<0x7F800000> : vector<256xf32>
    %reduce_min3A_2458 = vector.multi_reduction <minimumf>, %slice3A_2455, %reduce_min3A_2457 [0] : vector<128x256xf32> to vector<256xf32>
    %broadcast_in_dim3A_2459 = vector.shape_cast %reduce_min3A_2458 : vector<256xf32> to vector<1x256xf32>
    %le3A_2460 = vector.broadcast %broadcast_in_dim3A_2459 : vector<1x256xf32> to vector<128x256xf32>
    %le3A_2461 = arith.cmpf ole, %slice3A_2455, %le3A_2460 : vector<128x256xf32>
    %jit3A_2462 = arith.constant 4.096000e+03 : f32
    %broadcast_in_dim3A_2463 = vector.broadcast %jit3A_2462 : f32 to vector<128x256xf32>
    %select_n3A_2464 = arith.select %le3A_2461, %slice3A_2456, %broadcast_in_dim3A_2463 : vector<128x256xi1>, vector<128x256xf32>
    %reduce_min3A_2465 = arith.constant dense<0x7F800000> : vector<256xf32>
    %reduce_min3A_2466 = vector.multi_reduction <minimumf>, %select_n3A_2464, %reduce_min3A_2465 [0] : vector<128x256xf32> to vector<256xf32>
    %broadcast_in_dim3A_2467 = vector.shape_cast %reduce_min3A_2466 : vector<256xf32> to vector<1x256xf32>
    %eq3A_2468 = vector.broadcast %broadcast_in_dim3A_2467 : vector<1x256xf32> to vector<128x256xf32>
    %eq3A_2469 = arith.cmpf oeq, %slice3A_2456, %eq3A_2468 : vector<128x256xf32>
    %jit3A_2470 = arith.constant 1.000000e+30 : f32
    %broadcast_in_dim3A_2471 = vector.broadcast %jit3A_2470 : f32 to vector<128x256xf32>
    %select_n3A_2472 = arith.select %eq3A_2469, %broadcast_in_dim3A_2471, %slice3A_2455 : vector<128x256xi1>, vector<128x256xf32>
    %reduce_min3A_2473 = arith.constant dense<0x7F800000> : vector<256xf32>
    %reduce_min3A_2474 = vector.multi_reduction <minimumf>, %select_n3A_2472, %reduce_min3A_2473 [0] : vector<128x256xf32> to vector<256xf32>
    %broadcast_in_dim3A_2475 = vector.shape_cast %reduce_min3A_2474 : vector<256xf32> to vector<1x256xf32>
    %le3A_2476 = vector.broadcast %broadcast_in_dim3A_2475 : vector<1x256xf32> to vector<128x256xf32>
    %le3A_2477 = arith.cmpf ole, %select_n3A_2472, %le3A_2476 : vector<128x256xf32>
    %jit3A_2478 = arith.constant 4.096000e+03 : f32
    %broadcast_in_dim3A_2479 = vector.broadcast %jit3A_2478 : f32 to vector<128x256xf32>
    %select_n3A_2480 = arith.select %le3A_2477, %slice3A_2456, %broadcast_in_dim3A_2479 : vector<128x256xi1>, vector<128x256xf32>
    %reduce_min3A_2481 = arith.constant dense<0x7F800000> : vector<256xf32>
    %reduce_min3A_2482 = vector.multi_reduction <minimumf>, %select_n3A_2480, %reduce_min3A_2481 [0] : vector<128x256xf32> to vector<256xf32>
    %broadcast_in_dim3A_2483 = vector.shape_cast %reduce_min3A_2482 : vector<256xf32> to vector<1x256xf32>
    %eq3A_2484 = vector.broadcast %broadcast_in_dim3A_2483 : vector<1x256xf32> to vector<128x256xf32>
    %eq3A_2485 = arith.cmpf oeq, %slice3A_2456, %eq3A_2484 : vector<128x256xf32>
    %jit3A_2486 = arith.constant 1.000000e+30 : f32
    %broadcast_in_dim3A_2487 = vector.broadcast %jit3A_2486 : f32 to vector<128x256xf32>
    %select_n3A_2488 = arith.select %eq3A_2485, %broadcast_in_dim3A_2487, %select_n3A_2472 : vector<128x256xi1>, vector<128x256xf32>
    %reduce_min3A_2489 = arith.constant dense<0x7F800000> : vector<256xf32>
    %reduce_min3A_2490 = vector.multi_reduction <minimumf>, %select_n3A_2488, %reduce_min3A_2489 [0] : vector<128x256xf32> to vector<256xf32>
    %broadcast_in_dim3A_2491 = vector.shape_cast %reduce_min3A_2490 : vector<256xf32> to vector<1x256xf32>
    %le3A_2492 = vector.broadcast %broadcast_in_dim3A_2491 : vector<1x256xf32> to vector<128x256xf32>
    %le3A_2493 = arith.cmpf ole, %select_n3A_2488, %le3A_2492 : vector<128x256xf32>
    %jit3A_2494 = arith.constant 4.096000e+03 : f32
    %broadcast_in_dim3A_2495 = vector.broadcast %jit3A_2494 : f32 to vector<128x256xf32>
    %select_n3A_2496 = arith.select %le3A_2493, %slice3A_2456, %broadcast_in_dim3A_2495 : vector<128x256xi1>, vector<128x256xf32>
    %reduce_min3A_2497 = arith.constant dense<0x7F800000> : vector<256xf32>
    %reduce_min3A_2498 = vector.multi_reduction <minimumf>, %select_n3A_2496, %reduce_min3A_2497 [0] : vector<128x256xf32> to vector<256xf32>
    %broadcast_in_dim3A_2499 = vector.shape_cast %reduce_min3A_2498 : vector<256xf32> to vector<1x256xf32>
    %eq3A_2500 = vector.broadcast %broadcast_in_dim3A_2499 : vector<1x256xf32> to vector<128x256xf32>
    %eq3A_2501 = arith.cmpf oeq, %slice3A_2456, %eq3A_2500 : vector<128x256xf32>
    %jit3A_2502 = arith.constant 1.000000e+30 : f32
    %broadcast_in_dim3A_2503 = vector.broadcast %jit3A_2502 : f32 to vector<128x256xf32>
    %select_n3A_2504 = arith.select %eq3A_2501, %broadcast_in_dim3A_2503, %select_n3A_2488 : vector<128x256xi1>, vector<128x256xf32>
    %reduce_min3A_2505 = arith.constant dense<0x7F800000> : vector<256xf32>
    %reduce_min3A_2506 = vector.multi_reduction <minimumf>, %select_n3A_2504, %reduce_min3A_2505 [0] : vector<128x256xf32> to vector<256xf32>
    %broadcast_in_dim3A_2507 = vector.shape_cast %reduce_min3A_2506 : vector<256xf32> to vector<1x256xf32>
    %le3A_2508 = vector.broadcast %broadcast_in_dim3A_2507 : vector<1x256xf32> to vector<128x256xf32>
    %le3A_2509 = arith.cmpf ole, %select_n3A_2504, %le3A_2508 : vector<128x256xf32>
    %jit3A_2510 = arith.constant 4.096000e+03 : f32
    %broadcast_in_dim3A_2511 = vector.broadcast %jit3A_2510 : f32 to vector<128x256xf32>
    %select_n3A_2512 = arith.select %le3A_2509, %slice3A_2456, %broadcast_in_dim3A_2511 : vector<128x256xi1>, vector<128x256xf32>
    %reduce_min3A_2513 = arith.constant dense<0x7F800000> : vector<256xf32>
    %reduce_min3A_2514 = vector.multi_reduction <minimumf>, %select_n3A_2512, %reduce_min3A_2513 [0] : vector<128x256xf32> to vector<256xf32>
    %broadcast_in_dim3A_2515 = vector.shape_cast %reduce_min3A_2514 : vector<256xf32> to vector<1x256xf32>
    %eq3A_2516 = vector.broadcast %broadcast_in_dim3A_2515 : vector<1x256xf32> to vector<128x256xf32>
    %eq3A_2517 = arith.cmpf oeq, %slice3A_2456, %eq3A_2516 : vector<128x256xf32>
    %jit3A_2518 = arith.constant 1.000000e+30 : f32
    %broadcast_in_dim3A_2519 = vector.broadcast %jit3A_2518 : f32 to vector<128x256xf32>
    %select_n3A_2520 = arith.select %eq3A_2517, %broadcast_in_dim3A_2519, %select_n3A_2504 : vector<128x256xi1>, vector<128x256xf32>
    %reduce_min3A_2521 = arith.constant dense<0x7F800000> : vector<256xf32>
    %reduce_min3A_2522 = vector.multi_reduction <minimumf>, %select_n3A_2520, %reduce_min3A_2521 [0] : vector<128x256xf32> to vector<256xf32>
    %broadcast_in_dim3A_2523 = vector.shape_cast %reduce_min3A_2522 : vector<256xf32> to vector<1x256xf32>
    %le3A_2524 = vector.broadcast %broadcast_in_dim3A_2523 : vector<1x256xf32> to vector<128x256xf32>
    %le3A_2525 = arith.cmpf ole, %select_n3A_2520, %le3A_2524 : vector<128x256xf32>
    %jit3A_2526 = arith.constant 4.096000e+03 : f32
    %broadcast_in_dim3A_2527 = vector.broadcast %jit3A_2526 : f32 to vector<128x256xf32>
    %select_n3A_2528 = arith.select %le3A_2525, %slice3A_2456, %broadcast_in_dim3A_2527 : vector<128x256xi1>, vector<128x256xf32>
    %reduce_min3A_2529 = arith.constant dense<0x7F800000> : vector<256xf32>
    %reduce_min3A_2530 = vector.multi_reduction <minimumf>, %select_n3A_2528, %reduce_min3A_2529 [0] : vector<128x256xf32> to vector<256xf32>
    %broadcast_in_dim3A_2531 = vector.shape_cast %reduce_min3A_2530 : vector<256xf32> to vector<1x256xf32>
    %eq3A_2532 = vector.broadcast %broadcast_in_dim3A_2531 : vector<1x256xf32> to vector<128x256xf32>
    %eq3A_2533 = arith.cmpf oeq, %slice3A_2456, %eq3A_2532 : vector<128x256xf32>
    %jit3A_2534 = arith.constant 1.000000e+30 : f32
    %broadcast_in_dim3A_2535 = vector.broadcast %jit3A_2534 : f32 to vector<128x256xf32>
    %select_n3A_2536 = arith.select %eq3A_2533, %broadcast_in_dim3A_2535, %select_n3A_2520 : vector<128x256xi1>, vector<128x256xf32>
    %reduce_min3A_2537 = arith.constant dense<0x7F800000> : vector<256xf32>
    %reduce_min3A_2538 = vector.multi_reduction <minimumf>, %select_n3A_2536, %reduce_min3A_2537 [0] : vector<128x256xf32> to vector<256xf32>
    %broadcast_in_dim3A_2539 = vector.shape_cast %reduce_min3A_2538 : vector<256xf32> to vector<1x256xf32>
    %le3A_2540 = vector.broadcast %broadcast_in_dim3A_2539 : vector<1x256xf32> to vector<128x256xf32>
    %le3A_2541 = arith.cmpf ole, %select_n3A_2536, %le3A_2540 : vector<128x256xf32>
    %jit3A_2542 = arith.constant 4.096000e+03 : f32
    %broadcast_in_dim3A_2543 = vector.broadcast %jit3A_2542 : f32 to vector<128x256xf32>
    %select_n3A_2544 = arith.select %le3A_2541, %slice3A_2456, %broadcast_in_dim3A_2543 : vector<128x256xi1>, vector<128x256xf32>
    %reduce_min3A_2545 = arith.constant dense<0x7F800000> : vector<256xf32>
    %reduce_min3A_2546 = vector.multi_reduction <minimumf>, %select_n3A_2544, %reduce_min3A_2545 [0] : vector<128x256xf32> to vector<256xf32>
    %broadcast_in_dim3A_2547 = vector.shape_cast %reduce_min3A_2546 : vector<256xf32> to vector<1x256xf32>
    %slice3A_2548 = vector.extract_strided_slice %select_n3A {offsets = [3456, 0], sizes = [128, 256], strides = [1, 1]} : vector<4096x256xf32> to vector<128x256xf32>
    %slice3A_2549 = vector.extract_strided_slice %convert_element_type3A {offsets = [3456, 0], sizes = [128, 256], strides = [1, 1]} : vector<4096x256xf32> to vector<128x256xf32>
    %reduce_min3A_2550 = arith.constant dense<0x7F800000> : vector<256xf32>
    %reduce_min3A_2551 = vector.multi_reduction <minimumf>, %slice3A_2548, %reduce_min3A_2550 [0] : vector<128x256xf32> to vector<256xf32>
    %broadcast_in_dim3A_2552 = vector.shape_cast %reduce_min3A_2551 : vector<256xf32> to vector<1x256xf32>
    %le3A_2553 = vector.broadcast %broadcast_in_dim3A_2552 : vector<1x256xf32> to vector<128x256xf32>
    %le3A_2554 = arith.cmpf ole, %slice3A_2548, %le3A_2553 : vector<128x256xf32>
    %jit3A_2555 = arith.constant 4.096000e+03 : f32
    %broadcast_in_dim3A_2556 = vector.broadcast %jit3A_2555 : f32 to vector<128x256xf32>
    %select_n3A_2557 = arith.select %le3A_2554, %slice3A_2549, %broadcast_in_dim3A_2556 : vector<128x256xi1>, vector<128x256xf32>
    %reduce_min3A_2558 = arith.constant dense<0x7F800000> : vector<256xf32>
    %reduce_min3A_2559 = vector.multi_reduction <minimumf>, %select_n3A_2557, %reduce_min3A_2558 [0] : vector<128x256xf32> to vector<256xf32>
    %broadcast_in_dim3A_2560 = vector.shape_cast %reduce_min3A_2559 : vector<256xf32> to vector<1x256xf32>
    %eq3A_2561 = vector.broadcast %broadcast_in_dim3A_2560 : vector<1x256xf32> to vector<128x256xf32>
    %eq3A_2562 = arith.cmpf oeq, %slice3A_2549, %eq3A_2561 : vector<128x256xf32>
    %jit3A_2563 = arith.constant 1.000000e+30 : f32
    %broadcast_in_dim3A_2564 = vector.broadcast %jit3A_2563 : f32 to vector<128x256xf32>
    %select_n3A_2565 = arith.select %eq3A_2562, %broadcast_in_dim3A_2564, %slice3A_2548 : vector<128x256xi1>, vector<128x256xf32>
    %reduce_min3A_2566 = arith.constant dense<0x7F800000> : vector<256xf32>
    %reduce_min3A_2567 = vector.multi_reduction <minimumf>, %select_n3A_2565, %reduce_min3A_2566 [0] : vector<128x256xf32> to vector<256xf32>
    %broadcast_in_dim3A_2568 = vector.shape_cast %reduce_min3A_2567 : vector<256xf32> to vector<1x256xf32>
    %le3A_2569 = vector.broadcast %broadcast_in_dim3A_2568 : vector<1x256xf32> to vector<128x256xf32>
    %le3A_2570 = arith.cmpf ole, %select_n3A_2565, %le3A_2569 : vector<128x256xf32>
    %jit3A_2571 = arith.constant 4.096000e+03 : f32
    %broadcast_in_dim3A_2572 = vector.broadcast %jit3A_2571 : f32 to vector<128x256xf32>
    %select_n3A_2573 = arith.select %le3A_2570, %slice3A_2549, %broadcast_in_dim3A_2572 : vector<128x256xi1>, vector<128x256xf32>
    %reduce_min3A_2574 = arith.constant dense<0x7F800000> : vector<256xf32>
    %reduce_min3A_2575 = vector.multi_reduction <minimumf>, %select_n3A_2573, %reduce_min3A_2574 [0] : vector<128x256xf32> to vector<256xf32>
    %broadcast_in_dim3A_2576 = vector.shape_cast %reduce_min3A_2575 : vector<256xf32> to vector<1x256xf32>
    %eq3A_2577 = vector.broadcast %broadcast_in_dim3A_2576 : vector<1x256xf32> to vector<128x256xf32>
    %eq3A_2578 = arith.cmpf oeq, %slice3A_2549, %eq3A_2577 : vector<128x256xf32>
    %jit3A_2579 = arith.constant 1.000000e+30 : f32
    %broadcast_in_dim3A_2580 = vector.broadcast %jit3A_2579 : f32 to vector<128x256xf32>
    %select_n3A_2581 = arith.select %eq3A_2578, %broadcast_in_dim3A_2580, %select_n3A_2565 : vector<128x256xi1>, vector<128x256xf32>
    %reduce_min3A_2582 = arith.constant dense<0x7F800000> : vector<256xf32>
    %reduce_min3A_2583 = vector.multi_reduction <minimumf>, %select_n3A_2581, %reduce_min3A_2582 [0] : vector<128x256xf32> to vector<256xf32>
    %broadcast_in_dim3A_2584 = vector.shape_cast %reduce_min3A_2583 : vector<256xf32> to vector<1x256xf32>
    %le3A_2585 = vector.broadcast %broadcast_in_dim3A_2584 : vector<1x256xf32> to vector<128x256xf32>
    %le3A_2586 = arith.cmpf ole, %select_n3A_2581, %le3A_2585 : vector<128x256xf32>
    %jit3A_2587 = arith.constant 4.096000e+03 : f32
    %broadcast_in_dim3A_2588 = vector.broadcast %jit3A_2587 : f32 to vector<128x256xf32>
    %select_n3A_2589 = arith.select %le3A_2586, %slice3A_2549, %broadcast_in_dim3A_2588 : vector<128x256xi1>, vector<128x256xf32>
    %reduce_min3A_2590 = arith.constant dense<0x7F800000> : vector<256xf32>
    %reduce_min3A_2591 = vector.multi_reduction <minimumf>, %select_n3A_2589, %reduce_min3A_2590 [0] : vector<128x256xf32> to vector<256xf32>
    %broadcast_in_dim3A_2592 = vector.shape_cast %reduce_min3A_2591 : vector<256xf32> to vector<1x256xf32>
    %eq3A_2593 = vector.broadcast %broadcast_in_dim3A_2592 : vector<1x256xf32> to vector<128x256xf32>
    %eq3A_2594 = arith.cmpf oeq, %slice3A_2549, %eq3A_2593 : vector<128x256xf32>
    %jit3A_2595 = arith.constant 1.000000e+30 : f32
    %broadcast_in_dim3A_2596 = vector.broadcast %jit3A_2595 : f32 to vector<128x256xf32>
    %select_n3A_2597 = arith.select %eq3A_2594, %broadcast_in_dim3A_2596, %select_n3A_2581 : vector<128x256xi1>, vector<128x256xf32>
    %reduce_min3A_2598 = arith.constant dense<0x7F800000> : vector<256xf32>
    %reduce_min3A_2599 = vector.multi_reduction <minimumf>, %select_n3A_2597, %reduce_min3A_2598 [0] : vector<128x256xf32> to vector<256xf32>
    %broadcast_in_dim3A_2600 = vector.shape_cast %reduce_min3A_2599 : vector<256xf32> to vector<1x256xf32>
    %le3A_2601 = vector.broadcast %broadcast_in_dim3A_2600 : vector<1x256xf32> to vector<128x256xf32>
    %le3A_2602 = arith.cmpf ole, %select_n3A_2597, %le3A_2601 : vector<128x256xf32>
    %jit3A_2603 = arith.constant 4.096000e+03 : f32
    %broadcast_in_dim3A_2604 = vector.broadcast %jit3A_2603 : f32 to vector<128x256xf32>
    %select_n3A_2605 = arith.select %le3A_2602, %slice3A_2549, %broadcast_in_dim3A_2604 : vector<128x256xi1>, vector<128x256xf32>
    %reduce_min3A_2606 = arith.constant dense<0x7F800000> : vector<256xf32>
    %reduce_min3A_2607 = vector.multi_reduction <minimumf>, %select_n3A_2605, %reduce_min3A_2606 [0] : vector<128x256xf32> to vector<256xf32>
    %broadcast_in_dim3A_2608 = vector.shape_cast %reduce_min3A_2607 : vector<256xf32> to vector<1x256xf32>
    %eq3A_2609 = vector.broadcast %broadcast_in_dim3A_2608 : vector<1x256xf32> to vector<128x256xf32>
    %eq3A_2610 = arith.cmpf oeq, %slice3A_2549, %eq3A_2609 : vector<128x256xf32>
    %jit3A_2611 = arith.constant 1.000000e+30 : f32
    %broadcast_in_dim3A_2612 = vector.broadcast %jit3A_2611 : f32 to vector<128x256xf32>
    %select_n3A_2613 = arith.select %eq3A_2610, %broadcast_in_dim3A_2612, %select_n3A_2597 : vector<128x256xi1>, vector<128x256xf32>
    %reduce_min3A_2614 = arith.constant dense<0x7F800000> : vector<256xf32>
    %reduce_min3A_2615 = vector.multi_reduction <minimumf>, %select_n3A_2613, %reduce_min3A_2614 [0] : vector<128x256xf32> to vector<256xf32>
    %broadcast_in_dim3A_2616 = vector.shape_cast %reduce_min3A_2615 : vector<256xf32> to vector<1x256xf32>
    %le3A_2617 = vector.broadcast %broadcast_in_dim3A_2616 : vector<1x256xf32> to vector<128x256xf32>
    %le3A_2618 = arith.cmpf ole, %select_n3A_2613, %le3A_2617 : vector<128x256xf32>
    %jit3A_2619 = arith.constant 4.096000e+03 : f32
    %broadcast_in_dim3A_2620 = vector.broadcast %jit3A_2619 : f32 to vector<128x256xf32>
    %select_n3A_2621 = arith.select %le3A_2618, %slice3A_2549, %broadcast_in_dim3A_2620 : vector<128x256xi1>, vector<128x256xf32>
    %reduce_min3A_2622 = arith.constant dense<0x7F800000> : vector<256xf32>
    %reduce_min3A_2623 = vector.multi_reduction <minimumf>, %select_n3A_2621, %reduce_min3A_2622 [0] : vector<128x256xf32> to vector<256xf32>
    %broadcast_in_dim3A_2624 = vector.shape_cast %reduce_min3A_2623 : vector<256xf32> to vector<1x256xf32>
    %eq3A_2625 = vector.broadcast %broadcast_in_dim3A_2624 : vector<1x256xf32> to vector<128x256xf32>
    %eq3A_2626 = arith.cmpf oeq, %slice3A_2549, %eq3A_2625 : vector<128x256xf32>
    %jit3A_2627 = arith.constant 1.000000e+30 : f32
    %broadcast_in_dim3A_2628 = vector.broadcast %jit3A_2627 : f32 to vector<128x256xf32>
    %select_n3A_2629 = arith.select %eq3A_2626, %broadcast_in_dim3A_2628, %select_n3A_2613 : vector<128x256xi1>, vector<128x256xf32>
    %reduce_min3A_2630 = arith.constant dense<0x7F800000> : vector<256xf32>
    %reduce_min3A_2631 = vector.multi_reduction <minimumf>, %select_n3A_2629, %reduce_min3A_2630 [0] : vector<128x256xf32> to vector<256xf32>
    %broadcast_in_dim3A_2632 = vector.shape_cast %reduce_min3A_2631 : vector<256xf32> to vector<1x256xf32>
    %le3A_2633 = vector.broadcast %broadcast_in_dim3A_2632 : vector<1x256xf32> to vector<128x256xf32>
    %le3A_2634 = arith.cmpf ole, %select_n3A_2629, %le3A_2633 : vector<128x256xf32>
    %jit3A_2635 = arith.constant 4.096000e+03 : f32
    %broadcast_in_dim3A_2636 = vector.broadcast %jit3A_2635 : f32 to vector<128x256xf32>
    %select_n3A_2637 = arith.select %le3A_2634, %slice3A_2549, %broadcast_in_dim3A_2636 : vector<128x256xi1>, vector<128x256xf32>
    %reduce_min3A_2638 = arith.constant dense<0x7F800000> : vector<256xf32>
    %reduce_min3A_2639 = vector.multi_reduction <minimumf>, %select_n3A_2637, %reduce_min3A_2638 [0] : vector<128x256xf32> to vector<256xf32>
    %broadcast_in_dim3A_2640 = vector.shape_cast %reduce_min3A_2639 : vector<256xf32> to vector<1x256xf32>
    %slice3A_2641 = vector.extract_strided_slice %select_n3A {offsets = [3584, 0], sizes = [128, 256], strides = [1, 1]} : vector<4096x256xf32> to vector<128x256xf32>
    %slice3A_2642 = vector.extract_strided_slice %convert_element_type3A {offsets = [3584, 0], sizes = [128, 256], strides = [1, 1]} : vector<4096x256xf32> to vector<128x256xf32>
    %reduce_min3A_2643 = arith.constant dense<0x7F800000> : vector<256xf32>
    %reduce_min3A_2644 = vector.multi_reduction <minimumf>, %slice3A_2641, %reduce_min3A_2643 [0] : vector<128x256xf32> to vector<256xf32>
    %broadcast_in_dim3A_2645 = vector.shape_cast %reduce_min3A_2644 : vector<256xf32> to vector<1x256xf32>
    %le3A_2646 = vector.broadcast %broadcast_in_dim3A_2645 : vector<1x256xf32> to vector<128x256xf32>
    %le3A_2647 = arith.cmpf ole, %slice3A_2641, %le3A_2646 : vector<128x256xf32>
    %jit3A_2648 = arith.constant 4.096000e+03 : f32
    %broadcast_in_dim3A_2649 = vector.broadcast %jit3A_2648 : f32 to vector<128x256xf32>
    %select_n3A_2650 = arith.select %le3A_2647, %slice3A_2642, %broadcast_in_dim3A_2649 : vector<128x256xi1>, vector<128x256xf32>
    %reduce_min3A_2651 = arith.constant dense<0x7F800000> : vector<256xf32>
    %reduce_min3A_2652 = vector.multi_reduction <minimumf>, %select_n3A_2650, %reduce_min3A_2651 [0] : vector<128x256xf32> to vector<256xf32>
    %broadcast_in_dim3A_2653 = vector.shape_cast %reduce_min3A_2652 : vector<256xf32> to vector<1x256xf32>
    %eq3A_2654 = vector.broadcast %broadcast_in_dim3A_2653 : vector<1x256xf32> to vector<128x256xf32>
    %eq3A_2655 = arith.cmpf oeq, %slice3A_2642, %eq3A_2654 : vector<128x256xf32>
    %jit3A_2656 = arith.constant 1.000000e+30 : f32
    %broadcast_in_dim3A_2657 = vector.broadcast %jit3A_2656 : f32 to vector<128x256xf32>
    %select_n3A_2658 = arith.select %eq3A_2655, %broadcast_in_dim3A_2657, %slice3A_2641 : vector<128x256xi1>, vector<128x256xf32>
    %reduce_min3A_2659 = arith.constant dense<0x7F800000> : vector<256xf32>
    %reduce_min3A_2660 = vector.multi_reduction <minimumf>, %select_n3A_2658, %reduce_min3A_2659 [0] : vector<128x256xf32> to vector<256xf32>
    %broadcast_in_dim3A_2661 = vector.shape_cast %reduce_min3A_2660 : vector<256xf32> to vector<1x256xf32>
    %le3A_2662 = vector.broadcast %broadcast_in_dim3A_2661 : vector<1x256xf32> to vector<128x256xf32>
    %le3A_2663 = arith.cmpf ole, %select_n3A_2658, %le3A_2662 : vector<128x256xf32>
    %jit3A_2664 = arith.constant 4.096000e+03 : f32
    %broadcast_in_dim3A_2665 = vector.broadcast %jit3A_2664 : f32 to vector<128x256xf32>
    %select_n3A_2666 = arith.select %le3A_2663, %slice3A_2642, %broadcast_in_dim3A_2665 : vector<128x256xi1>, vector<128x256xf32>
    %reduce_min3A_2667 = arith.constant dense<0x7F800000> : vector<256xf32>
    %reduce_min3A_2668 = vector.multi_reduction <minimumf>, %select_n3A_2666, %reduce_min3A_2667 [0] : vector<128x256xf32> to vector<256xf32>
    %broadcast_in_dim3A_2669 = vector.shape_cast %reduce_min3A_2668 : vector<256xf32> to vector<1x256xf32>
    %eq3A_2670 = vector.broadcast %broadcast_in_dim3A_2669 : vector<1x256xf32> to vector<128x256xf32>
    %eq3A_2671 = arith.cmpf oeq, %slice3A_2642, %eq3A_2670 : vector<128x256xf32>
    %jit3A_2672 = arith.constant 1.000000e+30 : f32
    %broadcast_in_dim3A_2673 = vector.broadcast %jit3A_2672 : f32 to vector<128x256xf32>
    %select_n3A_2674 = arith.select %eq3A_2671, %broadcast_in_dim3A_2673, %select_n3A_2658 : vector<128x256xi1>, vector<128x256xf32>
    %reduce_min3A_2675 = arith.constant dense<0x7F800000> : vector<256xf32>
    %reduce_min3A_2676 = vector.multi_reduction <minimumf>, %select_n3A_2674, %reduce_min3A_2675 [0] : vector<128x256xf32> to vector<256xf32>
    %broadcast_in_dim3A_2677 = vector.shape_cast %reduce_min3A_2676 : vector<256xf32> to vector<1x256xf32>
    %le3A_2678 = vector.broadcast %broadcast_in_dim3A_2677 : vector<1x256xf32> to vector<128x256xf32>
    %le3A_2679 = arith.cmpf ole, %select_n3A_2674, %le3A_2678 : vector<128x256xf32>
    %jit3A_2680 = arith.constant 4.096000e+03 : f32
    %broadcast_in_dim3A_2681 = vector.broadcast %jit3A_2680 : f32 to vector<128x256xf32>
    %select_n3A_2682 = arith.select %le3A_2679, %slice3A_2642, %broadcast_in_dim3A_2681 : vector<128x256xi1>, vector<128x256xf32>
    %reduce_min3A_2683 = arith.constant dense<0x7F800000> : vector<256xf32>
    %reduce_min3A_2684 = vector.multi_reduction <minimumf>, %select_n3A_2682, %reduce_min3A_2683 [0] : vector<128x256xf32> to vector<256xf32>
    %broadcast_in_dim3A_2685 = vector.shape_cast %reduce_min3A_2684 : vector<256xf32> to vector<1x256xf32>
    %eq3A_2686 = vector.broadcast %broadcast_in_dim3A_2685 : vector<1x256xf32> to vector<128x256xf32>
    %eq3A_2687 = arith.cmpf oeq, %slice3A_2642, %eq3A_2686 : vector<128x256xf32>
    %jit3A_2688 = arith.constant 1.000000e+30 : f32
    %broadcast_in_dim3A_2689 = vector.broadcast %jit3A_2688 : f32 to vector<128x256xf32>
    %select_n3A_2690 = arith.select %eq3A_2687, %broadcast_in_dim3A_2689, %select_n3A_2674 : vector<128x256xi1>, vector<128x256xf32>
    %reduce_min3A_2691 = arith.constant dense<0x7F800000> : vector<256xf32>
    %reduce_min3A_2692 = vector.multi_reduction <minimumf>, %select_n3A_2690, %reduce_min3A_2691 [0] : vector<128x256xf32> to vector<256xf32>
    %broadcast_in_dim3A_2693 = vector.shape_cast %reduce_min3A_2692 : vector<256xf32> to vector<1x256xf32>
    %le3A_2694 = vector.broadcast %broadcast_in_dim3A_2693 : vector<1x256xf32> to vector<128x256xf32>
    %le3A_2695 = arith.cmpf ole, %select_n3A_2690, %le3A_2694 : vector<128x256xf32>
    %jit3A_2696 = arith.constant 4.096000e+03 : f32
    %broadcast_in_dim3A_2697 = vector.broadcast %jit3A_2696 : f32 to vector<128x256xf32>
    %select_n3A_2698 = arith.select %le3A_2695, %slice3A_2642, %broadcast_in_dim3A_2697 : vector<128x256xi1>, vector<128x256xf32>
    %reduce_min3A_2699 = arith.constant dense<0x7F800000> : vector<256xf32>
    %reduce_min3A_2700 = vector.multi_reduction <minimumf>, %select_n3A_2698, %reduce_min3A_2699 [0] : vector<128x256xf32> to vector<256xf32>
    %broadcast_in_dim3A_2701 = vector.shape_cast %reduce_min3A_2700 : vector<256xf32> to vector<1x256xf32>
    %eq3A_2702 = vector.broadcast %broadcast_in_dim3A_2701 : vector<1x256xf32> to vector<128x256xf32>
    %eq3A_2703 = arith.cmpf oeq, %slice3A_2642, %eq3A_2702 : vector<128x256xf32>
    %jit3A_2704 = arith.constant 1.000000e+30 : f32
    %broadcast_in_dim3A_2705 = vector.broadcast %jit3A_2704 : f32 to vector<128x256xf32>
    %select_n3A_2706 = arith.select %eq3A_2703, %broadcast_in_dim3A_2705, %select_n3A_2690 : vector<128x256xi1>, vector<128x256xf32>
    %reduce_min3A_2707 = arith.constant dense<0x7F800000> : vector<256xf32>
    %reduce_min3A_2708 = vector.multi_reduction <minimumf>, %select_n3A_2706, %reduce_min3A_2707 [0] : vector<128x256xf32> to vector<256xf32>
    %broadcast_in_dim3A_2709 = vector.shape_cast %reduce_min3A_2708 : vector<256xf32> to vector<1x256xf32>
    %le3A_2710 = vector.broadcast %broadcast_in_dim3A_2709 : vector<1x256xf32> to vector<128x256xf32>
    %le3A_2711 = arith.cmpf ole, %select_n3A_2706, %le3A_2710 : vector<128x256xf32>
    %jit3A_2712 = arith.constant 4.096000e+03 : f32
    %broadcast_in_dim3A_2713 = vector.broadcast %jit3A_2712 : f32 to vector<128x256xf32>
    %select_n3A_2714 = arith.select %le3A_2711, %slice3A_2642, %broadcast_in_dim3A_2713 : vector<128x256xi1>, vector<128x256xf32>
    %reduce_min3A_2715 = arith.constant dense<0x7F800000> : vector<256xf32>
    %reduce_min3A_2716 = vector.multi_reduction <minimumf>, %select_n3A_2714, %reduce_min3A_2715 [0] : vector<128x256xf32> to vector<256xf32>
    %broadcast_in_dim3A_2717 = vector.shape_cast %reduce_min3A_2716 : vector<256xf32> to vector<1x256xf32>
    %eq3A_2718 = vector.broadcast %broadcast_in_dim3A_2717 : vector<1x256xf32> to vector<128x256xf32>
    %eq3A_2719 = arith.cmpf oeq, %slice3A_2642, %eq3A_2718 : vector<128x256xf32>
    %jit3A_2720 = arith.constant 1.000000e+30 : f32
    %broadcast_in_dim3A_2721 = vector.broadcast %jit3A_2720 : f32 to vector<128x256xf32>
    %select_n3A_2722 = arith.select %eq3A_2719, %broadcast_in_dim3A_2721, %select_n3A_2706 : vector<128x256xi1>, vector<128x256xf32>
    %reduce_min3A_2723 = arith.constant dense<0x7F800000> : vector<256xf32>
    %reduce_min3A_2724 = vector.multi_reduction <minimumf>, %select_n3A_2722, %reduce_min3A_2723 [0] : vector<128x256xf32> to vector<256xf32>
    %broadcast_in_dim3A_2725 = vector.shape_cast %reduce_min3A_2724 : vector<256xf32> to vector<1x256xf32>
    %le3A_2726 = vector.broadcast %broadcast_in_dim3A_2725 : vector<1x256xf32> to vector<128x256xf32>
    %le3A_2727 = arith.cmpf ole, %select_n3A_2722, %le3A_2726 : vector<128x256xf32>
    %jit3A_2728 = arith.constant 4.096000e+03 : f32
    %broadcast_in_dim3A_2729 = vector.broadcast %jit3A_2728 : f32 to vector<128x256xf32>
    %select_n3A_2730 = arith.select %le3A_2727, %slice3A_2642, %broadcast_in_dim3A_2729 : vector<128x256xi1>, vector<128x256xf32>
    %reduce_min3A_2731 = arith.constant dense<0x7F800000> : vector<256xf32>
    %reduce_min3A_2732 = vector.multi_reduction <minimumf>, %select_n3A_2730, %reduce_min3A_2731 [0] : vector<128x256xf32> to vector<256xf32>
    %broadcast_in_dim3A_2733 = vector.shape_cast %reduce_min3A_2732 : vector<256xf32> to vector<1x256xf32>
    %slice3A_2734 = vector.extract_strided_slice %select_n3A {offsets = [3712, 0], sizes = [128, 256], strides = [1, 1]} : vector<4096x256xf32> to vector<128x256xf32>
    %slice3A_2735 = vector.extract_strided_slice %convert_element_type3A {offsets = [3712, 0], sizes = [128, 256], strides = [1, 1]} : vector<4096x256xf32> to vector<128x256xf32>
    %reduce_min3A_2736 = arith.constant dense<0x7F800000> : vector<256xf32>
    %reduce_min3A_2737 = vector.multi_reduction <minimumf>, %slice3A_2734, %reduce_min3A_2736 [0] : vector<128x256xf32> to vector<256xf32>
    %broadcast_in_dim3A_2738 = vector.shape_cast %reduce_min3A_2737 : vector<256xf32> to vector<1x256xf32>
    %le3A_2739 = vector.broadcast %broadcast_in_dim3A_2738 : vector<1x256xf32> to vector<128x256xf32>
    %le3A_2740 = arith.cmpf ole, %slice3A_2734, %le3A_2739 : vector<128x256xf32>
    %jit3A_2741 = arith.constant 4.096000e+03 : f32
    %broadcast_in_dim3A_2742 = vector.broadcast %jit3A_2741 : f32 to vector<128x256xf32>
    %select_n3A_2743 = arith.select %le3A_2740, %slice3A_2735, %broadcast_in_dim3A_2742 : vector<128x256xi1>, vector<128x256xf32>
    %reduce_min3A_2744 = arith.constant dense<0x7F800000> : vector<256xf32>
    %reduce_min3A_2745 = vector.multi_reduction <minimumf>, %select_n3A_2743, %reduce_min3A_2744 [0] : vector<128x256xf32> to vector<256xf32>
    %broadcast_in_dim3A_2746 = vector.shape_cast %reduce_min3A_2745 : vector<256xf32> to vector<1x256xf32>
    %eq3A_2747 = vector.broadcast %broadcast_in_dim3A_2746 : vector<1x256xf32> to vector<128x256xf32>
    %eq3A_2748 = arith.cmpf oeq, %slice3A_2735, %eq3A_2747 : vector<128x256xf32>
    %jit3A_2749 = arith.constant 1.000000e+30 : f32
    %broadcast_in_dim3A_2750 = vector.broadcast %jit3A_2749 : f32 to vector<128x256xf32>
    %select_n3A_2751 = arith.select %eq3A_2748, %broadcast_in_dim3A_2750, %slice3A_2734 : vector<128x256xi1>, vector<128x256xf32>
    %reduce_min3A_2752 = arith.constant dense<0x7F800000> : vector<256xf32>
    %reduce_min3A_2753 = vector.multi_reduction <minimumf>, %select_n3A_2751, %reduce_min3A_2752 [0] : vector<128x256xf32> to vector<256xf32>
    %broadcast_in_dim3A_2754 = vector.shape_cast %reduce_min3A_2753 : vector<256xf32> to vector<1x256xf32>
    %le3A_2755 = vector.broadcast %broadcast_in_dim3A_2754 : vector<1x256xf32> to vector<128x256xf32>
    %le3A_2756 = arith.cmpf ole, %select_n3A_2751, %le3A_2755 : vector<128x256xf32>
    %jit3A_2757 = arith.constant 4.096000e+03 : f32
    %broadcast_in_dim3A_2758 = vector.broadcast %jit3A_2757 : f32 to vector<128x256xf32>
    %select_n3A_2759 = arith.select %le3A_2756, %slice3A_2735, %broadcast_in_dim3A_2758 : vector<128x256xi1>, vector<128x256xf32>
    %reduce_min3A_2760 = arith.constant dense<0x7F800000> : vector<256xf32>
    %reduce_min3A_2761 = vector.multi_reduction <minimumf>, %select_n3A_2759, %reduce_min3A_2760 [0] : vector<128x256xf32> to vector<256xf32>
    %broadcast_in_dim3A_2762 = vector.shape_cast %reduce_min3A_2761 : vector<256xf32> to vector<1x256xf32>
    %eq3A_2763 = vector.broadcast %broadcast_in_dim3A_2762 : vector<1x256xf32> to vector<128x256xf32>
    %eq3A_2764 = arith.cmpf oeq, %slice3A_2735, %eq3A_2763 : vector<128x256xf32>
    %jit3A_2765 = arith.constant 1.000000e+30 : f32
    %broadcast_in_dim3A_2766 = vector.broadcast %jit3A_2765 : f32 to vector<128x256xf32>
    %select_n3A_2767 = arith.select %eq3A_2764, %broadcast_in_dim3A_2766, %select_n3A_2751 : vector<128x256xi1>, vector<128x256xf32>
    %reduce_min3A_2768 = arith.constant dense<0x7F800000> : vector<256xf32>
    %reduce_min3A_2769 = vector.multi_reduction <minimumf>, %select_n3A_2767, %reduce_min3A_2768 [0] : vector<128x256xf32> to vector<256xf32>
    %broadcast_in_dim3A_2770 = vector.shape_cast %reduce_min3A_2769 : vector<256xf32> to vector<1x256xf32>
    %le3A_2771 = vector.broadcast %broadcast_in_dim3A_2770 : vector<1x256xf32> to vector<128x256xf32>
    %le3A_2772 = arith.cmpf ole, %select_n3A_2767, %le3A_2771 : vector<128x256xf32>
    %jit3A_2773 = arith.constant 4.096000e+03 : f32
    %broadcast_in_dim3A_2774 = vector.broadcast %jit3A_2773 : f32 to vector<128x256xf32>
    %select_n3A_2775 = arith.select %le3A_2772, %slice3A_2735, %broadcast_in_dim3A_2774 : vector<128x256xi1>, vector<128x256xf32>
    %reduce_min3A_2776 = arith.constant dense<0x7F800000> : vector<256xf32>
    %reduce_min3A_2777 = vector.multi_reduction <minimumf>, %select_n3A_2775, %reduce_min3A_2776 [0] : vector<128x256xf32> to vector<256xf32>
    %broadcast_in_dim3A_2778 = vector.shape_cast %reduce_min3A_2777 : vector<256xf32> to vector<1x256xf32>
    %eq3A_2779 = vector.broadcast %broadcast_in_dim3A_2778 : vector<1x256xf32> to vector<128x256xf32>
    %eq3A_2780 = arith.cmpf oeq, %slice3A_2735, %eq3A_2779 : vector<128x256xf32>
    %jit3A_2781 = arith.constant 1.000000e+30 : f32
    %broadcast_in_dim3A_2782 = vector.broadcast %jit3A_2781 : f32 to vector<128x256xf32>
    %select_n3A_2783 = arith.select %eq3A_2780, %broadcast_in_dim3A_2782, %select_n3A_2767 : vector<128x256xi1>, vector<128x256xf32>
    %reduce_min3A_2784 = arith.constant dense<0x7F800000> : vector<256xf32>
    %reduce_min3A_2785 = vector.multi_reduction <minimumf>, %select_n3A_2783, %reduce_min3A_2784 [0] : vector<128x256xf32> to vector<256xf32>
    %broadcast_in_dim3A_2786 = vector.shape_cast %reduce_min3A_2785 : vector<256xf32> to vector<1x256xf32>
    %le3A_2787 = vector.broadcast %broadcast_in_dim3A_2786 : vector<1x256xf32> to vector<128x256xf32>
    %le3A_2788 = arith.cmpf ole, %select_n3A_2783, %le3A_2787 : vector<128x256xf32>
    %jit3A_2789 = arith.constant 4.096000e+03 : f32
    %broadcast_in_dim3A_2790 = vector.broadcast %jit3A_2789 : f32 to vector<128x256xf32>
    %select_n3A_2791 = arith.select %le3A_2788, %slice3A_2735, %broadcast_in_dim3A_2790 : vector<128x256xi1>, vector<128x256xf32>
    %reduce_min3A_2792 = arith.constant dense<0x7F800000> : vector<256xf32>
    %reduce_min3A_2793 = vector.multi_reduction <minimumf>, %select_n3A_2791, %reduce_min3A_2792 [0] : vector<128x256xf32> to vector<256xf32>
    %broadcast_in_dim3A_2794 = vector.shape_cast %reduce_min3A_2793 : vector<256xf32> to vector<1x256xf32>
    %eq3A_2795 = vector.broadcast %broadcast_in_dim3A_2794 : vector<1x256xf32> to vector<128x256xf32>
    %eq3A_2796 = arith.cmpf oeq, %slice3A_2735, %eq3A_2795 : vector<128x256xf32>
    %jit3A_2797 = arith.constant 1.000000e+30 : f32
    %broadcast_in_dim3A_2798 = vector.broadcast %jit3A_2797 : f32 to vector<128x256xf32>
    %select_n3A_2799 = arith.select %eq3A_2796, %broadcast_in_dim3A_2798, %select_n3A_2783 : vector<128x256xi1>, vector<128x256xf32>
    %reduce_min3A_2800 = arith.constant dense<0x7F800000> : vector<256xf32>
    %reduce_min3A_2801 = vector.multi_reduction <minimumf>, %select_n3A_2799, %reduce_min3A_2800 [0] : vector<128x256xf32> to vector<256xf32>
    %broadcast_in_dim3A_2802 = vector.shape_cast %reduce_min3A_2801 : vector<256xf32> to vector<1x256xf32>
    %le3A_2803 = vector.broadcast %broadcast_in_dim3A_2802 : vector<1x256xf32> to vector<128x256xf32>
    %le3A_2804 = arith.cmpf ole, %select_n3A_2799, %le3A_2803 : vector<128x256xf32>
    %jit3A_2805 = arith.constant 4.096000e+03 : f32
    %broadcast_in_dim3A_2806 = vector.broadcast %jit3A_2805 : f32 to vector<128x256xf32>
    %select_n3A_2807 = arith.select %le3A_2804, %slice3A_2735, %broadcast_in_dim3A_2806 : vector<128x256xi1>, vector<128x256xf32>
    %reduce_min3A_2808 = arith.constant dense<0x7F800000> : vector<256xf32>
    %reduce_min3A_2809 = vector.multi_reduction <minimumf>, %select_n3A_2807, %reduce_min3A_2808 [0] : vector<128x256xf32> to vector<256xf32>
    %broadcast_in_dim3A_2810 = vector.shape_cast %reduce_min3A_2809 : vector<256xf32> to vector<1x256xf32>
    %eq3A_2811 = vector.broadcast %broadcast_in_dim3A_2810 : vector<1x256xf32> to vector<128x256xf32>
    %eq3A_2812 = arith.cmpf oeq, %slice3A_2735, %eq3A_2811 : vector<128x256xf32>
    %jit3A_2813 = arith.constant 1.000000e+30 : f32
    %broadcast_in_dim3A_2814 = vector.broadcast %jit3A_2813 : f32 to vector<128x256xf32>
    %select_n3A_2815 = arith.select %eq3A_2812, %broadcast_in_dim3A_2814, %select_n3A_2799 : vector<128x256xi1>, vector<128x256xf32>
    %reduce_min3A_2816 = arith.constant dense<0x7F800000> : vector<256xf32>
    %reduce_min3A_2817 = vector.multi_reduction <minimumf>, %select_n3A_2815, %reduce_min3A_2816 [0] : vector<128x256xf32> to vector<256xf32>
    %broadcast_in_dim3A_2818 = vector.shape_cast %reduce_min3A_2817 : vector<256xf32> to vector<1x256xf32>
    %le3A_2819 = vector.broadcast %broadcast_in_dim3A_2818 : vector<1x256xf32> to vector<128x256xf32>
    %le3A_2820 = arith.cmpf ole, %select_n3A_2815, %le3A_2819 : vector<128x256xf32>
    %jit3A_2821 = arith.constant 4.096000e+03 : f32
    %broadcast_in_dim3A_2822 = vector.broadcast %jit3A_2821 : f32 to vector<128x256xf32>
    %select_n3A_2823 = arith.select %le3A_2820, %slice3A_2735, %broadcast_in_dim3A_2822 : vector<128x256xi1>, vector<128x256xf32>
    %reduce_min3A_2824 = arith.constant dense<0x7F800000> : vector<256xf32>
    %reduce_min3A_2825 = vector.multi_reduction <minimumf>, %select_n3A_2823, %reduce_min3A_2824 [0] : vector<128x256xf32> to vector<256xf32>
    %broadcast_in_dim3A_2826 = vector.shape_cast %reduce_min3A_2825 : vector<256xf32> to vector<1x256xf32>
    %slice3A_2827 = vector.extract_strided_slice %select_n3A {offsets = [3840, 0], sizes = [128, 256], strides = [1, 1]} : vector<4096x256xf32> to vector<128x256xf32>
    %slice3A_2828 = vector.extract_strided_slice %convert_element_type3A {offsets = [3840, 0], sizes = [128, 256], strides = [1, 1]} : vector<4096x256xf32> to vector<128x256xf32>
    %reduce_min3A_2829 = arith.constant dense<0x7F800000> : vector<256xf32>
    %reduce_min3A_2830 = vector.multi_reduction <minimumf>, %slice3A_2827, %reduce_min3A_2829 [0] : vector<128x256xf32> to vector<256xf32>
    %broadcast_in_dim3A_2831 = vector.shape_cast %reduce_min3A_2830 : vector<256xf32> to vector<1x256xf32>
    %le3A_2832 = vector.broadcast %broadcast_in_dim3A_2831 : vector<1x256xf32> to vector<128x256xf32>
    %le3A_2833 = arith.cmpf ole, %slice3A_2827, %le3A_2832 : vector<128x256xf32>
    %jit3A_2834 = arith.constant 4.096000e+03 : f32
    %broadcast_in_dim3A_2835 = vector.broadcast %jit3A_2834 : f32 to vector<128x256xf32>
    %select_n3A_2836 = arith.select %le3A_2833, %slice3A_2828, %broadcast_in_dim3A_2835 : vector<128x256xi1>, vector<128x256xf32>
    %reduce_min3A_2837 = arith.constant dense<0x7F800000> : vector<256xf32>
    %reduce_min3A_2838 = vector.multi_reduction <minimumf>, %select_n3A_2836, %reduce_min3A_2837 [0] : vector<128x256xf32> to vector<256xf32>
    %broadcast_in_dim3A_2839 = vector.shape_cast %reduce_min3A_2838 : vector<256xf32> to vector<1x256xf32>
    %eq3A_2840 = vector.broadcast %broadcast_in_dim3A_2839 : vector<1x256xf32> to vector<128x256xf32>
    %eq3A_2841 = arith.cmpf oeq, %slice3A_2828, %eq3A_2840 : vector<128x256xf32>
    %jit3A_2842 = arith.constant 1.000000e+30 : f32
    %broadcast_in_dim3A_2843 = vector.broadcast %jit3A_2842 : f32 to vector<128x256xf32>
    %select_n3A_2844 = arith.select %eq3A_2841, %broadcast_in_dim3A_2843, %slice3A_2827 : vector<128x256xi1>, vector<128x256xf32>
    %reduce_min3A_2845 = arith.constant dense<0x7F800000> : vector<256xf32>
    %reduce_min3A_2846 = vector.multi_reduction <minimumf>, %select_n3A_2844, %reduce_min3A_2845 [0] : vector<128x256xf32> to vector<256xf32>
    %broadcast_in_dim3A_2847 = vector.shape_cast %reduce_min3A_2846 : vector<256xf32> to vector<1x256xf32>
    %le3A_2848 = vector.broadcast %broadcast_in_dim3A_2847 : vector<1x256xf32> to vector<128x256xf32>
    %le3A_2849 = arith.cmpf ole, %select_n3A_2844, %le3A_2848 : vector<128x256xf32>
    %jit3A_2850 = arith.constant 4.096000e+03 : f32
    %broadcast_in_dim3A_2851 = vector.broadcast %jit3A_2850 : f32 to vector<128x256xf32>
    %select_n3A_2852 = arith.select %le3A_2849, %slice3A_2828, %broadcast_in_dim3A_2851 : vector<128x256xi1>, vector<128x256xf32>
    %reduce_min3A_2853 = arith.constant dense<0x7F800000> : vector<256xf32>
    %reduce_min3A_2854 = vector.multi_reduction <minimumf>, %select_n3A_2852, %reduce_min3A_2853 [0] : vector<128x256xf32> to vector<256xf32>
    %broadcast_in_dim3A_2855 = vector.shape_cast %reduce_min3A_2854 : vector<256xf32> to vector<1x256xf32>
    %eq3A_2856 = vector.broadcast %broadcast_in_dim3A_2855 : vector<1x256xf32> to vector<128x256xf32>
    %eq3A_2857 = arith.cmpf oeq, %slice3A_2828, %eq3A_2856 : vector<128x256xf32>
    %jit3A_2858 = arith.constant 1.000000e+30 : f32
    %broadcast_in_dim3A_2859 = vector.broadcast %jit3A_2858 : f32 to vector<128x256xf32>
    %select_n3A_2860 = arith.select %eq3A_2857, %broadcast_in_dim3A_2859, %select_n3A_2844 : vector<128x256xi1>, vector<128x256xf32>
    %reduce_min3A_2861 = arith.constant dense<0x7F800000> : vector<256xf32>
    %reduce_min3A_2862 = vector.multi_reduction <minimumf>, %select_n3A_2860, %reduce_min3A_2861 [0] : vector<128x256xf32> to vector<256xf32>
    %broadcast_in_dim3A_2863 = vector.shape_cast %reduce_min3A_2862 : vector<256xf32> to vector<1x256xf32>
    %le3A_2864 = vector.broadcast %broadcast_in_dim3A_2863 : vector<1x256xf32> to vector<128x256xf32>
    %le3A_2865 = arith.cmpf ole, %select_n3A_2860, %le3A_2864 : vector<128x256xf32>
    %jit3A_2866 = arith.constant 4.096000e+03 : f32
    %broadcast_in_dim3A_2867 = vector.broadcast %jit3A_2866 : f32 to vector<128x256xf32>
    %select_n3A_2868 = arith.select %le3A_2865, %slice3A_2828, %broadcast_in_dim3A_2867 : vector<128x256xi1>, vector<128x256xf32>
    %reduce_min3A_2869 = arith.constant dense<0x7F800000> : vector<256xf32>
    %reduce_min3A_2870 = vector.multi_reduction <minimumf>, %select_n3A_2868, %reduce_min3A_2869 [0] : vector<128x256xf32> to vector<256xf32>
    %broadcast_in_dim3A_2871 = vector.shape_cast %reduce_min3A_2870 : vector<256xf32> to vector<1x256xf32>
    %eq3A_2872 = vector.broadcast %broadcast_in_dim3A_2871 : vector<1x256xf32> to vector<128x256xf32>
    %eq3A_2873 = arith.cmpf oeq, %slice3A_2828, %eq3A_2872 : vector<128x256xf32>
    %jit3A_2874 = arith.constant 1.000000e+30 : f32
    %broadcast_in_dim3A_2875 = vector.broadcast %jit3A_2874 : f32 to vector<128x256xf32>
    %select_n3A_2876 = arith.select %eq3A_2873, %broadcast_in_dim3A_2875, %select_n3A_2860 : vector<128x256xi1>, vector<128x256xf32>
    %reduce_min3A_2877 = arith.constant dense<0x7F800000> : vector<256xf32>
    %reduce_min3A_2878 = vector.multi_reduction <minimumf>, %select_n3A_2876, %reduce_min3A_2877 [0] : vector<128x256xf32> to vector<256xf32>
    %broadcast_in_dim3A_2879 = vector.shape_cast %reduce_min3A_2878 : vector<256xf32> to vector<1x256xf32>
    %le3A_2880 = vector.broadcast %broadcast_in_dim3A_2879 : vector<1x256xf32> to vector<128x256xf32>
    %le3A_2881 = arith.cmpf ole, %select_n3A_2876, %le3A_2880 : vector<128x256xf32>
    %jit3A_2882 = arith.constant 4.096000e+03 : f32
    %broadcast_in_dim3A_2883 = vector.broadcast %jit3A_2882 : f32 to vector<128x256xf32>
    %select_n3A_2884 = arith.select %le3A_2881, %slice3A_2828, %broadcast_in_dim3A_2883 : vector<128x256xi1>, vector<128x256xf32>
    %reduce_min3A_2885 = arith.constant dense<0x7F800000> : vector<256xf32>
    %reduce_min3A_2886 = vector.multi_reduction <minimumf>, %select_n3A_2884, %reduce_min3A_2885 [0] : vector<128x256xf32> to vector<256xf32>
    %broadcast_in_dim3A_2887 = vector.shape_cast %reduce_min3A_2886 : vector<256xf32> to vector<1x256xf32>
    %eq3A_2888 = vector.broadcast %broadcast_in_dim3A_2887 : vector<1x256xf32> to vector<128x256xf32>
    %eq3A_2889 = arith.cmpf oeq, %slice3A_2828, %eq3A_2888 : vector<128x256xf32>
    %jit3A_2890 = arith.constant 1.000000e+30 : f32
    %broadcast_in_dim3A_2891 = vector.broadcast %jit3A_2890 : f32 to vector<128x256xf32>
    %select_n3A_2892 = arith.select %eq3A_2889, %broadcast_in_dim3A_2891, %select_n3A_2876 : vector<128x256xi1>, vector<128x256xf32>
    %reduce_min3A_2893 = arith.constant dense<0x7F800000> : vector<256xf32>
    %reduce_min3A_2894 = vector.multi_reduction <minimumf>, %select_n3A_2892, %reduce_min3A_2893 [0] : vector<128x256xf32> to vector<256xf32>
    %broadcast_in_dim3A_2895 = vector.shape_cast %reduce_min3A_2894 : vector<256xf32> to vector<1x256xf32>
    %le3A_2896 = vector.broadcast %broadcast_in_dim3A_2895 : vector<1x256xf32> to vector<128x256xf32>
    %le3A_2897 = arith.cmpf ole, %select_n3A_2892, %le3A_2896 : vector<128x256xf32>
    %jit3A_2898 = arith.constant 4.096000e+03 : f32
    %broadcast_in_dim3A_2899 = vector.broadcast %jit3A_2898 : f32 to vector<128x256xf32>
    %select_n3A_2900 = arith.select %le3A_2897, %slice3A_2828, %broadcast_in_dim3A_2899 : vector<128x256xi1>, vector<128x256xf32>
    %reduce_min3A_2901 = arith.constant dense<0x7F800000> : vector<256xf32>
    %reduce_min3A_2902 = vector.multi_reduction <minimumf>, %select_n3A_2900, %reduce_min3A_2901 [0] : vector<128x256xf32> to vector<256xf32>
    %broadcast_in_dim3A_2903 = vector.shape_cast %reduce_min3A_2902 : vector<256xf32> to vector<1x256xf32>
    %eq3A_2904 = vector.broadcast %broadcast_in_dim3A_2903 : vector<1x256xf32> to vector<128x256xf32>
    %eq3A_2905 = arith.cmpf oeq, %slice3A_2828, %eq3A_2904 : vector<128x256xf32>
    %jit3A_2906 = arith.constant 1.000000e+30 : f32
    %broadcast_in_dim3A_2907 = vector.broadcast %jit3A_2906 : f32 to vector<128x256xf32>
    %select_n3A_2908 = arith.select %eq3A_2905, %broadcast_in_dim3A_2907, %select_n3A_2892 : vector<128x256xi1>, vector<128x256xf32>
    %reduce_min3A_2909 = arith.constant dense<0x7F800000> : vector<256xf32>
    %reduce_min3A_2910 = vector.multi_reduction <minimumf>, %select_n3A_2908, %reduce_min3A_2909 [0] : vector<128x256xf32> to vector<256xf32>
    %broadcast_in_dim3A_2911 = vector.shape_cast %reduce_min3A_2910 : vector<256xf32> to vector<1x256xf32>
    %le3A_2912 = vector.broadcast %broadcast_in_dim3A_2911 : vector<1x256xf32> to vector<128x256xf32>
    %le3A_2913 = arith.cmpf ole, %select_n3A_2908, %le3A_2912 : vector<128x256xf32>
    %jit3A_2914 = arith.constant 4.096000e+03 : f32
    %broadcast_in_dim3A_2915 = vector.broadcast %jit3A_2914 : f32 to vector<128x256xf32>
    %select_n3A_2916 = arith.select %le3A_2913, %slice3A_2828, %broadcast_in_dim3A_2915 : vector<128x256xi1>, vector<128x256xf32>
    %reduce_min3A_2917 = arith.constant dense<0x7F800000> : vector<256xf32>
    %reduce_min3A_2918 = vector.multi_reduction <minimumf>, %select_n3A_2916, %reduce_min3A_2917 [0] : vector<128x256xf32> to vector<256xf32>
    %broadcast_in_dim3A_2919 = vector.shape_cast %reduce_min3A_2918 : vector<256xf32> to vector<1x256xf32>
    %slice3A_2920 = vector.extract_strided_slice %select_n3A {offsets = [3968, 0], sizes = [128, 256], strides = [1, 1]} : vector<4096x256xf32> to vector<128x256xf32>
    %slice3A_2921 = vector.extract_strided_slice %convert_element_type3A {offsets = [3968, 0], sizes = [128, 256], strides = [1, 1]} : vector<4096x256xf32> to vector<128x256xf32>
    %reduce_min3A_2922 = arith.constant dense<0x7F800000> : vector<256xf32>
    %reduce_min3A_2923 = vector.multi_reduction <minimumf>, %slice3A_2920, %reduce_min3A_2922 [0] : vector<128x256xf32> to vector<256xf32>
    %broadcast_in_dim3A_2924 = vector.shape_cast %reduce_min3A_2923 : vector<256xf32> to vector<1x256xf32>
    %le3A_2925 = vector.broadcast %broadcast_in_dim3A_2924 : vector<1x256xf32> to vector<128x256xf32>
    %le3A_2926 = arith.cmpf ole, %slice3A_2920, %le3A_2925 : vector<128x256xf32>
    %jit3A_2927 = arith.constant 4.096000e+03 : f32
    %broadcast_in_dim3A_2928 = vector.broadcast %jit3A_2927 : f32 to vector<128x256xf32>
    %select_n3A_2929 = arith.select %le3A_2926, %slice3A_2921, %broadcast_in_dim3A_2928 : vector<128x256xi1>, vector<128x256xf32>
    %reduce_min3A_2930 = arith.constant dense<0x7F800000> : vector<256xf32>
    %reduce_min3A_2931 = vector.multi_reduction <minimumf>, %select_n3A_2929, %reduce_min3A_2930 [0] : vector<128x256xf32> to vector<256xf32>
    %broadcast_in_dim3A_2932 = vector.shape_cast %reduce_min3A_2931 : vector<256xf32> to vector<1x256xf32>
    %eq3A_2933 = vector.broadcast %broadcast_in_dim3A_2932 : vector<1x256xf32> to vector<128x256xf32>
    %eq3A_2934 = arith.cmpf oeq, %slice3A_2921, %eq3A_2933 : vector<128x256xf32>
    %jit3A_2935 = arith.constant 1.000000e+30 : f32
    %broadcast_in_dim3A_2936 = vector.broadcast %jit3A_2935 : f32 to vector<128x256xf32>
    %select_n3A_2937 = arith.select %eq3A_2934, %broadcast_in_dim3A_2936, %slice3A_2920 : vector<128x256xi1>, vector<128x256xf32>
    %reduce_min3A_2938 = arith.constant dense<0x7F800000> : vector<256xf32>
    %reduce_min3A_2939 = vector.multi_reduction <minimumf>, %select_n3A_2937, %reduce_min3A_2938 [0] : vector<128x256xf32> to vector<256xf32>
    %broadcast_in_dim3A_2940 = vector.shape_cast %reduce_min3A_2939 : vector<256xf32> to vector<1x256xf32>
    %le3A_2941 = vector.broadcast %broadcast_in_dim3A_2940 : vector<1x256xf32> to vector<128x256xf32>
    %le3A_2942 = arith.cmpf ole, %select_n3A_2937, %le3A_2941 : vector<128x256xf32>
    %jit3A_2943 = arith.constant 4.096000e+03 : f32
    %broadcast_in_dim3A_2944 = vector.broadcast %jit3A_2943 : f32 to vector<128x256xf32>
    %select_n3A_2945 = arith.select %le3A_2942, %slice3A_2921, %broadcast_in_dim3A_2944 : vector<128x256xi1>, vector<128x256xf32>
    %reduce_min3A_2946 = arith.constant dense<0x7F800000> : vector<256xf32>
    %reduce_min3A_2947 = vector.multi_reduction <minimumf>, %select_n3A_2945, %reduce_min3A_2946 [0] : vector<128x256xf32> to vector<256xf32>
    %broadcast_in_dim3A_2948 = vector.shape_cast %reduce_min3A_2947 : vector<256xf32> to vector<1x256xf32>
    %eq3A_2949 = vector.broadcast %broadcast_in_dim3A_2948 : vector<1x256xf32> to vector<128x256xf32>
    %eq3A_2950 = arith.cmpf oeq, %slice3A_2921, %eq3A_2949 : vector<128x256xf32>
    %jit3A_2951 = arith.constant 1.000000e+30 : f32
    %broadcast_in_dim3A_2952 = vector.broadcast %jit3A_2951 : f32 to vector<128x256xf32>
    %select_n3A_2953 = arith.select %eq3A_2950, %broadcast_in_dim3A_2952, %select_n3A_2937 : vector<128x256xi1>, vector<128x256xf32>
    %reduce_min3A_2954 = arith.constant dense<0x7F800000> : vector<256xf32>
    %reduce_min3A_2955 = vector.multi_reduction <minimumf>, %select_n3A_2953, %reduce_min3A_2954 [0] : vector<128x256xf32> to vector<256xf32>
    %broadcast_in_dim3A_2956 = vector.shape_cast %reduce_min3A_2955 : vector<256xf32> to vector<1x256xf32>
    %le3A_2957 = vector.broadcast %broadcast_in_dim3A_2956 : vector<1x256xf32> to vector<128x256xf32>
    %le3A_2958 = arith.cmpf ole, %select_n3A_2953, %le3A_2957 : vector<128x256xf32>
    %jit3A_2959 = arith.constant 4.096000e+03 : f32
    %broadcast_in_dim3A_2960 = vector.broadcast %jit3A_2959 : f32 to vector<128x256xf32>
    %select_n3A_2961 = arith.select %le3A_2958, %slice3A_2921, %broadcast_in_dim3A_2960 : vector<128x256xi1>, vector<128x256xf32>
    %reduce_min3A_2962 = arith.constant dense<0x7F800000> : vector<256xf32>
    %reduce_min3A_2963 = vector.multi_reduction <minimumf>, %select_n3A_2961, %reduce_min3A_2962 [0] : vector<128x256xf32> to vector<256xf32>
    %broadcast_in_dim3A_2964 = vector.shape_cast %reduce_min3A_2963 : vector<256xf32> to vector<1x256xf32>
    %eq3A_2965 = vector.broadcast %broadcast_in_dim3A_2964 : vector<1x256xf32> to vector<128x256xf32>
    %eq3A_2966 = arith.cmpf oeq, %slice3A_2921, %eq3A_2965 : vector<128x256xf32>
    %jit3A_2967 = arith.constant 1.000000e+30 : f32
    %broadcast_in_dim3A_2968 = vector.broadcast %jit3A_2967 : f32 to vector<128x256xf32>
    %select_n3A_2969 = arith.select %eq3A_2966, %broadcast_in_dim3A_2968, %select_n3A_2953 : vector<128x256xi1>, vector<128x256xf32>
    %reduce_min3A_2970 = arith.constant dense<0x7F800000> : vector<256xf32>
    %reduce_min3A_2971 = vector.multi_reduction <minimumf>, %select_n3A_2969, %reduce_min3A_2970 [0] : vector<128x256xf32> to vector<256xf32>
    %broadcast_in_dim3A_2972 = vector.shape_cast %reduce_min3A_2971 : vector<256xf32> to vector<1x256xf32>
    %le3A_2973 = vector.broadcast %broadcast_in_dim3A_2972 : vector<1x256xf32> to vector<128x256xf32>
    %le3A_2974 = arith.cmpf ole, %select_n3A_2969, %le3A_2973 : vector<128x256xf32>
    %jit3A_2975 = arith.constant 4.096000e+03 : f32
    %broadcast_in_dim3A_2976 = vector.broadcast %jit3A_2975 : f32 to vector<128x256xf32>
    %select_n3A_2977 = arith.select %le3A_2974, %slice3A_2921, %broadcast_in_dim3A_2976 : vector<128x256xi1>, vector<128x256xf32>
    %reduce_min3A_2978 = arith.constant dense<0x7F800000> : vector<256xf32>
    %reduce_min3A_2979 = vector.multi_reduction <minimumf>, %select_n3A_2977, %reduce_min3A_2978 [0] : vector<128x256xf32> to vector<256xf32>
    %broadcast_in_dim3A_2980 = vector.shape_cast %reduce_min3A_2979 : vector<256xf32> to vector<1x256xf32>
    %eq3A_2981 = vector.broadcast %broadcast_in_dim3A_2980 : vector<1x256xf32> to vector<128x256xf32>
    %eq3A_2982 = arith.cmpf oeq, %slice3A_2921, %eq3A_2981 : vector<128x256xf32>
    %jit3A_2983 = arith.constant 1.000000e+30 : f32
    %broadcast_in_dim3A_2984 = vector.broadcast %jit3A_2983 : f32 to vector<128x256xf32>
    %select_n3A_2985 = arith.select %eq3A_2982, %broadcast_in_dim3A_2984, %select_n3A_2969 : vector<128x256xi1>, vector<128x256xf32>
    %reduce_min3A_2986 = arith.constant dense<0x7F800000> : vector<256xf32>
    %reduce_min3A_2987 = vector.multi_reduction <minimumf>, %select_n3A_2985, %reduce_min3A_2986 [0] : vector<128x256xf32> to vector<256xf32>
    %broadcast_in_dim3A_2988 = vector.shape_cast %reduce_min3A_2987 : vector<256xf32> to vector<1x256xf32>
    %le3A_2989 = vector.broadcast %broadcast_in_dim3A_2988 : vector<1x256xf32> to vector<128x256xf32>
    %le3A_2990 = arith.cmpf ole, %select_n3A_2985, %le3A_2989 : vector<128x256xf32>
    %jit3A_2991 = arith.constant 4.096000e+03 : f32
    %broadcast_in_dim3A_2992 = vector.broadcast %jit3A_2991 : f32 to vector<128x256xf32>
    %select_n3A_2993 = arith.select %le3A_2990, %slice3A_2921, %broadcast_in_dim3A_2992 : vector<128x256xi1>, vector<128x256xf32>
    %reduce_min3A_2994 = arith.constant dense<0x7F800000> : vector<256xf32>
    %reduce_min3A_2995 = vector.multi_reduction <minimumf>, %select_n3A_2993, %reduce_min3A_2994 [0] : vector<128x256xf32> to vector<256xf32>
    %broadcast_in_dim3A_2996 = vector.shape_cast %reduce_min3A_2995 : vector<256xf32> to vector<1x256xf32>
    %eq3A_2997 = vector.broadcast %broadcast_in_dim3A_2996 : vector<1x256xf32> to vector<128x256xf32>
    %eq3A_2998 = arith.cmpf oeq, %slice3A_2921, %eq3A_2997 : vector<128x256xf32>
    %jit3A_2999 = arith.constant 1.000000e+30 : f32
    %broadcast_in_dim3A_3000 = vector.broadcast %jit3A_2999 : f32 to vector<128x256xf32>
    %select_n3A_3001 = arith.select %eq3A_2998, %broadcast_in_dim3A_3000, %select_n3A_2985 : vector<128x256xi1>, vector<128x256xf32>
    %reduce_min3A_3002 = arith.constant dense<0x7F800000> : vector<256xf32>
    %reduce_min3A_3003 = vector.multi_reduction <minimumf>, %select_n3A_3001, %reduce_min3A_3002 [0] : vector<128x256xf32> to vector<256xf32>
    %broadcast_in_dim3A_3004 = vector.shape_cast %reduce_min3A_3003 : vector<256xf32> to vector<1x256xf32>
    %le3A_3005 = vector.broadcast %broadcast_in_dim3A_3004 : vector<1x256xf32> to vector<128x256xf32>
    %le3A_3006 = arith.cmpf ole, %select_n3A_3001, %le3A_3005 : vector<128x256xf32>
    %jit3A_3007 = arith.constant 4.096000e+03 : f32
    %broadcast_in_dim3A_3008 = vector.broadcast %jit3A_3007 : f32 to vector<128x256xf32>
    %select_n3A_3009 = arith.select %le3A_3006, %slice3A_2921, %broadcast_in_dim3A_3008 : vector<128x256xi1>, vector<128x256xf32>
    %reduce_min3A_3010 = arith.constant dense<0x7F800000> : vector<256xf32>
    %reduce_min3A_3011 = vector.multi_reduction <minimumf>, %select_n3A_3009, %reduce_min3A_3010 [0] : vector<128x256xf32> to vector<256xf32>
    %broadcast_in_dim3A_3012 = vector.shape_cast %reduce_min3A_3011 : vector<256xf32> to vector<1x256xf32>
    %concatenate3A_3013 = tpu.concatenate %broadcast_in_dim3A_42, %broadcast_in_dim3A_57, %broadcast_in_dim3A_73, %broadcast_in_dim3A_89, %broadcast_in_dim3A_105, %broadcast_in_dim3A_121, %broadcast_in_dim3A_134, %broadcast_in_dim3A_150, %broadcast_in_dim3A_166, %broadcast_in_dim3A_182, %broadcast_in_dim3A_198, %broadcast_in_dim3A_214, %broadcast_in_dim3A_227, %broadcast_in_dim3A_243, %broadcast_in_dim3A_259, %broadcast_in_dim3A_275, %broadcast_in_dim3A_291, %broadcast_in_dim3A_307, %broadcast_in_dim3A_320, %broadcast_in_dim3A_336, %broadcast_in_dim3A_352, %broadcast_in_dim3A_368, %broadcast_in_dim3A_384, %broadcast_in_dim3A_400, %broadcast_in_dim3A_413, %broadcast_in_dim3A_429, %broadcast_in_dim3A_445, %broadcast_in_dim3A_461, %broadcast_in_dim3A_477, %broadcast_in_dim3A_493, %broadcast_in_dim3A_506, %broadcast_in_dim3A_522, %broadcast_in_dim3A_538, %broadcast_in_dim3A_554, %broadcast_in_dim3A_570, %broadcast_in_dim3A_586, %broadcast_in_dim3A_599, %broadcast_in_dim3A_615, %broadcast_in_dim3A_631, %broadcast_in_dim3A_647, %broadcast_in_dim3A_663, %broadcast_in_dim3A_679, %broadcast_in_dim3A_692, %broadcast_in_dim3A_708, %broadcast_in_dim3A_724, %broadcast_in_dim3A_740, %broadcast_in_dim3A_756, %broadcast_in_dim3A_772, %broadcast_in_dim3A_785, %broadcast_in_dim3A_801, %broadcast_in_dim3A_817, %broadcast_in_dim3A_833, %broadcast_in_dim3A_849, %broadcast_in_dim3A_865, %broadcast_in_dim3A_878, %broadcast_in_dim3A_894, %broadcast_in_dim3A_910, %broadcast_in_dim3A_926, %broadcast_in_dim3A_942, %broadcast_in_dim3A_958, %broadcast_in_dim3A_971, %broadcast_in_dim3A_987, %broadcast_in_dim3A_1003, %broadcast_in_dim3A_1019, %broadcast_in_dim3A_1035, %broadcast_in_dim3A_1051, %broadcast_in_dim3A_1064, %broadcast_in_dim3A_1080, %broadcast_in_dim3A_1096, %broadcast_in_dim3A_1112, %broadcast_in_dim3A_1128, %broadcast_in_dim3A_1144, %broadcast_in_dim3A_1157, %broadcast_in_dim3A_1173, %broadcast_in_dim3A_1189, %broadcast_in_dim3A_1205, %broadcast_in_dim3A_1221, %broadcast_in_dim3A_1237, %broadcast_in_dim3A_1250, %broadcast_in_dim3A_1266, %broadcast_in_dim3A_1282, %broadcast_in_dim3A_1298, %broadcast_in_dim3A_1314, %broadcast_in_dim3A_1330, %broadcast_in_dim3A_1343, %broadcast_in_dim3A_1359, %broadcast_in_dim3A_1375, %broadcast_in_dim3A_1391, %broadcast_in_dim3A_1407, %broadcast_in_dim3A_1423, %broadcast_in_dim3A_1436, %broadcast_in_dim3A_1452, %broadcast_in_dim3A_1468, %broadcast_in_dim3A_1484, %broadcast_in_dim3A_1500, %broadcast_in_dim3A_1516, %broadcast_in_dim3A_1529, %broadcast_in_dim3A_1545, %broadcast_in_dim3A_1561, %broadcast_in_dim3A_1577, %broadcast_in_dim3A_1593, %broadcast_in_dim3A_1609, %broadcast_in_dim3A_1622, %broadcast_in_dim3A_1638, %broadcast_in_dim3A_1654, %broadcast_in_dim3A_1670, %broadcast_in_dim3A_1686, %broadcast_in_dim3A_1702, %broadcast_in_dim3A_1715, %broadcast_in_dim3A_1731, %broadcast_in_dim3A_1747, %broadcast_in_dim3A_1763, %broadcast_in_dim3A_1779, %broadcast_in_dim3A_1795, %broadcast_in_dim3A_1808, %broadcast_in_dim3A_1824, %broadcast_in_dim3A_1840, %broadcast_in_dim3A_1856, %broadcast_in_dim3A_1872, %broadcast_in_dim3A_1888, %broadcast_in_dim3A_1901, %broadcast_in_dim3A_1917, %broadcast_in_dim3A_1933, %broadcast_in_dim3A_1949, %broadcast_in_dim3A_1965, %broadcast_in_dim3A_1981, %broadcast_in_dim3A_1994, %broadcast_in_dim3A_2010, %broadcast_in_dim3A_2026, %broadcast_in_dim3A_2042, %broadcast_in_dim3A_2058, %broadcast_in_dim3A_2074, %broadcast_in_dim3A_2087, %broadcast_in_dim3A_2103, %broadcast_in_dim3A_2119, %broadcast_in_dim3A_2135, %broadcast_in_dim3A_2151, %broadcast_in_dim3A_2167, %broadcast_in_dim3A_2180, %broadcast_in_dim3A_2196, %broadcast_in_dim3A_2212, %broadcast_in_dim3A_2228, %broadcast_in_dim3A_2244, %broadcast_in_dim3A_2260, %broadcast_in_dim3A_2273, %broadcast_in_dim3A_2289, %broadcast_in_dim3A_2305, %broadcast_in_dim3A_2321, %broadcast_in_dim3A_2337, %broadcast_in_dim3A_2353, %broadcast_in_dim3A_2366, %broadcast_in_dim3A_2382, %broadcast_in_dim3A_2398, %broadcast_in_dim3A_2414, %broadcast_in_dim3A_2430, %broadcast_in_dim3A_2446, %broadcast_in_dim3A_2459, %broadcast_in_dim3A_2475, %broadcast_in_dim3A_2491, %broadcast_in_dim3A_2507, %broadcast_in_dim3A_2523, %broadcast_in_dim3A_2539, %broadcast_in_dim3A_2552, %broadcast_in_dim3A_2568, %broadcast_in_dim3A_2584, %broadcast_in_dim3A_2600, %broadcast_in_dim3A_2616, %broadcast_in_dim3A_2632, %broadcast_in_dim3A_2645, %broadcast_in_dim3A_2661, %broadcast_in_dim3A_2677, %broadcast_in_dim3A_2693, %broadcast_in_dim3A_2709, %broadcast_in_dim3A_2725, %broadcast_in_dim3A_2738, %broadcast_in_dim3A_2754, %broadcast_in_dim3A_2770, %broadcast_in_dim3A_2786, %broadcast_in_dim3A_2802, %broadcast_in_dim3A_2818, %broadcast_in_dim3A_2831, %broadcast_in_dim3A_2847, %broadcast_in_dim3A_2863, %broadcast_in_dim3A_2879, %broadcast_in_dim3A_2895, %broadcast_in_dim3A_2911, %broadcast_in_dim3A_2924, %broadcast_in_dim3A_2940, %broadcast_in_dim3A_2956, %broadcast_in_dim3A_2972, %broadcast_in_dim3A_2988, %broadcast_in_dim3A_3004 in 0 : vector<1x256xf32>, vector<1x256xf32>, vector<1x256xf32>, vector<1x256xf32>, vector<1x256xf32>, vector<1x256xf32>, vector<1x256xf32>, vector<1x256xf32>, vector<1x256xf32>, vector<1x256xf32>, vector<1x256xf32>, vector<1x256xf32>, vector<1x256xf32>, vector<1x256xf32>, vector<1x256xf32>, vector<1x256xf32>, vector<1x256xf32>, vector<1x256xf32>, vector<1x256xf32>, vector<1x256xf32>, vector<1x256xf32>, vector<1x256xf32>, vector<1x256xf32>, vector<1x256xf32>, vector<1x256xf32>, vector<1x256xf32>, vector<1x256xf32>, vector<1x256xf32>, vector<1x256xf32>, vector<1x256xf32>, vector<1x256xf32>, vector<1x256xf32>, vector<1x256xf32>, vector<1x256xf32>, vector<1x256xf32>, vector<1x256xf32>, vector<1x256xf32>, vector<1x256xf32>, vector<1x256xf32>, vector<1x256xf32>, vector<1x256xf32>, vector<1x256xf32>, vector<1x256xf32>, vector<1x256xf32>, vector<1x256xf32>, vector<1x256xf32>, vector<1x256xf32>, vector<1x256xf32>, vector<1x256xf32>, vector<1x256xf32>, vector<1x256xf32>, vector<1x256xf32>, vector<1x256xf32>, vector<1x256xf32>, vector<1x256xf32>, vector<1x256xf32>, vector<1x256xf32>, vector<1x256xf32>, vector<1x256xf32>, vector<1x256xf32>, vector<1x256xf32>, vector<1x256xf32>, vector<1x256xf32>, vector<1x256xf32>, vector<1x256xf32>, vector<1x256xf32>, vector<1x256xf32>, vector<1x256xf32>, vector<1x256xf32>, vector<1x256xf32>, vector<1x256xf32>, vector<1x256xf32>, vector<1x256xf32>, vector<1x256xf32>, vector<1x256xf32>, vector<1x256xf32>, vector<1x256xf32>, vector<1x256xf32>, vector<1x256xf32>, vector<1x256xf32>, vector<1x256xf32>, vector<1x256xf32>, vector<1x256xf32>, vector<1x256xf32>, vector<1x256xf32>, vector<1x256xf32>, vector<1x256xf32>, vector<1x256xf32>, vector<1x256xf32>, vector<1x256xf32>, vector<1x256xf32>, vector<1x256xf32>, vector<1x256xf32>, vector<1x256xf32>, vector<1x256xf32>, vector<1x256xf32>, vector<1x256xf32>, vector<1x256xf32>, vector<1x256xf32>, vector<1x256xf32>, vector<1x256xf32>, vector<1x256xf32>, vector<1x256xf32>, vector<1x256xf32>, vector<1x256xf32>, vector<1x256xf32>, vector<1x256xf32>, vector<1x256xf32>, vector<1x256xf32>, vector<1x256xf32>, vector<1x256xf32>, vector<1x256xf32>, vector<1x256xf32>, vector<1x256xf32>, vector<1x256xf32>, vector<1x256xf32>, vector<1x256xf32>, vector<1x256xf32>, vector<1x256xf32>, vector<1x256xf32>, vector<1x256xf32>, vector<1x256xf32>, vector<1x256xf32>, vector<1x256xf32>, vector<1x256xf32>, vector<1x256xf32>, vector<1x256xf32>, vector<1x256xf32>, vector<1x256xf32>, vector<1x256xf32>, vector<1x256xf32>, vector<1x256xf32>, vector<1x256xf32>, vector<1x256xf32>, vector<1x256xf32>, vector<1x256xf32>, vector<1x256xf32>, vector<1x256xf32>, vector<1x256xf32>, vector<1x256xf32>, vector<1x256xf32>, vector<1x256xf32>, vector<1x256xf32>, vector<1x256xf32>, vector<1x256xf32>, vector<1x256xf32>, vector<1x256xf32>, vector<1x256xf32>, vector<1x256xf32>, vector<1x256xf32>, vector<1x256xf32>, vector<1x256xf32>, vector<1x256xf32>, vector<1x256xf32>, vector<1x256xf32>, vector<1x256xf32>, vector<1x256xf32>, vector<1x256xf32>, vector<1x256xf32>, vector<1x256xf32>, vector<1x256xf32>, vector<1x256xf32>, vector<1x256xf32>, vector<1x256xf32>, vector<1x256xf32>, vector<1x256xf32>, vector<1x256xf32>, vector<1x256xf32>, vector<1x256xf32>, vector<1x256xf32>, vector<1x256xf32>, vector<1x256xf32>, vector<1x256xf32>, vector<1x256xf32>, vector<1x256xf32>, vector<1x256xf32>, vector<1x256xf32>, vector<1x256xf32>, vector<1x256xf32>, vector<1x256xf32>, vector<1x256xf32>, vector<1x256xf32>, vector<1x256xf32>, vector<1x256xf32>, vector<1x256xf32>, vector<1x256xf32>, vector<1x256xf32>, vector<1x256xf32>, vector<1x256xf32>, vector<1x256xf32>, vector<1x256xf32>, vector<1x256xf32> -> vector<192x256xf32>
    %concatenate3A_3014 = tpu.concatenate %broadcast_in_dim3A_49, %broadcast_in_dim3A_65, %broadcast_in_dim3A_81, %broadcast_in_dim3A_97, %broadcast_in_dim3A_113, %broadcast_in_dim3A_129, %broadcast_in_dim3A_142, %broadcast_in_dim3A_158, %broadcast_in_dim3A_174, %broadcast_in_dim3A_190, %broadcast_in_dim3A_206, %broadcast_in_dim3A_222, %broadcast_in_dim3A_235, %broadcast_in_dim3A_251, %broadcast_in_dim3A_267, %broadcast_in_dim3A_283, %broadcast_in_dim3A_299, %broadcast_in_dim3A_315, %broadcast_in_dim3A_328, %broadcast_in_dim3A_344, %broadcast_in_dim3A_360, %broadcast_in_dim3A_376, %broadcast_in_dim3A_392, %broadcast_in_dim3A_408, %broadcast_in_dim3A_421, %broadcast_in_dim3A_437, %broadcast_in_dim3A_453, %broadcast_in_dim3A_469, %broadcast_in_dim3A_485, %broadcast_in_dim3A_501, %broadcast_in_dim3A_514, %broadcast_in_dim3A_530, %broadcast_in_dim3A_546, %broadcast_in_dim3A_562, %broadcast_in_dim3A_578, %broadcast_in_dim3A_594, %broadcast_in_dim3A_607, %broadcast_in_dim3A_623, %broadcast_in_dim3A_639, %broadcast_in_dim3A_655, %broadcast_in_dim3A_671, %broadcast_in_dim3A_687, %broadcast_in_dim3A_700, %broadcast_in_dim3A_716, %broadcast_in_dim3A_732, %broadcast_in_dim3A_748, %broadcast_in_dim3A_764, %broadcast_in_dim3A_780, %broadcast_in_dim3A_793, %broadcast_in_dim3A_809, %broadcast_in_dim3A_825, %broadcast_in_dim3A_841, %broadcast_in_dim3A_857, %broadcast_in_dim3A_873, %broadcast_in_dim3A_886, %broadcast_in_dim3A_902, %broadcast_in_dim3A_918, %broadcast_in_dim3A_934, %broadcast_in_dim3A_950, %broadcast_in_dim3A_966, %broadcast_in_dim3A_979, %broadcast_in_dim3A_995, %broadcast_in_dim3A_1011, %broadcast_in_dim3A_1027, %broadcast_in_dim3A_1043, %broadcast_in_dim3A_1059, %broadcast_in_dim3A_1072, %broadcast_in_dim3A_1088, %broadcast_in_dim3A_1104, %broadcast_in_dim3A_1120, %broadcast_in_dim3A_1136, %broadcast_in_dim3A_1152, %broadcast_in_dim3A_1165, %broadcast_in_dim3A_1181, %broadcast_in_dim3A_1197, %broadcast_in_dim3A_1213, %broadcast_in_dim3A_1229, %broadcast_in_dim3A_1245, %broadcast_in_dim3A_1258, %broadcast_in_dim3A_1274, %broadcast_in_dim3A_1290, %broadcast_in_dim3A_1306, %broadcast_in_dim3A_1322, %broadcast_in_dim3A_1338, %broadcast_in_dim3A_1351, %broadcast_in_dim3A_1367, %broadcast_in_dim3A_1383, %broadcast_in_dim3A_1399, %broadcast_in_dim3A_1415, %broadcast_in_dim3A_1431, %broadcast_in_dim3A_1444, %broadcast_in_dim3A_1460, %broadcast_in_dim3A_1476, %broadcast_in_dim3A_1492, %broadcast_in_dim3A_1508, %broadcast_in_dim3A_1524, %broadcast_in_dim3A_1537, %broadcast_in_dim3A_1553, %broadcast_in_dim3A_1569, %broadcast_in_dim3A_1585, %broadcast_in_dim3A_1601, %broadcast_in_dim3A_1617, %broadcast_in_dim3A_1630, %broadcast_in_dim3A_1646, %broadcast_in_dim3A_1662, %broadcast_in_dim3A_1678, %broadcast_in_dim3A_1694, %broadcast_in_dim3A_1710, %broadcast_in_dim3A_1723, %broadcast_in_dim3A_1739, %broadcast_in_dim3A_1755, %broadcast_in_dim3A_1771, %broadcast_in_dim3A_1787, %broadcast_in_dim3A_1803, %broadcast_in_dim3A_1816, %broadcast_in_dim3A_1832, %broadcast_in_dim3A_1848, %broadcast_in_dim3A_1864, %broadcast_in_dim3A_1880, %broadcast_in_dim3A_1896, %broadcast_in_dim3A_1909, %broadcast_in_dim3A_1925, %broadcast_in_dim3A_1941, %broadcast_in_dim3A_1957, %broadcast_in_dim3A_1973, %broadcast_in_dim3A_1989, %broadcast_in_dim3A_2002, %broadcast_in_dim3A_2018, %broadcast_in_dim3A_2034, %broadcast_in_dim3A_2050, %broadcast_in_dim3A_2066, %broadcast_in_dim3A_2082, %broadcast_in_dim3A_2095, %broadcast_in_dim3A_2111, %broadcast_in_dim3A_2127, %broadcast_in_dim3A_2143, %broadcast_in_dim3A_2159, %broadcast_in_dim3A_2175, %broadcast_in_dim3A_2188, %broadcast_in_dim3A_2204, %broadcast_in_dim3A_2220, %broadcast_in_dim3A_2236, %broadcast_in_dim3A_2252, %broadcast_in_dim3A_2268, %broadcast_in_dim3A_2281, %broadcast_in_dim3A_2297, %broadcast_in_dim3A_2313, %broadcast_in_dim3A_2329, %broadcast_in_dim3A_2345, %broadcast_in_dim3A_2361, %broadcast_in_dim3A_2374, %broadcast_in_dim3A_2390, %broadcast_in_dim3A_2406, %broadcast_in_dim3A_2422, %broadcast_in_dim3A_2438, %broadcast_in_dim3A_2454, %broadcast_in_dim3A_2467, %broadcast_in_dim3A_2483, %broadcast_in_dim3A_2499, %broadcast_in_dim3A_2515, %broadcast_in_dim3A_2531, %broadcast_in_dim3A_2547, %broadcast_in_dim3A_2560, %broadcast_in_dim3A_2576, %broadcast_in_dim3A_2592, %broadcast_in_dim3A_2608, %broadcast_in_dim3A_2624, %broadcast_in_dim3A_2640, %broadcast_in_dim3A_2653, %broadcast_in_dim3A_2669, %broadcast_in_dim3A_2685, %broadcast_in_dim3A_2701, %broadcast_in_dim3A_2717, %broadcast_in_dim3A_2733, %broadcast_in_dim3A_2746, %broadcast_in_dim3A_2762, %broadcast_in_dim3A_2778, %broadcast_in_dim3A_2794, %broadcast_in_dim3A_2810, %broadcast_in_dim3A_2826, %broadcast_in_dim3A_2839, %broadcast_in_dim3A_2855, %broadcast_in_dim3A_2871, %broadcast_in_dim3A_2887, %broadcast_in_dim3A_2903, %broadcast_in_dim3A_2919, %broadcast_in_dim3A_2932, %broadcast_in_dim3A_2948, %broadcast_in_dim3A_2964, %broadcast_in_dim3A_2980, %broadcast_in_dim3A_2996, %broadcast_in_dim3A_3012 in 0 : vector<1x256xf32>, vector<1x256xf32>, vector<1x256xf32>, vector<1x256xf32>, vector<1x256xf32>, vector<1x256xf32>, vector<1x256xf32>, vector<1x256xf32>, vector<1x256xf32>, vector<1x256xf32>, vector<1x256xf32>, vector<1x256xf32>, vector<1x256xf32>, vector<1x256xf32>, vector<1x256xf32>, vector<1x256xf32>, vector<1x256xf32>, vector<1x256xf32>, vector<1x256xf32>, vector<1x256xf32>, vector<1x256xf32>, vector<1x256xf32>, vector<1x256xf32>, vector<1x256xf32>, vector<1x256xf32>, vector<1x256xf32>, vector<1x256xf32>, vector<1x256xf32>, vector<1x256xf32>, vector<1x256xf32>, vector<1x256xf32>, vector<1x256xf32>, vector<1x256xf32>, vector<1x256xf32>, vector<1x256xf32>, vector<1x256xf32>, vector<1x256xf32>, vector<1x256xf32>, vector<1x256xf32>, vector<1x256xf32>, vector<1x256xf32>, vector<1x256xf32>, vector<1x256xf32>, vector<1x256xf32>, vector<1x256xf32>, vector<1x256xf32>, vector<1x256xf32>, vector<1x256xf32>, vector<1x256xf32>, vector<1x256xf32>, vector<1x256xf32>, vector<1x256xf32>, vector<1x256xf32>, vector<1x256xf32>, vector<1x256xf32>, vector<1x256xf32>, vector<1x256xf32>, vector<1x256xf32>, vector<1x256xf32>, vector<1x256xf32>, vector<1x256xf32>, vector<1x256xf32>, vector<1x256xf32>, vector<1x256xf32>, vector<1x256xf32>, vector<1x256xf32>, vector<1x256xf32>, vector<1x256xf32>, vector<1x256xf32>, vector<1x256xf32>, vector<1x256xf32>, vector<1x256xf32>, vector<1x256xf32>, vector<1x256xf32>, vector<1x256xf32>, vector<1x256xf32>, vector<1x256xf32>, vector<1x256xf32>, vector<1x256xf32>, vector<1x256xf32>, vector<1x256xf32>, vector<1x256xf32>, vector<1x256xf32>, vector<1x256xf32>, vector<1x256xf32>, vector<1x256xf32>, vector<1x256xf32>, vector<1x256xf32>, vector<1x256xf32>, vector<1x256xf32>, vector<1x256xf32>, vector<1x256xf32>, vector<1x256xf32>, vector<1x256xf32>, vector<1x256xf32>, vector<1x256xf32>, vector<1x256xf32>, vector<1x256xf32>, vector<1x256xf32>, vector<1x256xf32>, vector<1x256xf32>, vector<1x256xf32>, vector<1x256xf32>, vector<1x256xf32>, vector<1x256xf32>, vector<1x256xf32>, vector<1x256xf32>, vector<1x256xf32>, vector<1x256xf32>, vector<1x256xf32>, vector<1x256xf32>, vector<1x256xf32>, vector<1x256xf32>, vector<1x256xf32>, vector<1x256xf32>, vector<1x256xf32>, vector<1x256xf32>, vector<1x256xf32>, vector<1x256xf32>, vector<1x256xf32>, vector<1x256xf32>, vector<1x256xf32>, vector<1x256xf32>, vector<1x256xf32>, vector<1x256xf32>, vector<1x256xf32>, vector<1x256xf32>, vector<1x256xf32>, vector<1x256xf32>, vector<1x256xf32>, vector<1x256xf32>, vector<1x256xf32>, vector<1x256xf32>, vector<1x256xf32>, vector<1x256xf32>, vector<1x256xf32>, vector<1x256xf32>, vector<1x256xf32>, vector<1x256xf32>, vector<1x256xf32>, vector<1x256xf32>, vector<1x256xf32>, vector<1x256xf32>, vector<1x256xf32>, vector<1x256xf32>, vector<1x256xf32>, vector<1x256xf32>, vector<1x256xf32>, vector<1x256xf32>, vector<1x256xf32>, vector<1x256xf32>, vector<1x256xf32>, vector<1x256xf32>, vector<1x256xf32>, vector<1x256xf32>, vector<1x256xf32>, vector<1x256xf32>, vector<1x256xf32>, vector<1x256xf32>, vector<1x256xf32>, vector<1x256xf32>, vector<1x256xf32>, vector<1x256xf32>, vector<1x256xf32>, vector<1x256xf32>, vector<1x256xf32>, vector<1x256xf32>, vector<1x256xf32>, vector<1x256xf32>, vector<1x256xf32>, vector<1x256xf32>, vector<1x256xf32>, vector<1x256xf32>, vector<1x256xf32>, vector<1x256xf32>, vector<1x256xf32>, vector<1x256xf32>, vector<1x256xf32>, vector<1x256xf32>, vector<1x256xf32>, vector<1x256xf32>, vector<1x256xf32>, vector<1x256xf32>, vector<1x256xf32>, vector<1x256xf32>, vector<1x256xf32>, vector<1x256xf32>, vector<1x256xf32>, vector<1x256xf32>, vector<1x256xf32>, vector<1x256xf32>, vector<1x256xf32> -> vector<192x256xf32>
    %reduce_min3A_3015 = arith.constant dense<0x7F800000> : vector<256xf32>
    %reduce_min3A_3016 = vector.multi_reduction <minimumf>, %concatenate3A_3013, %reduce_min3A_3015 [0] : vector<192x256xf32> to vector<256xf32>
    %broadcast_in_dim3A_3017 = vector.shape_cast %reduce_min3A_3016 : vector<256xf32> to vector<1x256xf32>
    %le3A_3018 = vector.broadcast %broadcast_in_dim3A_3017 : vector<1x256xf32> to vector<192x256xf32>
    %le3A_3019 = arith.cmpf ole, %concatenate3A_3013, %le3A_3018 : vector<192x256xf32>
    %jit3A_3020 = arith.constant 4.096000e+03 : f32
    %broadcast_in_dim3A_3021 = vector.broadcast %jit3A_3020 : f32 to vector<192x256xf32>
    %select_n3A_3022 = arith.select %le3A_3019, %concatenate3A_3014, %broadcast_in_dim3A_3021 : vector<192x256xi1>, vector<192x256xf32>
    %reduce_min3A_3023 = arith.constant dense<0x7F800000> : vector<256xf32>
    %reduce_min3A_3024 = vector.multi_reduction <minimumf>, %select_n3A_3022, %reduce_min3A_3023 [0] : vector<192x256xf32> to vector<256xf32>
    %broadcast_in_dim3A_3025 = vector.shape_cast %reduce_min3A_3024 : vector<256xf32> to vector<1x256xf32>
    %eq3A_3026 = vector.broadcast %broadcast_in_dim3A_3025 : vector<1x256xf32> to vector<192x256xf32>
    %eq3A_3027 = arith.cmpf oeq, %concatenate3A_3014, %eq3A_3026 : vector<192x256xf32>
    %jit3A_3028 = arith.constant 1.000000e+30 : f32
    %broadcast_in_dim3A_3029 = vector.broadcast %jit3A_3028 : f32 to vector<192x256xf32>
    %select_n3A_3030 = arith.select %eq3A_3027, %broadcast_in_dim3A_3029, %concatenate3A_3013 : vector<192x256xi1>, vector<192x256xf32>
    %reduce_min3A_3031 = arith.constant dense<0x7F800000> : vector<256xf32>
    %reduce_min3A_3032 = vector.multi_reduction <minimumf>, %select_n3A_3030, %reduce_min3A_3031 [0] : vector<192x256xf32> to vector<256xf32>
    %broadcast_in_dim3A_3033 = vector.shape_cast %reduce_min3A_3032 : vector<256xf32> to vector<1x256xf32>
    %le3A_3034 = vector.broadcast %broadcast_in_dim3A_3033 : vector<1x256xf32> to vector<192x256xf32>
    %le3A_3035 = arith.cmpf ole, %select_n3A_3030, %le3A_3034 : vector<192x256xf32>
    %jit3A_3036 = arith.constant 4.096000e+03 : f32
    %broadcast_in_dim3A_3037 = vector.broadcast %jit3A_3036 : f32 to vector<192x256xf32>
    %select_n3A_3038 = arith.select %le3A_3035, %concatenate3A_3014, %broadcast_in_dim3A_3037 : vector<192x256xi1>, vector<192x256xf32>
    %reduce_min3A_3039 = arith.constant dense<0x7F800000> : vector<256xf32>
    %reduce_min3A_3040 = vector.multi_reduction <minimumf>, %select_n3A_3038, %reduce_min3A_3039 [0] : vector<192x256xf32> to vector<256xf32>
    %broadcast_in_dim3A_3041 = vector.shape_cast %reduce_min3A_3040 : vector<256xf32> to vector<1x256xf32>
    %eq3A_3042 = vector.broadcast %broadcast_in_dim3A_3041 : vector<1x256xf32> to vector<192x256xf32>
    %eq3A_3043 = arith.cmpf oeq, %concatenate3A_3014, %eq3A_3042 : vector<192x256xf32>
    %jit3A_3044 = arith.constant 1.000000e+30 : f32
    %broadcast_in_dim3A_3045 = vector.broadcast %jit3A_3044 : f32 to vector<192x256xf32>
    %select_n3A_3046 = arith.select %eq3A_3043, %broadcast_in_dim3A_3045, %select_n3A_3030 : vector<192x256xi1>, vector<192x256xf32>
    %reduce_min3A_3047 = arith.constant dense<0x7F800000> : vector<256xf32>
    %reduce_min3A_3048 = vector.multi_reduction <minimumf>, %select_n3A_3046, %reduce_min3A_3047 [0] : vector<192x256xf32> to vector<256xf32>
    %broadcast_in_dim3A_3049 = vector.shape_cast %reduce_min3A_3048 : vector<256xf32> to vector<1x256xf32>
    %le3A_3050 = vector.broadcast %broadcast_in_dim3A_3049 : vector<1x256xf32> to vector<192x256xf32>
    %le3A_3051 = arith.cmpf ole, %select_n3A_3046, %le3A_3050 : vector<192x256xf32>
    %jit3A_3052 = arith.constant 4.096000e+03 : f32
    %broadcast_in_dim3A_3053 = vector.broadcast %jit3A_3052 : f32 to vector<192x256xf32>
    %select_n3A_3054 = arith.select %le3A_3051, %concatenate3A_3014, %broadcast_in_dim3A_3053 : vector<192x256xi1>, vector<192x256xf32>
    %reduce_min3A_3055 = arith.constant dense<0x7F800000> : vector<256xf32>
    %reduce_min3A_3056 = vector.multi_reduction <minimumf>, %select_n3A_3054, %reduce_min3A_3055 [0] : vector<192x256xf32> to vector<256xf32>
    %broadcast_in_dim3A_3057 = vector.shape_cast %reduce_min3A_3056 : vector<256xf32> to vector<1x256xf32>
    %eq3A_3058 = vector.broadcast %broadcast_in_dim3A_3057 : vector<1x256xf32> to vector<192x256xf32>
    %eq3A_3059 = arith.cmpf oeq, %concatenate3A_3014, %eq3A_3058 : vector<192x256xf32>
    %jit3A_3060 = arith.constant 1.000000e+30 : f32
    %broadcast_in_dim3A_3061 = vector.broadcast %jit3A_3060 : f32 to vector<192x256xf32>
    %select_n3A_3062 = arith.select %eq3A_3059, %broadcast_in_dim3A_3061, %select_n3A_3046 : vector<192x256xi1>, vector<192x256xf32>
    %reduce_min3A_3063 = arith.constant dense<0x7F800000> : vector<256xf32>
    %reduce_min3A_3064 = vector.multi_reduction <minimumf>, %select_n3A_3062, %reduce_min3A_3063 [0] : vector<192x256xf32> to vector<256xf32>
    %broadcast_in_dim3A_3065 = vector.shape_cast %reduce_min3A_3064 : vector<256xf32> to vector<1x256xf32>
    %le3A_3066 = vector.broadcast %broadcast_in_dim3A_3065 : vector<1x256xf32> to vector<192x256xf32>
    %le3A_3067 = arith.cmpf ole, %select_n3A_3062, %le3A_3066 : vector<192x256xf32>
    %jit3A_3068 = arith.constant 4.096000e+03 : f32
    %broadcast_in_dim3A_3069 = vector.broadcast %jit3A_3068 : f32 to vector<192x256xf32>
    %select_n3A_3070 = arith.select %le3A_3067, %concatenate3A_3014, %broadcast_in_dim3A_3069 : vector<192x256xi1>, vector<192x256xf32>
    %reduce_min3A_3071 = arith.constant dense<0x7F800000> : vector<256xf32>
    %reduce_min3A_3072 = vector.multi_reduction <minimumf>, %select_n3A_3070, %reduce_min3A_3071 [0] : vector<192x256xf32> to vector<256xf32>
    %broadcast_in_dim3A_3073 = vector.shape_cast %reduce_min3A_3072 : vector<256xf32> to vector<1x256xf32>
    %eq3A_3074 = vector.broadcast %broadcast_in_dim3A_3073 : vector<1x256xf32> to vector<192x256xf32>
    %eq3A_3075 = arith.cmpf oeq, %concatenate3A_3014, %eq3A_3074 : vector<192x256xf32>
    %jit3A_3076 = arith.constant 1.000000e+30 : f32
    %broadcast_in_dim3A_3077 = vector.broadcast %jit3A_3076 : f32 to vector<192x256xf32>
    %select_n3A_3078 = arith.select %eq3A_3075, %broadcast_in_dim3A_3077, %select_n3A_3062 : vector<192x256xi1>, vector<192x256xf32>
    %reduce_min3A_3079 = arith.constant dense<0x7F800000> : vector<256xf32>
    %reduce_min3A_3080 = vector.multi_reduction <minimumf>, %select_n3A_3078, %reduce_min3A_3079 [0] : vector<192x256xf32> to vector<256xf32>
    %broadcast_in_dim3A_3081 = vector.shape_cast %reduce_min3A_3080 : vector<256xf32> to vector<1x256xf32>
    %le3A_3082 = vector.broadcast %broadcast_in_dim3A_3081 : vector<1x256xf32> to vector<192x256xf32>
    %le3A_3083 = arith.cmpf ole, %select_n3A_3078, %le3A_3082 : vector<192x256xf32>
    %jit3A_3084 = arith.constant 4.096000e+03 : f32
    %broadcast_in_dim3A_3085 = vector.broadcast %jit3A_3084 : f32 to vector<192x256xf32>
    %select_n3A_3086 = arith.select %le3A_3083, %concatenate3A_3014, %broadcast_in_dim3A_3085 : vector<192x256xi1>, vector<192x256xf32>
    %reduce_min3A_3087 = arith.constant dense<0x7F800000> : vector<256xf32>
    %reduce_min3A_3088 = vector.multi_reduction <minimumf>, %select_n3A_3086, %reduce_min3A_3087 [0] : vector<192x256xf32> to vector<256xf32>
    %broadcast_in_dim3A_3089 = vector.shape_cast %reduce_min3A_3088 : vector<256xf32> to vector<1x256xf32>
    %eq3A_3090 = vector.broadcast %broadcast_in_dim3A_3089 : vector<1x256xf32> to vector<192x256xf32>
    %eq3A_3091 = arith.cmpf oeq, %concatenate3A_3014, %eq3A_3090 : vector<192x256xf32>
    %jit3A_3092 = arith.constant 1.000000e+30 : f32
    %broadcast_in_dim3A_3093 = vector.broadcast %jit3A_3092 : f32 to vector<192x256xf32>
    %select_n3A_3094 = arith.select %eq3A_3091, %broadcast_in_dim3A_3093, %select_n3A_3078 : vector<192x256xi1>, vector<192x256xf32>
    %reduce_min3A_3095 = arith.constant dense<0x7F800000> : vector<256xf32>
    %reduce_min3A_3096 = vector.multi_reduction <minimumf>, %select_n3A_3094, %reduce_min3A_3095 [0] : vector<192x256xf32> to vector<256xf32>
    %broadcast_in_dim3A_3097 = vector.shape_cast %reduce_min3A_3096 : vector<256xf32> to vector<1x256xf32>
    %le3A_3098 = vector.broadcast %broadcast_in_dim3A_3097 : vector<1x256xf32> to vector<192x256xf32>
    %le3A_3099 = arith.cmpf ole, %select_n3A_3094, %le3A_3098 : vector<192x256xf32>
    %jit3A_3100 = arith.constant 4.096000e+03 : f32
    %broadcast_in_dim3A_3101 = vector.broadcast %jit3A_3100 : f32 to vector<192x256xf32>
    %select_n3A_3102 = arith.select %le3A_3099, %concatenate3A_3014, %broadcast_in_dim3A_3101 : vector<192x256xi1>, vector<192x256xf32>
    %reduce_min3A_3103 = arith.constant dense<0x7F800000> : vector<256xf32>
    %reduce_min3A_3104 = vector.multi_reduction <minimumf>, %select_n3A_3102, %reduce_min3A_3103 [0] : vector<192x256xf32> to vector<256xf32>
    %broadcast_in_dim3A_3105 = vector.shape_cast %reduce_min3A_3104 : vector<256xf32> to vector<1x256xf32>
    %eq3A_3106 = vector.broadcast %broadcast_in_dim3A_3105 : vector<1x256xf32> to vector<192x256xf32>
    %eq3A_3107 = arith.cmpf oeq, %concatenate3A_3014, %eq3A_3106 : vector<192x256xf32>
    %jit3A_3108 = arith.constant 1.000000e+30 : f32
    %broadcast_in_dim3A_3109 = vector.broadcast %jit3A_3108 : f32 to vector<192x256xf32>
    %select_n3A_3110 = arith.select %eq3A_3107, %broadcast_in_dim3A_3109, %select_n3A_3094 : vector<192x256xi1>, vector<192x256xf32>
    %reduce_min3A_3111 = arith.constant dense<0x7F800000> : vector<256xf32>
    %reduce_min3A_3112 = vector.multi_reduction <minimumf>, %select_n3A_3110, %reduce_min3A_3111 [0] : vector<192x256xf32> to vector<256xf32>
    %broadcast_in_dim3A_3113 = vector.shape_cast %reduce_min3A_3112 : vector<256xf32> to vector<1x256xf32>
    %le3A_3114 = vector.broadcast %broadcast_in_dim3A_3113 : vector<1x256xf32> to vector<192x256xf32>
    %le3A_3115 = arith.cmpf ole, %select_n3A_3110, %le3A_3114 : vector<192x256xf32>
    %jit3A_3116 = arith.constant 4.096000e+03 : f32
    %broadcast_in_dim3A_3117 = vector.broadcast %jit3A_3116 : f32 to vector<192x256xf32>
    %select_n3A_3118 = arith.select %le3A_3115, %concatenate3A_3014, %broadcast_in_dim3A_3117 : vector<192x256xi1>, vector<192x256xf32>
    %reduce_min3A_3119 = arith.constant dense<0x7F800000> : vector<256xf32>
    %reduce_min3A_3120 = vector.multi_reduction <minimumf>, %select_n3A_3118, %reduce_min3A_3119 [0] : vector<192x256xf32> to vector<256xf32>
    %broadcast_in_dim3A_3121 = vector.shape_cast %reduce_min3A_3120 : vector<256xf32> to vector<1x256xf32>
    %eq3A_3122 = vector.broadcast %broadcast_in_dim3A_3121 : vector<1x256xf32> to vector<192x256xf32>
    %eq3A_3123 = arith.cmpf oeq, %concatenate3A_3014, %eq3A_3122 : vector<192x256xf32>
    %jit3A_3124 = arith.constant 1.000000e+30 : f32
    %broadcast_in_dim3A_3125 = vector.broadcast %jit3A_3124 : f32 to vector<192x256xf32>
    %select_n3A_3126 = arith.select %eq3A_3123, %broadcast_in_dim3A_3125, %select_n3A_3110 : vector<192x256xi1>, vector<192x256xf32>
    %reduce_min3A_3127 = arith.constant dense<0x7F800000> : vector<256xf32>
    %reduce_min3A_3128 = vector.multi_reduction <minimumf>, %select_n3A_3126, %reduce_min3A_3127 [0] : vector<192x256xf32> to vector<256xf32>
    %broadcast_in_dim3A_3129 = vector.shape_cast %reduce_min3A_3128 : vector<256xf32> to vector<1x256xf32>
    %le3A_3130 = vector.broadcast %broadcast_in_dim3A_3129 : vector<1x256xf32> to vector<192x256xf32>
    %le3A_3131 = arith.cmpf ole, %select_n3A_3126, %le3A_3130 : vector<192x256xf32>
    %jit3A_3132 = arith.constant 4.096000e+03 : f32
    %broadcast_in_dim3A_3133 = vector.broadcast %jit3A_3132 : f32 to vector<192x256xf32>
    %select_n3A_3134 = arith.select %le3A_3131, %concatenate3A_3014, %broadcast_in_dim3A_3133 : vector<192x256xi1>, vector<192x256xf32>
    %reduce_min3A_3135 = arith.constant dense<0x7F800000> : vector<256xf32>
    %reduce_min3A_3136 = vector.multi_reduction <minimumf>, %select_n3A_3134, %reduce_min3A_3135 [0] : vector<192x256xf32> to vector<256xf32>
    %broadcast_in_dim3A_3137 = vector.shape_cast %reduce_min3A_3136 : vector<256xf32> to vector<1x256xf32>
    %eq3A_3138 = vector.broadcast %broadcast_in_dim3A_3137 : vector<1x256xf32> to vector<192x256xf32>
    %eq3A_3139 = arith.cmpf oeq, %concatenate3A_3014, %eq3A_3138 : vector<192x256xf32>
    %jit3A_3140 = arith.constant 1.000000e+30 : f32
    %broadcast_in_dim3A_3141 = vector.broadcast %jit3A_3140 : f32 to vector<192x256xf32>
    %select_n3A_3142 = arith.select %eq3A_3139, %broadcast_in_dim3A_3141, %select_n3A_3126 : vector<192x256xi1>, vector<192x256xf32>
    %reduce_min3A_3143 = arith.constant dense<0x7F800000> : vector<256xf32>
    %reduce_min3A_3144 = vector.multi_reduction <minimumf>, %select_n3A_3142, %reduce_min3A_3143 [0] : vector<192x256xf32> to vector<256xf32>
    %broadcast_in_dim3A_3145 = vector.shape_cast %reduce_min3A_3144 : vector<256xf32> to vector<1x256xf32>
    %le3A_3146 = vector.broadcast %broadcast_in_dim3A_3145 : vector<1x256xf32> to vector<192x256xf32>
    %le3A_3147 = arith.cmpf ole, %select_n3A_3142, %le3A_3146 : vector<192x256xf32>
    %jit3A_3148 = arith.constant 4.096000e+03 : f32
    %broadcast_in_dim3A_3149 = vector.broadcast %jit3A_3148 : f32 to vector<192x256xf32>
    %select_n3A_3150 = arith.select %le3A_3147, %concatenate3A_3014, %broadcast_in_dim3A_3149 : vector<192x256xi1>, vector<192x256xf32>
    %reduce_min3A_3151 = arith.constant dense<0x7F800000> : vector<256xf32>
    %reduce_min3A_3152 = vector.multi_reduction <minimumf>, %select_n3A_3150, %reduce_min3A_3151 [0] : vector<192x256xf32> to vector<256xf32>
    %broadcast_in_dim3A_3153 = vector.shape_cast %reduce_min3A_3152 : vector<256xf32> to vector<1x256xf32>
    %eq3A_3154 = vector.broadcast %broadcast_in_dim3A_3153 : vector<1x256xf32> to vector<192x256xf32>
    %eq3A_3155 = arith.cmpf oeq, %concatenate3A_3014, %eq3A_3154 : vector<192x256xf32>
    %jit3A_3156 = arith.constant 1.000000e+30 : f32
    %broadcast_in_dim3A_3157 = vector.broadcast %jit3A_3156 : f32 to vector<192x256xf32>
    %select_n3A_3158 = arith.select %eq3A_3155, %broadcast_in_dim3A_3157, %select_n3A_3142 : vector<192x256xi1>, vector<192x256xf32>
    %reduce_min3A_3159 = arith.constant dense<0x7F800000> : vector<256xf32>
    %reduce_min3A_3160 = vector.multi_reduction <minimumf>, %select_n3A_3158, %reduce_min3A_3159 [0] : vector<192x256xf32> to vector<256xf32>
    %broadcast_in_dim3A_3161 = vector.shape_cast %reduce_min3A_3160 : vector<256xf32> to vector<1x256xf32>
    %le3A_3162 = vector.broadcast %broadcast_in_dim3A_3161 : vector<1x256xf32> to vector<192x256xf32>
    %le3A_3163 = arith.cmpf ole, %select_n3A_3158, %le3A_3162 : vector<192x256xf32>
    %jit3A_3164 = arith.constant 4.096000e+03 : f32
    %broadcast_in_dim3A_3165 = vector.broadcast %jit3A_3164 : f32 to vector<192x256xf32>
    %select_n3A_3166 = arith.select %le3A_3163, %concatenate3A_3014, %broadcast_in_dim3A_3165 : vector<192x256xi1>, vector<192x256xf32>
    %reduce_min3A_3167 = arith.constant dense<0x7F800000> : vector<256xf32>
    %reduce_min3A_3168 = vector.multi_reduction <minimumf>, %select_n3A_3166, %reduce_min3A_3167 [0] : vector<192x256xf32> to vector<256xf32>
    %broadcast_in_dim3A_3169 = vector.shape_cast %reduce_min3A_3168 : vector<256xf32> to vector<1x256xf32>
    %eq3A_3170 = vector.broadcast %broadcast_in_dim3A_3169 : vector<1x256xf32> to vector<192x256xf32>
    %eq3A_3171 = arith.cmpf oeq, %concatenate3A_3014, %eq3A_3170 : vector<192x256xf32>
    %jit3A_3172 = arith.constant 1.000000e+30 : f32
    %broadcast_in_dim3A_3173 = vector.broadcast %jit3A_3172 : f32 to vector<192x256xf32>
    %select_n3A_3174 = arith.select %eq3A_3171, %broadcast_in_dim3A_3173, %select_n3A_3158 : vector<192x256xi1>, vector<192x256xf32>
    %reduce_min3A_3175 = arith.constant dense<0x7F800000> : vector<256xf32>
    %reduce_min3A_3176 = vector.multi_reduction <minimumf>, %select_n3A_3174, %reduce_min3A_3175 [0] : vector<192x256xf32> to vector<256xf32>
    %broadcast_in_dim3A_3177 = vector.shape_cast %reduce_min3A_3176 : vector<256xf32> to vector<1x256xf32>
    %le3A_3178 = vector.broadcast %broadcast_in_dim3A_3177 : vector<1x256xf32> to vector<192x256xf32>
    %le3A_3179 = arith.cmpf ole, %select_n3A_3174, %le3A_3178 : vector<192x256xf32>
    %jit3A_3180 = arith.constant 4.096000e+03 : f32
    %broadcast_in_dim3A_3181 = vector.broadcast %jit3A_3180 : f32 to vector<192x256xf32>
    %select_n3A_3182 = arith.select %le3A_3179, %concatenate3A_3014, %broadcast_in_dim3A_3181 : vector<192x256xi1>, vector<192x256xf32>
    %reduce_min3A_3183 = arith.constant dense<0x7F800000> : vector<256xf32>
    %reduce_min3A_3184 = vector.multi_reduction <minimumf>, %select_n3A_3182, %reduce_min3A_3183 [0] : vector<192x256xf32> to vector<256xf32>
    %broadcast_in_dim3A_3185 = vector.shape_cast %reduce_min3A_3184 : vector<256xf32> to vector<1x256xf32>
    %eq3A_3186 = vector.broadcast %broadcast_in_dim3A_3185 : vector<1x256xf32> to vector<192x256xf32>
    %eq3A_3187 = arith.cmpf oeq, %concatenate3A_3014, %eq3A_3186 : vector<192x256xf32>
    %jit3A_3188 = arith.constant 1.000000e+30 : f32
    %broadcast_in_dim3A_3189 = vector.broadcast %jit3A_3188 : f32 to vector<192x256xf32>
    %select_n3A_3190 = arith.select %eq3A_3187, %broadcast_in_dim3A_3189, %select_n3A_3174 : vector<192x256xi1>, vector<192x256xf32>
    %reduce_min3A_3191 = arith.constant dense<0x7F800000> : vector<256xf32>
    %reduce_min3A_3192 = vector.multi_reduction <minimumf>, %select_n3A_3190, %reduce_min3A_3191 [0] : vector<192x256xf32> to vector<256xf32>
    %broadcast_in_dim3A_3193 = vector.shape_cast %reduce_min3A_3192 : vector<256xf32> to vector<1x256xf32>
    %le3A_3194 = vector.broadcast %broadcast_in_dim3A_3193 : vector<1x256xf32> to vector<192x256xf32>
    %le3A_3195 = arith.cmpf ole, %select_n3A_3190, %le3A_3194 : vector<192x256xf32>
    %jit3A_3196 = arith.constant 4.096000e+03 : f32
    %broadcast_in_dim3A_3197 = vector.broadcast %jit3A_3196 : f32 to vector<192x256xf32>
    %select_n3A_3198 = arith.select %le3A_3195, %concatenate3A_3014, %broadcast_in_dim3A_3197 : vector<192x256xi1>, vector<192x256xf32>
    %reduce_min3A_3199 = arith.constant dense<0x7F800000> : vector<256xf32>
    %reduce_min3A_3200 = vector.multi_reduction <minimumf>, %select_n3A_3198, %reduce_min3A_3199 [0] : vector<192x256xf32> to vector<256xf32>
    %broadcast_in_dim3A_3201 = vector.shape_cast %reduce_min3A_3200 : vector<256xf32> to vector<1x256xf32>
    %eq3A_3202 = vector.broadcast %broadcast_in_dim3A_3201 : vector<1x256xf32> to vector<192x256xf32>
    %eq3A_3203 = arith.cmpf oeq, %concatenate3A_3014, %eq3A_3202 : vector<192x256xf32>
    %jit3A_3204 = arith.constant 1.000000e+30 : f32
    %broadcast_in_dim3A_3205 = vector.broadcast %jit3A_3204 : f32 to vector<192x256xf32>
    %select_n3A_3206 = arith.select %eq3A_3203, %broadcast_in_dim3A_3205, %select_n3A_3190 : vector<192x256xi1>, vector<192x256xf32>
    %reduce_min3A_3207 = arith.constant dense<0x7F800000> : vector<256xf32>
    %reduce_min3A_3208 = vector.multi_reduction <minimumf>, %select_n3A_3206, %reduce_min3A_3207 [0] : vector<192x256xf32> to vector<256xf32>
    %broadcast_in_dim3A_3209 = vector.shape_cast %reduce_min3A_3208 : vector<256xf32> to vector<1x256xf32>
    %le3A_3210 = vector.broadcast %broadcast_in_dim3A_3209 : vector<1x256xf32> to vector<192x256xf32>
    %le3A_3211 = arith.cmpf ole, %select_n3A_3206, %le3A_3210 : vector<192x256xf32>
    %jit3A_3212 = arith.constant 4.096000e+03 : f32
    %broadcast_in_dim3A_3213 = vector.broadcast %jit3A_3212 : f32 to vector<192x256xf32>
    %select_n3A_3214 = arith.select %le3A_3211, %concatenate3A_3014, %broadcast_in_dim3A_3213 : vector<192x256xi1>, vector<192x256xf32>
    %reduce_min3A_3215 = arith.constant dense<0x7F800000> : vector<256xf32>
    %reduce_min3A_3216 = vector.multi_reduction <minimumf>, %select_n3A_3214, %reduce_min3A_3215 [0] : vector<192x256xf32> to vector<256xf32>
    %broadcast_in_dim3A_3217 = vector.shape_cast %reduce_min3A_3216 : vector<256xf32> to vector<1x256xf32>
    %eq3A_3218 = vector.broadcast %broadcast_in_dim3A_3217 : vector<1x256xf32> to vector<192x256xf32>
    %eq3A_3219 = arith.cmpf oeq, %concatenate3A_3014, %eq3A_3218 : vector<192x256xf32>
    %jit3A_3220 = arith.constant 1.000000e+30 : f32
    %broadcast_in_dim3A_3221 = vector.broadcast %jit3A_3220 : f32 to vector<192x256xf32>
    %select_n3A_3222 = arith.select %eq3A_3219, %broadcast_in_dim3A_3221, %select_n3A_3206 : vector<192x256xi1>, vector<192x256xf32>
    %reduce_min3A_3223 = arith.constant dense<0x7F800000> : vector<256xf32>
    %reduce_min3A_3224 = vector.multi_reduction <minimumf>, %select_n3A_3222, %reduce_min3A_3223 [0] : vector<192x256xf32> to vector<256xf32>
    %broadcast_in_dim3A_3225 = vector.shape_cast %reduce_min3A_3224 : vector<256xf32> to vector<1x256xf32>
    %le3A_3226 = vector.broadcast %broadcast_in_dim3A_3225 : vector<1x256xf32> to vector<192x256xf32>
    %le3A_3227 = arith.cmpf ole, %select_n3A_3222, %le3A_3226 : vector<192x256xf32>
    %jit3A_3228 = arith.constant 4.096000e+03 : f32
    %broadcast_in_dim3A_3229 = vector.broadcast %jit3A_3228 : f32 to vector<192x256xf32>
    %select_n3A_3230 = arith.select %le3A_3227, %concatenate3A_3014, %broadcast_in_dim3A_3229 : vector<192x256xi1>, vector<192x256xf32>
    %reduce_min3A_3231 = arith.constant dense<0x7F800000> : vector<256xf32>
    %reduce_min3A_3232 = vector.multi_reduction <minimumf>, %select_n3A_3230, %reduce_min3A_3231 [0] : vector<192x256xf32> to vector<256xf32>
    %broadcast_in_dim3A_3233 = vector.shape_cast %reduce_min3A_3232 : vector<256xf32> to vector<1x256xf32>
    %eq3A_3234 = vector.broadcast %broadcast_in_dim3A_3233 : vector<1x256xf32> to vector<192x256xf32>
    %eq3A_3235 = arith.cmpf oeq, %concatenate3A_3014, %eq3A_3234 : vector<192x256xf32>
    %jit3A_3236 = arith.constant 1.000000e+30 : f32
    %broadcast_in_dim3A_3237 = vector.broadcast %jit3A_3236 : f32 to vector<192x256xf32>
    %select_n3A_3238 = arith.select %eq3A_3235, %broadcast_in_dim3A_3237, %select_n3A_3222 : vector<192x256xi1>, vector<192x256xf32>
    %reduce_min3A_3239 = arith.constant dense<0x7F800000> : vector<256xf32>
    %reduce_min3A_3240 = vector.multi_reduction <minimumf>, %select_n3A_3238, %reduce_min3A_3239 [0] : vector<192x256xf32> to vector<256xf32>
    %broadcast_in_dim3A_3241 = vector.shape_cast %reduce_min3A_3240 : vector<256xf32> to vector<1x256xf32>
    %le3A_3242 = vector.broadcast %broadcast_in_dim3A_3241 : vector<1x256xf32> to vector<192x256xf32>
    %le3A_3243 = arith.cmpf ole, %select_n3A_3238, %le3A_3242 : vector<192x256xf32>
    %jit3A_3244 = arith.constant 4.096000e+03 : f32
    %broadcast_in_dim3A_3245 = vector.broadcast %jit3A_3244 : f32 to vector<192x256xf32>
    %select_n3A_3246 = arith.select %le3A_3243, %concatenate3A_3014, %broadcast_in_dim3A_3245 : vector<192x256xi1>, vector<192x256xf32>
    %reduce_min3A_3247 = arith.constant dense<0x7F800000> : vector<256xf32>
    %reduce_min3A_3248 = vector.multi_reduction <minimumf>, %select_n3A_3246, %reduce_min3A_3247 [0] : vector<192x256xf32> to vector<256xf32>
    %broadcast_in_dim3A_3249 = vector.shape_cast %reduce_min3A_3248 : vector<256xf32> to vector<1x256xf32>
    %concatenate3A_3250 = tpu.concatenate %add3A_36, %broadcast_in_dim3A_3025, %broadcast_in_dim3A_3041, %broadcast_in_dim3A_3057, %broadcast_in_dim3A_3073, %broadcast_in_dim3A_3089, %broadcast_in_dim3A_3105, %broadcast_in_dim3A_3121, %broadcast_in_dim3A_3137, %broadcast_in_dim3A_3153, %broadcast_in_dim3A_3169, %broadcast_in_dim3A_3185, %broadcast_in_dim3A_3201, %broadcast_in_dim3A_3217, %broadcast_in_dim3A_3233, %broadcast_in_dim3A_3249 in 0 : vector<1x256xf32>, vector<1x256xf32>, vector<1x256xf32>, vector<1x256xf32>, vector<1x256xf32>, vector<1x256xf32>, vector<1x256xf32>, vector<1x256xf32>, vector<1x256xf32>, vector<1x256xf32>, vector<1x256xf32>, vector<1x256xf32>, vector<1x256xf32>, vector<1x256xf32>, vector<1x256xf32>, vector<1x256xf32> -> vector<16x256xf32>
    %convert_element_type3A_3251 = arith.fptosi %concatenate3A_3250 : vector<16x256xf32> to vector<16x256xi32>
    %swap3A_3252 = arith.constant 0 : index
    %swap3A_3253 = arith.constant 0 : index
    %swap3A_3254 = vector.load %arg5[%swap3A_3252, %swap3A_3253] : memref<16x256xi32, #tpu.memory_space<vmem>>, vector<16x256xi32>
    tpu.vector_store %arg5[%swap3A_3252, %swap3A_3253], %convert_element_type3A_3251 {strides = array<i32>} : memref<16x256xi32, #tpu.memory_space<vmem>>, vector<16x256xi32>,
    return
  }
  func.func @transform_0(%arg0: i32) -> (i32, i32) {
    %c0_i32 = arith.constant 0 : i32
    %c0_i32_0 = arith.constant 0 : i32
    %c0_i32_1 = arith.constant 0 : i32
    return %c0_i32, %c0_i32_0 : i32, i32
  }
  func.func @transform_1(%arg0: i32) -> (i32, i32) {
    %c0_i32 = arith.constant 0 : i32
    %c0_i32_0 = arith.constant 0 : i32
    return %c0_i32, %arg0 : i32, i32
  }
  func.func @transform_2(%arg0: i32) -> (i32, i32) {
    %c0_i32 = arith.constant 0 : i32
    %c0_i32_0 = arith.constant 0 : i32
    return %arg0, %c0_i32 : i32, i32
  }
  func.func @transform_3(%arg0: i32) -> (i32, i32) {
    %c0_i32 = arith.constant 0 : i32
    %c0_i32_0 = arith.constant 0 : i32
    return %arg0, %c0_i32 : i32, i32
  }
  func.func @transform_4(%arg0: i32) -> (i32, i32) {
    %c0_i32 = arith.constant 0 : i32
    %c0_i32_0 = arith.constant 0 : i32
    return %c0_i32, %arg0 : i32, i32
  }
  func.func @transform_5(%arg0: i32) -> (i32, i32) {
    %c0_i32 = arith.constant 0 : i32
    %c0_i32_0 = arith.constant 0 : i32
    return %arg0, %c0_i32 : i32, i32
  }
}

module attributes {stable_mosaic.version = 14 : i64} {
  func.func @_mlp_body(%arg0: i32, %arg1: memref<16x256x128xf32, #tpu.memory_space<vmem>>, %arg2: memref<16x256x16xf32, #tpu.memory_space<vmem>>, %arg3: memref<256x128xf32, #tpu.memory_space<vmem>>, %arg4: memref<256x3xf32, #tpu.memory_space<vmem>>, %arg5: memref<128x514xf32, #tpu.memory_space<vmem>>, %arg6: memref<128x514xf32, #tpu.memory_space<vmem>>, %arg7: memref<1x514xf32, #tpu.memory_space<vmem>>, %arg8: memref<1x514xf32, #tpu.memory_space<vmem>>, %arg9: memref<514x16xf32, #tpu.memory_space<vmem>>, %arg10: memref<1x16xf32, #tpu.memory_space<vmem>>, %arg11: memref<16x64xf32, #tpu.memory_space<vmem>>, %arg12: memref<1x64xf32, #tpu.memory_space<vmem>>, %arg13: memref<64x1xf32, #tpu.memory_space<vmem>>, %arg14: memref<1x1xf32, #tpu.memory_space<vmem>>, %arg15: memref<128x256xf32, #tpu.memory_space<vmem>>, %arg16: memref<16x256xf32, #tpu.memory_space<vmem>>, %arg17: memref<1x256xf32, #tpu.memory_space<vmem>>, %arg18: memref<256x128xf32, #tpu.memory_space<vmem>>, %arg19: memref<1x128xf32, #tpu.memory_space<vmem>>, %arg20: memref<256x128xf32, #tpu.memory_space<vmem>>, %arg21: memref<256x3xf32, #tpu.memory_space<vmem>>) attributes {dimension_semantics = [#tpu.dimension_semantics<arbitrary>], iteration_bounds = array<i64: 16>, scalar_prefetch = 0 : i64, scratch_operands = 0 : i64, tpu.core_type = #tpu.core_type<tc>, window_params = [{transform_indices = @transform_0, window_bounds = array<i64: 16, 256, 128>}, {transform_indices = @transform_1, window_bounds = array<i64: 16, 256, 16>}, {transform_indices = @transform_2, window_bounds = array<i64: 256, 128>}, {transform_indices = @transform_3, window_bounds = array<i64: 256, 3>}, {pipeline_mode = #tpu.pipeline_mode<synchronous>, transform_indices = @transform_4, window_bounds = array<i64: 128, 514>}, {pipeline_mode = #tpu.pipeline_mode<synchronous>, transform_indices = @transform_5, window_bounds = array<i64: 128, 514>}, {pipeline_mode = #tpu.pipeline_mode<synchronous>, transform_indices = @transform_6, window_bounds = array<i64: 1, 514>}, {pipeline_mode = #tpu.pipeline_mode<synchronous>, transform_indices = @transform_7, window_bounds = array<i64: 1, 514>}, {pipeline_mode = #tpu.pipeline_mode<synchronous>, transform_indices = @transform_8, window_bounds = array<i64: 514, 16>}, {pipeline_mode = #tpu.pipeline_mode<synchronous>, transform_indices = @transform_9, window_bounds = array<i64: 1, 16>}, {pipeline_mode = #tpu.pipeline_mode<synchronous>, transform_indices = @transform_10, window_bounds = array<i64: 16, 64>}, {pipeline_mode = #tpu.pipeline_mode<synchronous>, transform_indices = @transform_11, window_bounds = array<i64: 1, 64>}, {pipeline_mode = #tpu.pipeline_mode<synchronous>, transform_indices = @transform_12, window_bounds = array<i64: 64, 1>}, {pipeline_mode = #tpu.pipeline_mode<synchronous>, transform_indices = @transform_13, window_bounds = array<i64: 1, 1>}, {pipeline_mode = #tpu.pipeline_mode<synchronous>, transform_indices = @transform_14, window_bounds = array<i64: 128, 256>}, {pipeline_mode = #tpu.pipeline_mode<synchronous>, transform_indices = @transform_15, window_bounds = array<i64: 16, 256>}, {pipeline_mode = #tpu.pipeline_mode<synchronous>, transform_indices = @transform_16, window_bounds = array<i64: 1, 256>}, {pipeline_mode = #tpu.pipeline_mode<synchronous>, transform_indices = @transform_17, window_bounds = array<i64: 256, 128>}, {pipeline_mode = #tpu.pipeline_mode<synchronous>, transform_indices = @transform_18, window_bounds = array<i64: 1, 128>}, {transform_indices = @transform_19, window_bounds = array<i64: 256, 128>}, {transform_indices = @transform_20, window_bounds = array<i64: 256, 3>}]} {
    %get3A = arith.constant 0 : index
    %get3A_0 = arith.constant 0 : index
    %get3A_1 = vector.load %arg3[%get3A, %get3A_0] : memref<256x128xf32, #tpu.memory_space<vmem>>, vector<256x128xf32>
    %get3A_2 = arith.constant 0 : index
    %get3A_3 = arith.constant 0 : index
    %get3A_4 = vector.load %arg4[%get3A_2, %get3A_3] : memref<256x3xf32, #tpu.memory_space<vmem>>, vector<256x3xf32>
    %broadcast_in_dim3A = arith.constant 0.000000e+00 : f32
    %broadcast_in_dim3A_5 = vector.broadcast %broadcast_in_dim3A : f32 to vector<256x13xf32>
    %concatenate3A = tpu.concatenate %get3A_4, %broadcast_in_dim3A_5 in 1 : vector<256x3xf32>, vector<256x13xf32> -> vector<256x16xf32>
    %get3A_6 = arith.constant 0 : index
    %get3A_7 = arith.constant 0 : index
    %get3A_8 = arith.constant 0 : index
    %get3A_9 = vector.load %arg2[%get3A_6, %get3A_7, %get3A_8] : memref<16x256x16xf32, #tpu.memory_space<vmem>>, vector<16x256x16xf32>
    %get3A_10 = arith.constant 0 : index
    %get3A_11 = arith.constant 0 : index
    %get3A_12 = arith.constant 0 : index
    %get3A_13 = vector.load %arg1[%get3A_10, %get3A_11, %get3A_12] : memref<16x256x128xf32, #tpu.memory_space<vmem>>, vector<16x256x128xf32>
    %reshape3A = vector.shape_cast %get3A_13 : vector<16x256x128xf32> to vector<4096x128xf32>
    %get3A_14 = arith.constant 0 : index
    %get3A_15 = arith.constant 0 : index
    %get3A_16 = vector.load %arg5[%get3A_14, %get3A_15] : memref<128x514xf32, #tpu.memory_space<vmem>>, vector<128x514xf32>
    %dot_general3A = arith.constant dense<0.000000e+00> : vector<256x514xf32>
    %dot_general3A_17 = tpu.matmul %get3A_1, %get3A_16, %dot_general3A {dimension_numbers = #tpu.dot_dimension_numbers<[1], [0], [0], [1], [0, 0, 1, 1], [], []>, transpose_lhs_hint = false} : vector<256x128xf32>, vector<128x514xf32>, vector<256x514xf32> -> vector<256x514xf32>
    %get3A_18 = arith.constant 0 : index
    %get3A_19 = arith.constant 0 : index
    %get3A_20 = vector.load %arg8[%get3A_18, %get3A_19] : memref<1x514xf32, #tpu.memory_space<vmem>>, vector<1x514xf32>
    %add3A = vector.broadcast %get3A_20 : vector<1x514xf32> to vector<256x514xf32>
    %add3A_21 = arith.addf %dot_general3A_17, %add3A : vector<256x514xf32>
    %broadcast_in_dim3A_22 = vector.shape_cast %add3A_21 : vector<256x514xf32> to vector<1x256x514xf32>
    %broadcast_in_dim3A_23 = vector.shape_cast %broadcast_in_dim3A_22 : vector<1x256x514xf32> to vector<1x256x514xf32>
    %broadcast_in_dim3A_24 = vector.broadcast %broadcast_in_dim3A_23 : vector<1x256x514xf32> to vector<16x256x514xf32>
    %reshape3A_25 = vector.shape_cast %broadcast_in_dim3A_24 : vector<16x256x514xf32> to vector<4096x514xf32>
    %broadcast_in_dim3A_26 = vector.shape_cast %concatenate3A : vector<256x16xf32> to vector<1x256x16xf32>
    %broadcast_in_dim3A_27 = vector.shape_cast %broadcast_in_dim3A_26 : vector<1x256x16xf32> to vector<1x256x16xf32>
    %broadcast_in_dim3A_28 = vector.broadcast %broadcast_in_dim3A_27 : vector<1x256x16xf32> to vector<16x256x16xf32>
    %sub3A = arith.subf %broadcast_in_dim3A_28, %get3A_9 : vector<16x256x16xf32>
    %mul3A = arith.mulf %sub3A, %sub3A : vector<16x256x16xf32>
    %reduce_sum3A = arith.constant dense<0.000000e+00> : vector<16x256xf32>
    %reduce_sum3A_29 = vector.multi_reduction <add>, %mul3A, %reduce_sum3A [2] : vector<16x256x16xf32> to vector<16x256xf32>
    %broadcast_in_dim3A_30 = vector.shape_cast %reduce_sum3A_29 : vector<16x256xf32> to vector<16x256x1xf32>
    %reshape3A_31 = vector.shape_cast %broadcast_in_dim3A_30 : vector<16x256x1xf32> to vector<4096x1xf32>
    %get3A_32 = arith.constant 0 : index
    %get3A_33 = arith.constant 0 : index
    %get3A_34 = vector.load %arg6[%get3A_32, %get3A_33] : memref<128x514xf32, #tpu.memory_space<vmem>>, vector<128x514xf32>
    %dot_general3A_35 = arith.constant dense<0.000000e+00> : vector<4096x514xf32>
    %dot_general3A_36 = tpu.matmul %reshape3A, %get3A_34, %dot_general3A_35 {dimension_numbers = #tpu.dot_dimension_numbers<[1], [0], [0], [1], [0, 0, 1, 1], [], []>, transpose_lhs_hint = false} : vector<4096x128xf32>, vector<128x514xf32>, vector<4096x514xf32> -> vector<4096x514xf32>
    %add3A_37 = arith.addf %reshape3A_25, %dot_general3A_36 : vector<4096x514xf32>
    %get3A_38 = arith.constant 0 : index
    %get3A_39 = arith.constant 0 : index
    %get3A_40 = vector.load %arg7[%get3A_38, %get3A_39] : memref<1x514xf32, #tpu.memory_space<vmem>>, vector<1x514xf32>
    %mul3A_41 = vector.broadcast %reshape3A_31 : vector<4096x1xf32> to vector<4096x514xf32>
    %mul3A_42 = vector.broadcast %get3A_40 : vector<1x514xf32> to vector<4096x514xf32>
    %mul3A_43 = arith.mulf %mul3A_41, %mul3A_42 : vector<4096x514xf32>
    %add3A_44 = arith.addf %add3A_37, %mul3A_43 : vector<4096x514xf32>
    %logistic3A = arith.negf %add3A_44 : vector<4096x514xf32>
    %logistic3A_45 = math.exp %logistic3A : vector<4096x514xf32>
    %logistic3A_46 = arith.constant 1.000000e+00 : f32
    %logistic3A_47 = vector.broadcast %logistic3A_46 : f32 to vector<4096x514xf32>
    %logistic3A_48 = arith.addf %logistic3A_47, %logistic3A_45 : vector<4096x514xf32>
    %logistic3A_49 = arith.divf %logistic3A_47, %logistic3A_48 : vector<4096x514xf32>
    %mul3A_50 = arith.mulf %add3A_44, %logistic3A_49 : vector<4096x514xf32>
    %get3A_51 = arith.constant 0 : index
    %get3A_52 = arith.constant 0 : index
    %get3A_53 = vector.load %arg9[%get3A_51, %get3A_52] : memref<514x16xf32, #tpu.memory_space<vmem>>, vector<514x16xf32>
    %dot_general3A_54 = arith.constant dense<0.000000e+00> : vector<4096x16xf32>
    %dot_general3A_55 = tpu.matmul %mul3A_50, %get3A_53, %dot_general3A_54 {dimension_numbers = #tpu.dot_dimension_numbers<[1], [0], [0], [1], [0, 0, 1, 1], [], []>, transpose_lhs_hint = false} : vector<4096x514xf32>, vector<514x16xf32>, vector<4096x16xf32> -> vector<4096x16xf32>
    %get3A_56 = arith.constant 0 : index
    %get3A_57 = arith.constant 0 : index
    %get3A_58 = vector.load %arg10[%get3A_56, %get3A_57] : memref<1x16xf32, #tpu.memory_space<vmem>>, vector<1x16xf32>
    %add3A_59 = vector.broadcast %get3A_58 : vector<1x16xf32> to vector<4096x16xf32>
    %add3A_60 = arith.addf %dot_general3A_55, %add3A_59 : vector<4096x16xf32>
    %logistic3A_61 = arith.negf %add3A_60 : vector<4096x16xf32>
    %logistic3A_62 = math.exp %logistic3A_61 : vector<4096x16xf32>
    %logistic3A_63 = arith.constant 1.000000e+00 : f32
    %logistic3A_64 = vector.broadcast %logistic3A_63 : f32 to vector<4096x16xf32>
    %logistic3A_65 = arith.addf %logistic3A_64, %logistic3A_62 : vector<4096x16xf32>
    %logistic3A_66 = arith.divf %logistic3A_64, %logistic3A_65 : vector<4096x16xf32>
    %mul3A_67 = arith.mulf %add3A_60, %logistic3A_66 : vector<4096x16xf32>
    %get3A_68 = arith.constant 0 : index
    %get3A_69 = arith.constant 0 : index
    %get3A_70 = vector.load %arg11[%get3A_68, %get3A_69] : memref<16x64xf32, #tpu.memory_space<vmem>>, vector<16x64xf32>
    %dot_general3A_71 = arith.constant dense<0.000000e+00> : vector<4096x64xf32>
    %dot_general3A_72 = tpu.matmul %mul3A_67, %get3A_70, %dot_general3A_71 {dimension_numbers = #tpu.dot_dimension_numbers<[1], [0], [0], [1], [0, 0, 1, 1], [], []>, transpose_lhs_hint = false} : vector<4096x16xf32>, vector<16x64xf32>, vector<4096x64xf32> -> vector<4096x64xf32>
    %get3A_73 = arith.constant 0 : index
    %get3A_74 = arith.constant 0 : index
    %get3A_75 = vector.load %arg12[%get3A_73, %get3A_74] : memref<1x64xf32, #tpu.memory_space<vmem>>, vector<1x64xf32>
    %add3A_76 = vector.broadcast %get3A_75 : vector<1x64xf32> to vector<4096x64xf32>
    %add3A_77 = arith.addf %dot_general3A_72, %add3A_76 : vector<4096x64xf32>
    %logistic3A_78 = arith.negf %add3A_77 : vector<4096x64xf32>
    %logistic3A_79 = math.exp %logistic3A_78 : vector<4096x64xf32>
    %logistic3A_80 = arith.constant 1.000000e+00 : f32
    %logistic3A_81 = vector.broadcast %logistic3A_80 : f32 to vector<4096x64xf32>
    %logistic3A_82 = arith.addf %logistic3A_81, %logistic3A_79 : vector<4096x64xf32>
    %logistic3A_83 = arith.divf %logistic3A_81, %logistic3A_82 : vector<4096x64xf32>
    %mul3A_84 = arith.mulf %add3A_77, %logistic3A_83 : vector<4096x64xf32>
    %get3A_85 = arith.constant 0 : index
    %get3A_86 = arith.constant 0 : index
    %get3A_87 = vector.load %arg13[%get3A_85, %get3A_86] : memref<64x1xf32, #tpu.memory_space<vmem>>, vector<64x1xf32>
    %dot_general3A_88 = arith.constant dense<0.000000e+00> : vector<4096x1xf32>
    %dot_general3A_89 = tpu.matmul %mul3A_84, %get3A_87, %dot_general3A_88 {dimension_numbers = #tpu.dot_dimension_numbers<[1], [0], [0], [1], [0, 0, 1, 1], [], []>, transpose_lhs_hint = false} : vector<4096x64xf32>, vector<64x1xf32>, vector<4096x1xf32> -> vector<4096x1xf32>
    %get3A_90 = arith.constant 0 : index
    %get3A_91 = arith.constant 0 : index
    %get3A_92 = vector.load %arg14[%get3A_90, %get3A_91] : memref<1x1xf32, #tpu.memory_space<vmem>>, vector<1x1xf32>
    %add3A_93 = vector.broadcast %get3A_92 : vector<1x1xf32> to vector<4096x1xf32>
    %add3A_94 = arith.addf %dot_general3A_89, %add3A_93 : vector<4096x1xf32>
    %reshape3A_95 = vector.shape_cast %mul3A_67 : vector<4096x16xf32> to vector<16x256x16xf32>
    %reduce_sum3A_96 = arith.constant dense<0.000000e+00> : vector<256x16xf32>
    %reduce_sum3A_97 = vector.multi_reduction <add>, %reshape3A_95, %reduce_sum3A_96 [0] : vector<16x256x16xf32> to vector<256x16xf32>
    %reshape3A_98 = vector.shape_cast %add3A_94 : vector<4096x1xf32> to vector<16x256x1xf32>
    %mul3A_99 = vector.broadcast %reshape3A_98 : vector<16x256x1xf32> to vector<16x256x16xf32>
    %mul3A_100 = arith.mulf %mul3A_99, %sub3A : vector<16x256x16xf32>
    %reduce_sum3A_101 = arith.constant dense<0.000000e+00> : vector<256x16xf32>
    %reduce_sum3A_102 = vector.multi_reduction <add>, %mul3A_100, %reduce_sum3A_101 [0] : vector<16x256x16xf32> to vector<256x16xf32>
    %slice3A = vector.extract_strided_slice %reduce_sum3A_102 {offsets = [0, 0], sizes = [256, 3], strides = [1, 1]} : vector<256x16xf32> to vector<256x3xf32>
    %add3A_103 = arith.addf %slice3A, %get3A_4 : vector<256x3xf32>
    %swap3A = arith.constant 0 : index
    %swap3A_104 = arith.constant 0 : index
    %swap3A_105 = vector.load %arg21[%swap3A, %swap3A_104] : memref<256x3xf32, #tpu.memory_space<vmem>>, vector<256x3xf32>
    tpu.vector_store %arg21[%swap3A, %swap3A_104], %add3A_103 {strides = array<i32>} : memref<256x3xf32, #tpu.memory_space<vmem>>, vector<256x3xf32>,
    %get3A_106 = arith.constant 0 : index
    %get3A_107 = arith.constant 0 : index
    %get3A_108 = vector.load %arg15[%get3A_106, %get3A_107] : memref<128x256xf32, #tpu.memory_space<vmem>>, vector<128x256xf32>
    %dot_general3A_109 = arith.constant dense<0.000000e+00> : vector<256x256xf32>
    %dot_general3A_110 = tpu.matmul %get3A_1, %get3A_108, %dot_general3A_109 {dimension_numbers = #tpu.dot_dimension_numbers<[1], [0], [0], [1], [0, 0, 1, 1], [], []>, transpose_lhs_hint = false} : vector<256x128xf32>, vector<128x256xf32>, vector<256x256xf32> -> vector<256x256xf32>
    %get3A_111 = arith.constant 0 : index
    %get3A_112 = arith.constant 0 : index
    %get3A_113 = vector.load %arg16[%get3A_111, %get3A_112] : memref<16x256xf32, #tpu.memory_space<vmem>>, vector<16x256xf32>
    %dot_general3A_114 = arith.constant dense<0.000000e+00> : vector<256x256xf32>
    %dot_general3A_115 = tpu.matmul %reduce_sum3A_97, %get3A_113, %dot_general3A_114 {dimension_numbers = #tpu.dot_dimension_numbers<[1], [0], [0], [1], [0, 0, 1, 1], [], []>, transpose_lhs_hint = false} : vector<256x16xf32>, vector<16x256xf32>, vector<256x256xf32> -> vector<256x256xf32>
    %add3A_116 = arith.addf %dot_general3A_110, %dot_general3A_115 : vector<256x256xf32>
    %get3A_117 = arith.constant 0 : index
    %get3A_118 = arith.constant 0 : index
    %get3A_119 = vector.load %arg17[%get3A_117, %get3A_118] : memref<1x256xf32, #tpu.memory_space<vmem>>, vector<1x256xf32>
    %add3A_120 = vector.broadcast %get3A_119 : vector<1x256xf32> to vector<256x256xf32>
    %add3A_121 = arith.addf %add3A_116, %add3A_120 : vector<256x256xf32>
    %logistic3A_122 = arith.negf %add3A_121 : vector<256x256xf32>
    %logistic3A_123 = math.exp %logistic3A_122 : vector<256x256xf32>
    %logistic3A_124 = arith.constant 1.000000e+00 : f32
    %logistic3A_125 = vector.broadcast %logistic3A_124 : f32 to vector<256x256xf32>
    %logistic3A_126 = arith.addf %logistic3A_125, %logistic3A_123 : vector<256x256xf32>
    %logistic3A_127 = arith.divf %logistic3A_125, %logistic3A_126 : vector<256x256xf32>
    %mul3A_128 = arith.mulf %add3A_121, %logistic3A_127 : vector<256x256xf32>
    %get3A_129 = arith.constant 0 : index
    %get3A_130 = arith.constant 0 : index
    %get3A_131 = vector.load %arg18[%get3A_129, %get3A_130] : memref<256x128xf32, #tpu.memory_space<vmem>>, vector<256x128xf32>
    %dot_general3A_132 = arith.constant dense<0.000000e+00> : vector<256x128xf32>
    %dot_general3A_133 = tpu.matmul %mul3A_128, %get3A_131, %dot_general3A_132 {dimension_numbers = #tpu.dot_dimension_numbers<[1], [0], [0], [1], [0, 0, 1, 1], [], []>, transpose_lhs_hint = false} : vector<256x256xf32>, vector<256x128xf32>, vector<256x128xf32> -> vector<256x128xf32>
    %get3A_134 = arith.constant 0 : index
    %get3A_135 = arith.constant 0 : index
    %get3A_136 = vector.load %arg19[%get3A_134, %get3A_135] : memref<1x128xf32, #tpu.memory_space<vmem>>, vector<1x128xf32>
    %add3A_137 = vector.broadcast %get3A_136 : vector<1x128xf32> to vector<256x128xf32>
    %add3A_138 = arith.addf %dot_general3A_133, %add3A_137 : vector<256x128xf32>
    %add3A_139 = arith.addf %add3A_138, %get3A_1 : vector<256x128xf32>
    %swap3A_140 = arith.constant 0 : index
    %swap3A_141 = arith.constant 0 : index
    %swap3A_142 = vector.load %arg20[%swap3A_140, %swap3A_141] : memref<256x128xf32, #tpu.memory_space<vmem>>, vector<256x128xf32>
    tpu.vector_store %arg20[%swap3A_140, %swap3A_141], %add3A_139 {strides = array<i32>} : memref<256x128xf32, #tpu.memory_space<vmem>>, vector<256x128xf32>,
    return
  }
  func.func @transform_0(%arg0: i32) -> (i32, i32, i32) {
    %c0_i32 = arith.constant 0 : i32
    %c0_i32_0 = arith.constant 0 : i32
    %c0_i32_1 = arith.constant 0 : i32
    return %c0_i32, %arg0, %c0_i32_0 : i32, i32, i32
  }
  func.func @transform_1(%arg0: i32) -> (i32, i32, i32) {
    %c0_i32 = arith.constant 0 : i32
    %c0_i32_0 = arith.constant 0 : i32
    %c0_i32_1 = arith.constant 0 : i32
    return %c0_i32, %arg0, %c0_i32_0 : i32, i32, i32
  }
  func.func @transform_2(%arg0: i32) -> (i32, i32) {
    %c0_i32 = arith.constant 0 : i32
    %c0_i32_0 = arith.constant 0 : i32
    return %arg0, %c0_i32 : i32, i32
  }
  func.func @transform_3(%arg0: i32) -> (i32, i32) {
    %c0_i32 = arith.constant 0 : i32
    %c0_i32_0 = arith.constant 0 : i32
    return %arg0, %c0_i32 : i32, i32
  }
  func.func @transform_4(%arg0: i32) -> (i32, i32) {
    %c0_i32 = arith.constant 0 : i32
    %c0_i32_0 = arith.constant 0 : i32
    %c0_i32_1 = arith.constant 0 : i32
    return %c0_i32, %c0_i32_0 : i32, i32
  }
  func.func @transform_5(%arg0: i32) -> (i32, i32) {
    %c0_i32 = arith.constant 0 : i32
    %c0_i32_0 = arith.constant 0 : i32
    %c0_i32_1 = arith.constant 0 : i32
    return %c0_i32, %c0_i32_0 : i32, i32
  }
  func.func @transform_6(%arg0: i32) -> (i32, i32) {
    %c0_i32 = arith.constant 0 : i32
    %c0_i32_0 = arith.constant 0 : i32
    %c0_i32_1 = arith.constant 0 : i32
    return %c0_i32, %c0_i32_0 : i32, i32
  }
  func.func @transform_7(%arg0: i32) -> (i32, i32) {
    %c0_i32 = arith.constant 0 : i32
    %c0_i32_0 = arith.constant 0 : i32
    %c0_i32_1 = arith.constant 0 : i32
    return %c0_i32, %c0_i32_0 : i32, i32
  }
  func.func @transform_8(%arg0: i32) -> (i32, i32) {
    %c0_i32 = arith.constant 0 : i32
    %c0_i32_0 = arith.constant 0 : i32
    %c0_i32_1 = arith.constant 0 : i32
    return %c0_i32, %c0_i32_0 : i32, i32
  }
  func.func @transform_9(%arg0: i32) -> (i32, i32) {
    %c0_i32 = arith.constant 0 : i32
    %c0_i32_0 = arith.constant 0 : i32
    %c0_i32_1 = arith.constant 0 : i32
    return %c0_i32, %c0_i32_0 : i32, i32
  }
  func.func @transform_10(%arg0: i32) -> (i32, i32) {
    %c0_i32 = arith.constant 0 : i32
    %c0_i32_0 = arith.constant 0 : i32
    %c0_i32_1 = arith.constant 0 : i32
    return %c0_i32, %c0_i32_0 : i32, i32
  }
  func.func @transform_11(%arg0: i32) -> (i32, i32) {
    %c0_i32 = arith.constant 0 : i32
    %c0_i32_0 = arith.constant 0 : i32
    %c0_i32_1 = arith.constant 0 : i32
    return %c0_i32, %c0_i32_0 : i32, i32
  }
  func.func @transform_12(%arg0: i32) -> (i32, i32) {
    %c0_i32 = arith.constant 0 : i32
    %c0_i32_0 = arith.constant 0 : i32
    %c0_i32_1 = arith.constant 0 : i32
    return %c0_i32, %c0_i32_0 : i32, i32
  }
  func.func @transform_13(%arg0: i32) -> (i32, i32) {
    %c0_i32 = arith.constant 0 : i32
    %c0_i32_0 = arith.constant 0 : i32
    %c0_i32_1 = arith.constant 0 : i32
    return %c0_i32, %c0_i32_0 : i32, i32
  }
  func.func @transform_14(%arg0: i32) -> (i32, i32) {
    %c0_i32 = arith.constant 0 : i32
    %c0_i32_0 = arith.constant 0 : i32
    %c0_i32_1 = arith.constant 0 : i32
    return %c0_i32, %c0_i32_0 : i32, i32
  }
  func.func @transform_15(%arg0: i32) -> (i32, i32) {
    %c0_i32 = arith.constant 0 : i32
    %c0_i32_0 = arith.constant 0 : i32
    %c0_i32_1 = arith.constant 0 : i32
    return %c0_i32, %c0_i32_0 : i32, i32
  }
  func.func @transform_16(%arg0: i32) -> (i32, i32) {
    %c0_i32 = arith.constant 0 : i32
    %c0_i32_0 = arith.constant 0 : i32
    %c0_i32_1 = arith.constant 0 : i32
    return %c0_i32, %c0_i32_0 : i32, i32
  }
  func.func @transform_17(%arg0: i32) -> (i32, i32) {
    %c0_i32 = arith.constant 0 : i32
    %c0_i32_0 = arith.constant 0 : i32
    %c0_i32_1 = arith.constant 0 : i32
    return %c0_i32, %c0_i32_0 : i32, i32
  }
  func.func @transform_18(%arg0: i32) -> (i32, i32) {
    %c0_i32 = arith.constant 0 : i32
    %c0_i32_0 = arith.constant 0 : i32
    %c0_i32_1 = arith.constant 0 : i32
    return %c0_i32, %c0_i32_0 : i32, i32
  }
  func.func @transform_19(%arg0: i32) -> (i32, i32) {
    %c0_i32 = arith.constant 0 : i32
    %c0_i32_0 = arith.constant 0 : i32
    return %arg0, %c0_i32 : i32, i32
  }
  func.func @transform_20(%arg0: i32) -> (i32, i32) {
    %c0_i32 = arith.constant 0 : i32
    %c0_i32_0 = arith.constant 0 : i32
    return %arg0, %c0_i32 : i32, i32
  }
}

</mosaic_0001>

<sc_bundles>
// kernel: kernel.5.cloned.1.call-start
scs
__scs_entry_jumppad:
0x0: {  	(pc) =	sbr.rel $0x88, $3  }
0x1: {  	(tag) =	ssettag $0x0;
	lr =	simm.s32 $0x1  }
0x2: {  	[smem:$0x3F93] =	sst lr;
	_ =	strace $0xD0000000  }
0x3: {  	_ = 	snop  }
0x4: {  	_ = 	snop  }
0x5: {  	_ = 	snop  }
0x6: {  	_ = 	snop  }
0x7: {  	_ = 	snop  }
__scs_overlays_trampoline_lowered:
0x8: {  	[smem:$0x3FA2] =	sst s0  }
0x9: {  	[smem:$0x3FA3] =	sst s1  }
0xa: {  	[smem:$0x3FA4] =	sst s2  }
0xb: {  	[smem:$0x3FA5] =	sst s3  }
0xc: {  	[smem:$0x3FA6] =	sst s4  }
0xd: {  	[smem:$0x3FA7] =	sst s5  }
0xe: {  	[smem:$0x3FA8] =	sst s6  }
0xf: {  	[smem:$0x3FA9] =	sst s7  }
0x10: {  	[smem:$0x3FAA] =	sst s8  }
0x11: {  	[smem:$0x3FAB] =	sst s9;
	s0 =	simm.s32 @!p0 $0x0  }
0x12: {  	s1 =	sld [smem:$0x3F91];
	s0 =	simm.s32 @p0 $0x1  }
0x13: {  	[smem:$0x3FAC] =	sst s0;
	s0 =	simm.s32 @!p1 $0x0  }
0x14: {  	s2 =	sld [smem:$0x3F90];
	s0 =	simm.s32 @p1 $0x1  }
0x15: {  	[smem:$0x3FAD] =	sst s0;
	s0 =	simm.s32 @!p2 $0x0  }
0x16: {  	s3 =	sld [smem:$0x3FDB];
	s0 =	simm.s32 @p2 $0x1  }
0x17: {  	s4 =	simm.s32 $0x1BF5;
	[smem:$0x3FAF] =	sst s0  }
0x18: {  	s0 =	sld [smem:$0x3F92];
	_ =	swait.ge [sflag:s4], $0x0  }
0x19: {  	s7 =	sld [smem:$0x3F93]  }
0x1a: {  	s8 =	sadd.s32 $0xFFFFE003, lr  }
0x1b: {  	s9 =	sadd.s32 $0xFFFFFEF7, lr;
	s5 =	simm.s32 $0xFFFFFFFF;
	p2 =	slt.u32 s8, $0xFFFFF086  }
0x1c: {  	p1 =	slt.u32 s9, $0xF7A;
	s5 =	simm.s32 @!p2 $0x0  }
0x1d: {  	s5 =	simm.s32 @p1 $0x1;
	p0 =	seq.s32 s7, s2  }
0x1e: {  	s7 =	smul.u32 @!p0 $0xF7A, s2;
	p2 =	seq.s32 @!p0 s5, $0x0  }
0x1f: {  	s9 =	smul.u32 $0xF7A, s1;
	s8 =	simm.s32 @!p0 $0x1BF5;
	p2 =	por !p2, p0  }
0x20: {  	[sflag:s8] =	ssyncset.s32 @!p0 $0xFFFFF086;
	s6 =	sadd.s32 @!p0 s3, s7;
	s7 =	simm.s32 @!p0 $0x108  }
0x21: {  	s3 =	sadd.s32 s3, s9;
	s6 =	sadd.s32 @!p0 $0x88, s6;
	s7 =	simm.s32 @p2 $0x1082  }
0x22: {  	[simem:s7], [sflag:s8] =	dma.local @!p0 [hbm:s6], $0xF7A  }
0x23: {  	s9 =	sor.u32 $0xD0000000, s2;
	s6 =	simm.s32 $0x108;
	_ =	swait.ge @!p0 [sflag:s8], $0x0  }
0x24: {  	s3 =	sadd.s32 $0x88, s3;
	s6 =	simm.s32 @!p1 $0x1082;
	[sflag:s4] =	ssyncset.s32 $0xFFFFF086  }
0x25: {  	[simem:s6], [sflag:s4] =	dma.local [hbm:s3], $0xF7A  }
0x26: {  	[smem:$0x3F93] =	sst s1;
	(tag) =	ssettag s2;
	_ =	strace s9  }
0x27: {  	s1 =	sld [smem:$0x3FA3]  }
0x28: {  	s2 =	sld [smem:$0x3FA4]  }
0x29: {  	s4 =	sld [smem:$0x3FA6]  }
0x2a: {  	p0 =	seq.s32 s5, $0x0;
	s5 =	sld [smem:$0x3FA7]  }
0x2b: {  	s6 =	sld [smem:$0x3FA8]  }
0x2c: {  	s7 =	sld [smem:$0x3FA9]  }
0x2d: {  	s3 =	simm.s32 $0x108;
	s8 =	sld [smem:$0x3FAA]  }
0x2e: {  	s3 =	simm.s32 @!p0 $0x1082;
	s9 =	sld [smem:$0x3FAB]  }
0x2f: {  	lr =	sadd.s32 s0, s3;
	s0 =	sld [smem:$0x3FA2]  }
0x30: {  	s3 =	sld [smem:$0x3FA5]  }
0x31: {  	[smem:$0x3FAE] =	sst s10  }
0x32: {  	s10 =	sld [smem:$0x3FAC];
	_ =	sdelay $0x3  }
0x33: {  	p0 =	seq.s32 s10, $0x1;
	s10 =	sld [smem:$0x3FAE];
	_ =	sdelay $0x3  }
0x34: {  	[smem:$0x3FAE] =	sst s10  }
0x35: {  	s10 =	sld [smem:$0x3FAD];
	_ =	sdelay $0x3  }
0x36: {  	p1 =	seq.s32 s10, $0x1;
	s10 =	sld [smem:$0x3FAE];
	_ =	sdelay $0x3  }
0x37: {  	[smem:$0x3FAE] =	sst s10  }
0x38: {  	s10 =	sld [smem:$0x3FAF]  }
0x39: {  	_ = 	snop;
	(pc) =	sbr.ind lr, $3  }
0x3a: {  	_ = 	snop  }
0x3b: {  	_ = 	snop  }
0x3c: {  	p2 =	seq.s32 s10, $0x1;
	s10 =	sld [smem:$0x3FAE]  }
0x3d: {  	_ =	shalt  }
0x3e: {  	_ =	shalt  }
0x3f: {  	_ =	shalt  }
0x40: {  	_ =	shalt  }
0x41: {  	_ =	shalt  }
0x42: {  	_ =	shalt  }
0x43: {  	_ =	shalt  }
0x44: {  	_ =	shalt  }
0x45: {  	_ =	shalt  }
0x46: {  	_ =	shalt  }
0x47: {  	_ =	shalt  }
0x48: {  	_ =	shalt  }
0x49: {  	_ =	shalt  }
0x4a: {  	_ =	shalt  }
0x4b: {  	_ =	shalt  }
0x4c: {  	_ =	shalt  }
0x4d: {  	_ =	shalt  }
0x4e: {  	_ =	shalt  }
0x4f: {  	_ =	shalt  }
0x50: {  	_ =	shalt  }
0x51: {  	_ =	shalt  }
0x52: {  	_ =	shalt  }
0x53: {  	_ =	shalt  }
0x54: {  	_ =	shalt  }
0x55: {  	_ =	shalt  }
0x56: {  	_ =	shalt  }
0x57: {  	_ =	shalt  }
0x58: {  	_ =	shalt  }
0x59: {  	_ =	shalt  }
0x5a: {  	_ =	shalt  }
0x5b: {  	_ =	shalt  }
0x5c: {  	_ =	shalt  }
0x5d: {  	_ =	shalt  }
0x5e: {  	_ =	shalt  }
0x5f: {  	_ =	shalt  }
0x60: {  	_ =	shalt  }
0x61: {  	_ =	shalt  }
0x62: {  	_ =	shalt  }
0x63: {  	_ =	shalt  }
0x64: {  	_ =	shalt  }
0x65: {  	_ =	shalt  }
0x66: {  	_ =	shalt  }
0x67: {  	_ =	shalt  }
0x68: {  	_ =	shalt  }
0x69: {  	_ =	shalt  }
0x6a: {  	_ =	shalt  }
0x6b: {  	_ =	shalt  }
0x6c: {  	_ =	shalt  }
0x6d: {  	_ =	shalt  }
0x6e: {  	_ =	shalt  }
0x6f: {  	_ =	shalt  }
0x70: {  	_ =	shalt  }
0x71: {  	_ =	shalt  }
0x72: {  	_ =	shalt  }
0x73: {  	_ =	shalt  }
0x74: {  	_ =	shalt  }
0x75: {  	_ =	shalt  }
0x76: {  	_ =	shalt  }
0x77: {  	_ =	shalt  }
0x78: {  	_ =	shalt  }
0x79: {  	_ =	shalt  }
0x7a: {  	_ =	shalt  }
0x7b: {  	_ =	shalt  }
0x7c: {  	_ =	shalt  }
0x7d: {  	_ =	shalt  }
0x7e: {  	_ =	shalt  }
0x7f: {  	_ =	shalt  }
0x80: {  	_ =	shalt  }
0x81: {  	_ =	shalt  }
0x82: {  	_ =	shalt  }
0x83: {  	_ =	shalt  }
0x84: {  	_ =	shalt  }
0x85: {  	_ =	shalt  }
0x86: {  	_ =	shalt  }
0x87: {  	_ =	shalt  }
.Lfunc_end0:
.L_simem_size_0:
called_computation_lowered:
.L_overlay_start_0:
0x88: {  	s2 =	sld [smem:$0x3FD9]  }
0x89: {  	s3 =	sld [smem:$0x3FFE];
	_ =	sdelay $0x1  }
0x8a: {  	s1 =	srdreg.scid  }
0x8b: {  	s0 =	sand.u32 $0x1, s1  }
0x8c: {  	s14 =	sshll.u32 s0, $0xA;
	s2 =	sadd.s32 s3, s2  }
0x8d: {  	s2 =	sadd.s32 s2, s14  }
0x8e: {  	[smem:$0x3FBA] =	sst s2  }
0x8f: {  	_ = 	snop  }
0x90: {  	s2 =	sld [smem:$0x3FD0];
	_ =	sdelay $0x2  }
0x91: {  	s15 =	simm.s32 $0xA;
	s4 =	simm.s32 $0x10  }
0x92: {  	[smem:s4], [sflag:s15] =	dma.local [hbm:s2], $0x1  }
0x93: {  	_ =	swait.eq [sflag:s15], $0x1  }
0x94: {  	[sflag:s15] =	ssyncset.done $0x0  }
0x95: {  	[sflag:s15] =	ssyncadd.s32 $0xFFFFFFFF  }
0x96: {  	s16 =	sld [smem:$0x10];
	(tm) =	ssettm $0x1  }
0x97: {  	s17 =	sld [smem:$0x3FFB];
	_ =	sdelay $0x3  }
0x98: {  	_ =	strace s17  }
0x99: {  	s3 =	sld [smem:$0x3FFC];
	_ =	sdelay $0x3  }
0x9a: {  	_ =	strace s3  }
0x9b: {  	s3 =	sld [smem:$0x3FFD];
	_ =	sdelay $0x3  }
0x9c: {  	_ =	strace s3  }
0x9d: {  	_ =	strace $0x8FFFFFFF  }
0x9e: {  	s18 =	sld [smem:$0x3FDB];
	_ =	sdelay $0x1  }
0x9f: {  	s19 =	simm.s32 $_scs_section_size  }
0xa0: {  	s5 =	simm.s32 $_size__tile_overlayer_lowered;
	s6 =	simm.s32 $_tile_overlayer_lowered  }
0xa1: {  	s22 =	simm.s32 $0x1BFF;
	s21 =	sshll.u32 s6, $0x1;
	s3 =	sadd.s32 s19, s18  }
0xa2: {  	s7 =	simm.s32 $0x0;
	s20 =	sshll.u32 s5, $0x1;
	s5 =	sadd.s32 s21, s3  }
0xa3: {  	[timem:s7], [sflag:s22] =	dma.local [hbm:s5], s20  }
0xa4: {  	_ =	swait.ge [sflag:s22], s20  }
0xa5: {  	s4 =	ssub.s32 $0x0, s20;
	[sflag:s22] =	ssyncset.done $0x0  }
0xa6: {  	[sflag:s22] =	ssyncadd.s32 s4;
	_ =	sdelay $0x1  }
0xa7: {  	s23 =	simm.s32 $0x1B8B  }
0xa8: {  	_ =	swait.ge [sflag:s23], $0x1  }
0xa9: {  	[sflag:s23] =	ssyncset.done $0x0  }
0xaa: {  	s25 =	simm.s32 $0x1B8E;
	s24 =	sld [smem:$0x3FFE];
	[sflag:s23] =	ssyncadd.s32 $0xFFFFFFFF  }
0xab: {  	s26 =	simm.s32 $execute0_lowered;
	[smem:$0x3FD2] =	sst s25  }
0xac: {  	s5 =	sshll.u32 s26, $0x1;
	_ =	strace $0x80000046;
	[dreg:$0x1] =	wrdreg $0xFFFFFFFF  }
0xad: {  	s28 =	simm.s32 $_size_execute0_lowered;
	s3 =	sadd.s32 s3, s5;
	[dreg:$0x0] =	wrdreg $0x0  }
0xae: {  	s5 =	sshll.u32 s28, $0x1;
	[dreg:$0x2] =	wrdreg s3  }
0xaf: {  	[dreg:$0x3] =	wrdreg s5  }
0xb0: {  	[dreg:$0x4] =	wrdreg $0xC0  }
0xb1: {  	_ =	task [dreg:s7], $0x5FFFF  }
0xb2: {  	[dreg:$0x1] =	wrdreg $0xFFFFFFFF  }
0xb3: {  	[dreg:$0x0] =	wrdreg $0x60  }
0xb4: {  	[dreg:$0x2] =	wrdreg s24  }
0xb5: {  	[dreg:$0x3] =	wrdreg s16  }
0xb6: {  	[dreg:$0x4] =	wrdreg $0x9  }
0xb7: {  	_ =	task.clear_ibuf [dreg:s7], $0x5FFFF;
	_ =	strace $0x90000046  }
0xb8: {  	s29 =	simm.s32 $0x9;
	_ =	strace $0x80000048  }
0xb9: {  	_ =	swait.ge [sflag:s29], $0x1  }
0xba: {  	[sflag:s29] =	ssyncadd.s32 $0xFFFFFFFF  }
0xbb: {  	_ =	strace $0x90000048  }
0xbc: {  	_ =	sfence  }
0xbd: {  	s30 =	sld [smem:$0x0];
	_ =	sdelay $0x2  }
0xbe: {  	s31 =	sshll.u32 s1, $0xD;
	s1 =	sshrl.u32 s1, $0x2  }
0xbf: {  	s3 =	sand.u32 $0x4000, s31;
	s1 =	sadd.s32 s1, s30  }
0xc0: {  	s0 =	sor.u32 s3, s0;
	s1 =	sshll.u32 s1, $0x11  }
0xc1: {  	s0 =	sor.u32 s1, s0  }
0xc2: {  	s0 =	sadd.s32 $0x8F2B, s0  }
0xc3: {  	[sflag:s0] =	ssyncadd.remote.s32 $0x1  }
0xc4: {  	_ =	sfence.sel $0xFFFF  }
0xc5: {  	[dreg:$0x0] =	wrdreg $0xFFFFFFFF;
	(pc) =	sbr.abs _section_cstart, $3  }
0xc6: {  	[dreg:$0x1] =	wrdreg $0xFFFFFFFF  }
0xc7: {  	_ =	task.clear_ibuf [dreg:s7], $0x2FFFF;
	_ =	strace $0x9FFFFFFF  }
0xc8: {  	(tm) =	ssettm $0x7FFFFFFF  }
0xc9: {  	_ =	shalt  }
tec
execute0_lowered:
.L_overlay_start_1:
0x0: {  	(tag) =	ssettag $0x1  }
0x1: {  	s0 =	srdreg.scid  }
0x2: {  	s2 =	stileid.u32;
	s20 =	rddreg [dreg:$0x0]  }
0x3: {  	s3 =	rddreg [dreg:$0x1];
	s0 =	sand.u32 $0x1, s0;
	s2 =	sshll.u32 s2, $0x1  }
0x4: {  	s1 =	ssub.s32 $0x2, s0;
	s0 =	sor.u32 s0, s2;
	s2 =	sadd.s32 $0x34600, s20  }
0x5: {  	s4 =	sshrl.u32 s1, $0x1;
	s18 =	sshll.u32 s0, $0xB;
	s7 =	sshll.u32 s0, $0x8  }
0x6: {  	s5 =	sshll.u32 s0, $0xF;
	s0 =	sshll.u32 s0, $0xC;
	s1 =	ssub.s32 s1, s4  }
0x7: {  	s19 =	sor.u32 $0x80, s18;
	s3 =	sadd.s32 s3, s7;
	s8 =	sadd.s32 s2, s5  }
0x8: {  	s21 =	sor.u32 $0x100, s18;
	s23 =	sor.u32 $0x180, s18;
	s22 =	sor.u32 $0x200, s18  }
0x9: {  	s24 =	sor.u32 $0x280, s18;
	s26 =	sor.u32 $0x300, s18;
	s25 =	sor.u32 $0x380, s18  }
0xa: {  	s28 =	sor.u32 $0x400, s18;
	s29 =	sor.u32 $0x480, s18;
	s30 =	sor.u32 $0x500, s18  }
0xb: {  	s31 =	sor.u32 $0x580, s18;
	s4 =	sor.u32 $0x600, s18;
	[dreg:$0xf] =	wrdreg s1  }
0xc: {  	s6 =	sor.u32 $0x680, s18;
	s5 =	sadd.s32 $0x14600, s20;
	[dreg:$0x3] =	wrdreg s3  }
0xd: {  	[dreg:$0x4] =	wrdreg s8;
	s9 =	sshll.u32 s19, $0x4;
	s10 =	sshll.u32 s21, $0x4  }
0xe: {  	s7 =	sshll.u32 s23, $0x4;
	s13 =	sshll.u32 s22, $0x4;
	s8 =	sshll.u32 s24, $0x4  }
0xf: {  	s16 =	sshll.u32 s25, $0x4;
	s1 =	sshll.u32 s21, $0x1;
	s3 =	sadd.s32 s2, s9  }
0x10: {  	s11 =	sadd.s32 s2, s10;
	s12 =	sadd.s32 s2, s7;
	s14 =	sadd.s32 s2, s13  }
0x11: {  	s9 =	sshll.u32 s26, $0x4;
	s8 =	sadd.s32 s2, s8;
	[dreg:$0x5] =	wrdreg s3  }
0x12: {  	s10 =	sshll.u32 s28, $0x4;
	s13 =	sshll.u32 s31, $0x4;
	[dreg:$0x6] =	wrdreg s11  }
0x13: {  	s7 =	sor.u32 $0x780, s18;
	s21 =	sadd.s32 s5, s1;
	[dreg:$0x7] =	wrdreg s12  }
0x14: {  	s1 =	sshll.u32 s24, $0x1;
	[dreg:$0x8] =	wrdreg s14;
	s15 =	sadd.s32 s2, s9  }
0x15: {  	s9 =	sadd.s32 s2, s16;
	s11 =	sshll.u32 s29, $0x4;
	s10 =	sadd.s32 s2, s10  }
0x16: {  	s12 =	sshll.u32 s30, $0x4;
	s14 =	sshll.u32 s4, $0x4;
	s13 =	sadd.s32 s2, s13  }
0x17: {  	s3 =	sor.u32 $0x700, s18;
	s16 =	simm.s32 $0x0;
	s18 =	sshll.u32 s7, $0x4  }
0x18: {  	s24 =	sadd.s32 s5, s1;
	s1 =	sshll.u32 s29, $0x1;
	[dreg:$0xa] =	wrdreg s15  }
0x19: {  	s11 =	sadd.s32 s2, s11;
	s12 =	sadd.s32 s2, s12;
	s14 =	sadd.s32 s2, s14  }
0x1a: {  	s15 =	sshll.u32 s6, $0x4;
	s17 =	sshll.u32 s3, $0x4;
	s18 =	sadd.s32 s2, s18  }
0x1b: {  	[smem:$0x7FF] =	sst s16;
	s29 =	sadd.s32 s5, s1;
	s1 =	sshll.u32 s4, $0x1  }
0x1c: {  	s3 =	sshll.u32 s3, $0x1;
	s4 =	sshll.u32 s7, $0x1;
	s15 =	sadd.s32 s2, s15  }
0x1d: {  	s17 =	sadd.s32 s2, s17;
	s2 =	sshll.u32 s19, $0x1;
	s19 =	sadd.s32 s5, s0  }
0x1e: {  	_ =	strace $0x80000047;
	s20 =	sadd.s32 s5, s2;
	s2 =	sshll.u32 s23, $0x1  }
0x1f: {  	s23 =	sshll.u32 s22, $0x1;
	s22 =	sadd.s32 s5, s2;
	s2 =	sshll.u32 s26, $0x1  }
0x20: {  	s26 =	sshll.u32 s25, $0x1;
	s25 =	sadd.s32 s5, s2;
	s2 =	sshll.u32 s28, $0x1  }
0x21: {  	[dreg:$0x9] =	wrdreg s8;
	s28 =	sadd.s32 s5, s2;
	s2 =	sshll.u32 s30, $0x1  }
0x22: {  	[dreg:$0xb] =	wrdreg s9;
	s30 =	sadd.s32 s5, s2;
	s2 =	sshll.u32 s31, $0x1  }
0x23: {  	s7 =	rddreg [dreg:$0xf];
	s31 =	sadd.s32 s5, s2;
	s2 =	sshll.u32 s6, $0x1  }
0x24: {  	s0 =	sadd.s32 s5, s1;
	s6 =	rddreg [dreg:$0x0];
	s1 =	sadd.s32 s5, s2  }
0x25: {  	s2 =	sadd.s32 s5, s3;
	s3 =	sadd.s32 s5, s4;
	s4 =	sadd.s32 $0x2600, s6  }
0x26: {  	s23 =	sadd.s32 s5, s23;
	[dreg:$0xc] =	wrdreg s4;
	s4 =	smax.u32 s7, $0x1  }
0x27: {  	s26 =	sadd.s32 s5, s26;
	s6 =	simm.s32 $0x0;
	[dreg:$0xd] =	wrdreg s4  }
.LBB2_1:
0x28: {  	[dreg:$0xe] =	wrdreg s6  }
0x29: {  	s4 =	rddreg [dreg:$0x3];
	s8 =	simm.s32 $0x5  }
0x2a: {  	[tilespmem:s16], [sflag:$0x5] =	stream.linear.gather [hbm4b:s4+s16], $0x800, $0x38;
	[tilespmem:$0x9800] =	vst v63  }
0x2b: {  	_ =	swait.ge [sflag:s8], $0x800  }
0x2c: {  	s5 =	simm.s32 $0x80;
	[sflag:s8] =	ssyncset.done $0x0  }
0x2d: {  	s7 =	simm.s32 $0x800;
	s9 =	rddreg [dreg:$0xc];
	[sflag:s8] =	ssyncadd.s32 $0xFFFFF800  }
0x2e: {  	[tilespmem:s7], [sflag:$0x1] =	stream.indirect.gather [hbm4b:s9+s5], $0x90, s16, s5, $0xb8;
	[tilespmem:$0x9800] =	vst v63  }
0x2f: {  	s8 =	simm.s32 $0x5000  }
0x30: {  	[tilespmem:s8], [sflag:$0x2] =	stream.indirect.gather [hbm4b:s9+s5], $0x90, s5, s5, $0xb8;
	[tilespmem:$0x9800] =	vst v63  }
0x31: {  	s9 =	simm.s32 $0x1  }
0x32: {  	s6 =	simm.s32 $0x800;
	_ =	swait.ge [sflag:s9], $0x4800  }
0x33: {  	s4 =	simm.s32 $0x10;
	[sflag:s9] =	ssyncset.done $0x0;
	s8 =	rddreg [dreg:$0x4]  }
0x34: {  	s5 =	simm.s32 $0x890;
	[sflag:s9] =	ssyncadd.s32 $0xFFFFB800;
	s7 =	sadd.s32 $0x0, s8  }
.LBB2_2:
0x35: {  	[hbm4b:s7+s16] =	stream.linear.scatter [tilespmem:s6], [sflag:$0x3], $0x80, $0x38;
	[tilespmem:$0x9800] =	vst v63  }
0x36: {  	s7 =	smov.u32 s4;
	s6 =	smov.u32 s5;
	p0 =	sne.s32 s4, $0x7F0  }
.Ltmp0:
0x37: {  	s4 =	sadd.s32 $0x10, s4;
	(pc) =	sbr.rel @p0 .LBB2_2-.Ltmp0, $2  }
0x38: {  	_ =	sdelay $0x2  }
0x39: {  	s5 =	sadd.s32 $0x90, s5;
	s7 =	sadd.s32 s7, s8  }
0x3a: {  	[hbm4b:s7+s16] =	stream.linear.scatter [tilespmem:s6], [sflag:$0x3], $0x80, $0x38;
	[tilespmem:$0x9800] =	vst v63  }
0x3b: {  	s4 =	simm.s32 $0x880  }
0x3c: {  	s5 =	simm.s32 $0x2;
	s7 =	sadd.s32 $0x0, s19;
	s6 =	simm.s32 $0x910  }
.LBB2_4:
0x3d: {  	[hbm4b:s7+s16] =	stream.linear.scatter [tilespmem:s4], [sflag:$0x3], $0x10, $0x38;
	[tilespmem:$0x9800] =	vst v63  }
0x3e: {  	s7 =	smov.u32 s5;
	s4 =	smov.u32 s6;
	p0 =	sne.s32 s5, $0xFE  }
.Ltmp1:
0x3f: {  	s5 =	sadd.s32 $0x2, s5;
	(pc) =	sbr.rel @p0 .LBB2_4-.Ltmp1, $2  }
0x40: {  	_ =	sdelay $0x2  }
0x41: {  	s6 =	sadd.s32 $0x90, s6;
	s7 =	sadd.s32 s7, s19  }
0x42: {  	[hbm4b:s7+s16] =	stream.linear.scatter [tilespmem:s4], [sflag:$0x3], $0x10, $0x38;
	[tilespmem:$0x9800] =	vst v63  }
0x43: {  	s6 =	simm.s32 $0x3  }
0x44: {  	_ =	swait.ge [sflag:s6], $0x4000  }
0x45: {  	[sflag:s6] =	ssyncset.done $0x0  }
0x46: {  	[sflag:s6] =	ssyncadd.s32 $0xFFFFC000  }
0x47: {  	s5 =	simm.s32 $0x80;
	_ =	swait.ge [sflag:s6], $0x800  }
0x48: {  	s8 =	simm.s32 $0x800;
	s9 =	simm.s32 $0x2;
	[sflag:s6] =	ssyncset.done $0x0  }
0x49: {  	s7 =	rddreg [dreg:$0xc];
	[sflag:s6] =	ssyncadd.s32 $0xFFFFF800;
	s6 =	simm.s32 $0x100  }
0x4a: {  	[tilespmem:s8], [sflag:$0x1] =	stream.indirect.gather [hbm4b:s7+s5], $0x90, s6, s5, $0xb8;
	[tilespmem:$0x9800] =	vst v63  }
0x4b: {  	s4 =	simm.s32 $0x5000;
	_ =	swait.ge [sflag:s9], $0x4800  }
0x4c: {  	s5 =	simm.s32 $0x10;
	[sflag:s9] =	ssyncset.done $0x0;
	s8 =	rddreg [dreg:$0x5]  }
0x4d: {  	s6 =	simm.s32 $0x5090;
	[sflag:s9] =	ssyncadd.s32 $0xFFFFB800;
	s7 =	sadd.s32 $0x0, s8  }
.LBB2_6:
0x4e: {  	[hbm4b:s7+s16] =	stream.linear.scatter [tilespmem:s4], [sflag:$0x4], $0x80, $0x38;
	[tilespmem:$0x9800] =	vst v63  }
0x4f: {  	s7 =	smov.u32 s5;
	s4 =	smov.u32 s6;
	p0 =	sne.s32 s5, $0x7F0  }
.Ltmp2:
0x50: {  	s5 =	sadd.s32 $0x10, s5;
	(pc) =	sbr.rel @p0 .LBB2_6-.Ltmp2, $2  }
0x51: {  	_ =	sdelay $0x2  }
0x52: {  	s6 =	sadd.s32 $0x90, s6;
	s7 =	sadd.s32 s7, s8  }
0x53: {  	[hbm4b:s7+s16] =	stream.linear.scatter [tilespmem:s4], [sflag:$0x4], $0x80, $0x38;
	[tilespmem:$0x9800] =	vst v63  }
0x54: {  	s4 =	simm.s32 $0x5080  }
0x55: {  	s5 =	simm.s32 $0x2;
	s7 =	sadd.s32 $0x0, s20;
	s6 =	simm.s32 $0x5110  }
.LBB2_8:
0x56: {  	[hbm4b:s7+s16] =	stream.linear.scatter [tilespmem:s4], [sflag:$0x4], $0x10, $0x38;
	[tilespmem:$0x9800] =	vst v63  }
0x57: {  	s7 =	smov.u32 s5;
	s4 =	smov.u32 s6;
	p0 =	sne.s32 s5, $0xFE  }
.Ltmp3:
0x58: {  	s5 =	sadd.s32 $0x2, s5;
	(pc) =	sbr.rel @p0 .LBB2_8-.Ltmp3, $2  }
0x59: {  	_ =	sdelay $0x2  }
0x5a: {  	s6 =	sadd.s32 $0x90, s6;
	s7 =	sadd.s32 s7, s20  }
0x5b: {  	[hbm4b:s7+s16] =	stream.linear.scatter [tilespmem:s4], [sflag:$0x4], $0x10, $0x38;
	[tilespmem:$0x9800] =	vst v63  }
0x5c: {  	s6 =	simm.s32 $0x4  }
0x5d: {  	_ =	swait.ge [sflag:s6], $0x4000  }
0x5e: {  	[sflag:s6] =	ssyncset.done $0x0  }
0x5f: {  	[sflag:s6] =	ssyncadd.s32 $0xFFFFC000  }
0x60: {  	s5 =	simm.s32 $0x80;
	_ =	swait.ge [sflag:s6], $0x800  }
0x61: {  	s8 =	simm.s32 $0x180;
	s9 =	simm.s32 $0x1;
	[sflag:s6] =	ssyncset.done $0x0  }
0x62: {  	s7 =	rddreg [dreg:$0xc];
	[sflag:s6] =	ssyncadd.s32 $0xFFFFF800;
	s6 =	simm.s32 $0x5000  }
0x63: {  	[tilespmem:s6], [sflag:$0x2] =	stream.indirect.gather [hbm4b:s7+s5], $0x90, s8, s5, $0xb8;
	[tilespmem:$0x9800] =	vst v63  }
0x64: {  	s4 =	simm.s32 $0x800;
	_ =	swait.ge [sflag:s9], $0x4800  }
0x65: {  	s5 =	simm.s32 $0x10;
	[sflag:s9] =	ssyncset.done $0x0;
	s8 =	rddreg [dreg:$0x6]  }
0x66: {  	s6 =	simm.s32 $0x890;
	[sflag:s9] =	ssyncadd.s32 $0xFFFFB800;
	s7 =	sadd.s32 $0x0, s8  }
.LBB2_10:
0x67: {  	[hbm4b:s7+s16] =	stream.linear.scatter [tilespmem:s4], [sflag:$0x3], $0x80, $0x38;
	[tilespmem:$0x9800] =	vst v63  }
0x68: {  	s7 =	smov.u32 s5;
	s4 =	smov.u32 s6;
	p0 =	sne.s32 s5, $0x7F0  }
.Ltmp4:
0x69: {  	s5 =	sadd.s32 $0x10, s5;
	(pc) =	sbr.rel @p0 .LBB2_10-.Ltmp4, $2  }
0x6a: {  	_ =	sdelay $0x2  }
0x6b: {  	s6 =	sadd.s32 $0x90, s6;
	s7 =	sadd.s32 s7, s8  }
0x6c: {  	[hbm4b:s7+s16] =	stream.linear.scatter [tilespmem:s4], [sflag:$0x3], $0x80, $0x38;
	[tilespmem:$0x9800] =	vst v63  }
0x6d: {  	s4 =	simm.s32 $0x880  }
0x6e: {  	s5 =	simm.s32 $0x2;
	s7 =	sadd.s32 $0x0, s21;
	s6 =	simm.s32 $0x910  }
.LBB2_12:
0x6f: {  	[hbm4b:s7+s16] =	stream.linear.scatter [tilespmem:s4], [sflag:$0x3], $0x10, $0x38;
	[tilespmem:$0x9800] =	vst v63  }
0x70: {  	s7 =	smov.u32 s5;
	s4 =	smov.u32 s6;
	p0 =	sne.s32 s5, $0xFE  }
.Ltmp5:
0x71: {  	s5 =	sadd.s32 $0x2, s5;
	(pc) =	sbr.rel @p0 .LBB2_12-.Ltmp5, $2  }
0x72: {  	_ =	sdelay $0x2  }
0x73: {  	s6 =	sadd.s32 $0x90, s6;
	s7 =	sadd.s32 s7, s21  }
0x74: {  	[hbm4b:s7+s16] =	stream.linear.scatter [tilespmem:s4], [sflag:$0x3], $0x10, $0x38;
	[tilespmem:$0x9800] =	vst v63  }
0x75: {  	s6 =	simm.s32 $0x3  }
0x76: {  	_ =	swait.ge [sflag:s6], $0x4000  }
0x77: {  	[sflag:s6] =	ssyncset.done $0x0  }
0x78: {  	[sflag:s6] =	ssyncadd.s32 $0xFFFFC000  }
0x79: {  	s5 =	simm.s32 $0x80;
	_ =	swait.ge [sflag:s6], $0x800  }
0x7a: {  	s8 =	simm.s32 $0x200;
	s9 =	simm.s32 $0x2;
	[sflag:s6] =	ssyncset.done $0x0  }
0x7b: {  	s7 =	rddreg [dreg:$0xc];
	[sflag:s6] =	ssyncadd.s32 $0xFFFFF800;
	s6 =	simm.s32 $0x800  }
0x7c: {  	[tilespmem:s6], [sflag:$0x1] =	stream.indirect.gather [hbm4b:s7+s5], $0x90, s8, s5, $0xb8;
	[tilespmem:$0x9800] =	vst v63  }
0x7d: {  	s4 =	simm.s32 $0x5000;
	_ =	swait.ge [sflag:s9], $0x4800  }
0x7e: {  	s5 =	simm.s32 $0x10;
	[sflag:s9] =	ssyncset.done $0x0;
	s8 =	rddreg [dreg:$0x7]  }
0x7f: {  	s6 =	simm.s32 $0x5090;
	[sflag:s9] =	ssyncadd.s32 $0xFFFFB800;
	s7 =	sadd.s32 $0x0, s8  }
.LBB2_14:
0x80: {  	[hbm4b:s7+s16] =	stream.linear.scatter [tilespmem:s4], [sflag:$0x4], $0x80, $0x38;
	[tilespmem:$0x9800] =	vst v63  }
0x81: {  	s7 =	smov.u32 s5;
	s4 =	smov.u32 s6;
	p0 =	sne.s32 s5, $0x7F0  }
.Ltmp6:
0x82: {  	s5 =	sadd.s32 $0x10, s5;
	(pc) =	sbr.rel @p0 .LBB2_14-.Ltmp6, $2  }
0x83: {  	_ =	sdelay $0x2  }
0x84: {  	s6 =	sadd.s32 $0x90, s6;
	s7 =	sadd.s32 s7, s8  }
0x85: {  	[hbm4b:s7+s16] =	stream.linear.scatter [tilespmem:s4], [sflag:$0x4], $0x80, $0x38;
	[tilespmem:$0x9800] =	vst v63  }
0x86: {  	s4 =	simm.s32 $0x5080  }
0x87: {  	s5 =	simm.s32 $0x2;
	s7 =	sadd.s32 $0x0, s22;
	s6 =	simm.s32 $0x5110  }
.LBB2_16:
0x88: {  	[hbm4b:s7+s16] =	stream.linear.scatter [tilespmem:s4], [sflag:$0x4], $0x10, $0x38;
	[tilespmem:$0x9800] =	vst v63  }
0x89: {  	s7 =	smov.u32 s5;
	s4 =	smov.u32 s6;
	p0 =	sne.s32 s5, $0xFE  }
.Ltmp7:
0x8a: {  	s5 =	sadd.s32 $0x2, s5;
	(pc) =	sbr.rel @p0 .LBB2_16-.Ltmp7, $2  }
0x8b: {  	_ =	sdelay $0x2  }
0x8c: {  	s6 =	sadd.s32 $0x90, s6;
	s7 =	sadd.s32 s7, s22  }
0x8d: {  	[hbm4b:s7+s16] =	stream.linear.scatter [tilespmem:s4], [sflag:$0x4], $0x10, $0x38;
	[tilespmem:$0x9800] =	vst v63  }
0x8e: {  	s6 =	simm.s32 $0x4  }
0x8f: {  	_ =	swait.ge [sflag:s6], $0x4000  }
0x90: {  	[sflag:s6] =	ssyncset.done $0x0  }
0x91: {  	[sflag:s6] =	ssyncadd.s32 $0xFFFFC000  }
0x92: {  	s5 =	simm.s32 $0x80;
	_ =	swait.ge [sflag:s6], $0x800  }
0x93: {  	s8 =	simm.s32 $0x280;
	s9 =	simm.s32 $0x1;
	[sflag:s6] =	ssyncset.done $0x0  }
0x94: {  	s7 =	rddreg [dreg:$0xc];
	[sflag:s6] =	ssyncadd.s32 $0xFFFFF800;
	s6 =	simm.s32 $0x5000  }
0x95: {  	[tilespmem:s6], [sflag:$0x2] =	stream.indirect.gather [hbm4b:s7+s5], $0x90, s8, s5, $0xb8;
	[tilespmem:$0x9800] =	vst v63  }
0x96: {  	s4 =	simm.s32 $0x800;
	_ =	swait.ge [sflag:s9], $0x4800  }
0x97: {  	s5 =	simm.s32 $0x10;
	[sflag:s9] =	ssyncset.done $0x0;
	s8 =	rddreg [dreg:$0x8]  }
0x98: {  	s6 =	simm.s32 $0x890;
	[sflag:s9] =	ssyncadd.s32 $0xFFFFB800;
	s7 =	sadd.s32 $0x0, s8  }
.LBB2_18:
0x99: {  	[hbm4b:s7+s16] =	stream.linear.scatter [tilespmem:s4], [sflag:$0x3], $0x80, $0x38;
	[tilespmem:$0x9800] =	vst v63  }
0x9a: {  	s7 =	smov.u32 s5;
	s4 =	smov.u32 s6;
	p0 =	sne.s32 s5, $0x7F0  }
.Ltmp8:
0x9b: {  	s5 =	sadd.s32 $0x10, s5;
	(pc) =	sbr.rel @p0 .LBB2_18-.Ltmp8, $2  }
0x9c: {  	_ =	sdelay $0x2  }
0x9d: {  	s6 =	sadd.s32 $0x90, s6;
	s7 =	sadd.s32 s7, s8  }
0x9e: {  	[hbm4b:s7+s16] =	stream.linear.scatter [tilespmem:s4], [sflag:$0x3], $0x80, $0x38;
	[tilespmem:$0x9800] =	vst v63  }
0x9f: {  	s4 =	simm.s32 $0x880  }
0xa0: {  	s5 =	simm.s32 $0x2;
	s7 =	sadd.s32 $0x0, s23;
	s6 =	simm.s32 $0x910  }
.LBB2_20:
0xa1: {  	[hbm4b:s7+s16] =	stream.linear.scatter [tilespmem:s4], [sflag:$0x3], $0x10, $0x38;
	[tilespmem:$0x9800] =	vst v63  }
0xa2: {  	s7 =	smov.u32 s5;
	s4 =	smov.u32 s6;
	p0 =	sne.s32 s5, $0xFE  }
.Ltmp9:
0xa3: {  	s5 =	sadd.s32 $0x2, s5;
	(pc) =	sbr.rel @p0 .LBB2_20-.Ltmp9, $2  }
0xa4: {  	_ =	sdelay $0x2  }
0xa5: {  	s6 =	sadd.s32 $0x90, s6;
	s7 =	sadd.s32 s7, s23  }
0xa6: {  	[hbm4b:s7+s16] =	stream.linear.scatter [tilespmem:s4], [sflag:$0x3], $0x10, $0x38;
	[tilespmem:$0x9800] =	vst v63  }
0xa7: {  	s6 =	simm.s32 $0x3  }
0xa8: {  	_ =	swait.ge [sflag:s6], $0x4000  }
0xa9: {  	[sflag:s6] =	ssyncset.done $0x0  }
0xaa: {  	[sflag:s6] =	ssyncadd.s32 $0xFFFFC000  }
0xab: {  	s5 =	simm.s32 $0x80;
	_ =	swait.ge [sflag:s6], $0x800  }
0xac: {  	s8 =	simm.s32 $0x300;
	s9 =	simm.s32 $0x2;
	[sflag:s6] =	ssyncset.done $0x0  }
0xad: {  	s7 =	rddreg [dreg:$0xc];
	[sflag:s6] =	ssyncadd.s32 $0xFFFFF800;
	s6 =	simm.s32 $0x800  }
0xae: {  	[tilespmem:s6], [sflag:$0x1] =	stream.indirect.gather [hbm4b:s7+s5], $0x90, s8, s5, $0xb8;
	[tilespmem:$0x9800] =	vst v63  }
0xaf: {  	s4 =	simm.s32 $0x5000;
	_ =	swait.ge [sflag:s9], $0x4800  }
0xb0: {  	s5 =	simm.s32 $0x10;
	[sflag:s9] =	ssyncset.done $0x0;
	s8 =	rddreg [dreg:$0x9]  }
0xb1: {  	s6 =	simm.s32 $0x5090;
	[sflag:s9] =	ssyncadd.s32 $0xFFFFB800;
	s7 =	sadd.s32 $0x0, s8  }
.LBB2_22:
0xb2: {  	[hbm4b:s7+s16] =	stream.linear.scatter [tilespmem:s4], [sflag:$0x4], $0x80, $0x38;
	[tilespmem:$0x9800] =	vst v63  }
0xb3: {  	s7 =	smov.u32 s5;
	s4 =	smov.u32 s6;
	p0 =	sne.s32 s5, $0x7F0  }
.Ltmp10:
0xb4: {  	s5 =	sadd.s32 $0x10, s5;
	(pc) =	sbr.rel @p0 .LBB2_22-.Ltmp10, $2  }
0xb5: {  	_ =	sdelay $0x2  }
0xb6: {  	s6 =	sadd.s32 $0x90, s6;
	s7 =	sadd.s32 s7, s8  }
0xb7: {  	[hbm4b:s7+s16] =	stream.linear.scatter [tilespmem:s4], [sflag:$0x4], $0x80, $0x38;
	[tilespmem:$0x9800] =	vst v63  }
0xb8: {  	s4 =	simm.s32 $0x5080  }
0xb9: {  	s5 =	simm.s32 $0x2;
	s7 =	sadd.s32 $0x0, s24;
	s6 =	simm.s32 $0x5110  }
.LBB2_24:
0xba: {  	[hbm4b:s7+s16] =	stream.linear.scatter [tilespmem:s4], [sflag:$0x4], $0x10, $0x38;
	[tilespmem:$0x9800] =	vst v63  }
0xbb: {  	s7 =	smov.u32 s5;
	s4 =	smov.u32 s6;
	p0 =	sne.s32 s5, $0xFE  }
.Ltmp11:
0xbc: {  	s5 =	sadd.s32 $0x2, s5;
	(pc) =	sbr.rel @p0 .LBB2_24-.Ltmp11, $2  }
0xbd: {  	_ =	sdelay $0x2  }
0xbe: {  	s6 =	sadd.s32 $0x90, s6;
	s7 =	sadd.s32 s7, s24  }
0xbf: {  	[hbm4b:s7+s16] =	stream.linear.scatter [tilespmem:s4], [sflag:$0x4], $0x10, $0x38;
	[tilespmem:$0x9800] =	vst v63  }
0xc0: {  	s6 =	simm.s32 $0x4  }
0xc1: {  	_ =	swait.ge [sflag:s6], $0x4000  }
0xc2: {  	[sflag:s6] =	ssyncset.done $0x0  }
0xc3: {  	[sflag:s6] =	ssyncadd.s32 $0xFFFFC000  }
0xc4: {  	s5 =	simm.s32 $0x80;
	_ =	swait.ge [sflag:s6], $0x800  }
0xc5: {  	s8 =	simm.s32 $0x380;
	s9 =	simm.s32 $0x1;
	[sflag:s6] =	ssyncset.done $0x0  }
0xc6: {  	s7 =	rddreg [dreg:$0xc];
	[sflag:s6] =	ssyncadd.s32 $0xFFFFF800;
	s6 =	simm.s32 $0x5000  }
0xc7: {  	[tilespmem:s6], [sflag:$0x2] =	stream.indirect.gather [hbm4b:s7+s5], $0x90, s8, s5, $0xb8;
	[tilespmem:$0x9800] =	vst v63  }
0xc8: {  	_ =	swait.ge [sflag:s9], $0x4800  }
0xc9: {  	[sflag:s9] =	ssyncset.done $0x0  }
0xca: {  	s4 =	simm.s32 $0x800;
	[sflag:s9] =	ssyncadd.s32 $0xFFFFB800;
	s9 =	rddreg [dreg:$0xa]  }
0xcb: {  	s5 =	simm.s32 $0x10;
	s6 =	simm.s32 $0x890;
	s7 =	sadd.s32 $0x0, s9  }
.LBB2_26:
0xcc: {  	[hbm4b:s7+s16] =	stream.linear.scatter [tilespmem:s4], [sflag:$0x3], $0x80, $0x38;
	[tilespmem:$0x9800] =	vst v63  }
0xcd: {  	s7 =	smov.u32 s5;
	s4 =	smov.u32 s6;
	p0 =	sne.s32 s5, $0x7F0  }
.Ltmp12:
0xce: {  	s5 =	sadd.s32 $0x10, s5;
	(pc) =	sbr.rel @p0 .LBB2_26-.Ltmp12, $2  }
0xcf: {  	_ =	sdelay $0x2  }
0xd0: {  	s6 =	sadd.s32 $0x90, s6;
	s7 =	sadd.s32 s7, s9  }
0xd1: {  	[hbm4b:s7+s16] =	stream.linear.scatter [tilespmem:s4], [sflag:$0x3], $0x80, $0x38;
	[tilespmem:$0x9800] =	vst v63  }
0xd2: {  	s4 =	simm.s32 $0x880  }
0xd3: {  	s5 =	simm.s32 $0x2;
	s7 =	sadd.s32 $0x0, s25;
	s6 =	simm.s32 $0x910  }
.LBB2_28:
0xd4: {  	[hbm4b:s7+s16] =	stream.linear.scatter [tilespmem:s4], [sflag:$0x3], $0x10, $0x38;
	[tilespmem:$0x9800] =	vst v63  }
0xd5: {  	s7 =	smov.u32 s5;
	s4 =	smov.u32 s6;
	p0 =	sne.s32 s5, $0xFE  }
.Ltmp13:
0xd6: {  	s5 =	sadd.s32 $0x2, s5;
	(pc) =	sbr.rel @p0 .LBB2_28-.Ltmp13, $2  }
0xd7: {  	_ =	sdelay $0x2  }
0xd8: {  	s6 =	sadd.s32 $0x90, s6;
	s7 =	sadd.s32 s7, s25  }
0xd9: {  	[hbm4b:s7+s16] =	stream.linear.scatter [tilespmem:s4], [sflag:$0x3], $0x10, $0x38;
	[tilespmem:$0x9800] =	vst v63  }
0xda: {  	s6 =	simm.s32 $0x3  }
0xdb: {  	_ =	swait.ge [sflag:s6], $0x4000  }
0xdc: {  	[sflag:s6] =	ssyncset.done $0x0  }
0xdd: {  	[sflag:s6] =	ssyncadd.s32 $0xFFFFC000  }
0xde: {  	s5 =	simm.s32 $0x80;
	_ =	swait.ge [sflag:s6], $0x800  }
0xdf: {  	s8 =	simm.s32 $0x400;
	s9 =	simm.s32 $0x2;
	[sflag:s6] =	ssyncset.done $0x0  }
0xe0: {  	s7 =	rddreg [dreg:$0xc];
	[sflag:s6] =	ssyncadd.s32 $0xFFFFF800;
	s6 =	simm.s32 $0x800  }
0xe1: {  	[tilespmem:s6], [sflag:$0x1] =	stream.indirect.gather [hbm4b:s7+s5], $0x90, s8, s5, $0xb8;
	[tilespmem:$0x9800] =	vst v63  }
0xe2: {  	_ =	swait.ge [sflag:s9], $0x4800  }
0xe3: {  	[sflag:s9] =	ssyncset.done $0x0  }
0xe4: {  	s4 =	simm.s32 $0x5000;
	[sflag:s9] =	ssyncadd.s32 $0xFFFFB800;
	s9 =	rddreg [dreg:$0xb]  }
0xe5: {  	s5 =	simm.s32 $0x10;
	s6 =	simm.s32 $0x5090;
	s7 =	sadd.s32 $0x0, s9  }
.LBB2_30:
0xe6: {  	[hbm4b:s7+s16] =	stream.linear.scatter [tilespmem:s4], [sflag:$0x4], $0x80, $0x38;
	[tilespmem:$0x9800] =	vst v63  }
0xe7: {  	s7 =	smov.u32 s5;
	s4 =	smov.u32 s6;
	p0 =	sne.s32 s5, $0x7F0  }
.Ltmp14:
0xe8: {  	s5 =	sadd.s32 $0x10, s5;
	(pc) =	sbr.rel @p0 .LBB2_30-.Ltmp14, $2  }
0xe9: {  	_ =	sdelay $0x2  }
0xea: {  	s6 =	sadd.s32 $0x90, s6;
	s7 =	sadd.s32 s7, s9  }
0xeb: {  	[hbm4b:s7+s16] =	stream.linear.scatter [tilespmem:s4], [sflag:$0x4], $0x80, $0x38;
	[tilespmem:$0x9800] =	vst v63  }
0xec: {  	s4 =	simm.s32 $0x5080  }
0xed: {  	s5 =	simm.s32 $0x2;
	s7 =	sadd.s32 $0x0, s26;
	s6 =	simm.s32 $0x5110  }
.LBB2_32:
0xee: {  	[hbm4b:s7+s16] =	stream.linear.scatter [tilespmem:s4], [sflag:$0x4], $0x10, $0x38;
	[tilespmem:$0x9800] =	vst v63  }
0xef: {  	s7 =	smov.u32 s5;
	s4 =	smov.u32 s6;
	p0 =	sne.s32 s5, $0xFE  }
.Ltmp15:
0xf0: {  	s5 =	sadd.s32 $0x2, s5;
	(pc) =	sbr.rel @p0 .LBB2_32-.Ltmp15, $2  }
0xf1: {  	_ =	sdelay $0x2  }
0xf2: {  	s6 =	sadd.s32 $0x90, s6;
	s7 =	sadd.s32 s7, s26  }
0xf3: {  	[hbm4b:s7+s16] =	stream.linear.scatter [tilespmem:s4], [sflag:$0x4], $0x10, $0x38;
	[tilespmem:$0x9800] =	vst v63  }
0xf4: {  	s6 =	simm.s32 $0x4  }
0xf5: {  	_ =	swait.ge [sflag:s6], $0x4000  }
0xf6: {  	[sflag:s6] =	ssyncset.done $0x0  }
0xf7: {  	[sflag:s6] =	ssyncadd.s32 $0xFFFFC000  }
0xf8: {  	s5 =	simm.s32 $0x80;
	_ =	swait.ge [sflag:s6], $0x800  }
0xf9: {  	s8 =	simm.s32 $0x480;
	s9 =	simm.s32 $0x1;
	[sflag:s6] =	ssyncset.done $0x0  }
0xfa: {  	s7 =	rddreg [dreg:$0xc];
	[sflag:s6] =	ssyncadd.s32 $0xFFFFF800;
	s6 =	simm.s32 $0x5000  }
0xfb: {  	[tilespmem:s6], [sflag:$0x2] =	stream.indirect.gather [hbm4b:s7+s5], $0x90, s8, s5, $0xb8;
	[tilespmem:$0x9800] =	vst v63  }
0xfc: {  	_ =	swait.ge [sflag:s9], $0x4800  }
0xfd: {  	s4 =	simm.s32 $0x800;
	s5 =	simm.s32 $0x10;
	[sflag:s9] =	ssyncset.done $0x0  }
0xfe: {  	s7 =	sadd.s32 $0x0, s10;
	s6 =	simm.s32 $0x890;
	[sflag:s9] =	ssyncadd.s32 $0xFFFFB800  }
.LBB2_34:
0xff: {  	[hbm4b:s7+s16] =	stream.linear.scatter [tilespmem:s4], [sflag:$0x3], $0x80, $0x38;
	[tilespmem:$0x9800] =	vst v63  }
0x100: {  	s7 =	smov.u32 s5;
	s4 =	smov.u32 s6;
	p0 =	sne.s32 s5, $0x7F0  }
.Ltmp16:
0x101: {  	s5 =	sadd.s32 $0x10, s5;
	(pc) =	sbr.rel @p0 .LBB2_34-.Ltmp16, $2  }
0x102: {  	_ =	sdelay $0x2  }
0x103: {  	s6 =	sadd.s32 $0x90, s6;
	s7 =	sadd.s32 s7, s10  }
0x104: {  	[hbm4b:s7+s16] =	stream.linear.scatter [tilespmem:s4], [sflag:$0x3], $0x80, $0x38;
	[tilespmem:$0x9800] =	vst v63  }
0x105: {  	s4 =	simm.s32 $0x880  }
0x106: {  	s5 =	simm.s32 $0x2;
	s7 =	sadd.s32 $0x0, s28;
	s6 =	simm.s32 $0x910  }
.LBB2_36:
0x107: {  	[hbm4b:s7+s16] =	stream.linear.scatter [tilespmem:s4], [sflag:$0x3], $0x10, $0x38;
	[tilespmem:$0x9800] =	vst v63  }
0x108: {  	s7 =	smov.u32 s5;
	s4 =	smov.u32 s6;
	p0 =	sne.s32 s5, $0xFE  }
.Ltmp17:
0x109: {  	s5 =	sadd.s32 $0x2, s5;
	(pc) =	sbr.rel @p0 .LBB2_36-.Ltmp17, $2  }
0x10a: {  	_ =	sdelay $0x2  }
0x10b: {  	s6 =	sadd.s32 $0x90, s6;
	s7 =	sadd.s32 s7, s28  }
0x10c: {  	[hbm4b:s7+s16] =	stream.linear.scatter [tilespmem:s4], [sflag:$0x3], $0x10, $0x38;
	[tilespmem:$0x9800] =	vst v63  }
0x10d: {  	s6 =	simm.s32 $0x3  }
0x10e: {  	_ =	swait.ge [sflag:s6], $0x4000  }
0x10f: {  	[sflag:s6] =	ssyncset.done $0x0  }
0x110: {  	[sflag:s6] =	ssyncadd.s32 $0xFFFFC000  }
0x111: {  	s5 =	simm.s32 $0x80;
	_ =	swait.ge [sflag:s6], $0x800  }
0x112: {  	s8 =	simm.s32 $0x500;
	s9 =	simm.s32 $0x2;
	[sflag:s6] =	ssyncset.done $0x0  }
0x113: {  	s7 =	rddreg [dreg:$0xc];
	[sflag:s6] =	ssyncadd.s32 $0xFFFFF800;
	s6 =	simm.s32 $0x800  }
0x114: {  	[tilespmem:s6], [sflag:$0x1] =	stream.indirect.gather [hbm4b:s7+s5], $0x90, s8, s5, $0xb8;
	[tilespmem:$0x9800] =	vst v63  }
0x115: {  	_ =	swait.ge [sflag:s9], $0x4800  }
0x116: {  	s4 =	simm.s32 $0x5000;
	s5 =	simm.s32 $0x10;
	[sflag:s9] =	ssyncset.done $0x0  }
0x117: {  	s7 =	sadd.s32 $0x0, s11;
	s6 =	simm.s32 $0x5090;
	[sflag:s9] =	ssyncadd.s32 $0xFFFFB800  }
.LBB2_38:
0x118: {  	[hbm4b:s7+s16] =	stream.linear.scatter [tilespmem:s4], [sflag:$0x4], $0x80, $0x38;
	[tilespmem:$0x9800] =	vst v63  }
0x119: {  	s7 =	smov.u32 s5;
	s4 =	smov.u32 s6;
	p0 =	sne.s32 s5, $0x7F0  }
.Ltmp18:
0x11a: {  	s5 =	sadd.s32 $0x10, s5;
	(pc) =	sbr.rel @p0 .LBB2_38-.Ltmp18, $2  }
0x11b: {  	_ =	sdelay $0x2  }
0x11c: {  	s6 =	sadd.s32 $0x90, s6;
	s7 =	sadd.s32 s7, s11  }
0x11d: {  	[hbm4b:s7+s16] =	stream.linear.scatter [tilespmem:s4], [sflag:$0x4], $0x80, $0x38;
	[tilespmem:$0x9800] =	vst v63  }
0x11e: {  	s4 =	simm.s32 $0x5080  }
0x11f: {  	s5 =	simm.s32 $0x2;
	s7 =	sadd.s32 $0x0, s29;
	s6 =	simm.s32 $0x5110  }
.LBB2_40:
0x120: {  	[hbm4b:s7+s16] =	stream.linear.scatter [tilespmem:s4], [sflag:$0x4], $0x10, $0x38;
	[tilespmem:$0x9800] =	vst v63  }
0x121: {  	s7 =	smov.u32 s5;
	s4 =	smov.u32 s6;
	p0 =	sne.s32 s5, $0xFE  }
.Ltmp19:
0x122: {  	s5 =	sadd.s32 $0x2, s5;
	(pc) =	sbr.rel @p0 .LBB2_40-.Ltmp19, $2  }
0x123: {  	_ =	sdelay $0x2  }
0x124: {  	s6 =	sadd.s32 $0x90, s6;
	s7 =	sadd.s32 s7, s29  }
0x125: {  	[hbm4b:s7+s16] =	stream.linear.scatter [tilespmem:s4], [sflag:$0x4], $0x10, $0x38;
	[tilespmem:$0x9800] =	vst v63  }
0x126: {  	s6 =	simm.s32 $0x4  }
0x127: {  	_ =	swait.ge [sflag:s6], $0x4000  }
0x128: {  	[sflag:s6] =	ssyncset.done $0x0  }
0x129: {  	[sflag:s6] =	ssyncadd.s32 $0xFFFFC000  }
0x12a: {  	s5 =	simm.s32 $0x80;
	_ =	swait.ge [sflag:s6], $0x800  }
0x12b: {  	s8 =	simm.s32 $0x580;
	s9 =	simm.s32 $0x1;
	[sflag:s6] =	ssyncset.done $0x0  }
0x12c: {  	s7 =	rddreg [dreg:$0xc];
	[sflag:s6] =	ssyncadd.s32 $0xFFFFF800;
	s6 =	simm.s32 $0x5000  }
0x12d: {  	[tilespmem:s6], [sflag:$0x2] =	stream.indirect.gather [hbm4b:s7+s5], $0x90, s8, s5, $0xb8;
	[tilespmem:$0x9800] =	vst v63  }
0x12e: {  	_ =	swait.ge [sflag:s9], $0x4800  }
0x12f: {  	s4 =	simm.s32 $0x800;
	s5 =	simm.s32 $0x10;
	[sflag:s9] =	ssyncset.done $0x0  }
0x130: {  	s7 =	sadd.s32 $0x0, s12;
	s6 =	simm.s32 $0x890;
	[sflag:s9] =	ssyncadd.s32 $0xFFFFB800  }
.LBB2_42:
0x131: {  	[hbm4b:s7+s16] =	stream.linear.scatter [tilespmem:s4], [sflag:$0x3], $0x80, $0x38;
	[tilespmem:$0x9800] =	vst v63  }
0x132: {  	s7 =	smov.u32 s5;
	s4 =	smov.u32 s6;
	p0 =	sne.s32 s5, $0x7F0  }
.Ltmp20:
0x133: {  	s5 =	sadd.s32 $0x10, s5;
	(pc) =	sbr.rel @p0 .LBB2_42-.Ltmp20, $2  }
0x134: {  	_ =	sdelay $0x2  }
0x135: {  	s6 =	sadd.s32 $0x90, s6;
	s7 =	sadd.s32 s7, s12  }
0x136: {  	[hbm4b:s7+s16] =	stream.linear.scatter [tilespmem:s4], [sflag:$0x3], $0x80, $0x38;
	[tilespmem:$0x9800] =	vst v63  }
0x137: {  	s4 =	simm.s32 $0x880  }
0x138: {  	s5 =	simm.s32 $0x2;
	s7 =	sadd.s32 $0x0, s30;
	s6 =	simm.s32 $0x910  }
.LBB2_44:
0x139: {  	[hbm4b:s7+s16] =	stream.linear.scatter [tilespmem:s4], [sflag:$0x3], $0x10, $0x38;
	[tilespmem:$0x9800] =	vst v63  }
0x13a: {  	s7 =	smov.u32 s5;
	s4 =	smov.u32 s6;
	p0 =	sne.s32 s5, $0xFE  }
.Ltmp21:
0x13b: {  	s5 =	sadd.s32 $0x2, s5;
	(pc) =	sbr.rel @p0 .LBB2_44-.Ltmp21, $2  }
0x13c: {  	_ =	sdelay $0x2  }
0x13d: {  	s6 =	sadd.s32 $0x90, s6;
	s7 =	sadd.s32 s7, s30  }
0x13e: {  	[hbm4b:s7+s16] =	stream.linear.scatter [tilespmem:s4], [sflag:$0x3], $0x10, $0x38;
	[tilespmem:$0x9800] =	vst v63  }
0x13f: {  	s6 =	simm.s32 $0x3  }
0x140: {  	_ =	swait.ge [sflag:s6], $0x4000  }
0x141: {  	[sflag:s6] =	ssyncset.done $0x0  }
0x142: {  	[sflag:s6] =	ssyncadd.s32 $0xFFFFC000  }
0x143: {  	s5 =	simm.s32 $0x80;
	_ =	swait.ge [sflag:s6], $0x800  }
0x144: {  	s8 =	simm.s32 $0x600;
	s9 =	simm.s32 $0x2;
	[sflag:s6] =	ssyncset.done $0x0  }
0x145: {  	s7 =	rddreg [dreg:$0xc];
	[sflag:s6] =	ssyncadd.s32 $0xFFFFF800;
	s6 =	simm.s32 $0x800  }
0x146: {  	[tilespmem:s6], [sflag:$0x1] =	stream.indirect.gather [hbm4b:s7+s5], $0x90, s8, s5, $0xb8;
	[tilespmem:$0x9800] =	vst v63  }
0x147: {  	_ =	swait.ge [sflag:s9], $0x4800  }
0x148: {  	s4 =	simm.s32 $0x5000;
	s5 =	simm.s32 $0x10;
	[sflag:s9] =	ssyncset.done $0x0  }
0x149: {  	s7 =	sadd.s32 $0x0, s13;
	s6 =	simm.s32 $0x5090;
	[sflag:s9] =	ssyncadd.s32 $0xFFFFB800  }
.LBB2_46:
0x14a: {  	[hbm4b:s7+s16] =	stream.linear.scatter [tilespmem:s4], [sflag:$0x4], $0x80, $0x38;
	[tilespmem:$0x9800] =	vst v63  }
0x14b: {  	s7 =	smov.u32 s5;
	s4 =	smov.u32 s6;
	p0 =	sne.s32 s5, $0x7F0  }
.Ltmp22:
0x14c: {  	s5 =	sadd.s32 $0x10, s5;
	(pc) =	sbr.rel @p0 .LBB2_46-.Ltmp22, $2  }
0x14d: {  	_ =	sdelay $0x2  }
0x14e: {  	s6 =	sadd.s32 $0x90, s6;
	s7 =	sadd.s32 s7, s13  }
0x14f: {  	[hbm4b:s7+s16] =	stream.linear.scatter [tilespmem:s4], [sflag:$0x4], $0x80, $0x38;
	[tilespmem:$0x9800] =	vst v63  }
0x150: {  	s4 =	simm.s32 $0x5080  }
0x151: {  	s5 =	simm.s32 $0x2;
	s7 =	sadd.s32 $0x0, s31;
	s6 =	simm.s32 $0x5110  }
.LBB2_48:
0x152: {  	[hbm4b:s7+s16] =	stream.linear.scatter [tilespmem:s4], [sflag:$0x4], $0x10, $0x38;
	[tilespmem:$0x9800] =	vst v63  }
0x153: {  	s7 =	smov.u32 s5;
	s4 =	smov.u32 s6;
	p0 =	sne.s32 s5, $0xFE  }
.Ltmp23:
0x154: {  	s5 =	sadd.s32 $0x2, s5;
	(pc) =	sbr.rel @p0 .LBB2_48-.Ltmp23, $2  }
0x155: {  	_ =	sdelay $0x2  }
0x156: {  	s6 =	sadd.s32 $0x90, s6;
	s7 =	sadd.s32 s7, s31  }
0x157: {  	[hbm4b:s7+s16] =	stream.linear.scatter [tilespmem:s4], [sflag:$0x4], $0x10, $0x38;
	[tilespmem:$0x9800] =	vst v63  }
0x158: {  	s6 =	simm.s32 $0x4  }
0x159: {  	_ =	swait.ge [sflag:s6], $0x4000  }
0x15a: {  	[sflag:s6] =	ssyncset.done $0x0  }
0x15b: {  	[sflag:s6] =	ssyncadd.s32 $0xFFFFC000  }
0x15c: {  	s5 =	simm.s32 $0x80;
	_ =	swait.ge [sflag:s6], $0x800  }
0x15d: {  	s8 =	simm.s32 $0x680;
	s9 =	simm.s32 $0x1;
	[sflag:s6] =	ssyncset.done $0x0  }
0x15e: {  	s7 =	rddreg [dreg:$0xc];
	[sflag:s6] =	ssyncadd.s32 $0xFFFFF800;
	s6 =	simm.s32 $0x5000  }
0x15f: {  	[tilespmem:s6], [sflag:$0x2] =	stream.indirect.gather [hbm4b:s7+s5], $0x90, s8, s5, $0xb8;
	[tilespmem:$0x9800] =	vst v63  }
0x160: {  	_ =	swait.ge [sflag:s9], $0x4800  }
0x161: {  	s4 =	simm.s32 $0x800;
	s5 =	simm.s32 $0x10;
	[sflag:s9] =	ssyncset.done $0x0  }
0x162: {  	s7 =	sadd.s32 $0x0, s14;
	s6 =	simm.s32 $0x890;
	[sflag:s9] =	ssyncadd.s32 $0xFFFFB800  }
.LBB2_50:
0x163: {  	[hbm4b:s7+s16] =	stream.linear.scatter [tilespmem:s4], [sflag:$0x3], $0x80, $0x38;
	[tilespmem:$0x9800] =	vst v63  }
0x164: {  	s7 =	smov.u32 s5;
	s4 =	smov.u32 s6;
	p0 =	sne.s32 s5, $0x7F0  }
.Ltmp24:
0x165: {  	s5 =	sadd.s32 $0x10, s5;
	(pc) =	sbr.rel @p0 .LBB2_50-.Ltmp24, $2  }
0x166: {  	_ =	sdelay $0x2  }
0x167: {  	s6 =	sadd.s32 $0x90, s6;
	s7 =	sadd.s32 s7, s14  }
0x168: {  	[hbm4b:s7+s16] =	stream.linear.scatter [tilespmem:s4], [sflag:$0x3], $0x80, $0x38;
	[tilespmem:$0x9800] =	vst v63  }
0x169: {  	s4 =	simm.s32 $0x880  }
0x16a: {  	s5 =	simm.s32 $0x2;
	s7 =	sadd.s32 $0x0, s0;
	s6 =	simm.s32 $0x910  }
.LBB2_52:
0x16b: {  	[hbm4b:s7+s16] =	stream.linear.scatter [tilespmem:s4], [sflag:$0x3], $0x10, $0x38;
	[tilespmem:$0x9800] =	vst v63  }
0x16c: {  	s7 =	smov.u32 s5;
	s4 =	smov.u32 s6;
	p0 =	sne.s32 s5, $0xFE  }
.Ltmp25:
0x16d: {  	s5 =	sadd.s32 $0x2, s5;
	(pc) =	sbr.rel @p0 .LBB2_52-.Ltmp25, $2  }
0x16e: {  	_ =	sdelay $0x2  }
0x16f: {  	s6 =	sadd.s32 $0x90, s6;
	s7 =	sadd.s32 s7, s0  }
0x170: {  	[hbm4b:s7+s16] =	stream.linear.scatter [tilespmem:s4], [sflag:$0x3], $0x10, $0x38;
	[tilespmem:$0x9800] =	vst v63  }
0x171: {  	s6 =	simm.s32 $0x3  }
0x172: {  	_ =	swait.ge [sflag:s6], $0x4000  }
0x173: {  	[sflag:s6] =	ssyncset.done $0x0  }
0x174: {  	[sflag:s6] =	ssyncadd.s32 $0xFFFFC000  }
0x175: {  	s5 =	simm.s32 $0x80;
	_ =	swait.ge [sflag:s6], $0x800  }
0x176: {  	s8 =	simm.s32 $0x700;
	s9 =	simm.s32 $0x2;
	[sflag:s6] =	ssyncset.done $0x0  }
0x177: {  	s7 =	rddreg [dreg:$0xc];
	[sflag:s6] =	ssyncadd.s32 $0xFFFFF800;
	s6 =	simm.s32 $0x800  }
0x178: {  	[tilespmem:s6], [sflag:$0x1] =	stream.indirect.gather [hbm4b:s7+s5], $0x90, s8, s5, $0xb8;
	[tilespmem:$0x9800] =	vst v63  }
0x179: {  	_ =	swait.ge [sflag:s9], $0x4800  }
0x17a: {  	s4 =	simm.s32 $0x5000;
	s5 =	simm.s32 $0x10;
	[sflag:s9] =	ssyncset.done $0x0  }
0x17b: {  	s7 =	sadd.s32 $0x0, s15;
	s6 =	simm.s32 $0x5090;
	[sflag:s9] =	ssyncadd.s32 $0xFFFFB800  }
.LBB2_54:
0x17c: {  	[hbm4b:s7+s16] =	stream.linear.scatter [tilespmem:s4], [sflag:$0x4], $0x80, $0x38;
	[tilespmem:$0x9800] =	vst v63  }
0x17d: {  	s7 =	smov.u32 s5;
	s4 =	smov.u32 s6;
	p0 =	sne.s32 s5, $0x7F0  }
.Ltmp26:
0x17e: {  	s5 =	sadd.s32 $0x10, s5;
	(pc) =	sbr.rel @p0 .LBB2_54-.Ltmp26, $2  }
0x17f: {  	_ =	sdelay $0x2  }
0x180: {  	s6 =	sadd.s32 $0x90, s6;
	s7 =	sadd.s32 s7, s15  }
0x181: {  	[hbm4b:s7+s16] =	stream.linear.scatter [tilespmem:s4], [sflag:$0x4], $0x80, $0x38;
	[tilespmem:$0x9800] =	vst v63  }
0x182: {  	s4 =	simm.s32 $0x5080  }
0x183: {  	s5 =	simm.s32 $0x2;
	s7 =	sadd.s32 $0x0, s1;
	s6 =	simm.s32 $0x5110  }
.LBB2_56:
0x184: {  	[hbm4b:s7+s16] =	stream.linear.scatter [tilespmem:s4], [sflag:$0x4], $0x10, $0x38;
	[tilespmem:$0x9800] =	vst v63  }
0x185: {  	s7 =	smov.u32 s5;
	s4 =	smov.u32 s6;
	p0 =	sne.s32 s5, $0xFE  }
.Ltmp27:
0x186: {  	s5 =	sadd.s32 $0x2, s5;
	(pc) =	sbr.rel @p0 .LBB2_56-.Ltmp27, $2  }
0x187: {  	_ =	sdelay $0x2  }
0x188: {  	s6 =	sadd.s32 $0x90, s6;
	s7 =	sadd.s32 s7, s1  }
0x189: {  	[hbm4b:s7+s16] =	stream.linear.scatter [tilespmem:s4], [sflag:$0x4], $0x10, $0x38;
	[tilespmem:$0x9800] =	vst v63  }
0x18a: {  	s6 =	simm.s32 $0x4  }
0x18b: {  	_ =	swait.ge [sflag:s6], $0x4000  }
0x18c: {  	[sflag:s6] =	ssyncset.done $0x0  }
0x18d: {  	[sflag:s6] =	ssyncadd.s32 $0xFFFFC000  }
0x18e: {  	s5 =	simm.s32 $0x80;
	_ =	swait.ge [sflag:s6], $0x800  }
0x18f: {  	s8 =	simm.s32 $0x780;
	s9 =	simm.s32 $0x1;
	[sflag:s6] =	ssyncset.done $0x0  }
0x190: {  	s7 =	rddreg [dreg:$0xc];
	[sflag:s6] =	ssyncadd.s32 $0xFFFFF800;
	s6 =	simm.s32 $0x5000  }
0x191: {  	[tilespmem:s6], [sflag:$0x2] =	stream.indirect.gather [hbm4b:s7+s5], $0x90, s8, s5, $0xb8;
	[tilespmem:$0x9800] =	vst v63  }
0x192: {  	_ =	swait.ge [sflag:s9], $0x4800  }
0x193: {  	s4 =	simm.s32 $0x800;
	s5 =	simm.s32 $0x10;
	[sflag:s9] =	ssyncset.done $0x0  }
0x194: {  	s7 =	sadd.s32 $0x0, s17;
	s6 =	simm.s32 $0x890;
	[sflag:s9] =	ssyncadd.s32 $0xFFFFB800  }
.LBB2_58:
0x195: {  	[hbm4b:s7+s16] =	stream.linear.scatter [tilespmem:s4], [sflag:$0x3], $0x80, $0x38;
	[tilespmem:$0x9800] =	vst v63  }
0x196: {  	s7 =	smov.u32 s5;
	s4 =	smov.u32 s6;
	p0 =	sne.s32 s5, $0x7F0  }
.Ltmp28:
0x197: {  	s5 =	sadd.s32 $0x10, s5;
	(pc) =	sbr.rel @p0 .LBB2_58-.Ltmp28, $2  }
0x198: {  	_ =	sdelay $0x2  }
0x199: {  	s6 =	sadd.s32 $0x90, s6;
	s7 =	sadd.s32 s7, s17  }
0x19a: {  	[hbm4b:s7+s16] =	stream.linear.scatter [tilespmem:s4], [sflag:$0x3], $0x80, $0x38;
	[tilespmem:$0x9800] =	vst v63  }
0x19b: {  	s4 =	simm.s32 $0x880  }
0x19c: {  	s5 =	simm.s32 $0x2;
	s7 =	sadd.s32 $0x0, s2;
	s6 =	simm.s32 $0x910  }
.LBB2_60:
0x19d: {  	[hbm4b:s7+s16] =	stream.linear.scatter [tilespmem:s4], [sflag:$0x3], $0x10, $0x38;
	[tilespmem:$0x9800] =	vst v63  }
0x19e: {  	s7 =	smov.u32 s5;
	s4 =	smov.u32 s6;
	p0 =	sne.s32 s5, $0xFE  }
.Ltmp29:
0x19f: {  	s5 =	sadd.s32 $0x2, s5;
	(pc) =	sbr.rel @p0 .LBB2_60-.Ltmp29, $2  }
0x1a0: {  	_ =	sdelay $0x2  }
0x1a1: {  	s6 =	sadd.s32 $0x90, s6;
	s7 =	sadd.s32 s7, s2  }
0x1a2: {  	[hbm4b:s7+s16] =	stream.linear.scatter [tilespmem:s4], [sflag:$0x3], $0x10, $0x38;
	[tilespmem:$0x9800] =	vst v63  }
0x1a3: {  	s9 =	simm.s32 $0x2  }
0x1a4: {  	_ =	swait.ge [sflag:s9], $0x4800  }
0x1a5: {  	s4 =	simm.s32 $0x5000;
	s5 =	simm.s32 $0x10;
	[sflag:s9] =	ssyncset.done $0x0  }
0x1a6: {  	s7 =	sadd.s32 $0x0, s18;
	s6 =	simm.s32 $0x5090;
	[sflag:s9] =	ssyncadd.s32 $0xFFFFB800  }
.LBB2_62:
0x1a7: {  	[hbm4b:s7+s16] =	stream.linear.scatter [tilespmem:s4], [sflag:$0x4], $0x80, $0x38;
	[tilespmem:$0x9800] =	vst v63  }
0x1a8: {  	s7 =	smov.u32 s5;
	s4 =	smov.u32 s6;
	p0 =	sne.s32 s5, $0x7F0  }
.Ltmp30:
0x1a9: {  	s5 =	sadd.s32 $0x10, s5;
	(pc) =	sbr.rel @p0 .LBB2_62-.Ltmp30, $2  }
0x1aa: {  	_ =	sdelay $0x2  }
0x1ab: {  	s6 =	sadd.s32 $0x90, s6;
	s7 =	sadd.s32 s7, s18  }
0x1ac: {  	[hbm4b:s7+s16] =	stream.linear.scatter [tilespmem:s4], [sflag:$0x4], $0x80, $0x38;
	[tilespmem:$0x9800] =	vst v63  }
0x1ad: {  	s4 =	simm.s32 $0x5080  }
0x1ae: {  	s5 =	simm.s32 $0x2;
	s7 =	sadd.s32 $0x0, s3;
	s6 =	simm.s32 $0x5110  }
.LBB2_64:
0x1af: {  	[hbm4b:s7+s16] =	stream.linear.scatter [tilespmem:s4], [sflag:$0x4], $0x10, $0x38;
	[tilespmem:$0x9800] =	vst v63  }
0x1b0: {  	s7 =	smov.u32 s5;
	s4 =	smov.u32 s6;
	p0 =	sne.s32 s5, $0xFE  }
.Ltmp31:
0x1b1: {  	s5 =	sadd.s32 $0x2, s5;
	(pc) =	sbr.rel @p0 .LBB2_64-.Ltmp31, $2  }
0x1b2: {  	_ =	sdelay $0x2  }
0x1b3: {  	s6 =	sadd.s32 $0x90, s6;
	s7 =	sadd.s32 s7, s3  }
0x1b4: {  	[hbm4b:s7+s16] =	stream.linear.scatter [tilespmem:s4], [sflag:$0x4], $0x10, $0x38;
	[tilespmem:$0x9800] =	vst v63  }
0x1b5: {  	s8 =	simm.s32 $0x3  }
0x1b6: {  	_ =	swait.ge [sflag:s8], $0x4000  }
0x1b7: {  	[sflag:s8] =	ssyncset.done $0x0  }
0x1b8: {  	[sflag:s8] =	ssyncadd.s32 $0xFFFFC000  }
0x1b9: {  	_ =	swait.ge [sflag:s8], $0x800  }
0x1ba: {  	[sflag:s8] =	ssyncset.done $0x0  }
0x1bb: {  	s5 =	simm.s32 $0x4;
	[sflag:s8] =	ssyncadd.s32 $0xFFFFF800  }
0x1bc: {  	_ =	swait.ge [sflag:s5], $0x4000  }
0x1bd: {  	[sflag:s5] =	ssyncset.done $0x0  }
0x1be: {  	[sflag:s5] =	ssyncadd.s32 $0xFFFFC000  }
0x1bf: {  	_ =	swait.ge [sflag:s5], $0x800  }
0x1c0: {  	s6 =	rddreg [dreg:$0xe]  }
0x1c1: {  	s9 =	rddreg [dreg:$0xd];
	s6 =	sadd.s32 $0x1, s6  }
0x1c2: {  	p0 =	sne.s32 s6, s9  }
.Ltmp32:
0x1c3: {  	_ = 	snop;
	(pc) =	sbr.rel @p0 .LBB2_1-.Ltmp32, $3  }
0x1c4: {  	_ =	sdelay $0x1  }
0x1c5: {  	[sflag:s5] =	ssyncset.done $0x0  }
0x1c6: {  	[sflag:s5] =	ssyncadd.s32 $0xFFFFF800  }
0x1c7: {  	_ =	sfence.sel $0x180000  }
0x1c8: {  	[bflag:$0x0] =	sbarrier.arrive $0xFFFF  }
0x1c9: {  	_ =	strace $0x90000047  }
0x1ca: {  	s0 =	stileid.u32;
	[bflag:$0x2] =	sbarrier.arrive $0xFFFF  }
0x1cb: {  	p0 =	sne.s32 s0, $0x0;
	s0 =	rddreg [dreg:$0x2]  }
0x1cc: {  	s0 =	sadd.s32 @!p0 $0x100000, s0  }
0x1cd: {  	[sflag:s0] =	ssyncadd.tile.s32 @!p0 $0x1;
	_ =	shalt  }
.Lfunc_end2:
_tile_overlayer_lowered:
.L_overlay_start_2:
0x1ce: {  	(tag) =	ssettag $0x2  }
0x1cf: {  	s0 =	rddreg [dreg:$0x0];
	s2 =	stileid.u32  }
0x1d0: {  	s1 =	rddreg [dreg:$0x1];
	p0 =	sne.s32 s2, $0x0  }
0x1d1: {  	s3 =	rddreg [dreg:$0x2];
	[bflag:$0x3] =	sbarrier.arrive $0xFFFF;
	s2 =	simm.s32 @!p0 $0x1C05  }
0x1d2: {  	[timem:s3], [sflag:s2] =	dma.local @!p0 [hbm:s0], s1  }
0x1d3: {  	s0 =	simm.s32 @!p0 $0x5  }
0x1d4: {  	_ =	swait.ge @!p0 [sflag:s0], s1  }
0x1d5: {  	s1 =	ssub.s32 @!p0 $0x0, s1;
	[sflag:s0] =	ssyncset.done @!p0 $0x0  }
0x1d6: {  	[sflag:s0] =	ssyncadd.s32 @!p0 s1  }
0x1d7: {  	[bflag:$0x3] =	sbarrier.arrive $0xFFFF  }
0x1d8: {  	_ =	shalt  }

</sc_bundles>
